<compile_context>
chip_gen: v7x
topology: tpu7x:2x2x1
jax: 0.10.2.dev20260603
libtpu: 0.0.44.dev20260713+nightly
codegen_flags: <defaults>
</compile_context>

<pallas_src>
import functools
import jax
import jax.numpy as jnp
from jax import lax
from jax.experimental import pallas as pl
from jax.experimental.pallas import tpu as pltpu
from jax.experimental.pallas import tpu_sc as plsc

_NUM_R = 230
_D = 128
_P = 16384
_L = 8
_B = 1024
_K = 32
_TT_PAD = 4096
_REL_PAD = 256
_NW = 32
_GRU_BLK = 1024
_SC_BLK = 128

_PREC = lax.Precision.DEFAULT


def _normalize_rows(x):
    n = jnp.sqrt(jnp.sum(x * x, axis=1, keepdims=True))
    return x / jnp.maximum(n, 1e-12)


def _prep_body(tt_ref, wlt_ref, bl_ref, rel_ref, ttlin_ref, reln_ref):
    ttlin_ref[...] = (
        jnp.dot(tt_ref[...], wlt_ref[...],
                preferred_element_type=jnp.float32, precision=_PREC)
        + bl_ref[...]
    )
    reln_ref[...] = _normalize_rows(rel_ref[...])


def _prep(tt_pad, w_lin_t, b_lin2, rel_pad):
    return pl.pallas_call(
        _prep_body,
        out_shape=(
            jax.ShapeDtypeStruct((_TT_PAD, _D), jnp.float32),
            jax.ShapeDtypeStruct((_REL_PAD, _D), jnp.float32),
        ),
    )(tt_pad, w_lin_t, b_lin2, rel_pad)


@functools.lru_cache(maxsize=None)
def _make_sc_gather(n_rows, chunk):
    n_per = n_rows // _NW
    n_ch = n_per // chunk
    assert n_per % chunk == 0 and chunk <= 128 and chunk % 8 == 0

    mesh = plsc.VectorSubcoreMesh(core_axis_name="c", subcore_axis_name="s")

    @functools.partial(
        pl.kernel,
        out_type=jax.ShapeDtypeStruct((n_rows, _D), jnp.float32),
        mesh=mesh,
        scratch_types=[
            pltpu.VMEM((n_ch, chunk), jnp.int32),
            pltpu.VMEM((2, chunk, _D), jnp.float32),
            pltpu.SemaphoreType.DMA,
            pltpu.SemaphoreType.DMA,
        ],
    )
    def gather_k(table_hbm, idx_hbm, out_hbm, idx_v, rows_v, sem_a, sem_b):
        wid = lax.axis_index("s") * 2 + lax.axis_index("c")
        base = wid * n_per
        sems = (sem_a, sem_b)
        pltpu.sync_copy(idx_hbm.at[wid], idx_v)
        cps = [None, None]
        cps[0] = pltpu.async_copy(table_hbm.at[idx_v.at[0]], rows_v.at[0], sems[0])
        for g in range(n_ch):
            if g + 1 < n_ch:
                nb = (g + 1) % 2
                cps[nb] = pltpu.async_copy(
                    table_hbm.at[idx_v.at[g + 1]], rows_v.at[nb], sems[nb])
            cb = g % 2
            cps[cb].wait()
            pltpu.sync_copy(rows_v.at[cb],
                            out_hbm.at[pl.ds(base + g * chunk, chunk)])

    return gather_k


def _gru_body(paths_ref, len_ref, embt_ref, relpad_ref, wiht_ref, whht_ref,
              bih_ref, bhh_ref, out_ref):
    R = _GRU_BLK
    pth = paths_ref[...].reshape(_L * R, 1)
    oh = (pth == lax.broadcasted_iota(jnp.int32, (1, _REL_PAD), 1))
    emb = embt_ref[...].reshape(_L * R, _D) + jnp.dot(
        oh.astype(jnp.float32), relpad_ref[...],
        preferred_element_type=jnp.float32, precision=_PREC)
    gi = jnp.dot(emb, wiht_ref[...],
                 preferred_element_type=jnp.float32, precision=_PREC)
    gi = (gi + bih_ref[...]).reshape(_L, R, 3 * _D)
    lens = len_ref[0, 0, :].reshape(R, 1)

    h = jnp.zeros((R, _D), jnp.float32)
    for t in range(_L):
        gh = jnp.dot(h, whht_ref[...],
                     preferred_element_type=jnp.float32, precision=_PREC)
        gh = gh + bhh_ref[...]
        gi_t = gi[t]
        r = jax.nn.sigmoid(gi_t[:, :_D] + gh[:, :_D])
        z = jax.nn.sigmoid(gi_t[:, _D:2 * _D] + gh[:, _D:2 * _D])
        n = jnp.tanh(gi_t[:, 2 * _D:] + r * gh[:, 2 * _D:])
        hn = (1.0 - z) * n + z * h
        h = jnp.where(t < lens, hn, h)
    out_ref[...] = _normalize_rows(h)


def _gru(paths4, len3, emb_t4, rel_pad, w_ih_t, w_hh_t, b_ih2, b_hh2):
    nblk = _P // _GRU_BLK
    full = lambda i: (0, 0)
    return pl.pallas_call(
        _gru_body,
        grid=(nblk,),
        in_specs=[
            pl.BlockSpec((_L, _GRU_BLK, 1), lambda i: (0, i, 0)),
            pl.BlockSpec((1, 1, _GRU_BLK), lambda i: (i, 0, 0)),
            pl.BlockSpec((_L, 1, _GRU_BLK, _D), lambda i: (0, i, 0, 0)),
            pl.BlockSpec((_REL_PAD, _D), full),
            pl.BlockSpec((_D, 3 * _D), full),
            pl.BlockSpec((_D, 3 * _D), full),
            pl.BlockSpec((1, 3 * _D), full),
            pl.BlockSpec((1, 3 * _D), full),
        ],
        out_specs=pl.BlockSpec((_GRU_BLK, _D), lambda i: (i, 0)),
        out_shape=jax.ShapeDtypeStruct((_P, _D), jnp.float32),
    )(paths4, len3, emb_t4, rel_pad, w_ih_t, w_hh_t, b_ih2, b_hh2)


def _score_body(rows_ref, q_ref, out_ref):
    rows = rows_ref[...].reshape(_SC_BLK, _K, _D)
    q = q_ref[...]
    s = jnp.sum(rows * q[:, None, :], axis=2)
    m = jnp.max(s, axis=1)
    out_ref[...] = jnp.maximum(m, 0.0).reshape(1, 1, _SC_BLK)


def _score(rows, q):
    nblk = _B // _SC_BLK
    out = pl.pallas_call(
        _score_body,
        grid=(nblk,),
        in_specs=[
            pl.BlockSpec((_SC_BLK * _K, _D), lambda i: (i, 0)),
            pl.BlockSpec((_SC_BLK, _D), lambda i: (i, 0)),
        ],
        out_specs=pl.BlockSpec((1, 1, _SC_BLK), lambda i: (i, 0, 0)),
        out_shape=jax.ShapeDtypeStruct((nblk, 1, _SC_BLK), jnp.float32),
    )(rows, q)
    return out.reshape(_B)


def _gather(table, idx, n_rows, chunk):
    return _make_sc_gather(n_rows, chunk)(table, idx)


def kernel(path_index, batch_relation, paths, paths_time, lengths, path_r,
           path_neg_index, batch_his_r, relation_embeddings, time_table,
           W_lin, b_lin, W_ih, W_hh, b_ih, b_hh):
    f32 = jnp.float32
    tt_pad = jnp.zeros((_TT_PAD, _D), f32).at[:time_table.shape[0]].set(time_table)
    rel_pad = jnp.zeros((_REL_PAD, _D), f32).at[:_NUM_R].set(relation_embeddings)
    w_lin_t = W_lin.T
    w_ih_t = W_ih.T
    w_hh_t = W_hh.T
    b_lin2 = b_lin.reshape(1, _D)
    b_ih2 = b_ih.reshape(1, 3 * _D)
    b_hh2 = b_hh.reshape(1, 3 * _D)

    tt_lin, rel_n = _prep(tt_pad, w_lin_t, b_lin2, rel_pad)

    idx_t = paths_time.T.reshape(_NW, (_P * _L) // (_NW * 128), 128)
    emb_t = _gather(tt_lin, idx_t, _P * _L, 128)
    emb_t4 = emb_t.reshape(_L, _P // _GRU_BLK, _GRU_BLK, _D)

    paths4 = paths.T.reshape(_L, _P, 1)
    len3 = lengths.reshape(_P // _GRU_BLK, 1, _GRU_BLK).astype(jnp.int32)
    hidden_n = _gru(paths4, len3, emb_t4, rel_pad, w_ih_t, w_hh_t, b_ih2, b_hh2)

    path_tbl = jnp.concatenate([jnp.zeros((8, _D), f32), hidden_n], axis=0)

    idx_p = (jnp.concatenate([path_index.reshape(-1), path_neg_index]) + 7)
    idx_p = idx_p.reshape(_NW, 11, 96)
    rows_p = _gather(path_tbl, idx_p, _B * (_K + 1), 96)

    idx_r = jnp.concatenate([path_r, batch_relation]).reshape(_NW, 1, 64)
    rows_r = _gather(rel_n, idx_r, 2 * _B, 64)

    max_score = _score(rows_p[:_B * _K], rows_r[_B:])
    return (max_score, rows_p[_B * _K:], rows_r[:_B])

# --- scband reference (transcript-rebuilt; emitter-appended) ---
"""Pipeline reference for scband-type-gat-31155692765309 (READ-ONLY COPY).

The authoritative reference and input builder live on the scoring server;
editing this copy changes nothing except your own understanding.
"""

import jax, jax.numpy as jnp
import numpy as np
import math

NUM_R = 230
D = 128
P = 16384
L = 8
B = 1024
K = 32
H = 20
MAX_LEN = 4020


def _normalize(x):
    n = jnp.sqrt(jnp.sum(x * x, axis=1, keepdims=True))
    return x / jnp.maximum(n, 1e-12)


def _gru_last(emb, lengths, W_ih, W_hh, b_ih, b_hh):
    # Emulates nn.GRU over pack_padded_sequence(enforce_sorted=False):
    # final hidden state taken at step lengths[i]-1, returned in original order.
    h0 = jnp.zeros((emb.shape[0], W_hh.shape[1]), emb.dtype)
    xs = (jnp.swapaxes(emb, 0, 1), jnp.arange(emb.shape[1]))

    def step(h, xt_t):
        xt, t = xt_t
        gi = xt @ W_ih.T + b_ih
        gh = h @ W_hh.T + b_hh
        i_r, i_z, i_n = jnp.split(gi, 3, axis=1)
        h_r, h_z, h_n = jnp.split(gh, 3, axis=1)
        r = jax.nn.sigmoid(i_r + h_r)
        z = jax.nn.sigmoid(i_z + h_z)
        n = jnp.tanh(i_n + r * h_n)
        hn = (1.0 - z) * n + z * h
        h_new = jnp.where((t < lengths)[:, None], hn, h)
        return h_new, None

    hT, _ = jax.lax.scan(step, h0, xs)
    return hT


def setup_inputs(seed: int = 0):
    key = jax.random.key(seed)
    ks = jax.random.split(key, 16)
    inp = {}
    inp['path_index'] = jax.random.randint(ks[0], (B, K), 0, P + 1)
    inp['batch_relation'] = jax.random.randint(ks[1], (B,), 0, NUM_R + 1)
    inp['paths'] = jax.random.randint(ks[2], (P, L), 0, NUM_R + 1)
    inp['paths_time'] = jax.random.randint(ks[3], (P, L), 0, MAX_LEN)
    inp['lengths'] = jax.random.randint(ks[4], (P,), 1, L + 1)
    inp['path_r'] = jax.random.randint(ks[5], (B,), 0, NUM_R + 1)
    inp['path_neg_index'] = jax.random.randint(ks[6], (B,), 0, P + 1)
    inp['batch_his_r'] = jax.random.randint(ks[7], (B, H), 0, NUM_R + 1)
    inp['relation_embeddings'] = jax.random.normal(ks[8], (NUM_R, D), dtype=jnp.float32) * 0.1
    position = np.arange(0.0, MAX_LEN)[:, None]
    div_term = np.exp(np.arange(0, D, 2) * -(math.log(10000.0) / D))
    tbl = np.zeros((MAX_LEN, D), np.float32)
    tbl[:, 0::2] = np.sin(position * div_term) / math.sqrt(D)
    tbl[:, 1::2] = np.cos(position * div_term) / math.sqrt(D)
    inp['time_table'] = jnp.asarray(tbl)
    s = 1.0 / math.sqrt(D)
    inp['W_lin'] = jax.random.uniform(ks[9], (D, D), minval=-s, maxval=s)
    inp['b_lin'] = jax.random.uniform(ks[10], (D,), minval=-s, maxval=s)
    inp['W_ih'] = jax.random.uniform(ks[11], (3 * D, D), minval=-s, maxval=s)
    inp['W_hh'] = jax.random.uniform(ks[12], (3 * D, D), minval=-s, maxval=s)
    inp['b_ih'] = jax.random.uniform(ks[13], (3 * D,), minval=-s, maxval=s)
    inp['b_hh'] = jax.random.uniform(ks[14], (3 * D,), minval=-s, maxval=s)
    return inp


def reference(path_index, batch_relation, paths, paths_time, lengths, path_r, path_neg_index, batch_his_r, relation_embeddings, time_table, W_lin, b_lin, W_ih, W_hh, b_ih, b_hh):
    pad = jnp.zeros((1, D), relation_embeddings.dtype)
    pad_r = jnp.concatenate([relation_embeddings, pad], axis=0)
    emb = pad_r[paths]  # gather [P, L, D]
    emb = emb + (time_table[paths_time] @ W_lin.T + b_lin)  # RelTemporalEncoding
    hidden = _gru_last(emb, lengths, W_ih, W_hh, b_ih, b_hh)  # [P, D]
    path_emb = jnp.concatenate([pad, hidden], axis=0)  # [P+1, D]
    pad_rn = jnp.concatenate([_normalize(relation_embeddings), pad], axis=0)
    path_emb = _normalize(path_emb)
    scores = (path_emb @ pad_rn[batch_relation].T).T  # [B, P+1]
    m_index = min(path_index.shape[1], scores.shape[1])
    rows = jnp.arange(scores.shape[0])[:, None]
    mask = jnp.zeros_like(scores).at[rows, path_index[:, :m_index]].set(1.0)
    max_score = jnp.max(scores * mask, axis=1)
    scores_r = (pad_rn @ pad_rn.T)[batch_relation]  # [B, NUM_R+1]
    # == torch.diagonal(scores_r[:, batch_his_r], dim1=0, dim2=1).t().mean(1)
    his_score = jnp.take_along_axis(scores_r, batch_his_r, axis=1).mean(axis=1)
    _ = his_score  # computed but unused in the original forward2
    return (max_score, path_emb[path_neg_index], pad_rn[path_r])

if __name__ == "__main__":
    import jax
    _d = setup_inputs()
    print(jax.jit(kernel)(*tuple(_d.values())))

</pallas_src>

<mosaic_0001>
#map = affine_map<(d0, d1) -> (0, 0)>
#map1 = affine_map<(d0, d1) -> (0, 0, 0)>
module attributes {stable_mosaic.version = 14 : i64} {
  func.func @gather_k(%arg0: i32, %arg1: i32, %arg2: memref<256x128xf32, #tpu.memory_space<hbm>>, %arg3: memref<32x1x64xi32, #tpu.memory_space<hbm>>, %arg4: memref<2048x128xf32, #tpu.memory_space<hbm>>, %arg5: memref<1x64xi32, #tpu.memory_space<vmem>>, %arg6: memref<2x64x128xf32, #tpu.memory_space<vmem>>, %arg7: memref<!tpu.dma_semaphore, #tpu.memory_space<semaphore_mem>>, %arg8: memref<!tpu.dma_semaphore, #tpu.memory_space<semaphore_mem>>) attributes {dimension_semantics = [#tpu.dimension_semantics<core_parallel>, #tpu.dimension_semantics<subcore_parallel>], iteration_bounds = array<i64: 2, 16>, scalar_prefetch = 0 : i64, scratch_operands = 4 : i64, tpu.core_type = #tpu.core_type<sc_vector_subcore>, window_params = [{transform_indices = #map}, {transform_indices = #map1}, {transform_indices = #map}]} {
    %mul3A = arith.constant 2 : i32
    %mul3A_0 = arith.muli %arg1, %mul3A : i32
    %add3A = arith.addi %mul3A_0, %arg0 : i32
    %mul3A_1 = arith.constant 64 : i32
    %mul3A_2 = arith.muli %add3A, %mul3A_1 : i32
    "tpu.region"() ({
      %run_scoped3A_27 = tpu.sem_alloc : memref<!tpu.dma_semaphore, #tpu.memory_space<semaphore_mem>>
      %dma_start3A_28 = arith.constant 0 : i32
      %dma_start3A_29 = arith.constant 0 : i32
      %dma_start3A_30 = tpu.memref_slice %arg3[%add3A, %dma_start3A_28, %dma_start3A_29] : memref<32x1x64xi32, #tpu.memory_space<hbm>> -> memref<1x1x64xi32, #tpu.memory_space<hbm>>
      %dma_start3A_31 = tpu.memref_squeeze %dma_start3A_30 : memref<1x1x64xi32, #tpu.memory_space<hbm>> -> memref<1x64xi32, #tpu.memory_space<hbm>>
      %dma_start3A_32 = arith.constant 0 : i32
      %dma_start3A_33 = arith.constant 0 : i32
      %dma_start3A_34 = tpu.memref_slice %arg3[%add3A, %dma_start3A_32, %dma_start3A_33] : memref<32x1x64xi32, #tpu.memory_space<hbm>> -> memref<1x1x64xi32, #tpu.memory_space<hbm>>
      %dma_start3A_35 = tpu.memref_squeeze %dma_start3A_34 : memref<1x1x64xi32, #tpu.memory_space<hbm>> -> memref<1x64xi32, #tpu.memory_space<hbm>>
      tpu.enqueue_dma source(%dma_start3A_35 : memref<1x64xi32, #tpu.memory_space<hbm>>) target(%arg5 : memref<1x64xi32, #tpu.memory_space<vmem>>) target_semaphore(%run_scoped3A_27 : memref<!tpu.dma_semaphore, #tpu.memory_space<semaphore_mem>>)
      %dma_wait3A_36 = arith.constant 0 : i32
      %dma_wait3A_37 = arith.constant 0 : i32
      %dma_wait3A_38 = tpu.memref_slice %arg3[%add3A, %dma_wait3A_36, %dma_wait3A_37] : memref<32x1x64xi32, #tpu.memory_space<hbm>> -> memref<1x1x64xi32, #tpu.memory_space<hbm>>
      %dma_wait3A_39 = tpu.memref_squeeze %dma_wait3A_38 : memref<1x1x64xi32, #tpu.memory_space<hbm>> -> memref<1x64xi32, #tpu.memory_space<hbm>>
      %dma_wait3A_40 = arith.constant 0 : i32
      %dma_wait3A_41 = arith.constant 0 : i32
      %dma_wait3A_42 = tpu.memref_slice %arg3[%add3A, %dma_wait3A_40, %dma_wait3A_41] : memref<32x1x64xi32, #tpu.memory_space<hbm>> -> memref<1x1x64xi32, #tpu.memory_space<hbm>>
      %dma_wait3A_43 = tpu.memref_squeeze %dma_wait3A_42 : memref<1x1x64xi32, #tpu.memory_space<hbm>> -> memref<1x64xi32, #tpu.memory_space<hbm>>
      tpu.wait_dma2 semaphore(%run_scoped3A_27 : memref<!tpu.dma_semaphore, #tpu.memory_space<semaphore_mem>>) src(%dma_wait3A_43 : memref<1x64xi32, #tpu.memory_space<hbm>>) dst(%arg5 : memref<1x64xi32, #tpu.memory_space<vmem>>)
      tpu.yield
    }) : () -> ()
    %dma_start3A = arith.constant 0 : i32
    %dma_start3A_3 = arith.constant 0 : i32
    %dma_start3A_4 = arith.constant 0 : i32
    %dma_start3A_5 = arith.constant 0 : i32
    %dma_start3A_6 = tpu.memref_slice %arg6[%dma_start3A_3, %dma_start3A_4, %dma_start3A_5] : memref<2x64x128xf32, #tpu.memory_space<vmem>> -> memref<1x64x128xf32, #tpu.memory_space<vmem>>
    %dma_start3A_7 = tpu.memref_squeeze %dma_start3A_6 : memref<1x64x128xf32, #tpu.memory_space<vmem>> -> memref<64x128xf32, #tpu.memory_space<vmem>>
    %dma_start3A_8 = arith.constant 0 : i32
    %dma_start3A_9 = tpu.memref_slice %arg5[%dma_start3A, %dma_start3A_8] : memref<1x64xi32, #tpu.memory_space<vmem>> -> memref<1x64xi32, #tpu.memory_space<vmem>>
    %dma_start3A_10 = tpu.memref_squeeze %dma_start3A_9 : memref<1x64xi32, #tpu.memory_space<vmem>> -> memref<64xi32, #tpu.memory_space<vmem>>
    %dma_start3A_11 = arith.constant 0 : i32
    %dma_start3A_12 = arith.constant 0 : i32
    %dma_start3A_13 = tpu.memref_slice %arg2[%dma_start3A_11, %dma_start3A_12] : memref<256x128xf32, #tpu.memory_space<hbm>> -> memref<256x128xf32, #tpu.memory_space<hbm>>
    tpu.enqueue_indirect_dma source(%dma_start3A_13 : memref<256x128xf32, #tpu.memory_space<hbm>>) target(%dma_start3A_7 : memref<64x128xf32, #tpu.memory_space<vmem>>) offsets(%dma_start3A_10 : memref<64xi32, #tpu.memory_space<vmem>>) semaphore(%arg7 : memref<!tpu.dma_semaphore, #tpu.memory_space<semaphore_mem>>)
    %dma_wait3A = arith.constant 0 : i32
    %dma_wait3A_14 = arith.constant 0 : i32
    %dma_wait3A_15 = arith.constant 0 : i32
    %dma_wait3A_16 = arith.constant 0 : i32
    %dma_wait3A_17 = tpu.memref_slice %arg6[%dma_wait3A_14, %dma_wait3A_15, %dma_wait3A_16] : memref<2x64x128xf32, #tpu.memory_space<vmem>> -> memref<1x64x128xf32, #tpu.memory_space<vmem>>
    %dma_wait3A_18 = tpu.memref_squeeze %dma_wait3A_17 : memref<1x64x128xf32, #tpu.memory_space<vmem>> -> memref<64x128xf32, #tpu.memory_space<vmem>>
    %dma_wait3A_19 = arith.constant 0 : i32
    %dma_wait3A_20 = tpu.memref_slice %arg5[%dma_wait3A, %dma_wait3A_19] : memref<1x64xi32, #tpu.memory_space<vmem>> -> memref<1x64xi32, #tpu.memory_space<vmem>>
    %dma_wait3A_21 = tpu.memref_squeeze %dma_wait3A_20 : memref<1x64xi32, #tpu.memory_space<vmem>> -> memref<64xi32, #tpu.memory_space<vmem>>
    %dma_wait3A_22 = arith.constant 0 : i32
    %dma_wait3A_23 = arith.constant 0 : i32
    %dma_wait3A_24 = tpu.memref_slice %arg2[%dma_wait3A_22, %dma_wait3A_23] : memref<256x128xf32, #tpu.memory_space<hbm>> -> memref<256x128xf32, #tpu.memory_space<hbm>>
    tpu.wait_indirect_dma semaphore(%arg7 : memref<!tpu.dma_semaphore, #tpu.memory_space<semaphore_mem>>) src(%dma_wait3A_24 : memref<256x128xf32, #tpu.memory_space<hbm>>) dst(%dma_wait3A_18 : memref<64x128xf32, #tpu.memory_space<vmem>>)
    %add3A_25 = arith.constant 0 : i32
    %add3A_26 = arith.addi %mul3A_2, %add3A_25 : i32
    %run_scoped3A = arith.constant 0 : i32
    "tpu.region"() ({
      %run_scoped3A_27 = tpu.sem_alloc : memref<!tpu.dma_semaphore, #tpu.memory_space<semaphore_mem>>
      %dma_start3A_28 = arith.constant 0 : i32
      %dma_start3A_29 = arith.constant 0 : i32
      %dma_start3A_30 = tpu.memref_slice %arg6[%run_scoped3A, %dma_start3A_28, %dma_start3A_29] : memref<2x64x128xf32, #tpu.memory_space<vmem>> -> memref<1x64x128xf32, #tpu.memory_space<vmem>>
      %dma_start3A_31 = tpu.memref_squeeze %dma_start3A_30 : memref<1x64x128xf32, #tpu.memory_space<vmem>> -> memref<64x128xf32, #tpu.memory_space<vmem>>
      %dma_start3A_32 = arith.constant 0 : i32
      %dma_start3A_33 = tpu.memref_slice %arg4[%add3A_26, %dma_start3A_32] : memref<2048x128xf32, #tpu.memory_space<hbm>> -> memref<64x128xf32, #tpu.memory_space<hbm>>
      %dma_start3A_34 = arith.constant 0 : i32
      %dma_start3A_35 = tpu.memref_slice %arg4[%add3A_26, %dma_start3A_34] : memref<2048x128xf32, #tpu.memory_space<hbm>> -> memref<64x128xf32, #tpu.memory_space<hbm>>
      %dma_start3A_36 = arith.constant 0 : i32
      %dma_start3A_37 = arith.constant 0 : i32
      %dma_start3A_38 = tpu.memref_slice %arg6[%run_scoped3A, %dma_start3A_36, %dma_start3A_37] : memref<2x64x128xf32, #tpu.memory_space<vmem>> -> memref<1x64x128xf32, #tpu.memory_space<vmem>>
      %dma_start3A_39 = tpu.memref_squeeze %dma_start3A_38 : memref<1x64x128xf32, #tpu.memory_space<vmem>> -> memref<64x128xf32, #tpu.memory_space<vmem>>
      tpu.enqueue_dma source(%dma_start3A_39 : memref<64x128xf32, #tpu.memory_space<vmem>>) target(%dma_start3A_35 : memref<64x128xf32, #tpu.memory_space<hbm>>) target_semaphore(%run_scoped3A_27 : memref<!tpu.dma_semaphore, #tpu.memory_space<semaphore_mem>>)
      %dma_wait3A_40 = arith.constant 0 : i32
      %dma_wait3A_41 = arith.constant 0 : i32
      %dma_wait3A_42 = tpu.memref_slice %arg6[%run_scoped3A, %dma_wait3A_40, %dma_wait3A_41] : memref<2x64x128xf32, #tpu.memory_space<vmem>> -> memref<1x64x128xf32, #tpu.memory_space<vmem>>
      %dma_wait3A_43 = tpu.memref_squeeze %dma_wait3A_42 : memref<1x64x128xf32, #tpu.memory_space<vmem>> -> memref<64x128xf32, #tpu.memory_space<vmem>>
      %dma_wait3A_44 = arith.constant 0 : i32
      %dma_wait3A_45 = tpu.memref_slice %arg4[%add3A_26, %dma_wait3A_44] : memref<2048x128xf32, #tpu.memory_space<hbm>> -> memref<64x128xf32, #tpu.memory_space<hbm>>
      %dma_wait3A_46 = arith.constant 0 : i32
      %dma_wait3A_47 = tpu.memref_slice %arg4[%add3A_26, %dma_wait3A_46] : memref<2048x128xf32, #tpu.memory_space<hbm>> -> memref<64x128xf32, #tpu.memory_space<hbm>>
      %dma_wait3A_48 = arith.constant 0 : i32
      %dma_wait3A_49 = arith.constant 0 : i32
      %dma_wait3A_50 = tpu.memref_slice %arg6[%run_scoped3A, %dma_wait3A_48, %dma_wait3A_49] : memref<2x64x128xf32, #tpu.memory_space<vmem>> -> memref<1x64x128xf32, #tpu.memory_space<vmem>>
      %dma_wait3A_51 = tpu.memref_squeeze %dma_wait3A_50 : memref<1x64x128xf32, #tpu.memory_space<vmem>> -> memref<64x128xf32, #tpu.memory_space<vmem>>
      tpu.wait_dma2 semaphore(%run_scoped3A_27 : memref<!tpu.dma_semaphore, #tpu.memory_space<semaphore_mem>>) src(%dma_wait3A_51 : memref<64x128xf32, #tpu.memory_space<vmem>>) dst(%dma_wait3A_47 : memref<64x128xf32, #tpu.memory_space<hbm>>)
      tpu.yield
    }) : () -> ()
    return
  }
}

#map = affine_map<(d0, d1) -> (0, 0)>
#map1 = affine_map<(d0, d1) -> (0, 0, 0)>
module attributes {stable_mosaic.version = 14 : i64} {
  func.func @gather_k(%arg0: i32, %arg1: i32, %arg2: memref<16392x128xf32, #tpu.memory_space<hbm>>, %arg3: memref<32x11x96xi32, #tpu.memory_space<hbm>>, %arg4: memref<33792x128xf32, #tpu.memory_space<hbm>>, %arg5: memref<11x96xi32, #tpu.memory_space<vmem>>, %arg6: memref<2x96x128xf32, #tpu.memory_space<vmem>>, %arg7: memref<!tpu.dma_semaphore, #tpu.memory_space<semaphore_mem>>, %arg8: memref<!tpu.dma_semaphore, #tpu.memory_space<semaphore_mem>>) attributes {dimension_semantics = [#tpu.dimension_semantics<core_parallel>, #tpu.dimension_semantics<subcore_parallel>], iteration_bounds = array<i64: 2, 16>, scalar_prefetch = 0 : i64, scratch_operands = 4 : i64, tpu.core_type = #tpu.core_type<sc_vector_subcore>, window_params = [{transform_indices = #map}, {transform_indices = #map1}, {transform_indices = #map}]} {
    %mul3A = arith.constant 2 : i32
    %mul3A_0 = arith.muli %arg1, %mul3A : i32
    %add3A = arith.addi %mul3A_0, %arg0 : i32
    %mul3A_1 = arith.constant 1056 : i32
    %mul3A_2 = arith.muli %add3A, %mul3A_1 : i32
    "tpu.region"() ({
      %run_scoped3A_297 = tpu.sem_alloc : memref<!tpu.dma_semaphore, #tpu.memory_space<semaphore_mem>>
      %dma_start3A_298 = arith.constant 0 : i32
      %dma_start3A_299 = arith.constant 0 : i32
      %dma_start3A_300 = tpu.memref_slice %arg3[%add3A, %dma_start3A_298, %dma_start3A_299] : memref<32x11x96xi32, #tpu.memory_space<hbm>> -> memref<1x11x96xi32, #tpu.memory_space<hbm>>
      %dma_start3A_301 = tpu.memref_squeeze %dma_start3A_300 : memref<1x11x96xi32, #tpu.memory_space<hbm>> -> memref<11x96xi32, #tpu.memory_space<hbm>>
      %dma_start3A_302 = arith.constant 0 : i32
      %dma_start3A_303 = arith.constant 0 : i32
      %dma_start3A_304 = tpu.memref_slice %arg3[%add3A, %dma_start3A_302, %dma_start3A_303] : memref<32x11x96xi32, #tpu.memory_space<hbm>> -> memref<1x11x96xi32, #tpu.memory_space<hbm>>
      %dma_start3A_305 = tpu.memref_squeeze %dma_start3A_304 : memref<1x11x96xi32, #tpu.memory_space<hbm>> -> memref<11x96xi32, #tpu.memory_space<hbm>>
      tpu.enqueue_dma source(%dma_start3A_305 : memref<11x96xi32, #tpu.memory_space<hbm>>) target(%arg5 : memref<11x96xi32, #tpu.memory_space<vmem>>) target_semaphore(%run_scoped3A_297 : memref<!tpu.dma_semaphore, #tpu.memory_space<semaphore_mem>>)
      %dma_wait3A_306 = arith.constant 0 : i32
      %dma_wait3A_307 = arith.constant 0 : i32
      %dma_wait3A_308 = tpu.memref_slice %arg3[%add3A, %dma_wait3A_306, %dma_wait3A_307] : memref<32x11x96xi32, #tpu.memory_space<hbm>> -> memref<1x11x96xi32, #tpu.memory_space<hbm>>
      %dma_wait3A_309 = tpu.memref_squeeze %dma_wait3A_308 : memref<1x11x96xi32, #tpu.memory_space<hbm>> -> memref<11x96xi32, #tpu.memory_space<hbm>>
      %dma_wait3A_310 = arith.constant 0 : i32
      %dma_wait3A_311 = arith.constant 0 : i32
      %dma_wait3A_312 = tpu.memref_slice %arg3[%add3A, %dma_wait3A_310, %dma_wait3A_311] : memref<32x11x96xi32, #tpu.memory_space<hbm>> -> memref<1x11x96xi32, #tpu.memory_space<hbm>>
      %dma_wait3A_313 = tpu.memref_squeeze %dma_wait3A_312 : memref<1x11x96xi32, #tpu.memory_space<hbm>> -> memref<11x96xi32, #tpu.memory_space<hbm>>
      tpu.wait_dma2 semaphore(%run_scoped3A_297 : memref<!tpu.dma_semaphore, #tpu.memory_space<semaphore_mem>>) src(%dma_wait3A_313 : memref<11x96xi32, #tpu.memory_space<hbm>>) dst(%arg5 : memref<11x96xi32, #tpu.memory_space<vmem>>)
      tpu.yield
    }) : () -> ()
    %dma_start3A = arith.constant 0 : i32
    %dma_start3A_3 = arith.constant 0 : i32
    %dma_start3A_4 = arith.constant 0 : i32
    %dma_start3A_5 = arith.constant 0 : i32
    %dma_start3A_6 = tpu.memref_slice %arg6[%dma_start3A_3, %dma_start3A_4, %dma_start3A_5] : memref<2x96x128xf32, #tpu.memory_space<vmem>> -> memref<1x96x128xf32, #tpu.memory_space<vmem>>
    %dma_start3A_7 = tpu.memref_squeeze %dma_start3A_6 : memref<1x96x128xf32, #tpu.memory_space<vmem>> -> memref<96x128xf32, #tpu.memory_space<vmem>>
    %dma_start3A_8 = arith.constant 0 : i32
    %dma_start3A_9 = tpu.memref_slice %arg5[%dma_start3A, %dma_start3A_8] : memref<11x96xi32, #tpu.memory_space<vmem>> -> memref<1x96xi32, #tpu.memory_space<vmem>>
    %dma_start3A_10 = tpu.memref_squeeze %dma_start3A_9 : memref<1x96xi32, #tpu.memory_space<vmem>> -> memref<96xi32, #tpu.memory_space<vmem>>
    %dma_start3A_11 = arith.constant 0 : i32
    %dma_start3A_12 = arith.constant 0 : i32
    %dma_start3A_13 = tpu.memref_slice %arg2[%dma_start3A_11, %dma_start3A_12] : memref<16392x128xf32, #tpu.memory_space<hbm>> -> memref<16392x128xf32, #tpu.memory_space<hbm>>
    tpu.enqueue_indirect_dma source(%dma_start3A_13 : memref<16392x128xf32, #tpu.memory_space<hbm>>) target(%dma_start3A_7 : memref<96x128xf32, #tpu.memory_space<vmem>>) offsets(%dma_start3A_10 : memref<96xi32, #tpu.memory_space<vmem>>) semaphore(%arg7 : memref<!tpu.dma_semaphore, #tpu.memory_space<semaphore_mem>>)
    %dma_start3A_14 = arith.constant 1 : i32
    %dma_start3A_15 = arith.constant 1 : i32
    %dma_start3A_16 = arith.constant 0 : i32
    %dma_start3A_17 = arith.constant 0 : i32
    %dma_start3A_18 = tpu.memref_slice %arg6[%dma_start3A_15, %dma_start3A_16, %dma_start3A_17] : memref<2x96x128xf32, #tpu.memory_space<vmem>> -> memref<1x96x128xf32, #tpu.memory_space<vmem>>
    %dma_start3A_19 = tpu.memref_squeeze %dma_start3A_18 : memref<1x96x128xf32, #tpu.memory_space<vmem>> -> memref<96x128xf32, #tpu.memory_space<vmem>>
    %dma_start3A_20 = arith.constant 0 : i32
    %dma_start3A_21 = tpu.memref_slice %arg5[%dma_start3A_14, %dma_start3A_20] : memref<11x96xi32, #tpu.memory_space<vmem>> -> memref<1x96xi32, #tpu.memory_space<vmem>>
    %dma_start3A_22 = tpu.memref_squeeze %dma_start3A_21 : memref<1x96xi32, #tpu.memory_space<vmem>> -> memref<96xi32, #tpu.memory_space<vmem>>
    %dma_start3A_23 = arith.constant 0 : i32
    %dma_start3A_24 = arith.constant 0 : i32
    %dma_start3A_25 = tpu.memref_slice %arg2[%dma_start3A_23, %dma_start3A_24] : memref<16392x128xf32, #tpu.memory_space<hbm>> -> memref<16392x128xf32, #tpu.memory_space<hbm>>
    tpu.enqueue_indirect_dma source(%dma_start3A_25 : memref<16392x128xf32, #tpu.memory_space<hbm>>) target(%dma_start3A_19 : memref<96x128xf32, #tpu.memory_space<vmem>>) offsets(%dma_start3A_22 : memref<96xi32, #tpu.memory_space<vmem>>) semaphore(%arg8 : memref<!tpu.dma_semaphore, #tpu.memory_space<semaphore_mem>>)
    %dma_wait3A = arith.constant 0 : i32
    %dma_wait3A_26 = arith.constant 0 : i32
    %dma_wait3A_27 = arith.constant 0 : i32
    %dma_wait3A_28 = arith.constant 0 : i32
    %dma_wait3A_29 = tpu.memref_slice %arg6[%dma_wait3A_26, %dma_wait3A_27, %dma_wait3A_28] : memref<2x96x128xf32, #tpu.memory_space<vmem>> -> memref<1x96x128xf32, #tpu.memory_space<vmem>>
    %dma_wait3A_30 = tpu.memref_squeeze %dma_wait3A_29 : memref<1x96x128xf32, #tpu.memory_space<vmem>> -> memref<96x128xf32, #tpu.memory_space<vmem>>
    %dma_wait3A_31 = arith.constant 0 : i32
    %dma_wait3A_32 = tpu.memref_slice %arg5[%dma_wait3A, %dma_wait3A_31] : memref<11x96xi32, #tpu.memory_space<vmem>> -> memref<1x96xi32, #tpu.memory_space<vmem>>
    %dma_wait3A_33 = tpu.memref_squeeze %dma_wait3A_32 : memref<1x96xi32, #tpu.memory_space<vmem>> -> memref<96xi32, #tpu.memory_space<vmem>>
    %dma_wait3A_34 = arith.constant 0 : i32
    %dma_wait3A_35 = arith.constant 0 : i32
    %dma_wait3A_36 = tpu.memref_slice %arg2[%dma_wait3A_34, %dma_wait3A_35] : memref<16392x128xf32, #tpu.memory_space<hbm>> -> memref<16392x128xf32, #tpu.memory_space<hbm>>
    tpu.wait_indirect_dma semaphore(%arg7 : memref<!tpu.dma_semaphore, #tpu.memory_space<semaphore_mem>>) src(%dma_wait3A_36 : memref<16392x128xf32, #tpu.memory_space<hbm>>) dst(%dma_wait3A_30 : memref<96x128xf32, #tpu.memory_space<vmem>>)
    %add3A_37 = arith.constant 0 : i32
    %add3A_38 = arith.addi %mul3A_2, %add3A_37 : i32
    %run_scoped3A = arith.constant 0 : i32
    "tpu.region"() ({
      %run_scoped3A_297 = tpu.sem_alloc : memref<!tpu.dma_semaphore, #tpu.memory_space<semaphore_mem>>
      %dma_start3A_298 = arith.constant 0 : i32
      %dma_start3A_299 = arith.constant 0 : i32
      %dma_start3A_300 = tpu.memref_slice %arg6[%run_scoped3A, %dma_start3A_298, %dma_start3A_299] : memref<2x96x128xf32, #tpu.memory_space<vmem>> -> memref<1x96x128xf32, #tpu.memory_space<vmem>>
      %dma_start3A_301 = tpu.memref_squeeze %dma_start3A_300 : memref<1x96x128xf32, #tpu.memory_space<vmem>> -> memref<96x128xf32, #tpu.memory_space<vmem>>
      %dma_start3A_302 = arith.constant 0 : i32
      %dma_start3A_303 = tpu.memref_slice %arg4[%add3A_38, %dma_start3A_302] : memref<33792x128xf32, #tpu.memory_space<hbm>> -> memref<96x128xf32, #tpu.memory_space<hbm>>
      %dma_start3A_304 = arith.constant 0 : i32
      %dma_start3A_305 = tpu.memref_slice %arg4[%add3A_38, %dma_start3A_304] : memref<33792x128xf32, #tpu.memory_space<hbm>> -> memref<96x128xf32, #tpu.memory_space<hbm>>
      %dma_start3A_306 = arith.constant 0 : i32
      %dma_start3A_307 = arith.constant 0 : i32
      %dma_start3A_308 = tpu.memref_slice %arg6[%run_scoped3A, %dma_start3A_306, %dma_start3A_307] : memref<2x96x128xf32, #tpu.memory_space<vmem>> -> memref<1x96x128xf32, #tpu.memory_space<vmem>>
      %dma_start3A_309 = tpu.memref_squeeze %dma_start3A_308 : memref<1x96x128xf32, #tpu.memory_space<vmem>> -> memref<96x128xf32, #tpu.memory_space<vmem>>
      tpu.enqueue_dma source(%dma_start3A_309 : memref<96x128xf32, #tpu.memory_space<vmem>>) target(%dma_start3A_305 : memref<96x128xf32, #tpu.memory_space<hbm>>) target_semaphore(%run_scoped3A_297 : memref<!tpu.dma_semaphore, #tpu.memory_space<semaphore_mem>>)
      %dma_wait3A_310 = arith.constant 0 : i32
      %dma_wait3A_311 = arith.constant 0 : i32
      %dma_wait3A_312 = tpu.memref_slice %arg6[%run_scoped3A, %dma_wait3A_310, %dma_wait3A_311] : memref<2x96x128xf32, #tpu.memory_space<vmem>> -> memref<1x96x128xf32, #tpu.memory_space<vmem>>
      %dma_wait3A_313 = tpu.memref_squeeze %dma_wait3A_312 : memref<1x96x128xf32, #tpu.memory_space<vmem>> -> memref<96x128xf32, #tpu.memory_space<vmem>>
      %dma_wait3A_314 = arith.constant 0 : i32
      %dma_wait3A_315 = tpu.memref_slice %arg4[%add3A_38, %dma_wait3A_314] : memref<33792x128xf32, #tpu.memory_space<hbm>> -> memref<96x128xf32, #tpu.memory_space<hbm>>
      %dma_wait3A_316 = arith.constant 0 : i32
      %dma_wait3A_317 = tpu.memref_slice %arg4[%add3A_38, %dma_wait3A_316] : memref<33792x128xf32, #tpu.memory_space<hbm>> -> memref<96x128xf32, #tpu.memory_space<hbm>>
      %dma_wait3A_318 = arith.constant 0 : i32
      %dma_wait3A_319 = arith.constant 0 : i32
      %dma_wait3A_320 = tpu.memref_slice %arg6[%run_scoped3A, %dma_wait3A_318, %dma_wait3A_319] : memref<2x96x128xf32, #tpu.memory_space<vmem>> -> memref<1x96x128xf32, #tpu.memory_space<vmem>>
      %dma_wait3A_321 = tpu.memref_squeeze %dma_wait3A_320 : memref<1x96x128xf32, #tpu.memory_space<vmem>> -> memref<96x128xf32, #tpu.memory_space<vmem>>
      tpu.wait_dma2 semaphore(%run_scoped3A_297 : memref<!tpu.dma_semaphore, #tpu.memory_space<semaphore_mem>>) src(%dma_wait3A_321 : memref<96x128xf32, #tpu.memory_space<vmem>>) dst(%dma_wait3A_317 : memref<96x128xf32, #tpu.memory_space<hbm>>)
      tpu.yield
    }) : () -> ()
    %dma_start3A_39 = arith.constant 2 : i32
    %dma_start3A_40 = arith.constant 0 : i32
    %dma_start3A_41 = arith.constant 0 : i32
    %dma_start3A_42 = arith.constant 0 : i32
    %dma_start3A_43 = tpu.memref_slice %arg6[%dma_start3A_40, %dma_start3A_41, %dma_start3A_42] : memref<2x96x128xf32, #tpu.memory_space<vmem>> -> memref<1x96x128xf32, #tpu.memory_space<vmem>>
    %dma_start3A_44 = tpu.memref_squeeze %dma_start3A_43 : memref<1x96x128xf32, #tpu.memory_space<vmem>> -> memref<96x128xf32, #tpu.memory_space<vmem>>
    %dma_start3A_45 = arith.constant 0 : i32
    %dma_start3A_46 = tpu.memref_slice %arg5[%dma_start3A_39, %dma_start3A_45] : memref<11x96xi32, #tpu.memory_space<vmem>> -> memref<1x96xi32, #tpu.memory_space<vmem>>
    %dma_start3A_47 = tpu.memref_squeeze %dma_start3A_46 : memref<1x96xi32, #tpu.memory_space<vmem>> -> memref<96xi32, #tpu.memory_space<vmem>>
    %dma_start3A_48 = arith.constant 0 : i32
    %dma_start3A_49 = arith.constant 0 : i32
    %dma_start3A_50 = tpu.memref_slice %arg2[%dma_start3A_48, %dma_start3A_49] : memref<16392x128xf32, #tpu.memory_space<hbm>> -> memref<16392x128xf32, #tpu.memory_space<hbm>>
    tpu.enqueue_indirect_dma source(%dma_start3A_50 : memref<16392x128xf32, #tpu.memory_space<hbm>>) target(%dma_start3A_44 : memref<96x128xf32, #tpu.memory_space<vmem>>) offsets(%dma_start3A_47 : memref<96xi32, #tpu.memory_space<vmem>>) semaphore(%arg7 : memref<!tpu.dma_semaphore, #tpu.memory_space<semaphore_mem>>)
    %dma_wait3A_51 = arith.constant 1 : i32
    %dma_wait3A_52 = arith.constant 1 : i32
    %dma_wait3A_53 = arith.constant 0 : i32
    %dma_wait3A_54 = arith.constant 0 : i32
    %dma_wait3A_55 = tpu.memref_slice %arg6[%dma_wait3A_52, %dma_wait3A_53, %dma_wait3A_54] : memref<2x96x128xf32, #tpu.memory_space<vmem>> -> memref<1x96x128xf32, #tpu.memory_space<vmem>>
    %dma_wait3A_56 = tpu.memref_squeeze %dma_wait3A_55 : memref<1x96x128xf32, #tpu.memory_space<vmem>> -> memref<96x128xf32, #tpu.memory_space<vmem>>
    %dma_wait3A_57 = arith.constant 0 : i32
    %dma_wait3A_58 = tpu.memref_slice %arg5[%dma_wait3A_51, %dma_wait3A_57] : memref<11x96xi32, #tpu.memory_space<vmem>> -> memref<1x96xi32, #tpu.memory_space<vmem>>
    %dma_wait3A_59 = tpu.memref_squeeze %dma_wait3A_58 : memref<1x96xi32, #tpu.memory_space<vmem>> -> memref<96xi32, #tpu.memory_space<vmem>>
    %dma_wait3A_60 = arith.constant 0 : i32
    %dma_wait3A_61 = arith.constant 0 : i32
    %dma_wait3A_62 = tpu.memref_slice %arg2[%dma_wait3A_60, %dma_wait3A_61] : memref<16392x128xf32, #tpu.memory_space<hbm>> -> memref<16392x128xf32, #tpu.memory_space<hbm>>
    tpu.wait_indirect_dma semaphore(%arg8 : memref<!tpu.dma_semaphore, #tpu.memory_space<semaphore_mem>>) src(%dma_wait3A_62 : memref<16392x128xf32, #tpu.memory_space<hbm>>) dst(%dma_wait3A_56 : memref<96x128xf32, #tpu.memory_space<vmem>>)
    %add3A_63 = arith.constant 96 : i32
    %add3A_64 = arith.addi %mul3A_2, %add3A_63 : i32
    %run_scoped3A_65 = arith.constant 1 : i32
    "tpu.region"() ({
      %run_scoped3A_297 = tpu.sem_alloc : memref<!tpu.dma_semaphore, #tpu.memory_space<semaphore_mem>>
      %dma_start3A_298 = arith.constant 0 : i32
      %dma_start3A_299 = arith.constant 0 : i32
      %dma_start3A_300 = tpu.memref_slice %arg6[%run_scoped3A_65, %dma_start3A_298, %dma_start3A_299] : memref<2x96x128xf32, #tpu.memory_space<vmem>> -> memref<1x96x128xf32, #tpu.memory_space<vmem>>
      %dma_start3A_301 = tpu.memref_squeeze %dma_start3A_300 : memref<1x96x128xf32, #tpu.memory_space<vmem>> -> memref<96x128xf32, #tpu.memory_space<vmem>>
      %dma_start3A_302 = arith.constant 0 : i32
      %dma_start3A_303 = tpu.memref_slice %arg4[%add3A_64, %dma_start3A_302] : memref<33792x128xf32, #tpu.memory_space<hbm>> -> memref<96x128xf32, #tpu.memory_space<hbm>>
      %dma_start3A_304 = arith.constant 0 : i32
      %dma_start3A_305 = tpu.memref_slice %arg4[%add3A_64, %dma_start3A_304] : memref<33792x128xf32, #tpu.memory_space<hbm>> -> memref<96x128xf32, #tpu.memory_space<hbm>>
      %dma_start3A_306 = arith.constant 0 : i32
      %dma_start3A_307 = arith.constant 0 : i32
      %dma_start3A_308 = tpu.memref_slice %arg6[%run_scoped3A_65, %dma_start3A_306, %dma_start3A_307] : memref<2x96x128xf32, #tpu.memory_space<vmem>> -> memref<1x96x128xf32, #tpu.memory_space<vmem>>
      %dma_start3A_309 = tpu.memref_squeeze %dma_start3A_308 : memref<1x96x128xf32, #tpu.memory_space<vmem>> -> memref<96x128xf32, #tpu.memory_space<vmem>>
      tpu.enqueue_dma source(%dma_start3A_309 : memref<96x128xf32, #tpu.memory_space<vmem>>) target(%dma_start3A_305 : memref<96x128xf32, #tpu.memory_space<hbm>>) target_semaphore(%run_scoped3A_297 : memref<!tpu.dma_semaphore, #tpu.memory_space<semaphore_mem>>)
      %dma_wait3A_310 = arith.constant 0 : i32
      %dma_wait3A_311 = arith.constant 0 : i32
      %dma_wait3A_312 = tpu.memref_slice %arg6[%run_scoped3A_65, %dma_wait3A_310, %dma_wait3A_311] : memref<2x96x128xf32, #tpu.memory_space<vmem>> -> memref<1x96x128xf32, #tpu.memory_space<vmem>>
      %dma_wait3A_313 = tpu.memref_squeeze %dma_wait3A_312 : memref<1x96x128xf32, #tpu.memory_space<vmem>> -> memref<96x128xf32, #tpu.memory_space<vmem>>
      %dma_wait3A_314 = arith.constant 0 : i32
      %dma_wait3A_315 = tpu.memref_slice %arg4[%add3A_64, %dma_wait3A_314] : memref<33792x128xf32, #tpu.memory_space<hbm>> -> memref<96x128xf32, #tpu.memory_space<hbm>>
      %dma_wait3A_316 = arith.constant 0 : i32
      %dma_wait3A_317 = tpu.memref_slice %arg4[%add3A_64, %dma_wait3A_316] : memref<33792x128xf32, #tpu.memory_space<hbm>> -> memref<96x128xf32, #tpu.memory_space<hbm>>
      %dma_wait3A_318 = arith.constant 0 : i32
      %dma_wait3A_319 = arith.constant 0 : i32
      %dma_wait3A_320 = tpu.memref_slice %arg6[%run_scoped3A_65, %dma_wait3A_318, %dma_wait3A_319] : memref<2x96x128xf32, #tpu.memory_space<vmem>> -> memref<1x96x128xf32, #tpu.memory_space<vmem>>
      %dma_wait3A_321 = tpu.memref_squeeze %dma_wait3A_320 : memref<1x96x128xf32, #tpu.memory_space<vmem>> -> memref<96x128xf32, #tpu.memory_space<vmem>>
      tpu.wait_dma2 semaphore(%run_scoped3A_297 : memref<!tpu.dma_semaphore, #tpu.memory_space<semaphore_mem>>) src(%dma_wait3A_321 : memref<96x128xf32, #tpu.memory_space<vmem>>) dst(%dma_wait3A_317 : memref<96x128xf32, #tpu.memory_space<hbm>>)
      tpu.yield
    }) : () -> ()
    %dma_start3A_66 = arith.constant 3 : i32
    %dma_start3A_67 = arith.constant 1 : i32
    %dma_start3A_68 = arith.constant 0 : i32
    %dma_start3A_69 = arith.constant 0 : i32
    %dma_start3A_70 = tpu.memref_slice %arg6[%dma_start3A_67, %dma_start3A_68, %dma_start3A_69] : memref<2x96x128xf32, #tpu.memory_space<vmem>> -> memref<1x96x128xf32, #tpu.memory_space<vmem>>
    %dma_start3A_71 = tpu.memref_squeeze %dma_start3A_70 : memref<1x96x128xf32, #tpu.memory_space<vmem>> -> memref<96x128xf32, #tpu.memory_space<vmem>>
    %dma_start3A_72 = arith.constant 0 : i32
    %dma_start3A_73 = tpu.memref_slice %arg5[%dma_start3A_66, %dma_start3A_72] : memref<11x96xi32, #tpu.memory_space<vmem>> -> memref<1x96xi32, #tpu.memory_space<vmem>>
    %dma_start3A_74 = tpu.memref_squeeze %dma_start3A_73 : memref<1x96xi32, #tpu.memory_space<vmem>> -> memref<96xi32, #tpu.memory_space<vmem>>
    %dma_start3A_75 = arith.constant 0 : i32
    %dma_start3A_76 = arith.constant 0 : i32
    %dma_start3A_77 = tpu.memref_slice %arg2[%dma_start3A_75, %dma_start3A_76] : memref<16392x128xf32, #tpu.memory_space<hbm>> -> memref<16392x128xf32, #tpu.memory_space<hbm>>
    tpu.enqueue_indirect_dma source(%dma_start3A_77 : memref<16392x128xf32, #tpu.memory_space<hbm>>) target(%dma_start3A_71 : memref<96x128xf32, #tpu.memory_space<vmem>>) offsets(%dma_start3A_74 : memref<96xi32, #tpu.memory_space<vmem>>) semaphore(%arg8 : memref<!tpu.dma_semaphore, #tpu.memory_space<semaphore_mem>>)
    %dma_wait3A_78 = arith.constant 2 : i32
    %dma_wait3A_79 = arith.constant 0 : i32
    %dma_wait3A_80 = arith.constant 0 : i32
    %dma_wait3A_81 = arith.constant 0 : i32
    %dma_wait3A_82 = tpu.memref_slice %arg6[%dma_wait3A_79, %dma_wait3A_80, %dma_wait3A_81] : memref<2x96x128xf32, #tpu.memory_space<vmem>> -> memref<1x96x128xf32, #tpu.memory_space<vmem>>
    %dma_wait3A_83 = tpu.memref_squeeze %dma_wait3A_82 : memref<1x96x128xf32, #tpu.memory_space<vmem>> -> memref<96x128xf32, #tpu.memory_space<vmem>>
    %dma_wait3A_84 = arith.constant 0 : i32
    %dma_wait3A_85 = tpu.memref_slice %arg5[%dma_wait3A_78, %dma_wait3A_84] : memref<11x96xi32, #tpu.memory_space<vmem>> -> memref<1x96xi32, #tpu.memory_space<vmem>>
    %dma_wait3A_86 = tpu.memref_squeeze %dma_wait3A_85 : memref<1x96xi32, #tpu.memory_space<vmem>> -> memref<96xi32, #tpu.memory_space<vmem>>
    %dma_wait3A_87 = arith.constant 0 : i32
    %dma_wait3A_88 = arith.constant 0 : i32
    %dma_wait3A_89 = tpu.memref_slice %arg2[%dma_wait3A_87, %dma_wait3A_88] : memref<16392x128xf32, #tpu.memory_space<hbm>> -> memref<16392x128xf32, #tpu.memory_space<hbm>>
    tpu.wait_indirect_dma semaphore(%arg7 : memref<!tpu.dma_semaphore, #tpu.memory_space<semaphore_mem>>) src(%dma_wait3A_89 : memref<16392x128xf32, #tpu.memory_space<hbm>>) dst(%dma_wait3A_83 : memref<96x128xf32, #tpu.memory_space<vmem>>)
    %add3A_90 = arith.constant 192 : i32
    %add3A_91 = arith.addi %mul3A_2, %add3A_90 : i32
    %run_scoped3A_92 = arith.constant 0 : i32
    "tpu.region"() ({
      %run_scoped3A_297 = tpu.sem_alloc : memref<!tpu.dma_semaphore, #tpu.memory_space<semaphore_mem>>
      %dma_start3A_298 = arith.constant 0 : i32
      %dma_start3A_299 = arith.constant 0 : i32
      %dma_start3A_300 = tpu.memref_slice %arg6[%run_scoped3A_92, %dma_start3A_298, %dma_start3A_299] : memref<2x96x128xf32, #tpu.memory_space<vmem>> -> memref<1x96x128xf32, #tpu.memory_space<vmem>>
      %dma_start3A_301 = tpu.memref_squeeze %dma_start3A_300 : memref<1x96x128xf32, #tpu.memory_space<vmem>> -> memref<96x128xf32, #tpu.memory_space<vmem>>
      %dma_start3A_302 = arith.constant 0 : i32
      %dma_start3A_303 = tpu.memref_slice %arg4[%add3A_91, %dma_start3A_302] : memref<33792x128xf32, #tpu.memory_space<hbm>> -> memref<96x128xf32, #tpu.memory_space<hbm>>
      %dma_start3A_304 = arith.constant 0 : i32
      %dma_start3A_305 = tpu.memref_slice %arg4[%add3A_91, %dma_start3A_304] : memref<33792x128xf32, #tpu.memory_space<hbm>> -> memref<96x128xf32, #tpu.memory_space<hbm>>
      %dma_start3A_306 = arith.constant 0 : i32
      %dma_start3A_307 = arith.constant 0 : i32
      %dma_start3A_308 = tpu.memref_slice %arg6[%run_scoped3A_92, %dma_start3A_306, %dma_start3A_307] : memref<2x96x128xf32, #tpu.memory_space<vmem>> -> memref<1x96x128xf32, #tpu.memory_space<vmem>>
      %dma_start3A_309 = tpu.memref_squeeze %dma_start3A_308 : memref<1x96x128xf32, #tpu.memory_space<vmem>> -> memref<96x128xf32, #tpu.memory_space<vmem>>
      tpu.enqueue_dma source(%dma_start3A_309 : memref<96x128xf32, #tpu.memory_space<vmem>>) target(%dma_start3A_305 : memref<96x128xf32, #tpu.memory_space<hbm>>) target_semaphore(%run_scoped3A_297 : memref<!tpu.dma_semaphore, #tpu.memory_space<semaphore_mem>>)
      %dma_wait3A_310 = arith.constant 0 : i32
      %dma_wait3A_311 = arith.constant 0 : i32
      %dma_wait3A_312 = tpu.memref_slice %arg6[%run_scoped3A_92, %dma_wait3A_310, %dma_wait3A_311] : memref<2x96x128xf32, #tpu.memory_space<vmem>> -> memref<1x96x128xf32, #tpu.memory_space<vmem>>
      %dma_wait3A_313 = tpu.memref_squeeze %dma_wait3A_312 : memref<1x96x128xf32, #tpu.memory_space<vmem>> -> memref<96x128xf32, #tpu.memory_space<vmem>>
      %dma_wait3A_314 = arith.constant 0 : i32
      %dma_wait3A_315 = tpu.memref_slice %arg4[%add3A_91, %dma_wait3A_314] : memref<33792x128xf32, #tpu.memory_space<hbm>> -> memref<96x128xf32, #tpu.memory_space<hbm>>
      %dma_wait3A_316 = arith.constant 0 : i32
      %dma_wait3A_317 = tpu.memref_slice %arg4[%add3A_91, %dma_wait3A_316] : memref<33792x128xf32, #tpu.memory_space<hbm>> -> memref<96x128xf32, #tpu.memory_space<hbm>>
      %dma_wait3A_318 = arith.constant 0 : i32
      %dma_wait3A_319 = arith.constant 0 : i32
      %dma_wait3A_320 = tpu.memref_slice %arg6[%run_scoped3A_92, %dma_wait3A_318, %dma_wait3A_319] : memref<2x96x128xf32, #tpu.memory_space<vmem>> -> memref<1x96x128xf32, #tpu.memory_space<vmem>>
      %dma_wait3A_321 = tpu.memref_squeeze %dma_wait3A_320 : memref<1x96x128xf32, #tpu.memory_space<vmem>> -> memref<96x128xf32, #tpu.memory_space<vmem>>
      tpu.wait_dma2 semaphore(%run_scoped3A_297 : memref<!tpu.dma_semaphore, #tpu.memory_space<semaphore_mem>>) src(%dma_wait3A_321 : memref<96x128xf32, #tpu.memory_space<vmem>>) dst(%dma_wait3A_317 : memref<96x128xf32, #tpu.memory_space<hbm>>)
      tpu.yield
    }) : () -> ()
    %dma_start3A_93 = arith.constant 4 : i32
    %dma_start3A_94 = arith.constant 0 : i32
    %dma_start3A_95 = arith.constant 0 : i32
    %dma_start3A_96 = arith.constant 0 : i32
    %dma_start3A_97 = tpu.memref_slice %arg6[%dma_start3A_94, %dma_start3A_95, %dma_start3A_96] : memref<2x96x128xf32, #tpu.memory_space<vmem>> -> memref<1x96x128xf32, #tpu.memory_space<vmem>>
    %dma_start3A_98 = tpu.memref_squeeze %dma_start3A_97 : memref<1x96x128xf32, #tpu.memory_space<vmem>> -> memref<96x128xf32, #tpu.memory_space<vmem>>
    %dma_start3A_99 = arith.constant 0 : i32
    %dma_start3A_100 = tpu.memref_slice %arg5[%dma_start3A_93, %dma_start3A_99] : memref<11x96xi32, #tpu.memory_space<vmem>> -> memref<1x96xi32, #tpu.memory_space<vmem>>
    %dma_start3A_101 = tpu.memref_squeeze %dma_start3A_100 : memref<1x96xi32, #tpu.memory_space<vmem>> -> memref<96xi32, #tpu.memory_space<vmem>>
    %dma_start3A_102 = arith.constant 0 : i32
    %dma_start3A_103 = arith.constant 0 : i32
    %dma_start3A_104 = tpu.memref_slice %arg2[%dma_start3A_102, %dma_start3A_103] : memref<16392x128xf32, #tpu.memory_space<hbm>> -> memref<16392x128xf32, #tpu.memory_space<hbm>>
    tpu.enqueue_indirect_dma source(%dma_start3A_104 : memref<16392x128xf32, #tpu.memory_space<hbm>>) target(%dma_start3A_98 : memref<96x128xf32, #tpu.memory_space<vmem>>) offsets(%dma_start3A_101 : memref<96xi32, #tpu.memory_space<vmem>>) semaphore(%arg7 : memref<!tpu.dma_semaphore, #tpu.memory_space<semaphore_mem>>)
    %dma_wait3A_105 = arith.constant 3 : i32
    %dma_wait3A_106 = arith.constant 1 : i32
    %dma_wait3A_107 = arith.constant 0 : i32
    %dma_wait3A_108 = arith.constant 0 : i32
    %dma_wait3A_109 = tpu.memref_slice %arg6[%dma_wait3A_106, %dma_wait3A_107, %dma_wait3A_108] : memref<2x96x128xf32, #tpu.memory_space<vmem>> -> memref<1x96x128xf32, #tpu.memory_space<vmem>>
    %dma_wait3A_110 = tpu.memref_squeeze %dma_wait3A_109 : memref<1x96x128xf32, #tpu.memory_space<vmem>> -> memref<96x128xf32, #tpu.memory_space<vmem>>
    %dma_wait3A_111 = arith.constant 0 : i32
    %dma_wait3A_112 = tpu.memref_slice %arg5[%dma_wait3A_105, %dma_wait3A_111] : memref<11x96xi32, #tpu.memory_space<vmem>> -> memref<1x96xi32, #tpu.memory_space<vmem>>
    %dma_wait3A_113 = tpu.memref_squeeze %dma_wait3A_112 : memref<1x96xi32, #tpu.memory_space<vmem>> -> memref<96xi32, #tpu.memory_space<vmem>>
    %dma_wait3A_114 = arith.constant 0 : i32
    %dma_wait3A_115 = arith.constant 0 : i32
    %dma_wait3A_116 = tpu.memref_slice %arg2[%dma_wait3A_114, %dma_wait3A_115] : memref<16392x128xf32, #tpu.memory_space<hbm>> -> memref<16392x128xf32, #tpu.memory_space<hbm>>
    tpu.wait_indirect_dma semaphore(%arg8 : memref<!tpu.dma_semaphore, #tpu.memory_space<semaphore_mem>>) src(%dma_wait3A_116 : memref<16392x128xf32, #tpu.memory_space<hbm>>) dst(%dma_wait3A_110 : memref<96x128xf32, #tpu.memory_space<vmem>>)
    %add3A_117 = arith.constant 288 : i32
    %add3A_118 = arith.addi %mul3A_2, %add3A_117 : i32
    %run_scoped3A_119 = arith.constant 1 : i32
    "tpu.region"() ({
      %run_scoped3A_297 = tpu.sem_alloc : memref<!tpu.dma_semaphore, #tpu.memory_space<semaphore_mem>>
      %dma_start3A_298 = arith.constant 0 : i32
      %dma_start3A_299 = arith.constant 0 : i32
      %dma_start3A_300 = tpu.memref_slice %arg6[%run_scoped3A_119, %dma_start3A_298, %dma_start3A_299] : memref<2x96x128xf32, #tpu.memory_space<vmem>> -> memref<1x96x128xf32, #tpu.memory_space<vmem>>
      %dma_start3A_301 = tpu.memref_squeeze %dma_start3A_300 : memref<1x96x128xf32, #tpu.memory_space<vmem>> -> memref<96x128xf32, #tpu.memory_space<vmem>>
      %dma_start3A_302 = arith.constant 0 : i32
      %dma_start3A_303 = tpu.memref_slice %arg4[%add3A_118, %dma_start3A_302] : memref<33792x128xf32, #tpu.memory_space<hbm>> -> memref<96x128xf32, #tpu.memory_space<hbm>>
      %dma_start3A_304 = arith.constant 0 : i32
      %dma_start3A_305 = tpu.memref_slice %arg4[%add3A_118, %dma_start3A_304] : memref<33792x128xf32, #tpu.memory_space<hbm>> -> memref<96x128xf32, #tpu.memory_space<hbm>>
      %dma_start3A_306 = arith.constant 0 : i32
      %dma_start3A_307 = arith.constant 0 : i32
      %dma_start3A_308 = tpu.memref_slice %arg6[%run_scoped3A_119, %dma_start3A_306, %dma_start3A_307] : memref<2x96x128xf32, #tpu.memory_space<vmem>> -> memref<1x96x128xf32, #tpu.memory_space<vmem>>
      %dma_start3A_309 = tpu.memref_squeeze %dma_start3A_308 : memref<1x96x128xf32, #tpu.memory_space<vmem>> -> memref<96x128xf32, #tpu.memory_space<vmem>>
      tpu.enqueue_dma source(%dma_start3A_309 : memref<96x128xf32, #tpu.memory_space<vmem>>) target(%dma_start3A_305 : memref<96x128xf32, #tpu.memory_space<hbm>>) target_semaphore(%run_scoped3A_297 : memref<!tpu.dma_semaphore, #tpu.memory_space<semaphore_mem>>)
      %dma_wait3A_310 = arith.constant 0 : i32
      %dma_wait3A_311 = arith.constant 0 : i32
      %dma_wait3A_312 = tpu.memref_slice %arg6[%run_scoped3A_119, %dma_wait3A_310, %dma_wait3A_311] : memref<2x96x128xf32, #tpu.memory_space<vmem>> -> memref<1x96x128xf32, #tpu.memory_space<vmem>>
      %dma_wait3A_313 = tpu.memref_squeeze %dma_wait3A_312 : memref<1x96x128xf32, #tpu.memory_space<vmem>> -> memref<96x128xf32, #tpu.memory_space<vmem>>
      %dma_wait3A_314 = arith.constant 0 : i32
      %dma_wait3A_315 = tpu.memref_slice %arg4[%add3A_118, %dma_wait3A_314] : memref<33792x128xf32, #tpu.memory_space<hbm>> -> memref<96x128xf32, #tpu.memory_space<hbm>>
      %dma_wait3A_316 = arith.constant 0 : i32
      %dma_wait3A_317 = tpu.memref_slice %arg4[%add3A_118, %dma_wait3A_316] : memref<33792x128xf32, #tpu.memory_space<hbm>> -> memref<96x128xf32, #tpu.memory_space<hbm>>
      %dma_wait3A_318 = arith.constant 0 : i32
      %dma_wait3A_319 = arith.constant 0 : i32
      %dma_wait3A_320 = tpu.memref_slice %arg6[%run_scoped3A_119, %dma_wait3A_318, %dma_wait3A_319] : memref<2x96x128xf32, #tpu.memory_space<vmem>> -> memref<1x96x128xf32, #tpu.memory_space<vmem>>
      %dma_wait3A_321 = tpu.memref_squeeze %dma_wait3A_320 : memref<1x96x128xf32, #tpu.memory_space<vmem>> -> memref<96x128xf32, #tpu.memory_space<vmem>>
      tpu.wait_dma2 semaphore(%run_scoped3A_297 : memref<!tpu.dma_semaphore, #tpu.memory_space<semaphore_mem>>) src(%dma_wait3A_321 : memref<96x128xf32, #tpu.memory_space<vmem>>) dst(%dma_wait3A_317 : memref<96x128xf32, #tpu.memory_space<hbm>>)
      tpu.yield
    }) : () -> ()
    %dma_start3A_120 = arith.constant 5 : i32
    %dma_start3A_121 = arith.constant 1 : i32
    %dma_start3A_122 = arith.constant 0 : i32
    %dma_start3A_123 = arith.constant 0 : i32
    %dma_start3A_124 = tpu.memref_slice %arg6[%dma_start3A_121, %dma_start3A_122, %dma_start3A_123] : memref<2x96x128xf32, #tpu.memory_space<vmem>> -> memref<1x96x128xf32, #tpu.memory_space<vmem>>
    %dma_start3A_125 = tpu.memref_squeeze %dma_start3A_124 : memref<1x96x128xf32, #tpu.memory_space<vmem>> -> memref<96x128xf32, #tpu.memory_space<vmem>>
    %dma_start3A_126 = arith.constant 0 : i32
    %dma_start3A_127 = tpu.memref_slice %arg5[%dma_start3A_120, %dma_start3A_126] : memref<11x96xi32, #tpu.memory_space<vmem>> -> memref<1x96xi32, #tpu.memory_space<vmem>>
    %dma_start3A_128 = tpu.memref_squeeze %dma_start3A_127 : memref<1x96xi32, #tpu.memory_space<vmem>> -> memref<96xi32, #tpu.memory_space<vmem>>
    %dma_start3A_129 = arith.constant 0 : i32
    %dma_start3A_130 = arith.constant 0 : i32
    %dma_start3A_131 = tpu.memref_slice %arg2[%dma_start3A_129, %dma_start3A_130] : memref<16392x128xf32, #tpu.memory_space<hbm>> -> memref<16392x128xf32, #tpu.memory_space<hbm>>
    tpu.enqueue_indirect_dma source(%dma_start3A_131 : memref<16392x128xf32, #tpu.memory_space<hbm>>) target(%dma_start3A_125 : memref<96x128xf32, #tpu.memory_space<vmem>>) offsets(%dma_start3A_128 : memref<96xi32, #tpu.memory_space<vmem>>) semaphore(%arg8 : memref<!tpu.dma_semaphore, #tpu.memory_space<semaphore_mem>>)
    %dma_wait3A_132 = arith.constant 4 : i32
    %dma_wait3A_133 = arith.constant 0 : i32
    %dma_wait3A_134 = arith.constant 0 : i32
    %dma_wait3A_135 = arith.constant 0 : i32
    %dma_wait3A_136 = tpu.memref_slice %arg6[%dma_wait3A_133, %dma_wait3A_134, %dma_wait3A_135] : memref<2x96x128xf32, #tpu.memory_space<vmem>> -> memref<1x96x128xf32, #tpu.memory_space<vmem>>
    %dma_wait3A_137 = tpu.memref_squeeze %dma_wait3A_136 : memref<1x96x128xf32, #tpu.memory_space<vmem>> -> memref<96x128xf32, #tpu.memory_space<vmem>>
    %dma_wait3A_138 = arith.constant 0 : i32
    %dma_wait3A_139 = tpu.memref_slice %arg5[%dma_wait3A_132, %dma_wait3A_138] : memref<11x96xi32, #tpu.memory_space<vmem>> -> memref<1x96xi32, #tpu.memory_space<vmem>>
    %dma_wait3A_140 = tpu.memref_squeeze %dma_wait3A_139 : memref<1x96xi32, #tpu.memory_space<vmem>> -> memref<96xi32, #tpu.memory_space<vmem>>
    %dma_wait3A_141 = arith.constant 0 : i32
    %dma_wait3A_142 = arith.constant 0 : i32
    %dma_wait3A_143 = tpu.memref_slice %arg2[%dma_wait3A_141, %dma_wait3A_142] : memref<16392x128xf32, #tpu.memory_space<hbm>> -> memref<16392x128xf32, #tpu.memory_space<hbm>>
    tpu.wait_indirect_dma semaphore(%arg7 : memref<!tpu.dma_semaphore, #tpu.memory_space<semaphore_mem>>) src(%dma_wait3A_143 : memref<16392x128xf32, #tpu.memory_space<hbm>>) dst(%dma_wait3A_137 : memref<96x128xf32, #tpu.memory_space<vmem>>)
    %add3A_144 = arith.constant 384 : i32
    %add3A_145 = arith.addi %mul3A_2, %add3A_144 : i32
    %run_scoped3A_146 = arith.constant 0 : i32
    "tpu.region"() ({
      %run_scoped3A_297 = tpu.sem_alloc : memref<!tpu.dma_semaphore, #tpu.memory_space<semaphore_mem>>
      %dma_start3A_298 = arith.constant 0 : i32
      %dma_start3A_299 = arith.constant 0 : i32
      %dma_start3A_300 = tpu.memref_slice %arg6[%run_scoped3A_146, %dma_start3A_298, %dma_start3A_299] : memref<2x96x128xf32, #tpu.memory_space<vmem>> -> memref<1x96x128xf32, #tpu.memory_space<vmem>>
      %dma_start3A_301 = tpu.memref_squeeze %dma_start3A_300 : memref<1x96x128xf32, #tpu.memory_space<vmem>> -> memref<96x128xf32, #tpu.memory_space<vmem>>
      %dma_start3A_302 = arith.constant 0 : i32
      %dma_start3A_303 = tpu.memref_slice %arg4[%add3A_145, %dma_start3A_302] : memref<33792x128xf32, #tpu.memory_space<hbm>> -> memref<96x128xf32, #tpu.memory_space<hbm>>
      %dma_start3A_304 = arith.constant 0 : i32
      %dma_start3A_305 = tpu.memref_slice %arg4[%add3A_145, %dma_start3A_304] : memref<33792x128xf32, #tpu.memory_space<hbm>> -> memref<96x128xf32, #tpu.memory_space<hbm>>
      %dma_start3A_306 = arith.constant 0 : i32
      %dma_start3A_307 = arith.constant 0 : i32
      %dma_start3A_308 = tpu.memref_slice %arg6[%run_scoped3A_146, %dma_start3A_306, %dma_start3A_307] : memref<2x96x128xf32, #tpu.memory_space<vmem>> -> memref<1x96x128xf32, #tpu.memory_space<vmem>>
      %dma_start3A_309 = tpu.memref_squeeze %dma_start3A_308 : memref<1x96x128xf32, #tpu.memory_space<vmem>> -> memref<96x128xf32, #tpu.memory_space<vmem>>
      tpu.enqueue_dma source(%dma_start3A_309 : memref<96x128xf32, #tpu.memory_space<vmem>>) target(%dma_start3A_305 : memref<96x128xf32, #tpu.memory_space<hbm>>) target_semaphore(%run_scoped3A_297 : memref<!tpu.dma_semaphore, #tpu.memory_space<semaphore_mem>>)
      %dma_wait3A_310 = arith.constant 0 : i32
      %dma_wait3A_311 = arith.constant 0 : i32
      %dma_wait3A_312 = tpu.memref_slice %arg6[%run_scoped3A_146, %dma_wait3A_310, %dma_wait3A_311] : memref<2x96x128xf32, #tpu.memory_space<vmem>> -> memref<1x96x128xf32, #tpu.memory_space<vmem>>
      %dma_wait3A_313 = tpu.memref_squeeze %dma_wait3A_312 : memref<1x96x128xf32, #tpu.memory_space<vmem>> -> memref<96x128xf32, #tpu.memory_space<vmem>>
      %dma_wait3A_314 = arith.constant 0 : i32
      %dma_wait3A_315 = tpu.memref_slice %arg4[%add3A_145, %dma_wait3A_314] : memref<33792x128xf32, #tpu.memory_space<hbm>> -> memref<96x128xf32, #tpu.memory_space<hbm>>
      %dma_wait3A_316 = arith.constant 0 : i32
      %dma_wait3A_317 = tpu.memref_slice %arg4[%add3A_145, %dma_wait3A_316] : memref<33792x128xf32, #tpu.memory_space<hbm>> -> memref<96x128xf32, #tpu.memory_space<hbm>>
      %dma_wait3A_318 = arith.constant 0 : i32
      %dma_wait3A_319 = arith.constant 0 : i32
      %dma_wait3A_320 = tpu.memref_slice %arg6[%run_scoped3A_146, %dma_wait3A_318, %dma_wait3A_319] : memref<2x96x128xf32, #tpu.memory_space<vmem>> -> memref<1x96x128xf32, #tpu.memory_space<vmem>>
      %dma_wait3A_321 = tpu.memref_squeeze %dma_wait3A_320 : memref<1x96x128xf32, #tpu.memory_space<vmem>> -> memref<96x128xf32, #tpu.memory_space<vmem>>
      tpu.wait_dma2 semaphore(%run_scoped3A_297 : memref<!tpu.dma_semaphore, #tpu.memory_space<semaphore_mem>>) src(%dma_wait3A_321 : memref<96x128xf32, #tpu.memory_space<vmem>>) dst(%dma_wait3A_317 : memref<96x128xf32, #tpu.memory_space<hbm>>)
      tpu.yield
    }) : () -> ()
    %dma_start3A_147 = arith.constant 6 : i32
    %dma_start3A_148 = arith.constant 0 : i32
    %dma_start3A_149 = arith.constant 0 : i32
    %dma_start3A_150 = arith.constant 0 : i32
    %dma_start3A_151 = tpu.memref_slice %arg6[%dma_start3A_148, %dma_start3A_149, %dma_start3A_150] : memref<2x96x128xf32, #tpu.memory_space<vmem>> -> memref<1x96x128xf32, #tpu.memory_space<vmem>>
    %dma_start3A_152 = tpu.memref_squeeze %dma_start3A_151 : memref<1x96x128xf32, #tpu.memory_space<vmem>> -> memref<96x128xf32, #tpu.memory_space<vmem>>
    %dma_start3A_153 = arith.constant 0 : i32
    %dma_start3A_154 = tpu.memref_slice %arg5[%dma_start3A_147, %dma_start3A_153] : memref<11x96xi32, #tpu.memory_space<vmem>> -> memref<1x96xi32, #tpu.memory_space<vmem>>
    %dma_start3A_155 = tpu.memref_squeeze %dma_start3A_154 : memref<1x96xi32, #tpu.memory_space<vmem>> -> memref<96xi32, #tpu.memory_space<vmem>>
    %dma_start3A_156 = arith.constant 0 : i32
    %dma_start3A_157 = arith.constant 0 : i32
    %dma_start3A_158 = tpu.memref_slice %arg2[%dma_start3A_156, %dma_start3A_157] : memref<16392x128xf32, #tpu.memory_space<hbm>> -> memref<16392x128xf32, #tpu.memory_space<hbm>>
    tpu.enqueue_indirect_dma source(%dma_start3A_158 : memref<16392x128xf32, #tpu.memory_space<hbm>>) target(%dma_start3A_152 : memref<96x128xf32, #tpu.memory_space<vmem>>) offsets(%dma_start3A_155 : memref<96xi32, #tpu.memory_space<vmem>>) semaphore(%arg7 : memref<!tpu.dma_semaphore, #tpu.memory_space<semaphore_mem>>)
    %dma_wait3A_159 = arith.constant 5 : i32
    %dma_wait3A_160 = arith.constant 1 : i32
    %dma_wait3A_161 = arith.constant 0 : i32
    %dma_wait3A_162 = arith.constant 0 : i32
    %dma_wait3A_163 = tpu.memref_slice %arg6[%dma_wait3A_160, %dma_wait3A_161, %dma_wait3A_162] : memref<2x96x128xf32, #tpu.memory_space<vmem>> -> memref<1x96x128xf32, #tpu.memory_space<vmem>>
    %dma_wait3A_164 = tpu.memref_squeeze %dma_wait3A_163 : memref<1x96x128xf32, #tpu.memory_space<vmem>> -> memref<96x128xf32, #tpu.memory_space<vmem>>
    %dma_wait3A_165 = arith.constant 0 : i32
    %dma_wait3A_166 = tpu.memref_slice %arg5[%dma_wait3A_159, %dma_wait3A_165] : memref<11x96xi32, #tpu.memory_space<vmem>> -> memref<1x96xi32, #tpu.memory_space<vmem>>
    %dma_wait3A_167 = tpu.memref_squeeze %dma_wait3A_166 : memref<1x96xi32, #tpu.memory_space<vmem>> -> memref<96xi32, #tpu.memory_space<vmem>>
    %dma_wait3A_168 = arith.constant 0 : i32
    %dma_wait3A_169 = arith.constant 0 : i32
    %dma_wait3A_170 = tpu.memref_slice %arg2[%dma_wait3A_168, %dma_wait3A_169] : memref<16392x128xf32, #tpu.memory_space<hbm>> -> memref<16392x128xf32, #tpu.memory_space<hbm>>
    tpu.wait_indirect_dma semaphore(%arg8 : memref<!tpu.dma_semaphore, #tpu.memory_space<semaphore_mem>>) src(%dma_wait3A_170 : memref<16392x128xf32, #tpu.memory_space<hbm>>) dst(%dma_wait3A_164 : memref<96x128xf32, #tpu.memory_space<vmem>>)
    %add3A_171 = arith.constant 480 : i32
    %add3A_172 = arith.addi %mul3A_2, %add3A_171 : i32
    %run_scoped3A_173 = arith.constant 1 : i32
    "tpu.region"() ({
      %run_scoped3A_297 = tpu.sem_alloc : memref<!tpu.dma_semaphore, #tpu.memory_space<semaphore_mem>>
      %dma_start3A_298 = arith.constant 0 : i32
      %dma_start3A_299 = arith.constant 0 : i32
      %dma_start3A_300 = tpu.memref_slice %arg6[%run_scoped3A_173, %dma_start3A_298, %dma_start3A_299] : memref<2x96x128xf32, #tpu.memory_space<vmem>> -> memref<1x96x128xf32, #tpu.memory_space<vmem>>
      %dma_start3A_301 = tpu.memref_squeeze %dma_start3A_300 : memref<1x96x128xf32, #tpu.memory_space<vmem>> -> memref<96x128xf32, #tpu.memory_space<vmem>>
      %dma_start3A_302 = arith.constant 0 : i32
      %dma_start3A_303 = tpu.memref_slice %arg4[%add3A_172, %dma_start3A_302] : memref<33792x128xf32, #tpu.memory_space<hbm>> -> memref<96x128xf32, #tpu.memory_space<hbm>>
      %dma_start3A_304 = arith.constant 0 : i32
      %dma_start3A_305 = tpu.memref_slice %arg4[%add3A_172, %dma_start3A_304] : memref<33792x128xf32, #tpu.memory_space<hbm>> -> memref<96x128xf32, #tpu.memory_space<hbm>>
      %dma_start3A_306 = arith.constant 0 : i32
      %dma_start3A_307 = arith.constant 0 : i32
      %dma_start3A_308 = tpu.memref_slice %arg6[%run_scoped3A_173, %dma_start3A_306, %dma_start3A_307] : memref<2x96x128xf32, #tpu.memory_space<vmem>> -> memref<1x96x128xf32, #tpu.memory_space<vmem>>
      %dma_start3A_309 = tpu.memref_squeeze %dma_start3A_308 : memref<1x96x128xf32, #tpu.memory_space<vmem>> -> memref<96x128xf32, #tpu.memory_space<vmem>>
      tpu.enqueue_dma source(%dma_start3A_309 : memref<96x128xf32, #tpu.memory_space<vmem>>) target(%dma_start3A_305 : memref<96x128xf32, #tpu.memory_space<hbm>>) target_semaphore(%run_scoped3A_297 : memref<!tpu.dma_semaphore, #tpu.memory_space<semaphore_mem>>)
      %dma_wait3A_310 = arith.constant 0 : i32
      %dma_wait3A_311 = arith.constant 0 : i32
      %dma_wait3A_312 = tpu.memref_slice %arg6[%run_scoped3A_173, %dma_wait3A_310, %dma_wait3A_311] : memref<2x96x128xf32, #tpu.memory_space<vmem>> -> memref<1x96x128xf32, #tpu.memory_space<vmem>>
      %dma_wait3A_313 = tpu.memref_squeeze %dma_wait3A_312 : memref<1x96x128xf32, #tpu.memory_space<vmem>> -> memref<96x128xf32, #tpu.memory_space<vmem>>
      %dma_wait3A_314 = arith.constant 0 : i32
      %dma_wait3A_315 = tpu.memref_slice %arg4[%add3A_172, %dma_wait3A_314] : memref<33792x128xf32, #tpu.memory_space<hbm>> -> memref<96x128xf32, #tpu.memory_space<hbm>>
      %dma_wait3A_316 = arith.constant 0 : i32
      %dma_wait3A_317 = tpu.memref_slice %arg4[%add3A_172, %dma_wait3A_316] : memref<33792x128xf32, #tpu.memory_space<hbm>> -> memref<96x128xf32, #tpu.memory_space<hbm>>
      %dma_wait3A_318 = arith.constant 0 : i32
      %dma_wait3A_319 = arith.constant 0 : i32
      %dma_wait3A_320 = tpu.memref_slice %arg6[%run_scoped3A_173, %dma_wait3A_318, %dma_wait3A_319] : memref<2x96x128xf32, #tpu.memory_space<vmem>> -> memref<1x96x128xf32, #tpu.memory_space<vmem>>
      %dma_wait3A_321 = tpu.memref_squeeze %dma_wait3A_320 : memref<1x96x128xf32, #tpu.memory_space<vmem>> -> memref<96x128xf32, #tpu.memory_space<vmem>>
      tpu.wait_dma2 semaphore(%run_scoped3A_297 : memref<!tpu.dma_semaphore, #tpu.memory_space<semaphore_mem>>) src(%dma_wait3A_321 : memref<96x128xf32, #tpu.memory_space<vmem>>) dst(%dma_wait3A_317 : memref<96x128xf32, #tpu.memory_space<hbm>>)
      tpu.yield
    }) : () -> ()
    %dma_start3A_174 = arith.constant 7 : i32
    %dma_start3A_175 = arith.constant 1 : i32
    %dma_start3A_176 = arith.constant 0 : i32
    %dma_start3A_177 = arith.constant 0 : i32
    %dma_start3A_178 = tpu.memref_slice %arg6[%dma_start3A_175, %dma_start3A_176, %dma_start3A_177] : memref<2x96x128xf32, #tpu.memory_space<vmem>> -> memref<1x96x128xf32, #tpu.memory_space<vmem>>
    %dma_start3A_179 = tpu.memref_squeeze %dma_start3A_178 : memref<1x96x128xf32, #tpu.memory_space<vmem>> -> memref<96x128xf32, #tpu.memory_space<vmem>>
    %dma_start3A_180 = arith.constant 0 : i32
    %dma_start3A_181 = tpu.memref_slice %arg5[%dma_start3A_174, %dma_start3A_180] : memref<11x96xi32, #tpu.memory_space<vmem>> -> memref<1x96xi32, #tpu.memory_space<vmem>>
    %dma_start3A_182 = tpu.memref_squeeze %dma_start3A_181 : memref<1x96xi32, #tpu.memory_space<vmem>> -> memref<96xi32, #tpu.memory_space<vmem>>
    %dma_start3A_183 = arith.constant 0 : i32
    %dma_start3A_184 = arith.constant 0 : i32
    %dma_start3A_185 = tpu.memref_slice %arg2[%dma_start3A_183, %dma_start3A_184] : memref<16392x128xf32, #tpu.memory_space<hbm>> -> memref<16392x128xf32, #tpu.memory_space<hbm>>
    tpu.enqueue_indirect_dma source(%dma_start3A_185 : memref<16392x128xf32, #tpu.memory_space<hbm>>) target(%dma_start3A_179 : memref<96x128xf32, #tpu.memory_space<vmem>>) offsets(%dma_start3A_182 : memref<96xi32, #tpu.memory_space<vmem>>) semaphore(%arg8 : memref<!tpu.dma_semaphore, #tpu.memory_space<semaphore_mem>>)
    %dma_wait3A_186 = arith.constant 6 : i32
    %dma_wait3A_187 = arith.constant 0 : i32
    %dma_wait3A_188 = arith.constant 0 : i32
    %dma_wait3A_189 = arith.constant 0 : i32
    %dma_wait3A_190 = tpu.memref_slice %arg6[%dma_wait3A_187, %dma_wait3A_188, %dma_wait3A_189] : memref<2x96x128xf32, #tpu.memory_space<vmem>> -> memref<1x96x128xf32, #tpu.memory_space<vmem>>
    %dma_wait3A_191 = tpu.memref_squeeze %dma_wait3A_190 : memref<1x96x128xf32, #tpu.memory_space<vmem>> -> memref<96x128xf32, #tpu.memory_space<vmem>>
    %dma_wait3A_192 = arith.constant 0 : i32
    %dma_wait3A_193 = tpu.memref_slice %arg5[%dma_wait3A_186, %dma_wait3A_192] : memref<11x96xi32, #tpu.memory_space<vmem>> -> memref<1x96xi32, #tpu.memory_space<vmem>>
    %dma_wait3A_194 = tpu.memref_squeeze %dma_wait3A_193 : memref<1x96xi32, #tpu.memory_space<vmem>> -> memref<96xi32, #tpu.memory_space<vmem>>
    %dma_wait3A_195 = arith.constant 0 : i32
    %dma_wait3A_196 = arith.constant 0 : i32
    %dma_wait3A_197 = tpu.memref_slice %arg2[%dma_wait3A_195, %dma_wait3A_196] : memref<16392x128xf32, #tpu.memory_space<hbm>> -> memref<16392x128xf32, #tpu.memory_space<hbm>>
    tpu.wait_indirect_dma semaphore(%arg7 : memref<!tpu.dma_semaphore, #tpu.memory_space<semaphore_mem>>) src(%dma_wait3A_197 : memref<16392x128xf32, #tpu.memory_space<hbm>>) dst(%dma_wait3A_191 : memref<96x128xf32, #tpu.memory_space<vmem>>)
    %add3A_198 = arith.constant 576 : i32
    %add3A_199 = arith.addi %mul3A_2, %add3A_198 : i32
    %run_scoped3A_200 = arith.constant 0 : i32
    "tpu.region"() ({
      %run_scoped3A_297 = tpu.sem_alloc : memref<!tpu.dma_semaphore, #tpu.memory_space<semaphore_mem>>
      %dma_start3A_298 = arith.constant 0 : i32
      %dma_start3A_299 = arith.constant 0 : i32
      %dma_start3A_300 = tpu.memref_slice %arg6[%run_scoped3A_200, %dma_start3A_298, %dma_start3A_299] : memref<2x96x128xf32, #tpu.memory_space<vmem>> -> memref<1x96x128xf32, #tpu.memory_space<vmem>>
      %dma_start3A_301 = tpu.memref_squeeze %dma_start3A_300 : memref<1x96x128xf32, #tpu.memory_space<vmem>> -> memref<96x128xf32, #tpu.memory_space<vmem>>
      %dma_start3A_302 = arith.constant 0 : i32
      %dma_start3A_303 = tpu.memref_slice %arg4[%add3A_199, %dma_start3A_302] : memref<33792x128xf32, #tpu.memory_space<hbm>> -> memref<96x128xf32, #tpu.memory_space<hbm>>
      %dma_start3A_304 = arith.constant 0 : i32
      %dma_start3A_305 = tpu.memref_slice %arg4[%add3A_199, %dma_start3A_304] : memref<33792x128xf32, #tpu.memory_space<hbm>> -> memref<96x128xf32, #tpu.memory_space<hbm>>
      %dma_start3A_306 = arith.constant 0 : i32
      %dma_start3A_307 = arith.constant 0 : i32
      %dma_start3A_308 = tpu.memref_slice %arg6[%run_scoped3A_200, %dma_start3A_306, %dma_start3A_307] : memref<2x96x128xf32, #tpu.memory_space<vmem>> -> memref<1x96x128xf32, #tpu.memory_space<vmem>>
      %dma_start3A_309 = tpu.memref_squeeze %dma_start3A_308 : memref<1x96x128xf32, #tpu.memory_space<vmem>> -> memref<96x128xf32, #tpu.memory_space<vmem>>
      tpu.enqueue_dma source(%dma_start3A_309 : memref<96x128xf32, #tpu.memory_space<vmem>>) target(%dma_start3A_305 : memref<96x128xf32, #tpu.memory_space<hbm>>) target_semaphore(%run_scoped3A_297 : memref<!tpu.dma_semaphore, #tpu.memory_space<semaphore_mem>>)
      %dma_wait3A_310 = arith.constant 0 : i32
      %dma_wait3A_311 = arith.constant 0 : i32
      %dma_wait3A_312 = tpu.memref_slice %arg6[%run_scoped3A_200, %dma_wait3A_310, %dma_wait3A_311] : memref<2x96x128xf32, #tpu.memory_space<vmem>> -> memref<1x96x128xf32, #tpu.memory_space<vmem>>
      %dma_wait3A_313 = tpu.memref_squeeze %dma_wait3A_312 : memref<1x96x128xf32, #tpu.memory_space<vmem>> -> memref<96x128xf32, #tpu.memory_space<vmem>>
      %dma_wait3A_314 = arith.constant 0 : i32
      %dma_wait3A_315 = tpu.memref_slice %arg4[%add3A_199, %dma_wait3A_314] : memref<33792x128xf32, #tpu.memory_space<hbm>> -> memref<96x128xf32, #tpu.memory_space<hbm>>
      %dma_wait3A_316 = arith.constant 0 : i32
      %dma_wait3A_317 = tpu.memref_slice %arg4[%add3A_199, %dma_wait3A_316] : memref<33792x128xf32, #tpu.memory_space<hbm>> -> memref<96x128xf32, #tpu.memory_space<hbm>>
      %dma_wait3A_318 = arith.constant 0 : i32
      %dma_wait3A_319 = arith.constant 0 : i32
      %dma_wait3A_320 = tpu.memref_slice %arg6[%run_scoped3A_200, %dma_wait3A_318, %dma_wait3A_319] : memref<2x96x128xf32, #tpu.memory_space<vmem>> -> memref<1x96x128xf32, #tpu.memory_space<vmem>>
      %dma_wait3A_321 = tpu.memref_squeeze %dma_wait3A_320 : memref<1x96x128xf32, #tpu.memory_space<vmem>> -> memref<96x128xf32, #tpu.memory_space<vmem>>
      tpu.wait_dma2 semaphore(%run_scoped3A_297 : memref<!tpu.dma_semaphore, #tpu.memory_space<semaphore_mem>>) src(%dma_wait3A_321 : memref<96x128xf32, #tpu.memory_space<vmem>>) dst(%dma_wait3A_317 : memref<96x128xf32, #tpu.memory_space<hbm>>)
      tpu.yield
    }) : () -> ()
    %dma_start3A_201 = arith.constant 8 : i32
    %dma_start3A_202 = arith.constant 0 : i32
    %dma_start3A_203 = arith.constant 0 : i32
    %dma_start3A_204 = arith.constant 0 : i32
    %dma_start3A_205 = tpu.memref_slice %arg6[%dma_start3A_202, %dma_start3A_203, %dma_start3A_204] : memref<2x96x128xf32, #tpu.memory_space<vmem>> -> memref<1x96x128xf32, #tpu.memory_space<vmem>>
    %dma_start3A_206 = tpu.memref_squeeze %dma_start3A_205 : memref<1x96x128xf32, #tpu.memory_space<vmem>> -> memref<96x128xf32, #tpu.memory_space<vmem>>
    %dma_start3A_207 = arith.constant 0 : i32
    %dma_start3A_208 = tpu.memref_slice %arg5[%dma_start3A_201, %dma_start3A_207] : memref<11x96xi32, #tpu.memory_space<vmem>> -> memref<1x96xi32, #tpu.memory_space<vmem>>
    %dma_start3A_209 = tpu.memref_squeeze %dma_start3A_208 : memref<1x96xi32, #tpu.memory_space<vmem>> -> memref<96xi32, #tpu.memory_space<vmem>>
    %dma_start3A_210 = arith.constant 0 : i32
    %dma_start3A_211 = arith.constant 0 : i32
    %dma_start3A_212 = tpu.memref_slice %arg2[%dma_start3A_210, %dma_start3A_211] : memref<16392x128xf32, #tpu.memory_space<hbm>> -> memref<16392x128xf32, #tpu.memory_space<hbm>>
    tpu.enqueue_indirect_dma source(%dma_start3A_212 : memref<16392x128xf32, #tpu.memory_space<hbm>>) target(%dma_start3A_206 : memref<96x128xf32, #tpu.memory_space<vmem>>) offsets(%dma_start3A_209 : memref<96xi32, #tpu.memory_space<vmem>>) semaphore(%arg7 : memref<!tpu.dma_semaphore, #tpu.memory_space<semaphore_mem>>)
    %dma_wait3A_213 = arith.constant 7 : i32
    %dma_wait3A_214 = arith.constant 1 : i32
    %dma_wait3A_215 = arith.constant 0 : i32
    %dma_wait3A_216 = arith.constant 0 : i32
    %dma_wait3A_217 = tpu.memref_slice %arg6[%dma_wait3A_214, %dma_wait3A_215, %dma_wait3A_216] : memref<2x96x128xf32, #tpu.memory_space<vmem>> -> memref<1x96x128xf32, #tpu.memory_space<vmem>>
    %dma_wait3A_218 = tpu.memref_squeeze %dma_wait3A_217 : memref<1x96x128xf32, #tpu.memory_space<vmem>> -> memref<96x128xf32, #tpu.memory_space<vmem>>
    %dma_wait3A_219 = arith.constant 0 : i32
    %dma_wait3A_220 = tpu.memref_slice %arg5[%dma_wait3A_213, %dma_wait3A_219] : memref<11x96xi32, #tpu.memory_space<vmem>> -> memref<1x96xi32, #tpu.memory_space<vmem>>
    %dma_wait3A_221 = tpu.memref_squeeze %dma_wait3A_220 : memref<1x96xi32, #tpu.memory_space<vmem>> -> memref<96xi32, #tpu.memory_space<vmem>>
    %dma_wait3A_222 = arith.constant 0 : i32
    %dma_wait3A_223 = arith.constant 0 : i32
    %dma_wait3A_224 = tpu.memref_slice %arg2[%dma_wait3A_222, %dma_wait3A_223] : memref<16392x128xf32, #tpu.memory_space<hbm>> -> memref<16392x128xf32, #tpu.memory_space<hbm>>
    tpu.wait_indirect_dma semaphore(%arg8 : memref<!tpu.dma_semaphore, #tpu.memory_space<semaphore_mem>>) src(%dma_wait3A_224 : memref<16392x128xf32, #tpu.memory_space<hbm>>) dst(%dma_wait3A_218 : memref<96x128xf32, #tpu.memory_space<vmem>>)
    %add3A_225 = arith.constant 672 : i32
    %add3A_226 = arith.addi %mul3A_2, %add3A_225 : i32
    %run_scoped3A_227 = arith.constant 1 : i32
    "tpu.region"() ({
      %run_scoped3A_297 = tpu.sem_alloc : memref<!tpu.dma_semaphore, #tpu.memory_space<semaphore_mem>>
      %dma_start3A_298 = arith.constant 0 : i32
      %dma_start3A_299 = arith.constant 0 : i32
      %dma_start3A_300 = tpu.memref_slice %arg6[%run_scoped3A_227, %dma_start3A_298, %dma_start3A_299] : memref<2x96x128xf32, #tpu.memory_space<vmem>> -> memref<1x96x128xf32, #tpu.memory_space<vmem>>
      %dma_start3A_301 = tpu.memref_squeeze %dma_start3A_300 : memref<1x96x128xf32, #tpu.memory_space<vmem>> -> memref<96x128xf32, #tpu.memory_space<vmem>>
      %dma_start3A_302 = arith.constant 0 : i32
      %dma_start3A_303 = tpu.memref_slice %arg4[%add3A_226, %dma_start3A_302] : memref<33792x128xf32, #tpu.memory_space<hbm>> -> memref<96x128xf32, #tpu.memory_space<hbm>>
      %dma_start3A_304 = arith.constant 0 : i32
      %dma_start3A_305 = tpu.memref_slice %arg4[%add3A_226, %dma_start3A_304] : memref<33792x128xf32, #tpu.memory_space<hbm>> -> memref<96x128xf32, #tpu.memory_space<hbm>>
      %dma_start3A_306 = arith.constant 0 : i32
      %dma_start3A_307 = arith.constant 0 : i32
      %dma_start3A_308 = tpu.memref_slice %arg6[%run_scoped3A_227, %dma_start3A_306, %dma_start3A_307] : memref<2x96x128xf32, #tpu.memory_space<vmem>> -> memref<1x96x128xf32, #tpu.memory_space<vmem>>
      %dma_start3A_309 = tpu.memref_squeeze %dma_start3A_308 : memref<1x96x128xf32, #tpu.memory_space<vmem>> -> memref<96x128xf32, #tpu.memory_space<vmem>>
      tpu.enqueue_dma source(%dma_start3A_309 : memref<96x128xf32, #tpu.memory_space<vmem>>) target(%dma_start3A_305 : memref<96x128xf32, #tpu.memory_space<hbm>>) target_semaphore(%run_scoped3A_297 : memref<!tpu.dma_semaphore, #tpu.memory_space<semaphore_mem>>)
      %dma_wait3A_310 = arith.constant 0 : i32
      %dma_wait3A_311 = arith.constant 0 : i32
      %dma_wait3A_312 = tpu.memref_slice %arg6[%run_scoped3A_227, %dma_wait3A_310, %dma_wait3A_311] : memref<2x96x128xf32, #tpu.memory_space<vmem>> -> memref<1x96x128xf32, #tpu.memory_space<vmem>>
      %dma_wait3A_313 = tpu.memref_squeeze %dma_wait3A_312 : memref<1x96x128xf32, #tpu.memory_space<vmem>> -> memref<96x128xf32, #tpu.memory_space<vmem>>
      %dma_wait3A_314 = arith.constant 0 : i32
      %dma_wait3A_315 = tpu.memref_slice %arg4[%add3A_226, %dma_wait3A_314] : memref<33792x128xf32, #tpu.memory_space<hbm>> -> memref<96x128xf32, #tpu.memory_space<hbm>>
      %dma_wait3A_316 = arith.constant 0 : i32
      %dma_wait3A_317 = tpu.memref_slice %arg4[%add3A_226, %dma_wait3A_316] : memref<33792x128xf32, #tpu.memory_space<hbm>> -> memref<96x128xf32, #tpu.memory_space<hbm>>
      %dma_wait3A_318 = arith.constant 0 : i32
      %dma_wait3A_319 = arith.constant 0 : i32
      %dma_wait3A_320 = tpu.memref_slice %arg6[%run_scoped3A_227, %dma_wait3A_318, %dma_wait3A_319] : memref<2x96x128xf32, #tpu.memory_space<vmem>> -> memref<1x96x128xf32, #tpu.memory_space<vmem>>
      %dma_wait3A_321 = tpu.memref_squeeze %dma_wait3A_320 : memref<1x96x128xf32, #tpu.memory_space<vmem>> -> memref<96x128xf32, #tpu.memory_space<vmem>>
      tpu.wait_dma2 semaphore(%run_scoped3A_297 : memref<!tpu.dma_semaphore, #tpu.memory_space<semaphore_mem>>) src(%dma_wait3A_321 : memref<96x128xf32, #tpu.memory_space<vmem>>) dst(%dma_wait3A_317 : memref<96x128xf32, #tpu.memory_space<hbm>>)
      tpu.yield
    }) : () -> ()
    %dma_start3A_228 = arith.constant 9 : i32
    %dma_start3A_229 = arith.constant 1 : i32
    %dma_start3A_230 = arith.constant 0 : i32
    %dma_start3A_231 = arith.constant 0 : i32
    %dma_start3A_232 = tpu.memref_slice %arg6[%dma_start3A_229, %dma_start3A_230, %dma_start3A_231] : memref<2x96x128xf32, #tpu.memory_space<vmem>> -> memref<1x96x128xf32, #tpu.memory_space<vmem>>
    %dma_start3A_233 = tpu.memref_squeeze %dma_start3A_232 : memref<1x96x128xf32, #tpu.memory_space<vmem>> -> memref<96x128xf32, #tpu.memory_space<vmem>>
    %dma_start3A_234 = arith.constant 0 : i32
    %dma_start3A_235 = tpu.memref_slice %arg5[%dma_start3A_228, %dma_start3A_234] : memref<11x96xi32, #tpu.memory_space<vmem>> -> memref<1x96xi32, #tpu.memory_space<vmem>>
    %dma_start3A_236 = tpu.memref_squeeze %dma_start3A_235 : memref<1x96xi32, #tpu.memory_space<vmem>> -> memref<96xi32, #tpu.memory_space<vmem>>
    %dma_start3A_237 = arith.constant 0 : i32
    %dma_start3A_238 = arith.constant 0 : i32
    %dma_start3A_239 = tpu.memref_slice %arg2[%dma_start3A_237, %dma_start3A_238] : memref<16392x128xf32, #tpu.memory_space<hbm>> -> memref<16392x128xf32, #tpu.memory_space<hbm>>
    tpu.enqueue_indirect_dma source(%dma_start3A_239 : memref<16392x128xf32, #tpu.memory_space<hbm>>) target(%dma_start3A_233 : memref<96x128xf32, #tpu.memory_space<vmem>>) offsets(%dma_start3A_236 : memref<96xi32, #tpu.memory_space<vmem>>) semaphore(%arg8 : memref<!tpu.dma_semaphore, #tpu.memory_space<semaphore_mem>>)
    %dma_wait3A_240 = arith.constant 8 : i32
    %dma_wait3A_241 = arith.constant 0 : i32
    %dma_wait3A_242 = arith.constant 0 : i32
    %dma_wait3A_243 = arith.constant 0 : i32
    %dma_wait3A_244 = tpu.memref_slice %arg6[%dma_wait3A_241, %dma_wait3A_242, %dma_wait3A_243] : memref<2x96x128xf32, #tpu.memory_space<vmem>> -> memref<1x96x128xf32, #tpu.memory_space<vmem>>
    %dma_wait3A_245 = tpu.memref_squeeze %dma_wait3A_244 : memref<1x96x128xf32, #tpu.memory_space<vmem>> -> memref<96x128xf32, #tpu.memory_space<vmem>>
    %dma_wait3A_246 = arith.constant 0 : i32
    %dma_wait3A_247 = tpu.memref_slice %arg5[%dma_wait3A_240, %dma_wait3A_246] : memref<11x96xi32, #tpu.memory_space<vmem>> -> memref<1x96xi32, #tpu.memory_space<vmem>>
    %dma_wait3A_248 = tpu.memref_squeeze %dma_wait3A_247 : memref<1x96xi32, #tpu.memory_space<vmem>> -> memref<96xi32, #tpu.memory_space<vmem>>
    %dma_wait3A_249 = arith.constant 0 : i32
    %dma_wait3A_250 = arith.constant 0 : i32
    %dma_wait3A_251 = tpu.memref_slice %arg2[%dma_wait3A_249, %dma_wait3A_250] : memref<16392x128xf32, #tpu.memory_space<hbm>> -> memref<16392x128xf32, #tpu.memory_space<hbm>>
    tpu.wait_indirect_dma semaphore(%arg7 : memref<!tpu.dma_semaphore, #tpu.memory_space<semaphore_mem>>) src(%dma_wait3A_251 : memref<16392x128xf32, #tpu.memory_space<hbm>>) dst(%dma_wait3A_245 : memref<96x128xf32, #tpu.memory_space<vmem>>)
    %add3A_252 = arith.constant 768 : i32
    %add3A_253 = arith.addi %mul3A_2, %add3A_252 : i32
    %run_scoped3A_254 = arith.constant 0 : i32
    "tpu.region"() ({
      %run_scoped3A_297 = tpu.sem_alloc : memref<!tpu.dma_semaphore, #tpu.memory_space<semaphore_mem>>
      %dma_start3A_298 = arith.constant 0 : i32
      %dma_start3A_299 = arith.constant 0 : i32
      %dma_start3A_300 = tpu.memref_slice %arg6[%run_scoped3A_254, %dma_start3A_298, %dma_start3A_299] : memref<2x96x128xf32, #tpu.memory_space<vmem>> -> memref<1x96x128xf32, #tpu.memory_space<vmem>>
      %dma_start3A_301 = tpu.memref_squeeze %dma_start3A_300 : memref<1x96x128xf32, #tpu.memory_space<vmem>> -> memref<96x128xf32, #tpu.memory_space<vmem>>
      %dma_start3A_302 = arith.constant 0 : i32
      %dma_start3A_303 = tpu.memref_slice %arg4[%add3A_253, %dma_start3A_302] : memref<33792x128xf32, #tpu.memory_space<hbm>> -> memref<96x128xf32, #tpu.memory_space<hbm>>
      %dma_start3A_304 = arith.constant 0 : i32
      %dma_start3A_305 = tpu.memref_slice %arg4[%add3A_253, %dma_start3A_304] : memref<33792x128xf32, #tpu.memory_space<hbm>> -> memref<96x128xf32, #tpu.memory_space<hbm>>
      %dma_start3A_306 = arith.constant 0 : i32
      %dma_start3A_307 = arith.constant 0 : i32
      %dma_start3A_308 = tpu.memref_slice %arg6[%run_scoped3A_254, %dma_start3A_306, %dma_start3A_307] : memref<2x96x128xf32, #tpu.memory_space<vmem>> -> memref<1x96x128xf32, #tpu.memory_space<vmem>>
      %dma_start3A_309 = tpu.memref_squeeze %dma_start3A_308 : memref<1x96x128xf32, #tpu.memory_space<vmem>> -> memref<96x128xf32, #tpu.memory_space<vmem>>
      tpu.enqueue_dma source(%dma_start3A_309 : memref<96x128xf32, #tpu.memory_space<vmem>>) target(%dma_start3A_305 : memref<96x128xf32, #tpu.memory_space<hbm>>) target_semaphore(%run_scoped3A_297 : memref<!tpu.dma_semaphore, #tpu.memory_space<semaphore_mem>>)
      %dma_wait3A_310 = arith.constant 0 : i32
      %dma_wait3A_311 = arith.constant 0 : i32
      %dma_wait3A_312 = tpu.memref_slice %arg6[%run_scoped3A_254, %dma_wait3A_310, %dma_wait3A_311] : memref<2x96x128xf32, #tpu.memory_space<vmem>> -> memref<1x96x128xf32, #tpu.memory_space<vmem>>
      %dma_wait3A_313 = tpu.memref_squeeze %dma_wait3A_312 : memref<1x96x128xf32, #tpu.memory_space<vmem>> -> memref<96x128xf32, #tpu.memory_space<vmem>>
      %dma_wait3A_314 = arith.constant 0 : i32
      %dma_wait3A_315 = tpu.memref_slice %arg4[%add3A_253, %dma_wait3A_314] : memref<33792x128xf32, #tpu.memory_space<hbm>> -> memref<96x128xf32, #tpu.memory_space<hbm>>
      %dma_wait3A_316 = arith.constant 0 : i32
      %dma_wait3A_317 = tpu.memref_slice %arg4[%add3A_253, %dma_wait3A_316] : memref<33792x128xf32, #tpu.memory_space<hbm>> -> memref<96x128xf32, #tpu.memory_space<hbm>>
      %dma_wait3A_318 = arith.constant 0 : i32
      %dma_wait3A_319 = arith.constant 0 : i32
      %dma_wait3A_320 = tpu.memref_slice %arg6[%run_scoped3A_254, %dma_wait3A_318, %dma_wait3A_319] : memref<2x96x128xf32, #tpu.memory_space<vmem>> -> memref<1x96x128xf32, #tpu.memory_space<vmem>>
      %dma_wait3A_321 = tpu.memref_squeeze %dma_wait3A_320 : memref<1x96x128xf32, #tpu.memory_space<vmem>> -> memref<96x128xf32, #tpu.memory_space<vmem>>
      tpu.wait_dma2 semaphore(%run_scoped3A_297 : memref<!tpu.dma_semaphore, #tpu.memory_space<semaphore_mem>>) src(%dma_wait3A_321 : memref<96x128xf32, #tpu.memory_space<vmem>>) dst(%dma_wait3A_317 : memref<96x128xf32, #tpu.memory_space<hbm>>)
      tpu.yield
    }) : () -> ()
    %dma_start3A_255 = arith.constant 10 : i32
    %dma_start3A_256 = arith.constant 0 : i32
    %dma_start3A_257 = arith.constant 0 : i32
    %dma_start3A_258 = arith.constant 0 : i32
    %dma_start3A_259 = tpu.memref_slice %arg6[%dma_start3A_256, %dma_start3A_257, %dma_start3A_258] : memref<2x96x128xf32, #tpu.memory_space<vmem>> -> memref<1x96x128xf32, #tpu.memory_space<vmem>>
    %dma_start3A_260 = tpu.memref_squeeze %dma_start3A_259 : memref<1x96x128xf32, #tpu.memory_space<vmem>> -> memref<96x128xf32, #tpu.memory_space<vmem>>
    %dma_start3A_261 = arith.constant 0 : i32
    %dma_start3A_262 = tpu.memref_slice %arg5[%dma_start3A_255, %dma_start3A_261] : memref<11x96xi32, #tpu.memory_space<vmem>> -> memref<1x96xi32, #tpu.memory_space<vmem>>
    %dma_start3A_263 = tpu.memref_squeeze %dma_start3A_262 : memref<1x96xi32, #tpu.memory_space<vmem>> -> memref<96xi32, #tpu.memory_space<vmem>>
    %dma_start3A_264 = arith.constant 0 : i32
    %dma_start3A_265 = arith.constant 0 : i32
    %dma_start3A_266 = tpu.memref_slice %arg2[%dma_start3A_264, %dma_start3A_265] : memref<16392x128xf32, #tpu.memory_space<hbm>> -> memref<16392x128xf32, #tpu.memory_space<hbm>>
    tpu.enqueue_indirect_dma source(%dma_start3A_266 : memref<16392x128xf32, #tpu.memory_space<hbm>>) target(%dma_start3A_260 : memref<96x128xf32, #tpu.memory_space<vmem>>) offsets(%dma_start3A_263 : memref<96xi32, #tpu.memory_space<vmem>>) semaphore(%arg7 : memref<!tpu.dma_semaphore, #tpu.memory_space<semaphore_mem>>)
    %dma_wait3A_267 = arith.constant 9 : i32
    %dma_wait3A_268 = arith.constant 1 : i32
    %dma_wait3A_269 = arith.constant 0 : i32
    %dma_wait3A_270 = arith.constant 0 : i32
    %dma_wait3A_271 = tpu.memref_slice %arg6[%dma_wait3A_268, %dma_wait3A_269, %dma_wait3A_270] : memref<2x96x128xf32, #tpu.memory_space<vmem>> -> memref<1x96x128xf32, #tpu.memory_space<vmem>>
    %dma_wait3A_272 = tpu.memref_squeeze %dma_wait3A_271 : memref<1x96x128xf32, #tpu.memory_space<vmem>> -> memref<96x128xf32, #tpu.memory_space<vmem>>
    %dma_wait3A_273 = arith.constant 0 : i32
    %dma_wait3A_274 = tpu.memref_slice %arg5[%dma_wait3A_267, %dma_wait3A_273] : memref<11x96xi32, #tpu.memory_space<vmem>> -> memref<1x96xi32, #tpu.memory_space<vmem>>
    %dma_wait3A_275 = tpu.memref_squeeze %dma_wait3A_274 : memref<1x96xi32, #tpu.memory_space<vmem>> -> memref<96xi32, #tpu.memory_space<vmem>>
    %dma_wait3A_276 = arith.constant 0 : i32
    %dma_wait3A_277 = arith.constant 0 : i32
    %dma_wait3A_278 = tpu.memref_slice %arg2[%dma_wait3A_276, %dma_wait3A_277] : memref<16392x128xf32, #tpu.memory_space<hbm>> -> memref<16392x128xf32, #tpu.memory_space<hbm>>
    tpu.wait_indirect_dma semaphore(%arg8 : memref<!tpu.dma_semaphore, #tpu.memory_space<semaphore_mem>>) src(%dma_wait3A_278 : memref<16392x128xf32, #tpu.memory_space<hbm>>) dst(%dma_wait3A_272 : memref<96x128xf32, #tpu.memory_space<vmem>>)
    %add3A_279 = arith.constant 864 : i32
    %add3A_280 = arith.addi %mul3A_2, %add3A_279 : i32
    %run_scoped3A_281 = arith.constant 1 : i32
    "tpu.region"() ({
      %run_scoped3A_297 = tpu.sem_alloc : memref<!tpu.dma_semaphore, #tpu.memory_space<semaphore_mem>>
      %dma_start3A_298 = arith.constant 0 : i32
      %dma_start3A_299 = arith.constant 0 : i32
      %dma_start3A_300 = tpu.memref_slice %arg6[%run_scoped3A_281, %dma_start3A_298, %dma_start3A_299] : memref<2x96x128xf32, #tpu.memory_space<vmem>> -> memref<1x96x128xf32, #tpu.memory_space<vmem>>
      %dma_start3A_301 = tpu.memref_squeeze %dma_start3A_300 : memref<1x96x128xf32, #tpu.memory_space<vmem>> -> memref<96x128xf32, #tpu.memory_space<vmem>>
      %dma_start3A_302 = arith.constant 0 : i32
      %dma_start3A_303 = tpu.memref_slice %arg4[%add3A_280, %dma_start3A_302] : memref<33792x128xf32, #tpu.memory_space<hbm>> -> memref<96x128xf32, #tpu.memory_space<hbm>>
      %dma_start3A_304 = arith.constant 0 : i32
      %dma_start3A_305 = tpu.memref_slice %arg4[%add3A_280, %dma_start3A_304] : memref<33792x128xf32, #tpu.memory_space<hbm>> -> memref<96x128xf32, #tpu.memory_space<hbm>>
      %dma_start3A_306 = arith.constant 0 : i32
      %dma_start3A_307 = arith.constant 0 : i32
      %dma_start3A_308 = tpu.memref_slice %arg6[%run_scoped3A_281, %dma_start3A_306, %dma_start3A_307] : memref<2x96x128xf32, #tpu.memory_space<vmem>> -> memref<1x96x128xf32, #tpu.memory_space<vmem>>
      %dma_start3A_309 = tpu.memref_squeeze %dma_start3A_308 : memref<1x96x128xf32, #tpu.memory_space<vmem>> -> memref<96x128xf32, #tpu.memory_space<vmem>>
      tpu.enqueue_dma source(%dma_start3A_309 : memref<96x128xf32, #tpu.memory_space<vmem>>) target(%dma_start3A_305 : memref<96x128xf32, #tpu.memory_space<hbm>>) target_semaphore(%run_scoped3A_297 : memref<!tpu.dma_semaphore, #tpu.memory_space<semaphore_mem>>)
      %dma_wait3A_310 = arith.constant 0 : i32
      %dma_wait3A_311 = arith.constant 0 : i32
      %dma_wait3A_312 = tpu.memref_slice %arg6[%run_scoped3A_281, %dma_wait3A_310, %dma_wait3A_311] : memref<2x96x128xf32, #tpu.memory_space<vmem>> -> memref<1x96x128xf32, #tpu.memory_space<vmem>>
      %dma_wait3A_313 = tpu.memref_squeeze %dma_wait3A_312 : memref<1x96x128xf32, #tpu.memory_space<vmem>> -> memref<96x128xf32, #tpu.memory_space<vmem>>
      %dma_wait3A_314 = arith.constant 0 : i32
      %dma_wait3A_315 = tpu.memref_slice %arg4[%add3A_280, %dma_wait3A_314] : memref<33792x128xf32, #tpu.memory_space<hbm>> -> memref<96x128xf32, #tpu.memory_space<hbm>>
      %dma_wait3A_316 = arith.constant 0 : i32
      %dma_wait3A_317 = tpu.memref_slice %arg4[%add3A_280, %dma_wait3A_316] : memref<33792x128xf32, #tpu.memory_space<hbm>> -> memref<96x128xf32, #tpu.memory_space<hbm>>
      %dma_wait3A_318 = arith.constant 0 : i32
      %dma_wait3A_319 = arith.constant 0 : i32
      %dma_wait3A_320 = tpu.memref_slice %arg6[%run_scoped3A_281, %dma_wait3A_318, %dma_wait3A_319] : memref<2x96x128xf32, #tpu.memory_space<vmem>> -> memref<1x96x128xf32, #tpu.memory_space<vmem>>
      %dma_wait3A_321 = tpu.memref_squeeze %dma_wait3A_320 : memref<1x96x128xf32, #tpu.memory_space<vmem>> -> memref<96x128xf32, #tpu.memory_space<vmem>>
      tpu.wait_dma2 semaphore(%run_scoped3A_297 : memref<!tpu.dma_semaphore, #tpu.memory_space<semaphore_mem>>) src(%dma_wait3A_321 : memref<96x128xf32, #tpu.memory_space<vmem>>) dst(%dma_wait3A_317 : memref<96x128xf32, #tpu.memory_space<hbm>>)
      tpu.yield
    }) : () -> ()
    %dma_wait3A_282 = arith.constant 10 : i32
    %dma_wait3A_283 = arith.constant 0 : i32
    %dma_wait3A_284 = arith.constant 0 : i32
    %dma_wait3A_285 = arith.constant 0 : i32
    %dma_wait3A_286 = tpu.memref_slice %arg6[%dma_wait3A_283, %dma_wait3A_284, %dma_wait3A_285] : memref<2x96x128xf32, #tpu.memory_space<vmem>> -> memref<1x96x128xf32, #tpu.memory_space<vmem>>
    %dma_wait3A_287 = tpu.memref_squeeze %dma_wait3A_286 : memref<1x96x128xf32, #tpu.memory_space<vmem>> -> memref<96x128xf32, #tpu.memory_space<vmem>>
    %dma_wait3A_288 = arith.constant 0 : i32
    %dma_wait3A_289 = tpu.memref_slice %arg5[%dma_wait3A_282, %dma_wait3A_288] : memref<11x96xi32, #tpu.memory_space<vmem>> -> memref<1x96xi32, #tpu.memory_space<vmem>>
    %dma_wait3A_290 = tpu.memref_squeeze %dma_wait3A_289 : memref<1x96xi32, #tpu.memory_space<vmem>> -> memref<96xi32, #tpu.memory_space<vmem>>
    %dma_wait3A_291 = arith.constant 0 : i32
    %dma_wait3A_292 = arith.constant 0 : i32
    %dma_wait3A_293 = tpu.memref_slice %arg2[%dma_wait3A_291, %dma_wait3A_292] : memref<16392x128xf32, #tpu.memory_space<hbm>> -> memref<16392x128xf32, #tpu.memory_space<hbm>>
    tpu.wait_indirect_dma semaphore(%arg7 : memref<!tpu.dma_semaphore, #tpu.memory_space<semaphore_mem>>) src(%dma_wait3A_293 : memref<16392x128xf32, #tpu.memory_space<hbm>>) dst(%dma_wait3A_287 : memref<96x128xf32, #tpu.memory_space<vmem>>)
    %add3A_294 = arith.constant 960 : i32
    %add3A_295 = arith.addi %mul3A_2, %add3A_294 : i32
    %run_scoped3A_296 = arith.constant 0 : i32
    "tpu.region"() ({
      %run_scoped3A_297 = tpu.sem_alloc : memref<!tpu.dma_semaphore, #tpu.memory_space<semaphore_mem>>
      %dma_start3A_298 = arith.constant 0 : i32
      %dma_start3A_299 = arith.constant 0 : i32
      %dma_start3A_300 = tpu.memref_slice %arg6[%run_scoped3A_296, %dma_start3A_298, %dma_start3A_299] : memref<2x96x128xf32, #tpu.memory_space<vmem>> -> memref<1x96x128xf32, #tpu.memory_space<vmem>>
      %dma_start3A_301 = tpu.memref_squeeze %dma_start3A_300 : memref<1x96x128xf32, #tpu.memory_space<vmem>> -> memref<96x128xf32, #tpu.memory_space<vmem>>
      %dma_start3A_302 = arith.constant 0 : i32
      %dma_start3A_303 = tpu.memref_slice %arg4[%add3A_295, %dma_start3A_302] : memref<33792x128xf32, #tpu.memory_space<hbm>> -> memref<96x128xf32, #tpu.memory_space<hbm>>
      %dma_start3A_304 = arith.constant 0 : i32
      %dma_start3A_305 = tpu.memref_slice %arg4[%add3A_295, %dma_start3A_304] : memref<33792x128xf32, #tpu.memory_space<hbm>> -> memref<96x128xf32, #tpu.memory_space<hbm>>
      %dma_start3A_306 = arith.constant 0 : i32
      %dma_start3A_307 = arith.constant 0 : i32
      %dma_start3A_308 = tpu.memref_slice %arg6[%run_scoped3A_296, %dma_start3A_306, %dma_start3A_307] : memref<2x96x128xf32, #tpu.memory_space<vmem>> -> memref<1x96x128xf32, #tpu.memory_space<vmem>>
      %dma_start3A_309 = tpu.memref_squeeze %dma_start3A_308 : memref<1x96x128xf32, #tpu.memory_space<vmem>> -> memref<96x128xf32, #tpu.memory_space<vmem>>
      tpu.enqueue_dma source(%dma_start3A_309 : memref<96x128xf32, #tpu.memory_space<vmem>>) target(%dma_start3A_305 : memref<96x128xf32, #tpu.memory_space<hbm>>) target_semaphore(%run_scoped3A_297 : memref<!tpu.dma_semaphore, #tpu.memory_space<semaphore_mem>>)
      %dma_wait3A_310 = arith.constant 0 : i32
      %dma_wait3A_311 = arith.constant 0 : i32
      %dma_wait3A_312 = tpu.memref_slice %arg6[%run_scoped3A_296, %dma_wait3A_310, %dma_wait3A_311] : memref<2x96x128xf32, #tpu.memory_space<vmem>> -> memref<1x96x128xf32, #tpu.memory_space<vmem>>
      %dma_wait3A_313 = tpu.memref_squeeze %dma_wait3A_312 : memref<1x96x128xf32, #tpu.memory_space<vmem>> -> memref<96x128xf32, #tpu.memory_space<vmem>>
      %dma_wait3A_314 = arith.constant 0 : i32
      %dma_wait3A_315 = tpu.memref_slice %arg4[%add3A_295, %dma_wait3A_314] : memref<33792x128xf32, #tpu.memory_space<hbm>> -> memref<96x128xf32, #tpu.memory_space<hbm>>
      %dma_wait3A_316 = arith.constant 0 : i32
      %dma_wait3A_317 = tpu.memref_slice %arg4[%add3A_295, %dma_wait3A_316] : memref<33792x128xf32, #tpu.memory_space<hbm>> -> memref<96x128xf32, #tpu.memory_space<hbm>>
      %dma_wait3A_318 = arith.constant 0 : i32
      %dma_wait3A_319 = arith.constant 0 : i32
      %dma_wait3A_320 = tpu.memref_slice %arg6[%run_scoped3A_296, %dma_wait3A_318, %dma_wait3A_319] : memref<2x96x128xf32, #tpu.memory_space<vmem>> -> memref<1x96x128xf32, #tpu.memory_space<vmem>>
      %dma_wait3A_321 = tpu.memref_squeeze %dma_wait3A_320 : memref<1x96x128xf32, #tpu.memory_space<vmem>> -> memref<96x128xf32, #tpu.memory_space<vmem>>
      tpu.wait_dma2 semaphore(%run_scoped3A_297 : memref<!tpu.dma_semaphore, #tpu.memory_space<semaphore_mem>>) src(%dma_wait3A_321 : memref<96x128xf32, #tpu.memory_space<vmem>>) dst(%dma_wait3A_317 : memref<96x128xf32, #tpu.memory_space<hbm>>)
      tpu.yield
    }) : () -> ()
    return
  }
}

#map = affine_map<(d0, d1) -> (0, 0)>
#map1 = affine_map<(d0, d1) -> (0, 0, 0)>
module attributes {stable_mosaic.version = 14 : i64} {
  func.func @gather_k(%arg0: i32, %arg1: i32, %arg2: memref<4096x128xf32, #tpu.memory_space<hbm>>, %arg3: memref<32x32x128xi32, #tpu.memory_space<hbm>>, %arg4: memref<131072x128xf32, #tpu.memory_space<hbm>>, %arg5: memref<32x128xi32, #tpu.memory_space<vmem>>, %arg6: memref<2x128x128xf32, #tpu.memory_space<vmem>>, %arg7: memref<!tpu.dma_semaphore, #tpu.memory_space<semaphore_mem>>, %arg8: memref<!tpu.dma_semaphore, #tpu.memory_space<semaphore_mem>>) attributes {dimension_semantics = [#tpu.dimension_semantics<core_parallel>, #tpu.dimension_semantics<subcore_parallel>], iteration_bounds = array<i64: 2, 16>, scalar_prefetch = 0 : i64, scratch_operands = 4 : i64, tpu.core_type = #tpu.core_type<sc_vector_subcore>, window_params = [{transform_indices = #map}, {transform_indices = #map1}, {transform_indices = #map}]} {
    %mul3A = arith.constant 2 : i32
    %mul3A_0 = arith.muli %arg1, %mul3A : i32
    %add3A = arith.addi %mul3A_0, %arg0 : i32
    %mul3A_1 = arith.constant 4096 : i32
    %mul3A_2 = arith.muli %add3A, %mul3A_1 : i32
    "tpu.region"() ({
      %run_scoped3A_864 = tpu.sem_alloc : memref<!tpu.dma_semaphore, #tpu.memory_space<semaphore_mem>>
      %dma_start3A_865 = arith.constant 0 : i32
      %dma_start3A_866 = arith.constant 0 : i32
      %dma_start3A_867 = tpu.memref_slice %arg3[%add3A, %dma_start3A_865, %dma_start3A_866] : memref<32x32x128xi32, #tpu.memory_space<hbm>> -> memref<1x32x128xi32, #tpu.memory_space<hbm>>
      %dma_start3A_868 = tpu.memref_squeeze %dma_start3A_867 : memref<1x32x128xi32, #tpu.memory_space<hbm>> -> memref<32x128xi32, #tpu.memory_space<hbm>>
      %dma_start3A_869 = arith.constant 0 : i32
      %dma_start3A_870 = arith.constant 0 : i32
      %dma_start3A_871 = tpu.memref_slice %arg3[%add3A, %dma_start3A_869, %dma_start3A_870] : memref<32x32x128xi32, #tpu.memory_space<hbm>> -> memref<1x32x128xi32, #tpu.memory_space<hbm>>
      %dma_start3A_872 = tpu.memref_squeeze %dma_start3A_871 : memref<1x32x128xi32, #tpu.memory_space<hbm>> -> memref<32x128xi32, #tpu.memory_space<hbm>>
      tpu.enqueue_dma source(%dma_start3A_872 : memref<32x128xi32, #tpu.memory_space<hbm>>) target(%arg5 : memref<32x128xi32, #tpu.memory_space<vmem>>) target_semaphore(%run_scoped3A_864 : memref<!tpu.dma_semaphore, #tpu.memory_space<semaphore_mem>>)
      %dma_wait3A_873 = arith.constant 0 : i32
      %dma_wait3A_874 = arith.constant 0 : i32
      %dma_wait3A_875 = tpu.memref_slice %arg3[%add3A, %dma_wait3A_873, %dma_wait3A_874] : memref<32x32x128xi32, #tpu.memory_space<hbm>> -> memref<1x32x128xi32, #tpu.memory_space<hbm>>
      %dma_wait3A_876 = tpu.memref_squeeze %dma_wait3A_875 : memref<1x32x128xi32, #tpu.memory_space<hbm>> -> memref<32x128xi32, #tpu.memory_space<hbm>>
      %dma_wait3A_877 = arith.constant 0 : i32
      %dma_wait3A_878 = arith.constant 0 : i32
      %dma_wait3A_879 = tpu.memref_slice %arg3[%add3A, %dma_wait3A_877, %dma_wait3A_878] : memref<32x32x128xi32, #tpu.memory_space<hbm>> -> memref<1x32x128xi32, #tpu.memory_space<hbm>>
      %dma_wait3A_880 = tpu.memref_squeeze %dma_wait3A_879 : memref<1x32x128xi32, #tpu.memory_space<hbm>> -> memref<32x128xi32, #tpu.memory_space<hbm>>
      tpu.wait_dma2 semaphore(%run_scoped3A_864 : memref<!tpu.dma_semaphore, #tpu.memory_space<semaphore_mem>>) src(%dma_wait3A_880 : memref<32x128xi32, #tpu.memory_space<hbm>>) dst(%arg5 : memref<32x128xi32, #tpu.memory_space<vmem>>)
      tpu.yield
    }) : () -> ()
    %dma_start3A = arith.constant 0 : i32
    %dma_start3A_3 = arith.constant 0 : i32
    %dma_start3A_4 = arith.constant 0 : i32
    %dma_start3A_5 = arith.constant 0 : i32
    %dma_start3A_6 = tpu.memref_slice %arg6[%dma_start3A_3, %dma_start3A_4, %dma_start3A_5] : memref<2x128x128xf32, #tpu.memory_space<vmem>> -> memref<1x128x128xf32, #tpu.memory_space<vmem>>
    %dma_start3A_7 = tpu.memref_squeeze %dma_start3A_6 : memref<1x128x128xf32, #tpu.memory_space<vmem>> -> memref<128x128xf32, #tpu.memory_space<vmem>>
    %dma_start3A_8 = arith.constant 0 : i32
    %dma_start3A_9 = tpu.memref_slice %arg5[%dma_start3A, %dma_start3A_8] : memref<32x128xi32, #tpu.memory_space<vmem>> -> memref<1x128xi32, #tpu.memory_space<vmem>>
    %dma_start3A_10 = tpu.memref_squeeze %dma_start3A_9 : memref<1x128xi32, #tpu.memory_space<vmem>> -> memref<128xi32, #tpu.memory_space<vmem>>
    %dma_start3A_11 = arith.constant 0 : i32
    %dma_start3A_12 = arith.constant 0 : i32
    %dma_start3A_13 = tpu.memref_slice %arg2[%dma_start3A_11, %dma_start3A_12] : memref<4096x128xf32, #tpu.memory_space<hbm>> -> memref<4096x128xf32, #tpu.memory_space<hbm>>
    tpu.enqueue_indirect_dma source(%dma_start3A_13 : memref<4096x128xf32, #tpu.memory_space<hbm>>) target(%dma_start3A_7 : memref<128x128xf32, #tpu.memory_space<vmem>>) offsets(%dma_start3A_10 : memref<128xi32, #tpu.memory_space<vmem>>) semaphore(%arg7 : memref<!tpu.dma_semaphore, #tpu.memory_space<semaphore_mem>>)
    %dma_start3A_14 = arith.constant 1 : i32
    %dma_start3A_15 = arith.constant 1 : i32
    %dma_start3A_16 = arith.constant 0 : i32
    %dma_start3A_17 = arith.constant 0 : i32
    %dma_start3A_18 = tpu.memref_slice %arg6[%dma_start3A_15, %dma_start3A_16, %dma_start3A_17] : memref<2x128x128xf32, #tpu.memory_space<vmem>> -> memref<1x128x128xf32, #tpu.memory_space<vmem>>
    %dma_start3A_19 = tpu.memref_squeeze %dma_start3A_18 : memref<1x128x128xf32, #tpu.memory_space<vmem>> -> memref<128x128xf32, #tpu.memory_space<vmem>>
    %dma_start3A_20 = arith.constant 0 : i32
    %dma_start3A_21 = tpu.memref_slice %arg5[%dma_start3A_14, %dma_start3A_20] : memref<32x128xi32, #tpu.memory_space<vmem>> -> memref<1x128xi32, #tpu.memory_space<vmem>>
    %dma_start3A_22 = tpu.memref_squeeze %dma_start3A_21 : memref<1x128xi32, #tpu.memory_space<vmem>> -> memref<128xi32, #tpu.memory_space<vmem>>
    %dma_start3A_23 = arith.constant 0 : i32
    %dma_start3A_24 = arith.constant 0 : i32
    %dma_start3A_25 = tpu.memref_slice %arg2[%dma_start3A_23, %dma_start3A_24] : memref<4096x128xf32, #tpu.memory_space<hbm>> -> memref<4096x128xf32, #tpu.memory_space<hbm>>
    tpu.enqueue_indirect_dma source(%dma_start3A_25 : memref<4096x128xf32, #tpu.memory_space<hbm>>) target(%dma_start3A_19 : memref<128x128xf32, #tpu.memory_space<vmem>>) offsets(%dma_start3A_22 : memref<128xi32, #tpu.memory_space<vmem>>) semaphore(%arg8 : memref<!tpu.dma_semaphore, #tpu.memory_space<semaphore_mem>>)
    %dma_wait3A = arith.constant 0 : i32
    %dma_wait3A_26 = arith.constant 0 : i32
    %dma_wait3A_27 = arith.constant 0 : i32
    %dma_wait3A_28 = arith.constant 0 : i32
    %dma_wait3A_29 = tpu.memref_slice %arg6[%dma_wait3A_26, %dma_wait3A_27, %dma_wait3A_28] : memref<2x128x128xf32, #tpu.memory_space<vmem>> -> memref<1x128x128xf32, #tpu.memory_space<vmem>>
    %dma_wait3A_30 = tpu.memref_squeeze %dma_wait3A_29 : memref<1x128x128xf32, #tpu.memory_space<vmem>> -> memref<128x128xf32, #tpu.memory_space<vmem>>
    %dma_wait3A_31 = arith.constant 0 : i32
    %dma_wait3A_32 = tpu.memref_slice %arg5[%dma_wait3A, %dma_wait3A_31] : memref<32x128xi32, #tpu.memory_space<vmem>> -> memref<1x128xi32, #tpu.memory_space<vmem>>
    %dma_wait3A_33 = tpu.memref_squeeze %dma_wait3A_32 : memref<1x128xi32, #tpu.memory_space<vmem>> -> memref<128xi32, #tpu.memory_space<vmem>>
    %dma_wait3A_34 = arith.constant 0 : i32
    %dma_wait3A_35 = arith.constant 0 : i32
    %dma_wait3A_36 = tpu.memref_slice %arg2[%dma_wait3A_34, %dma_wait3A_35] : memref<4096x128xf32, #tpu.memory_space<hbm>> -> memref<4096x128xf32, #tpu.memory_space<hbm>>
    tpu.wait_indirect_dma semaphore(%arg7 : memref<!tpu.dma_semaphore, #tpu.memory_space<semaphore_mem>>) src(%dma_wait3A_36 : memref<4096x128xf32, #tpu.memory_space<hbm>>) dst(%dma_wait3A_30 : memref<128x128xf32, #tpu.memory_space<vmem>>)
    %add3A_37 = arith.constant 0 : i32
    %add3A_38 = arith.addi %mul3A_2, %add3A_37 : i32
    %run_scoped3A = arith.constant 0 : i32
    "tpu.region"() ({
      %run_scoped3A_864 = tpu.sem_alloc : memref<!tpu.dma_semaphore, #tpu.memory_space<semaphore_mem>>
      %dma_start3A_865 = arith.constant 0 : i32
      %dma_start3A_866 = arith.constant 0 : i32
      %dma_start3A_867 = tpu.memref_slice %arg6[%run_scoped3A, %dma_start3A_865, %dma_start3A_866] : memref<2x128x128xf32, #tpu.memory_space<vmem>> -> memref<1x128x128xf32, #tpu.memory_space<vmem>>
      %dma_start3A_868 = tpu.memref_squeeze %dma_start3A_867 : memref<1x128x128xf32, #tpu.memory_space<vmem>> -> memref<128x128xf32, #tpu.memory_space<vmem>>
      %dma_start3A_869 = arith.constant 0 : i32
      %dma_start3A_870 = tpu.memref_slice %arg4[%add3A_38, %dma_start3A_869] : memref<131072x128xf32, #tpu.memory_space<hbm>> -> memref<128x128xf32, #tpu.memory_space<hbm>>
      %dma_start3A_871 = arith.constant 0 : i32
      %dma_start3A_872 = tpu.memref_slice %arg4[%add3A_38, %dma_start3A_871] : memref<131072x128xf32, #tpu.memory_space<hbm>> -> memref<128x128xf32, #tpu.memory_space<hbm>>
      %dma_start3A_873 = arith.constant 0 : i32
      %dma_start3A_874 = arith.constant 0 : i32
      %dma_start3A_875 = tpu.memref_slice %arg6[%run_scoped3A, %dma_start3A_873, %dma_start3A_874] : memref<2x128x128xf32, #tpu.memory_space<vmem>> -> memref<1x128x128xf32, #tpu.memory_space<vmem>>
      %dma_start3A_876 = tpu.memref_squeeze %dma_start3A_875 : memref<1x128x128xf32, #tpu.memory_space<vmem>> -> memref<128x128xf32, #tpu.memory_space<vmem>>
      tpu.enqueue_dma source(%dma_start3A_876 : memref<128x128xf32, #tpu.memory_space<vmem>>) target(%dma_start3A_872 : memref<128x128xf32, #tpu.memory_space<hbm>>) target_semaphore(%run_scoped3A_864 : memref<!tpu.dma_semaphore, #tpu.memory_space<semaphore_mem>>)
      %dma_wait3A_877 = arith.constant 0 : i32
      %dma_wait3A_878 = arith.constant 0 : i32
      %dma_wait3A_879 = tpu.memref_slice %arg6[%run_scoped3A, %dma_wait3A_877, %dma_wait3A_878] : memref<2x128x128xf32, #tpu.memory_space<vmem>> -> memref<1x128x128xf32, #tpu.memory_space<vmem>>
      %dma_wait3A_880 = tpu.memref_squeeze %dma_wait3A_879 : memref<1x128x128xf32, #tpu.memory_space<vmem>> -> memref<128x128xf32, #tpu.memory_space<vmem>>
      %dma_wait3A_881 = arith.constant 0 : i32
      %dma_wait3A_882 = tpu.memref_slice %arg4[%add3A_38, %dma_wait3A_881] : memref<131072x128xf32, #tpu.memory_space<hbm>> -> memref<128x128xf32, #tpu.memory_space<hbm>>
      %dma_wait3A_883 = arith.constant 0 : i32
      %dma_wait3A_884 = tpu.memref_slice %arg4[%add3A_38, %dma_wait3A_883] : memref<131072x128xf32, #tpu.memory_space<hbm>> -> memref<128x128xf32, #tpu.memory_space<hbm>>
      %dma_wait3A_885 = arith.constant 0 : i32
      %dma_wait3A_886 = arith.constant 0 : i32
      %dma_wait3A_887 = tpu.memref_slice %arg6[%run_scoped3A, %dma_wait3A_885, %dma_wait3A_886] : memref<2x128x128xf32, #tpu.memory_space<vmem>> -> memref<1x128x128xf32, #tpu.memory_space<vmem>>
      %dma_wait3A_888 = tpu.memref_squeeze %dma_wait3A_887 : memref<1x128x128xf32, #tpu.memory_space<vmem>> -> memref<128x128xf32, #tpu.memory_space<vmem>>
      tpu.wait_dma2 semaphore(%run_scoped3A_864 : memref<!tpu.dma_semaphore, #tpu.memory_space<semaphore_mem>>) src(%dma_wait3A_888 : memref<128x128xf32, #tpu.memory_space<vmem>>) dst(%dma_wait3A_884 : memref<128x128xf32, #tpu.memory_space<hbm>>)
      tpu.yield
    }) : () -> ()
    %dma_start3A_39 = arith.constant 2 : i32
    %dma_start3A_40 = arith.constant 0 : i32
    %dma_start3A_41 = arith.constant 0 : i32
    %dma_start3A_42 = arith.constant 0 : i32
    %dma_start3A_43 = tpu.memref_slice %arg6[%dma_start3A_40, %dma_start3A_41, %dma_start3A_42] : memref<2x128x128xf32, #tpu.memory_space<vmem>> -> memref<1x128x128xf32, #tpu.memory_space<vmem>>
    %dma_start3A_44 = tpu.memref_squeeze %dma_start3A_43 : memref<1x128x128xf32, #tpu.memory_space<vmem>> -> memref<128x128xf32, #tpu.memory_space<vmem>>
    %dma_start3A_45 = arith.constant 0 : i32
    %dma_start3A_46 = tpu.memref_slice %arg5[%dma_start3A_39, %dma_start3A_45] : memref<32x128xi32, #tpu.memory_space<vmem>> -> memref<1x128xi32, #tpu.memory_space<vmem>>
    %dma_start3A_47 = tpu.memref_squeeze %dma_start3A_46 : memref<1x128xi32, #tpu.memory_space<vmem>> -> memref<128xi32, #tpu.memory_space<vmem>>
    %dma_start3A_48 = arith.constant 0 : i32
    %dma_start3A_49 = arith.constant 0 : i32
    %dma_start3A_50 = tpu.memref_slice %arg2[%dma_start3A_48, %dma_start3A_49] : memref<4096x128xf32, #tpu.memory_space<hbm>> -> memref<4096x128xf32, #tpu.memory_space<hbm>>
    tpu.enqueue_indirect_dma source(%dma_start3A_50 : memref<4096x128xf32, #tpu.memory_space<hbm>>) target(%dma_start3A_44 : memref<128x128xf32, #tpu.memory_space<vmem>>) offsets(%dma_start3A_47 : memref<128xi32, #tpu.memory_space<vmem>>) semaphore(%arg7 : memref<!tpu.dma_semaphore, #tpu.memory_space<semaphore_mem>>)
    %dma_wait3A_51 = arith.constant 1 : i32
    %dma_wait3A_52 = arith.constant 1 : i32
    %dma_wait3A_53 = arith.constant 0 : i32
    %dma_wait3A_54 = arith.constant 0 : i32
    %dma_wait3A_55 = tpu.memref_slice %arg6[%dma_wait3A_52, %dma_wait3A_53, %dma_wait3A_54] : memref<2x128x128xf32, #tpu.memory_space<vmem>> -> memref<1x128x128xf32, #tpu.memory_space<vmem>>
    %dma_wait3A_56 = tpu.memref_squeeze %dma_wait3A_55 : memref<1x128x128xf32, #tpu.memory_space<vmem>> -> memref<128x128xf32, #tpu.memory_space<vmem>>
    %dma_wait3A_57 = arith.constant 0 : i32
    %dma_wait3A_58 = tpu.memref_slice %arg5[%dma_wait3A_51, %dma_wait3A_57] : memref<32x128xi32, #tpu.memory_space<vmem>> -> memref<1x128xi32, #tpu.memory_space<vmem>>
    %dma_wait3A_59 = tpu.memref_squeeze %dma_wait3A_58 : memref<1x128xi32, #tpu.memory_space<vmem>> -> memref<128xi32, #tpu.memory_space<vmem>>
    %dma_wait3A_60 = arith.constant 0 : i32
    %dma_wait3A_61 = arith.constant 0 : i32
    %dma_wait3A_62 = tpu.memref_slice %arg2[%dma_wait3A_60, %dma_wait3A_61] : memref<4096x128xf32, #tpu.memory_space<hbm>> -> memref<4096x128xf32, #tpu.memory_space<hbm>>
    tpu.wait_indirect_dma semaphore(%arg8 : memref<!tpu.dma_semaphore, #tpu.memory_space<semaphore_mem>>) src(%dma_wait3A_62 : memref<4096x128xf32, #tpu.memory_space<hbm>>) dst(%dma_wait3A_56 : memref<128x128xf32, #tpu.memory_space<vmem>>)
    %add3A_63 = arith.constant 128 : i32
    %add3A_64 = arith.addi %mul3A_2, %add3A_63 : i32
    %run_scoped3A_65 = arith.constant 1 : i32
    "tpu.region"() ({
      %run_scoped3A_864 = tpu.sem_alloc : memref<!tpu.dma_semaphore, #tpu.memory_space<semaphore_mem>>
      %dma_start3A_865 = arith.constant 0 : i32
      %dma_start3A_866 = arith.constant 0 : i32
      %dma_start3A_867 = tpu.memref_slice %arg6[%run_scoped3A_65, %dma_start3A_865, %dma_start3A_866] : memref<2x128x128xf32, #tpu.memory_space<vmem>> -> memref<1x128x128xf32, #tpu.memory_space<vmem>>
      %dma_start3A_868 = tpu.memref_squeeze %dma_start3A_867 : memref<1x128x128xf32, #tpu.memory_space<vmem>> -> memref<128x128xf32, #tpu.memory_space<vmem>>
      %dma_start3A_869 = arith.constant 0 : i32
      %dma_start3A_870 = tpu.memref_slice %arg4[%add3A_64, %dma_start3A_869] : memref<131072x128xf32, #tpu.memory_space<hbm>> -> memref<128x128xf32, #tpu.memory_space<hbm>>
      %dma_start3A_871 = arith.constant 0 : i32
      %dma_start3A_872 = tpu.memref_slice %arg4[%add3A_64, %dma_start3A_871] : memref<131072x128xf32, #tpu.memory_space<hbm>> -> memref<128x128xf32, #tpu.memory_space<hbm>>
      %dma_start3A_873 = arith.constant 0 : i32
      %dma_start3A_874 = arith.constant 0 : i32
      %dma_start3A_875 = tpu.memref_slice %arg6[%run_scoped3A_65, %dma_start3A_873, %dma_start3A_874] : memref<2x128x128xf32, #tpu.memory_space<vmem>> -> memref<1x128x128xf32, #tpu.memory_space<vmem>>
      %dma_start3A_876 = tpu.memref_squeeze %dma_start3A_875 : memref<1x128x128xf32, #tpu.memory_space<vmem>> -> memref<128x128xf32, #tpu.memory_space<vmem>>
      tpu.enqueue_dma source(%dma_start3A_876 : memref<128x128xf32, #tpu.memory_space<vmem>>) target(%dma_start3A_872 : memref<128x128xf32, #tpu.memory_space<hbm>>) target_semaphore(%run_scoped3A_864 : memref<!tpu.dma_semaphore, #tpu.memory_space<semaphore_mem>>)
      %dma_wait3A_877 = arith.constant 0 : i32
      %dma_wait3A_878 = arith.constant 0 : i32
      %dma_wait3A_879 = tpu.memref_slice %arg6[%run_scoped3A_65, %dma_wait3A_877, %dma_wait3A_878] : memref<2x128x128xf32, #tpu.memory_space<vmem>> -> memref<1x128x128xf32, #tpu.memory_space<vmem>>
      %dma_wait3A_880 = tpu.memref_squeeze %dma_wait3A_879 : memref<1x128x128xf32, #tpu.memory_space<vmem>> -> memref<128x128xf32, #tpu.memory_space<vmem>>
      %dma_wait3A_881 = arith.constant 0 : i32
      %dma_wait3A_882 = tpu.memref_slice %arg4[%add3A_64, %dma_wait3A_881] : memref<131072x128xf32, #tpu.memory_space<hbm>> -> memref<128x128xf32, #tpu.memory_space<hbm>>
      %dma_wait3A_883 = arith.constant 0 : i32
      %dma_wait3A_884 = tpu.memref_slice %arg4[%add3A_64, %dma_wait3A_883] : memref<131072x128xf32, #tpu.memory_space<hbm>> -> memref<128x128xf32, #tpu.memory_space<hbm>>
      %dma_wait3A_885 = arith.constant 0 : i32
      %dma_wait3A_886 = arith.constant 0 : i32
      %dma_wait3A_887 = tpu.memref_slice %arg6[%run_scoped3A_65, %dma_wait3A_885, %dma_wait3A_886] : memref<2x128x128xf32, #tpu.memory_space<vmem>> -> memref<1x128x128xf32, #tpu.memory_space<vmem>>
      %dma_wait3A_888 = tpu.memref_squeeze %dma_wait3A_887 : memref<1x128x128xf32, #tpu.memory_space<vmem>> -> memref<128x128xf32, #tpu.memory_space<vmem>>
      tpu.wait_dma2 semaphore(%run_scoped3A_864 : memref<!tpu.dma_semaphore, #tpu.memory_space<semaphore_mem>>) src(%dma_wait3A_888 : memref<128x128xf32, #tpu.memory_space<vmem>>) dst(%dma_wait3A_884 : memref<128x128xf32, #tpu.memory_space<hbm>>)
      tpu.yield
    }) : () -> ()
    %dma_start3A_66 = arith.constant 3 : i32
    %dma_start3A_67 = arith.constant 1 : i32
    %dma_start3A_68 = arith.constant 0 : i32
    %dma_start3A_69 = arith.constant 0 : i32
    %dma_start3A_70 = tpu.memref_slice %arg6[%dma_start3A_67, %dma_start3A_68, %dma_start3A_69] : memref<2x128x128xf32, #tpu.memory_space<vmem>> -> memref<1x128x128xf32, #tpu.memory_space<vmem>>
    %dma_start3A_71 = tpu.memref_squeeze %dma_start3A_70 : memref<1x128x128xf32, #tpu.memory_space<vmem>> -> memref<128x128xf32, #tpu.memory_space<vmem>>
    %dma_start3A_72 = arith.constant 0 : i32
    %dma_start3A_73 = tpu.memref_slice %arg5[%dma_start3A_66, %dma_start3A_72] : memref<32x128xi32, #tpu.memory_space<vmem>> -> memref<1x128xi32, #tpu.memory_space<vmem>>
    %dma_start3A_74 = tpu.memref_squeeze %dma_start3A_73 : memref<1x128xi32, #tpu.memory_space<vmem>> -> memref<128xi32, #tpu.memory_space<vmem>>
    %dma_start3A_75 = arith.constant 0 : i32
    %dma_start3A_76 = arith.constant 0 : i32
    %dma_start3A_77 = tpu.memref_slice %arg2[%dma_start3A_75, %dma_start3A_76] : memref<4096x128xf32, #tpu.memory_space<hbm>> -> memref<4096x128xf32, #tpu.memory_space<hbm>>
    tpu.enqueue_indirect_dma source(%dma_start3A_77 : memref<4096x128xf32, #tpu.memory_space<hbm>>) target(%dma_start3A_71 : memref<128x128xf32, #tpu.memory_space<vmem>>) offsets(%dma_start3A_74 : memref<128xi32, #tpu.memory_space<vmem>>) semaphore(%arg8 : memref<!tpu.dma_semaphore, #tpu.memory_space<semaphore_mem>>)
    %dma_wait3A_78 = arith.constant 2 : i32
    %dma_wait3A_79 = arith.constant 0 : i32
    %dma_wait3A_80 = arith.constant 0 : i32
    %dma_wait3A_81 = arith.constant 0 : i32
    %dma_wait3A_82 = tpu.memref_slice %arg6[%dma_wait3A_79, %dma_wait3A_80, %dma_wait3A_81] : memref<2x128x128xf32, #tpu.memory_space<vmem>> -> memref<1x128x128xf32, #tpu.memory_space<vmem>>
    %dma_wait3A_83 = tpu.memref_squeeze %dma_wait3A_82 : memref<1x128x128xf32, #tpu.memory_space<vmem>> -> memref<128x128xf32, #tpu.memory_space<vmem>>
    %dma_wait3A_84 = arith.constant 0 : i32
    %dma_wait3A_85 = tpu.memref_slice %arg5[%dma_wait3A_78, %dma_wait3A_84] : memref<32x128xi32, #tpu.memory_space<vmem>> -> memref<1x128xi32, #tpu.memory_space<vmem>>
    %dma_wait3A_86 = tpu.memref_squeeze %dma_wait3A_85 : memref<1x128xi32, #tpu.memory_space<vmem>> -> memref<128xi32, #tpu.memory_space<vmem>>
    %dma_wait3A_87 = arith.constant 0 : i32
    %dma_wait3A_88 = arith.constant 0 : i32
    %dma_wait3A_89 = tpu.memref_slice %arg2[%dma_wait3A_87, %dma_wait3A_88] : memref<4096x128xf32, #tpu.memory_space<hbm>> -> memref<4096x128xf32, #tpu.memory_space<hbm>>
    tpu.wait_indirect_dma semaphore(%arg7 : memref<!tpu.dma_semaphore, #tpu.memory_space<semaphore_mem>>) src(%dma_wait3A_89 : memref<4096x128xf32, #tpu.memory_space<hbm>>) dst(%dma_wait3A_83 : memref<128x128xf32, #tpu.memory_space<vmem>>)
    %add3A_90 = arith.constant 256 : i32
    %add3A_91 = arith.addi %mul3A_2, %add3A_90 : i32
    %run_scoped3A_92 = arith.constant 0 : i32
    "tpu.region"() ({
      %run_scoped3A_864 = tpu.sem_alloc : memref<!tpu.dma_semaphore, #tpu.memory_space<semaphore_mem>>
      %dma_start3A_865 = arith.constant 0 : i32
      %dma_start3A_866 = arith.constant 0 : i32
      %dma_start3A_867 = tpu.memref_slice %arg6[%run_scoped3A_92, %dma_start3A_865, %dma_start3A_866] : memref<2x128x128xf32, #tpu.memory_space<vmem>> -> memref<1x128x128xf32, #tpu.memory_space<vmem>>
      %dma_start3A_868 = tpu.memref_squeeze %dma_start3A_867 : memref<1x128x128xf32, #tpu.memory_space<vmem>> -> memref<128x128xf32, #tpu.memory_space<vmem>>
      %dma_start3A_869 = arith.constant 0 : i32
      %dma_start3A_870 = tpu.memref_slice %arg4[%add3A_91, %dma_start3A_869] : memref<131072x128xf32, #tpu.memory_space<hbm>> -> memref<128x128xf32, #tpu.memory_space<hbm>>
      %dma_start3A_871 = arith.constant 0 : i32
      %dma_start3A_872 = tpu.memref_slice %arg4[%add3A_91, %dma_start3A_871] : memref<131072x128xf32, #tpu.memory_space<hbm>> -> memref<128x128xf32, #tpu.memory_space<hbm>>
      %dma_start3A_873 = arith.constant 0 : i32
      %dma_start3A_874 = arith.constant 0 : i32
      %dma_start3A_875 = tpu.memref_slice %arg6[%run_scoped3A_92, %dma_start3A_873, %dma_start3A_874] : memref<2x128x128xf32, #tpu.memory_space<vmem>> -> memref<1x128x128xf32, #tpu.memory_space<vmem>>
      %dma_start3A_876 = tpu.memref_squeeze %dma_start3A_875 : memref<1x128x128xf32, #tpu.memory_space<vmem>> -> memref<128x128xf32, #tpu.memory_space<vmem>>
      tpu.enqueue_dma source(%dma_start3A_876 : memref<128x128xf32, #tpu.memory_space<vmem>>) target(%dma_start3A_872 : memref<128x128xf32, #tpu.memory_space<hbm>>) target_semaphore(%run_scoped3A_864 : memref<!tpu.dma_semaphore, #tpu.memory_space<semaphore_mem>>)
      %dma_wait3A_877 = arith.constant 0 : i32
      %dma_wait3A_878 = arith.constant 0 : i32
      %dma_wait3A_879 = tpu.memref_slice %arg6[%run_scoped3A_92, %dma_wait3A_877, %dma_wait3A_878] : memref<2x128x128xf32, #tpu.memory_space<vmem>> -> memref<1x128x128xf32, #tpu.memory_space<vmem>>
      %dma_wait3A_880 = tpu.memref_squeeze %dma_wait3A_879 : memref<1x128x128xf32, #tpu.memory_space<vmem>> -> memref<128x128xf32, #tpu.memory_space<vmem>>
      %dma_wait3A_881 = arith.constant 0 : i32
      %dma_wait3A_882 = tpu.memref_slice %arg4[%add3A_91, %dma_wait3A_881] : memref<131072x128xf32, #tpu.memory_space<hbm>> -> memref<128x128xf32, #tpu.memory_space<hbm>>
      %dma_wait3A_883 = arith.constant 0 : i32
      %dma_wait3A_884 = tpu.memref_slice %arg4[%add3A_91, %dma_wait3A_883] : memref<131072x128xf32, #tpu.memory_space<hbm>> -> memref<128x128xf32, #tpu.memory_space<hbm>>
      %dma_wait3A_885 = arith.constant 0 : i32
      %dma_wait3A_886 = arith.constant 0 : i32
      %dma_wait3A_887 = tpu.memref_slice %arg6[%run_scoped3A_92, %dma_wait3A_885, %dma_wait3A_886] : memref<2x128x128xf32, #tpu.memory_space<vmem>> -> memref<1x128x128xf32, #tpu.memory_space<vmem>>
      %dma_wait3A_888 = tpu.memref_squeeze %dma_wait3A_887 : memref<1x128x128xf32, #tpu.memory_space<vmem>> -> memref<128x128xf32, #tpu.memory_space<vmem>>
      tpu.wait_dma2 semaphore(%run_scoped3A_864 : memref<!tpu.dma_semaphore, #tpu.memory_space<semaphore_mem>>) src(%dma_wait3A_888 : memref<128x128xf32, #tpu.memory_space<vmem>>) dst(%dma_wait3A_884 : memref<128x128xf32, #tpu.memory_space<hbm>>)
      tpu.yield
    }) : () -> ()
    %dma_start3A_93 = arith.constant 4 : i32
    %dma_start3A_94 = arith.constant 0 : i32
    %dma_start3A_95 = arith.constant 0 : i32
    %dma_start3A_96 = arith.constant 0 : i32
    %dma_start3A_97 = tpu.memref_slice %arg6[%dma_start3A_94, %dma_start3A_95, %dma_start3A_96] : memref<2x128x128xf32, #tpu.memory_space<vmem>> -> memref<1x128x128xf32, #tpu.memory_space<vmem>>
    %dma_start3A_98 = tpu.memref_squeeze %dma_start3A_97 : memref<1x128x128xf32, #tpu.memory_space<vmem>> -> memref<128x128xf32, #tpu.memory_space<vmem>>
    %dma_start3A_99 = arith.constant 0 : i32
    %dma_start3A_100 = tpu.memref_slice %arg5[%dma_start3A_93, %dma_start3A_99] : memref<32x128xi32, #tpu.memory_space<vmem>> -> memref<1x128xi32, #tpu.memory_space<vmem>>
    %dma_start3A_101 = tpu.memref_squeeze %dma_start3A_100 : memref<1x128xi32, #tpu.memory_space<vmem>> -> memref<128xi32, #tpu.memory_space<vmem>>
    %dma_start3A_102 = arith.constant 0 : i32
    %dma_start3A_103 = arith.constant 0 : i32
    %dma_start3A_104 = tpu.memref_slice %arg2[%dma_start3A_102, %dma_start3A_103] : memref<4096x128xf32, #tpu.memory_space<hbm>> -> memref<4096x128xf32, #tpu.memory_space<hbm>>
    tpu.enqueue_indirect_dma source(%dma_start3A_104 : memref<4096x128xf32, #tpu.memory_space<hbm>>) target(%dma_start3A_98 : memref<128x128xf32, #tpu.memory_space<vmem>>) offsets(%dma_start3A_101 : memref<128xi32, #tpu.memory_space<vmem>>) semaphore(%arg7 : memref<!tpu.dma_semaphore, #tpu.memory_space<semaphore_mem>>)
    %dma_wait3A_105 = arith.constant 3 : i32
    %dma_wait3A_106 = arith.constant 1 : i32
    %dma_wait3A_107 = arith.constant 0 : i32
    %dma_wait3A_108 = arith.constant 0 : i32
    %dma_wait3A_109 = tpu.memref_slice %arg6[%dma_wait3A_106, %dma_wait3A_107, %dma_wait3A_108] : memref<2x128x128xf32, #tpu.memory_space<vmem>> -> memref<1x128x128xf32, #tpu.memory_space<vmem>>
    %dma_wait3A_110 = tpu.memref_squeeze %dma_wait3A_109 : memref<1x128x128xf32, #tpu.memory_space<vmem>> -> memref<128x128xf32, #tpu.memory_space<vmem>>
    %dma_wait3A_111 = arith.constant 0 : i32
    %dma_wait3A_112 = tpu.memref_slice %arg5[%dma_wait3A_105, %dma_wait3A_111] : memref<32x128xi32, #tpu.memory_space<vmem>> -> memref<1x128xi32, #tpu.memory_space<vmem>>
    %dma_wait3A_113 = tpu.memref_squeeze %dma_wait3A_112 : memref<1x128xi32, #tpu.memory_space<vmem>> -> memref<128xi32, #tpu.memory_space<vmem>>
    %dma_wait3A_114 = arith.constant 0 : i32
    %dma_wait3A_115 = arith.constant 0 : i32
    %dma_wait3A_116 = tpu.memref_slice %arg2[%dma_wait3A_114, %dma_wait3A_115] : memref<4096x128xf32, #tpu.memory_space<hbm>> -> memref<4096x128xf32, #tpu.memory_space<hbm>>
    tpu.wait_indirect_dma semaphore(%arg8 : memref<!tpu.dma_semaphore, #tpu.memory_space<semaphore_mem>>) src(%dma_wait3A_116 : memref<4096x128xf32, #tpu.memory_space<hbm>>) dst(%dma_wait3A_110 : memref<128x128xf32, #tpu.memory_space<vmem>>)
    %add3A_117 = arith.constant 384 : i32
    %add3A_118 = arith.addi %mul3A_2, %add3A_117 : i32
    %run_scoped3A_119 = arith.constant 1 : i32
    "tpu.region"() ({
      %run_scoped3A_864 = tpu.sem_alloc : memref<!tpu.dma_semaphore, #tpu.memory_space<semaphore_mem>>
      %dma_start3A_865 = arith.constant 0 : i32
      %dma_start3A_866 = arith.constant 0 : i32
      %dma_start3A_867 = tpu.memref_slice %arg6[%run_scoped3A_119, %dma_start3A_865, %dma_start3A_866] : memref<2x128x128xf32, #tpu.memory_space<vmem>> -> memref<1x128x128xf32, #tpu.memory_space<vmem>>
      %dma_start3A_868 = tpu.memref_squeeze %dma_start3A_867 : memref<1x128x128xf32, #tpu.memory_space<vmem>> -> memref<128x128xf32, #tpu.memory_space<vmem>>
      %dma_start3A_869 = arith.constant 0 : i32
      %dma_start3A_870 = tpu.memref_slice %arg4[%add3A_118, %dma_start3A_869] : memref<131072x128xf32, #tpu.memory_space<hbm>> -> memref<128x128xf32, #tpu.memory_space<hbm>>
      %dma_start3A_871 = arith.constant 0 : i32
      %dma_start3A_872 = tpu.memref_slice %arg4[%add3A_118, %dma_start3A_871] : memref<131072x128xf32, #tpu.memory_space<hbm>> -> memref<128x128xf32, #tpu.memory_space<hbm>>
      %dma_start3A_873 = arith.constant 0 : i32
      %dma_start3A_874 = arith.constant 0 : i32
      %dma_start3A_875 = tpu.memref_slice %arg6[%run_scoped3A_119, %dma_start3A_873, %dma_start3A_874] : memref<2x128x128xf32, #tpu.memory_space<vmem>> -> memref<1x128x128xf32, #tpu.memory_space<vmem>>
      %dma_start3A_876 = tpu.memref_squeeze %dma_start3A_875 : memref<1x128x128xf32, #tpu.memory_space<vmem>> -> memref<128x128xf32, #tpu.memory_space<vmem>>
      tpu.enqueue_dma source(%dma_start3A_876 : memref<128x128xf32, #tpu.memory_space<vmem>>) target(%dma_start3A_872 : memref<128x128xf32, #tpu.memory_space<hbm>>) target_semaphore(%run_scoped3A_864 : memref<!tpu.dma_semaphore, #tpu.memory_space<semaphore_mem>>)
      %dma_wait3A_877 = arith.constant 0 : i32
      %dma_wait3A_878 = arith.constant 0 : i32
      %dma_wait3A_879 = tpu.memref_slice %arg6[%run_scoped3A_119, %dma_wait3A_877, %dma_wait3A_878] : memref<2x128x128xf32, #tpu.memory_space<vmem>> -> memref<1x128x128xf32, #tpu.memory_space<vmem>>
      %dma_wait3A_880 = tpu.memref_squeeze %dma_wait3A_879 : memref<1x128x128xf32, #tpu.memory_space<vmem>> -> memref<128x128xf32, #tpu.memory_space<vmem>>
      %dma_wait3A_881 = arith.constant 0 : i32
      %dma_wait3A_882 = tpu.memref_slice %arg4[%add3A_118, %dma_wait3A_881] : memref<131072x128xf32, #tpu.memory_space<hbm>> -> memref<128x128xf32, #tpu.memory_space<hbm>>
      %dma_wait3A_883 = arith.constant 0 : i32
      %dma_wait3A_884 = tpu.memref_slice %arg4[%add3A_118, %dma_wait3A_883] : memref<131072x128xf32, #tpu.memory_space<hbm>> -> memref<128x128xf32, #tpu.memory_space<hbm>>
      %dma_wait3A_885 = arith.constant 0 : i32
      %dma_wait3A_886 = arith.constant 0 : i32
      %dma_wait3A_887 = tpu.memref_slice %arg6[%run_scoped3A_119, %dma_wait3A_885, %dma_wait3A_886] : memref<2x128x128xf32, #tpu.memory_space<vmem>> -> memref<1x128x128xf32, #tpu.memory_space<vmem>>
      %dma_wait3A_888 = tpu.memref_squeeze %dma_wait3A_887 : memref<1x128x128xf32, #tpu.memory_space<vmem>> -> memref<128x128xf32, #tpu.memory_space<vmem>>
      tpu.wait_dma2 semaphore(%run_scoped3A_864 : memref<!tpu.dma_semaphore, #tpu.memory_space<semaphore_mem>>) src(%dma_wait3A_888 : memref<128x128xf32, #tpu.memory_space<vmem>>) dst(%dma_wait3A_884 : memref<128x128xf32, #tpu.memory_space<hbm>>)
      tpu.yield
    }) : () -> ()
    %dma_start3A_120 = arith.constant 5 : i32
    %dma_start3A_121 = arith.constant 1 : i32
    %dma_start3A_122 = arith.constant 0 : i32
    %dma_start3A_123 = arith.constant 0 : i32
    %dma_start3A_124 = tpu.memref_slice %arg6[%dma_start3A_121, %dma_start3A_122, %dma_start3A_123] : memref<2x128x128xf32, #tpu.memory_space<vmem>> -> memref<1x128x128xf32, #tpu.memory_space<vmem>>
    %dma_start3A_125 = tpu.memref_squeeze %dma_start3A_124 : memref<1x128x128xf32, #tpu.memory_space<vmem>> -> memref<128x128xf32, #tpu.memory_space<vmem>>
    %dma_start3A_126 = arith.constant 0 : i32
    %dma_start3A_127 = tpu.memref_slice %arg5[%dma_start3A_120, %dma_start3A_126] : memref<32x128xi32, #tpu.memory_space<vmem>> -> memref<1x128xi32, #tpu.memory_space<vmem>>
    %dma_start3A_128 = tpu.memref_squeeze %dma_start3A_127 : memref<1x128xi32, #tpu.memory_space<vmem>> -> memref<128xi32, #tpu.memory_space<vmem>>
    %dma_start3A_129 = arith.constant 0 : i32
    %dma_start3A_130 = arith.constant 0 : i32
    %dma_start3A_131 = tpu.memref_slice %arg2[%dma_start3A_129, %dma_start3A_130] : memref<4096x128xf32, #tpu.memory_space<hbm>> -> memref<4096x128xf32, #tpu.memory_space<hbm>>
    tpu.enqueue_indirect_dma source(%dma_start3A_131 : memref<4096x128xf32, #tpu.memory_space<hbm>>) target(%dma_start3A_125 : memref<128x128xf32, #tpu.memory_space<vmem>>) offsets(%dma_start3A_128 : memref<128xi32, #tpu.memory_space<vmem>>) semaphore(%arg8 : memref<!tpu.dma_semaphore, #tpu.memory_space<semaphore_mem>>)
    %dma_wait3A_132 = arith.constant 4 : i32
    %dma_wait3A_133 = arith.constant 0 : i32
    %dma_wait3A_134 = arith.constant 0 : i32
    %dma_wait3A_135 = arith.constant 0 : i32
    %dma_wait3A_136 = tpu.memref_slice %arg6[%dma_wait3A_133, %dma_wait3A_134, %dma_wait3A_135] : memref<2x128x128xf32, #tpu.memory_space<vmem>> -> memref<1x128x128xf32, #tpu.memory_space<vmem>>
    %dma_wait3A_137 = tpu.memref_squeeze %dma_wait3A_136 : memref<1x128x128xf32, #tpu.memory_space<vmem>> -> memref<128x128xf32, #tpu.memory_space<vmem>>
    %dma_wait3A_138 = arith.constant 0 : i32
    %dma_wait3A_139 = tpu.memref_slice %arg5[%dma_wait3A_132, %dma_wait3A_138] : memref<32x128xi32, #tpu.memory_space<vmem>> -> memref<1x128xi32, #tpu.memory_space<vmem>>
    %dma_wait3A_140 = tpu.memref_squeeze %dma_wait3A_139 : memref<1x128xi32, #tpu.memory_space<vmem>> -> memref<128xi32, #tpu.memory_space<vmem>>
    %dma_wait3A_141 = arith.constant 0 : i32
    %dma_wait3A_142 = arith.constant 0 : i32
    %dma_wait3A_143 = tpu.memref_slice %arg2[%dma_wait3A_141, %dma_wait3A_142] : memref<4096x128xf32, #tpu.memory_space<hbm>> -> memref<4096x128xf32, #tpu.memory_space<hbm>>
    tpu.wait_indirect_dma semaphore(%arg7 : memref<!tpu.dma_semaphore, #tpu.memory_space<semaphore_mem>>) src(%dma_wait3A_143 : memref<4096x128xf32, #tpu.memory_space<hbm>>) dst(%dma_wait3A_137 : memref<128x128xf32, #tpu.memory_space<vmem>>)
    %add3A_144 = arith.constant 512 : i32
    %add3A_145 = arith.addi %mul3A_2, %add3A_144 : i32
    %run_scoped3A_146 = arith.constant 0 : i32
    "tpu.region"() ({
      %run_scoped3A_864 = tpu.sem_alloc : memref<!tpu.dma_semaphore, #tpu.memory_space<semaphore_mem>>
      %dma_start3A_865 = arith.constant 0 : i32
      %dma_start3A_866 = arith.constant 0 : i32
      %dma_start3A_867 = tpu.memref_slice %arg6[%run_scoped3A_146, %dma_start3A_865, %dma_start3A_866] : memref<2x128x128xf32, #tpu.memory_space<vmem>> -> memref<1x128x128xf32, #tpu.memory_space<vmem>>
      %dma_start3A_868 = tpu.memref_squeeze %dma_start3A_867 : memref<1x128x128xf32, #tpu.memory_space<vmem>> -> memref<128x128xf32, #tpu.memory_space<vmem>>
      %dma_start3A_869 = arith.constant 0 : i32
      %dma_start3A_870 = tpu.memref_slice %arg4[%add3A_145, %dma_start3A_869] : memref<131072x128xf32, #tpu.memory_space<hbm>> -> memref<128x128xf32, #tpu.memory_space<hbm>>
      %dma_start3A_871 = arith.constant 0 : i32
      %dma_start3A_872 = tpu.memref_slice %arg4[%add3A_145, %dma_start3A_871] : memref<131072x128xf32, #tpu.memory_space<hbm>> -> memref<128x128xf32, #tpu.memory_space<hbm>>
      %dma_start3A_873 = arith.constant 0 : i32
      %dma_start3A_874 = arith.constant 0 : i32
      %dma_start3A_875 = tpu.memref_slice %arg6[%run_scoped3A_146, %dma_start3A_873, %dma_start3A_874] : memref<2x128x128xf32, #tpu.memory_space<vmem>> -> memref<1x128x128xf32, #tpu.memory_space<vmem>>
      %dma_start3A_876 = tpu.memref_squeeze %dma_start3A_875 : memref<1x128x128xf32, #tpu.memory_space<vmem>> -> memref<128x128xf32, #tpu.memory_space<vmem>>
      tpu.enqueue_dma source(%dma_start3A_876 : memref<128x128xf32, #tpu.memory_space<vmem>>) target(%dma_start3A_872 : memref<128x128xf32, #tpu.memory_space<hbm>>) target_semaphore(%run_scoped3A_864 : memref<!tpu.dma_semaphore, #tpu.memory_space<semaphore_mem>>)
      %dma_wait3A_877 = arith.constant 0 : i32
      %dma_wait3A_878 = arith.constant 0 : i32
      %dma_wait3A_879 = tpu.memref_slice %arg6[%run_scoped3A_146, %dma_wait3A_877, %dma_wait3A_878] : memref<2x128x128xf32, #tpu.memory_space<vmem>> -> memref<1x128x128xf32, #tpu.memory_space<vmem>>
      %dma_wait3A_880 = tpu.memref_squeeze %dma_wait3A_879 : memref<1x128x128xf32, #tpu.memory_space<vmem>> -> memref<128x128xf32, #tpu.memory_space<vmem>>
      %dma_wait3A_881 = arith.constant 0 : i32
      %dma_wait3A_882 = tpu.memref_slice %arg4[%add3A_145, %dma_wait3A_881] : memref<131072x128xf32, #tpu.memory_space<hbm>> -> memref<128x128xf32, #tpu.memory_space<hbm>>
      %dma_wait3A_883 = arith.constant 0 : i32
      %dma_wait3A_884 = tpu.memref_slice %arg4[%add3A_145, %dma_wait3A_883] : memref<131072x128xf32, #tpu.memory_space<hbm>> -> memref<128x128xf32, #tpu.memory_space<hbm>>
      %dma_wait3A_885 = arith.constant 0 : i32
      %dma_wait3A_886 = arith.constant 0 : i32
      %dma_wait3A_887 = tpu.memref_slice %arg6[%run_scoped3A_146, %dma_wait3A_885, %dma_wait3A_886] : memref<2x128x128xf32, #tpu.memory_space<vmem>> -> memref<1x128x128xf32, #tpu.memory_space<vmem>>
      %dma_wait3A_888 = tpu.memref_squeeze %dma_wait3A_887 : memref<1x128x128xf32, #tpu.memory_space<vmem>> -> memref<128x128xf32, #tpu.memory_space<vmem>>
      tpu.wait_dma2 semaphore(%run_scoped3A_864 : memref<!tpu.dma_semaphore, #tpu.memory_space<semaphore_mem>>) src(%dma_wait3A_888 : memref<128x128xf32, #tpu.memory_space<vmem>>) dst(%dma_wait3A_884 : memref<128x128xf32, #tpu.memory_space<hbm>>)
      tpu.yield
    }) : () -> ()
    %dma_start3A_147 = arith.constant 6 : i32
    %dma_start3A_148 = arith.constant 0 : i32
    %dma_start3A_149 = arith.constant 0 : i32
    %dma_start3A_150 = arith.constant 0 : i32
    %dma_start3A_151 = tpu.memref_slice %arg6[%dma_start3A_148, %dma_start3A_149, %dma_start3A_150] : memref<2x128x128xf32, #tpu.memory_space<vmem>> -> memref<1x128x128xf32, #tpu.memory_space<vmem>>
    %dma_start3A_152 = tpu.memref_squeeze %dma_start3A_151 : memref<1x128x128xf32, #tpu.memory_space<vmem>> -> memref<128x128xf32, #tpu.memory_space<vmem>>
    %dma_start3A_153 = arith.constant 0 : i32
    %dma_start3A_154 = tpu.memref_slice %arg5[%dma_start3A_147, %dma_start3A_153] : memref<32x128xi32, #tpu.memory_space<vmem>> -> memref<1x128xi32, #tpu.memory_space<vmem>>
    %dma_start3A_155 = tpu.memref_squeeze %dma_start3A_154 : memref<1x128xi32, #tpu.memory_space<vmem>> -> memref<128xi32, #tpu.memory_space<vmem>>
    %dma_start3A_156 = arith.constant 0 : i32
    %dma_start3A_157 = arith.constant 0 : i32
    %dma_start3A_158 = tpu.memref_slice %arg2[%dma_start3A_156, %dma_start3A_157] : memref<4096x128xf32, #tpu.memory_space<hbm>> -> memref<4096x128xf32, #tpu.memory_space<hbm>>
    tpu.enqueue_indirect_dma source(%dma_start3A_158 : memref<4096x128xf32, #tpu.memory_space<hbm>>) target(%dma_start3A_152 : memref<128x128xf32, #tpu.memory_space<vmem>>) offsets(%dma_start3A_155 : memref<128xi32, #tpu.memory_space<vmem>>) semaphore(%arg7 : memref<!tpu.dma_semaphore, #tpu.memory_space<semaphore_mem>>)
    %dma_wait3A_159 = arith.constant 5 : i32
    %dma_wait3A_160 = arith.constant 1 : i32
    %dma_wait3A_161 = arith.constant 0 : i32
    %dma_wait3A_162 = arith.constant 0 : i32
    %dma_wait3A_163 = tpu.memref_slice %arg6[%dma_wait3A_160, %dma_wait3A_161, %dma_wait3A_162] : memref<2x128x128xf32, #tpu.memory_space<vmem>> -> memref<1x128x128xf32, #tpu.memory_space<vmem>>
    %dma_wait3A_164 = tpu.memref_squeeze %dma_wait3A_163 : memref<1x128x128xf32, #tpu.memory_space<vmem>> -> memref<128x128xf32, #tpu.memory_space<vmem>>
    %dma_wait3A_165 = arith.constant 0 : i32
    %dma_wait3A_166 = tpu.memref_slice %arg5[%dma_wait3A_159, %dma_wait3A_165] : memref<32x128xi32, #tpu.memory_space<vmem>> -> memref<1x128xi32, #tpu.memory_space<vmem>>
    %dma_wait3A_167 = tpu.memref_squeeze %dma_wait3A_166 : memref<1x128xi32, #tpu.memory_space<vmem>> -> memref<128xi32, #tpu.memory_space<vmem>>
    %dma_wait3A_168 = arith.constant 0 : i32
    %dma_wait3A_169 = arith.constant 0 : i32
    %dma_wait3A_170 = tpu.memref_slice %arg2[%dma_wait3A_168, %dma_wait3A_169] : memref<4096x128xf32, #tpu.memory_space<hbm>> -> memref<4096x128xf32, #tpu.memory_space<hbm>>
    tpu.wait_indirect_dma semaphore(%arg8 : memref<!tpu.dma_semaphore, #tpu.memory_space<semaphore_mem>>) src(%dma_wait3A_170 : memref<4096x128xf32, #tpu.memory_space<hbm>>) dst(%dma_wait3A_164 : memref<128x128xf32, #tpu.memory_space<vmem>>)
    %add3A_171 = arith.constant 640 : i32
    %add3A_172 = arith.addi %mul3A_2, %add3A_171 : i32
    %run_scoped3A_173 = arith.constant 1 : i32
    "tpu.region"() ({
      %run_scoped3A_864 = tpu.sem_alloc : memref<!tpu.dma_semaphore, #tpu.memory_space<semaphore_mem>>
      %dma_start3A_865 = arith.constant 0 : i32
      %dma_start3A_866 = arith.constant 0 : i32
      %dma_start3A_867 = tpu.memref_slice %arg6[%run_scoped3A_173, %dma_start3A_865, %dma_start3A_866] : memref<2x128x128xf32, #tpu.memory_space<vmem>> -> memref<1x128x128xf32, #tpu.memory_space<vmem>>
      %dma_start3A_868 = tpu.memref_squeeze %dma_start3A_867 : memref<1x128x128xf32, #tpu.memory_space<vmem>> -> memref<128x128xf32, #tpu.memory_space<vmem>>
      %dma_start3A_869 = arith.constant 0 : i32
      %dma_start3A_870 = tpu.memref_slice %arg4[%add3A_172, %dma_start3A_869] : memref<131072x128xf32, #tpu.memory_space<hbm>> -> memref<128x128xf32, #tpu.memory_space<hbm>>
      %dma_start3A_871 = arith.constant 0 : i32
      %dma_start3A_872 = tpu.memref_slice %arg4[%add3A_172, %dma_start3A_871] : memref<131072x128xf32, #tpu.memory_space<hbm>> -> memref<128x128xf32, #tpu.memory_space<hbm>>
      %dma_start3A_873 = arith.constant 0 : i32
      %dma_start3A_874 = arith.constant 0 : i32
      %dma_start3A_875 = tpu.memref_slice %arg6[%run_scoped3A_173, %dma_start3A_873, %dma_start3A_874] : memref<2x128x128xf32, #tpu.memory_space<vmem>> -> memref<1x128x128xf32, #tpu.memory_space<vmem>>
      %dma_start3A_876 = tpu.memref_squeeze %dma_start3A_875 : memref<1x128x128xf32, #tpu.memory_space<vmem>> -> memref<128x128xf32, #tpu.memory_space<vmem>>
      tpu.enqueue_dma source(%dma_start3A_876 : memref<128x128xf32, #tpu.memory_space<vmem>>) target(%dma_start3A_872 : memref<128x128xf32, #tpu.memory_space<hbm>>) target_semaphore(%run_scoped3A_864 : memref<!tpu.dma_semaphore, #tpu.memory_space<semaphore_mem>>)
      %dma_wait3A_877 = arith.constant 0 : i32
      %dma_wait3A_878 = arith.constant 0 : i32
      %dma_wait3A_879 = tpu.memref_slice %arg6[%run_scoped3A_173, %dma_wait3A_877, %dma_wait3A_878] : memref<2x128x128xf32, #tpu.memory_space<vmem>> -> memref<1x128x128xf32, #tpu.memory_space<vmem>>
      %dma_wait3A_880 = tpu.memref_squeeze %dma_wait3A_879 : memref<1x128x128xf32, #tpu.memory_space<vmem>> -> memref<128x128xf32, #tpu.memory_space<vmem>>
      %dma_wait3A_881 = arith.constant 0 : i32
      %dma_wait3A_882 = tpu.memref_slice %arg4[%add3A_172, %dma_wait3A_881] : memref<131072x128xf32, #tpu.memory_space<hbm>> -> memref<128x128xf32, #tpu.memory_space<hbm>>
      %dma_wait3A_883 = arith.constant 0 : i32
      %dma_wait3A_884 = tpu.memref_slice %arg4[%add3A_172, %dma_wait3A_883] : memref<131072x128xf32, #tpu.memory_space<hbm>> -> memref<128x128xf32, #tpu.memory_space<hbm>>
      %dma_wait3A_885 = arith.constant 0 : i32
      %dma_wait3A_886 = arith.constant 0 : i32
      %dma_wait3A_887 = tpu.memref_slice %arg6[%run_scoped3A_173, %dma_wait3A_885, %dma_wait3A_886] : memref<2x128x128xf32, #tpu.memory_space<vmem>> -> memref<1x128x128xf32, #tpu.memory_space<vmem>>
      %dma_wait3A_888 = tpu.memref_squeeze %dma_wait3A_887 : memref<1x128x128xf32, #tpu.memory_space<vmem>> -> memref<128x128xf32, #tpu.memory_space<vmem>>
      tpu.wait_dma2 semaphore(%run_scoped3A_864 : memref<!tpu.dma_semaphore, #tpu.memory_space<semaphore_mem>>) src(%dma_wait3A_888 : memref<128x128xf32, #tpu.memory_space<vmem>>) dst(%dma_wait3A_884 : memref<128x128xf32, #tpu.memory_space<hbm>>)
      tpu.yield
    }) : () -> ()
    %dma_start3A_174 = arith.constant 7 : i32
    %dma_start3A_175 = arith.constant 1 : i32
    %dma_start3A_176 = arith.constant 0 : i32
    %dma_start3A_177 = arith.constant 0 : i32
    %dma_start3A_178 = tpu.memref_slice %arg6[%dma_start3A_175, %dma_start3A_176, %dma_start3A_177] : memref<2x128x128xf32, #tpu.memory_space<vmem>> -> memref<1x128x128xf32, #tpu.memory_space<vmem>>
    %dma_start3A_179 = tpu.memref_squeeze %dma_start3A_178 : memref<1x128x128xf32, #tpu.memory_space<vmem>> -> memref<128x128xf32, #tpu.memory_space<vmem>>
    %dma_start3A_180 = arith.constant 0 : i32
    %dma_start3A_181 = tpu.memref_slice %arg5[%dma_start3A_174, %dma_start3A_180] : memref<32x128xi32, #tpu.memory_space<vmem>> -> memref<1x128xi32, #tpu.memory_space<vmem>>
    %dma_start3A_182 = tpu.memref_squeeze %dma_start3A_181 : memref<1x128xi32, #tpu.memory_space<vmem>> -> memref<128xi32, #tpu.memory_space<vmem>>
    %dma_start3A_183 = arith.constant 0 : i32
    %dma_start3A_184 = arith.constant 0 : i32
    %dma_start3A_185 = tpu.memref_slice %arg2[%dma_start3A_183, %dma_start3A_184] : memref<4096x128xf32, #tpu.memory_space<hbm>> -> memref<4096x128xf32, #tpu.memory_space<hbm>>
    tpu.enqueue_indirect_dma source(%dma_start3A_185 : memref<4096x128xf32, #tpu.memory_space<hbm>>) target(%dma_start3A_179 : memref<128x128xf32, #tpu.memory_space<vmem>>) offsets(%dma_start3A_182 : memref<128xi32, #tpu.memory_space<vmem>>) semaphore(%arg8 : memref<!tpu.dma_semaphore, #tpu.memory_space<semaphore_mem>>)
    %dma_wait3A_186 = arith.constant 6 : i32
    %dma_wait3A_187 = arith.constant 0 : i32
    %dma_wait3A_188 = arith.constant 0 : i32
    %dma_wait3A_189 = arith.constant 0 : i32
    %dma_wait3A_190 = tpu.memref_slice %arg6[%dma_wait3A_187, %dma_wait3A_188, %dma_wait3A_189] : memref<2x128x128xf32, #tpu.memory_space<vmem>> -> memref<1x128x128xf32, #tpu.memory_space<vmem>>
    %dma_wait3A_191 = tpu.memref_squeeze %dma_wait3A_190 : memref<1x128x128xf32, #tpu.memory_space<vmem>> -> memref<128x128xf32, #tpu.memory_space<vmem>>
    %dma_wait3A_192 = arith.constant 0 : i32
    %dma_wait3A_193 = tpu.memref_slice %arg5[%dma_wait3A_186, %dma_wait3A_192] : memref<32x128xi32, #tpu.memory_space<vmem>> -> memref<1x128xi32, #tpu.memory_space<vmem>>
    %dma_wait3A_194 = tpu.memref_squeeze %dma_wait3A_193 : memref<1x128xi32, #tpu.memory_space<vmem>> -> memref<128xi32, #tpu.memory_space<vmem>>
    %dma_wait3A_195 = arith.constant 0 : i32
    %dma_wait3A_196 = arith.constant 0 : i32
    %dma_wait3A_197 = tpu.memref_slice %arg2[%dma_wait3A_195, %dma_wait3A_196] : memref<4096x128xf32, #tpu.memory_space<hbm>> -> memref<4096x128xf32, #tpu.memory_space<hbm>>
    tpu.wait_indirect_dma semaphore(%arg7 : memref<!tpu.dma_semaphore, #tpu.memory_space<semaphore_mem>>) src(%dma_wait3A_197 : memref<4096x128xf32, #tpu.memory_space<hbm>>) dst(%dma_wait3A_191 : memref<128x128xf32, #tpu.memory_space<vmem>>)
    %add3A_198 = arith.constant 768 : i32
    %add3A_199 = arith.addi %mul3A_2, %add3A_198 : i32
    %run_scoped3A_200 = arith.constant 0 : i32
    "tpu.region"() ({
      %run_scoped3A_864 = tpu.sem_alloc : memref<!tpu.dma_semaphore, #tpu.memory_space<semaphore_mem>>
      %dma_start3A_865 = arith.constant 0 : i32
      %dma_start3A_866 = arith.constant 0 : i32
      %dma_start3A_867 = tpu.memref_slice %arg6[%run_scoped3A_200, %dma_start3A_865, %dma_start3A_866] : memref<2x128x128xf32, #tpu.memory_space<vmem>> -> memref<1x128x128xf32, #tpu.memory_space<vmem>>
      %dma_start3A_868 = tpu.memref_squeeze %dma_start3A_867 : memref<1x128x128xf32, #tpu.memory_space<vmem>> -> memref<128x128xf32, #tpu.memory_space<vmem>>
      %dma_start3A_869 = arith.constant 0 : i32
      %dma_start3A_870 = tpu.memref_slice %arg4[%add3A_199, %dma_start3A_869] : memref<131072x128xf32, #tpu.memory_space<hbm>> -> memref<128x128xf32, #tpu.memory_space<hbm>>
      %dma_start3A_871 = arith.constant 0 : i32
      %dma_start3A_872 = tpu.memref_slice %arg4[%add3A_199, %dma_start3A_871] : memref<131072x128xf32, #tpu.memory_space<hbm>> -> memref<128x128xf32, #tpu.memory_space<hbm>>
      %dma_start3A_873 = arith.constant 0 : i32
      %dma_start3A_874 = arith.constant 0 : i32
      %dma_start3A_875 = tpu.memref_slice %arg6[%run_scoped3A_200, %dma_start3A_873, %dma_start3A_874] : memref<2x128x128xf32, #tpu.memory_space<vmem>> -> memref<1x128x128xf32, #tpu.memory_space<vmem>>
      %dma_start3A_876 = tpu.memref_squeeze %dma_start3A_875 : memref<1x128x128xf32, #tpu.memory_space<vmem>> -> memref<128x128xf32, #tpu.memory_space<vmem>>
      tpu.enqueue_dma source(%dma_start3A_876 : memref<128x128xf32, #tpu.memory_space<vmem>>) target(%dma_start3A_872 : memref<128x128xf32, #tpu.memory_space<hbm>>) target_semaphore(%run_scoped3A_864 : memref<!tpu.dma_semaphore, #tpu.memory_space<semaphore_mem>>)
      %dma_wait3A_877 = arith.constant 0 : i32
      %dma_wait3A_878 = arith.constant 0 : i32
      %dma_wait3A_879 = tpu.memref_slice %arg6[%run_scoped3A_200, %dma_wait3A_877, %dma_wait3A_878] : memref<2x128x128xf32, #tpu.memory_space<vmem>> -> memref<1x128x128xf32, #tpu.memory_space<vmem>>
      %dma_wait3A_880 = tpu.memref_squeeze %dma_wait3A_879 : memref<1x128x128xf32, #tpu.memory_space<vmem>> -> memref<128x128xf32, #tpu.memory_space<vmem>>
      %dma_wait3A_881 = arith.constant 0 : i32
      %dma_wait3A_882 = tpu.memref_slice %arg4[%add3A_199, %dma_wait3A_881] : memref<131072x128xf32, #tpu.memory_space<hbm>> -> memref<128x128xf32, #tpu.memory_space<hbm>>
      %dma_wait3A_883 = arith.constant 0 : i32
      %dma_wait3A_884 = tpu.memref_slice %arg4[%add3A_199, %dma_wait3A_883] : memref<131072x128xf32, #tpu.memory_space<hbm>> -> memref<128x128xf32, #tpu.memory_space<hbm>>
      %dma_wait3A_885 = arith.constant 0 : i32
      %dma_wait3A_886 = arith.constant 0 : i32
      %dma_wait3A_887 = tpu.memref_slice %arg6[%run_scoped3A_200, %dma_wait3A_885, %dma_wait3A_886] : memref<2x128x128xf32, #tpu.memory_space<vmem>> -> memref<1x128x128xf32, #tpu.memory_space<vmem>>
      %dma_wait3A_888 = tpu.memref_squeeze %dma_wait3A_887 : memref<1x128x128xf32, #tpu.memory_space<vmem>> -> memref<128x128xf32, #tpu.memory_space<vmem>>
      tpu.wait_dma2 semaphore(%run_scoped3A_864 : memref<!tpu.dma_semaphore, #tpu.memory_space<semaphore_mem>>) src(%dma_wait3A_888 : memref<128x128xf32, #tpu.memory_space<vmem>>) dst(%dma_wait3A_884 : memref<128x128xf32, #tpu.memory_space<hbm>>)
      tpu.yield
    }) : () -> ()
    %dma_start3A_201 = arith.constant 8 : i32
    %dma_start3A_202 = arith.constant 0 : i32
    %dma_start3A_203 = arith.constant 0 : i32
    %dma_start3A_204 = arith.constant 0 : i32
    %dma_start3A_205 = tpu.memref_slice %arg6[%dma_start3A_202, %dma_start3A_203, %dma_start3A_204] : memref<2x128x128xf32, #tpu.memory_space<vmem>> -> memref<1x128x128xf32, #tpu.memory_space<vmem>>
    %dma_start3A_206 = tpu.memref_squeeze %dma_start3A_205 : memref<1x128x128xf32, #tpu.memory_space<vmem>> -> memref<128x128xf32, #tpu.memory_space<vmem>>
    %dma_start3A_207 = arith.constant 0 : i32
    %dma_start3A_208 = tpu.memref_slice %arg5[%dma_start3A_201, %dma_start3A_207] : memref<32x128xi32, #tpu.memory_space<vmem>> -> memref<1x128xi32, #tpu.memory_space<vmem>>
    %dma_start3A_209 = tpu.memref_squeeze %dma_start3A_208 : memref<1x128xi32, #tpu.memory_space<vmem>> -> memref<128xi32, #tpu.memory_space<vmem>>
    %dma_start3A_210 = arith.constant 0 : i32
    %dma_start3A_211 = arith.constant 0 : i32
    %dma_start3A_212 = tpu.memref_slice %arg2[%dma_start3A_210, %dma_start3A_211] : memref<4096x128xf32, #tpu.memory_space<hbm>> -> memref<4096x128xf32, #tpu.memory_space<hbm>>
    tpu.enqueue_indirect_dma source(%dma_start3A_212 : memref<4096x128xf32, #tpu.memory_space<hbm>>) target(%dma_start3A_206 : memref<128x128xf32, #tpu.memory_space<vmem>>) offsets(%dma_start3A_209 : memref<128xi32, #tpu.memory_space<vmem>>) semaphore(%arg7 : memref<!tpu.dma_semaphore, #tpu.memory_space<semaphore_mem>>)
    %dma_wait3A_213 = arith.constant 7 : i32
    %dma_wait3A_214 = arith.constant 1 : i32
    %dma_wait3A_215 = arith.constant 0 : i32
    %dma_wait3A_216 = arith.constant 0 : i32
    %dma_wait3A_217 = tpu.memref_slice %arg6[%dma_wait3A_214, %dma_wait3A_215, %dma_wait3A_216] : memref<2x128x128xf32, #tpu.memory_space<vmem>> -> memref<1x128x128xf32, #tpu.memory_space<vmem>>
    %dma_wait3A_218 = tpu.memref_squeeze %dma_wait3A_217 : memref<1x128x128xf32, #tpu.memory_space<vmem>> -> memref<128x128xf32, #tpu.memory_space<vmem>>
    %dma_wait3A_219 = arith.constant 0 : i32
    %dma_wait3A_220 = tpu.memref_slice %arg5[%dma_wait3A_213, %dma_wait3A_219] : memref<32x128xi32, #tpu.memory_space<vmem>> -> memref<1x128xi32, #tpu.memory_space<vmem>>
    %dma_wait3A_221 = tpu.memref_squeeze %dma_wait3A_220 : memref<1x128xi32, #tpu.memory_space<vmem>> -> memref<128xi32, #tpu.memory_space<vmem>>
    %dma_wait3A_222 = arith.constant 0 : i32
    %dma_wait3A_223 = arith.constant 0 : i32
    %dma_wait3A_224 = tpu.memref_slice %arg2[%dma_wait3A_222, %dma_wait3A_223] : memref<4096x128xf32, #tpu.memory_space<hbm>> -> memref<4096x128xf32, #tpu.memory_space<hbm>>
    tpu.wait_indirect_dma semaphore(%arg8 : memref<!tpu.dma_semaphore, #tpu.memory_space<semaphore_mem>>) src(%dma_wait3A_224 : memref<4096x128xf32, #tpu.memory_space<hbm>>) dst(%dma_wait3A_218 : memref<128x128xf32, #tpu.memory_space<vmem>>)
    %add3A_225 = arith.constant 896 : i32
    %add3A_226 = arith.addi %mul3A_2, %add3A_225 : i32
    %run_scoped3A_227 = arith.constant 1 : i32
    "tpu.region"() ({
      %run_scoped3A_864 = tpu.sem_alloc : memref<!tpu.dma_semaphore, #tpu.memory_space<semaphore_mem>>
      %dma_start3A_865 = arith.constant 0 : i32
      %dma_start3A_866 = arith.constant 0 : i32
      %dma_start3A_867 = tpu.memref_slice %arg6[%run_scoped3A_227, %dma_start3A_865, %dma_start3A_866] : memref<2x128x128xf32, #tpu.memory_space<vmem>> -> memref<1x128x128xf32, #tpu.memory_space<vmem>>
      %dma_start3A_868 = tpu.memref_squeeze %dma_start3A_867 : memref<1x128x128xf32, #tpu.memory_space<vmem>> -> memref<128x128xf32, #tpu.memory_space<vmem>>
      %dma_start3A_869 = arith.constant 0 : i32
      %dma_start3A_870 = tpu.memref_slice %arg4[%add3A_226, %dma_start3A_869] : memref<131072x128xf32, #tpu.memory_space<hbm>> -> memref<128x128xf32, #tpu.memory_space<hbm>>
      %dma_start3A_871 = arith.constant 0 : i32
      %dma_start3A_872 = tpu.memref_slice %arg4[%add3A_226, %dma_start3A_871] : memref<131072x128xf32, #tpu.memory_space<hbm>> -> memref<128x128xf32, #tpu.memory_space<hbm>>
      %dma_start3A_873 = arith.constant 0 : i32
      %dma_start3A_874 = arith.constant 0 : i32
      %dma_start3A_875 = tpu.memref_slice %arg6[%run_scoped3A_227, %dma_start3A_873, %dma_start3A_874] : memref<2x128x128xf32, #tpu.memory_space<vmem>> -> memref<1x128x128xf32, #tpu.memory_space<vmem>>
      %dma_start3A_876 = tpu.memref_squeeze %dma_start3A_875 : memref<1x128x128xf32, #tpu.memory_space<vmem>> -> memref<128x128xf32, #tpu.memory_space<vmem>>
      tpu.enqueue_dma source(%dma_start3A_876 : memref<128x128xf32, #tpu.memory_space<vmem>>) target(%dma_start3A_872 : memref<128x128xf32, #tpu.memory_space<hbm>>) target_semaphore(%run_scoped3A_864 : memref<!tpu.dma_semaphore, #tpu.memory_space<semaphore_mem>>)
      %dma_wait3A_877 = arith.constant 0 : i32
      %dma_wait3A_878 = arith.constant 0 : i32
      %dma_wait3A_879 = tpu.memref_slice %arg6[%run_scoped3A_227, %dma_wait3A_877, %dma_wait3A_878] : memref<2x128x128xf32, #tpu.memory_space<vmem>> -> memref<1x128x128xf32, #tpu.memory_space<vmem>>
      %dma_wait3A_880 = tpu.memref_squeeze %dma_wait3A_879 : memref<1x128x128xf32, #tpu.memory_space<vmem>> -> memref<128x128xf32, #tpu.memory_space<vmem>>
      %dma_wait3A_881 = arith.constant 0 : i32
      %dma_wait3A_882 = tpu.memref_slice %arg4[%add3A_226, %dma_wait3A_881] : memref<131072x128xf32, #tpu.memory_space<hbm>> -> memref<128x128xf32, #tpu.memory_space<hbm>>
      %dma_wait3A_883 = arith.constant 0 : i32
      %dma_wait3A_884 = tpu.memref_slice %arg4[%add3A_226, %dma_wait3A_883] : memref<131072x128xf32, #tpu.memory_space<hbm>> -> memref<128x128xf32, #tpu.memory_space<hbm>>
      %dma_wait3A_885 = arith.constant 0 : i32
      %dma_wait3A_886 = arith.constant 0 : i32
      %dma_wait3A_887 = tpu.memref_slice %arg6[%run_scoped3A_227, %dma_wait3A_885, %dma_wait3A_886] : memref<2x128x128xf32, #tpu.memory_space<vmem>> -> memref<1x128x128xf32, #tpu.memory_space<vmem>>
      %dma_wait3A_888 = tpu.memref_squeeze %dma_wait3A_887 : memref<1x128x128xf32, #tpu.memory_space<vmem>> -> memref<128x128xf32, #tpu.memory_space<vmem>>
      tpu.wait_dma2 semaphore(%run_scoped3A_864 : memref<!tpu.dma_semaphore, #tpu.memory_space<semaphore_mem>>) src(%dma_wait3A_888 : memref<128x128xf32, #tpu.memory_space<vmem>>) dst(%dma_wait3A_884 : memref<128x128xf32, #tpu.memory_space<hbm>>)
      tpu.yield
    }) : () -> ()
    %dma_start3A_228 = arith.constant 9 : i32
    %dma_start3A_229 = arith.constant 1 : i32
    %dma_start3A_230 = arith.constant 0 : i32
    %dma_start3A_231 = arith.constant 0 : i32
    %dma_start3A_232 = tpu.memref_slice %arg6[%dma_start3A_229, %dma_start3A_230, %dma_start3A_231] : memref<2x128x128xf32, #tpu.memory_space<vmem>> -> memref<1x128x128xf32, #tpu.memory_space<vmem>>
    %dma_start3A_233 = tpu.memref_squeeze %dma_start3A_232 : memref<1x128x128xf32, #tpu.memory_space<vmem>> -> memref<128x128xf32, #tpu.memory_space<vmem>>
    %dma_start3A_234 = arith.constant 0 : i32
    %dma_start3A_235 = tpu.memref_slice %arg5[%dma_start3A_228, %dma_start3A_234] : memref<32x128xi32, #tpu.memory_space<vmem>> -> memref<1x128xi32, #tpu.memory_space<vmem>>
    %dma_start3A_236 = tpu.memref_squeeze %dma_start3A_235 : memref<1x128xi32, #tpu.memory_space<vmem>> -> memref<128xi32, #tpu.memory_space<vmem>>
    %dma_start3A_237 = arith.constant 0 : i32
    %dma_start3A_238 = arith.constant 0 : i32
    %dma_start3A_239 = tpu.memref_slice %arg2[%dma_start3A_237, %dma_start3A_238] : memref<4096x128xf32, #tpu.memory_space<hbm>> -> memref<4096x128xf32, #tpu.memory_space<hbm>>
    tpu.enqueue_indirect_dma source(%dma_start3A_239 : memref<4096x128xf32, #tpu.memory_space<hbm>>) target(%dma_start3A_233 : memref<128x128xf32, #tpu.memory_space<vmem>>) offsets(%dma_start3A_236 : memref<128xi32, #tpu.memory_space<vmem>>) semaphore(%arg8 : memref<!tpu.dma_semaphore, #tpu.memory_space<semaphore_mem>>)
    %dma_wait3A_240 = arith.constant 8 : i32
    %dma_wait3A_241 = arith.constant 0 : i32
    %dma_wait3A_242 = arith.constant 0 : i32
    %dma_wait3A_243 = arith.constant 0 : i32
    %dma_wait3A_244 = tpu.memref_slice %arg6[%dma_wait3A_241, %dma_wait3A_242, %dma_wait3A_243] : memref<2x128x128xf32, #tpu.memory_space<vmem>> -> memref<1x128x128xf32, #tpu.memory_space<vmem>>
    %dma_wait3A_245 = tpu.memref_squeeze %dma_wait3A_244 : memref<1x128x128xf32, #tpu.memory_space<vmem>> -> memref<128x128xf32, #tpu.memory_space<vmem>>
    %dma_wait3A_246 = arith.constant 0 : i32
    %dma_wait3A_247 = tpu.memref_slice %arg5[%dma_wait3A_240, %dma_wait3A_246] : memref<32x128xi32, #tpu.memory_space<vmem>> -> memref<1x128xi32, #tpu.memory_space<vmem>>
    %dma_wait3A_248 = tpu.memref_squeeze %dma_wait3A_247 : memref<1x128xi32, #tpu.memory_space<vmem>> -> memref<128xi32, #tpu.memory_space<vmem>>
    %dma_wait3A_249 = arith.constant 0 : i32
    %dma_wait3A_250 = arith.constant 0 : i32
    %dma_wait3A_251 = tpu.memref_slice %arg2[%dma_wait3A_249, %dma_wait3A_250] : memref<4096x128xf32, #tpu.memory_space<hbm>> -> memref<4096x128xf32, #tpu.memory_space<hbm>>
    tpu.wait_indirect_dma semaphore(%arg7 : memref<!tpu.dma_semaphore, #tpu.memory_space<semaphore_mem>>) src(%dma_wait3A_251 : memref<4096x128xf32, #tpu.memory_space<hbm>>) dst(%dma_wait3A_245 : memref<128x128xf32, #tpu.memory_space<vmem>>)
    %add3A_252 = arith.constant 1024 : i32
    %add3A_253 = arith.addi %mul3A_2, %add3A_252 : i32
    %run_scoped3A_254 = arith.constant 0 : i32
    "tpu.region"() ({
      %run_scoped3A_864 = tpu.sem_alloc : memref<!tpu.dma_semaphore, #tpu.memory_space<semaphore_mem>>
      %dma_start3A_865 = arith.constant 0 : i32
      %dma_start3A_866 = arith.constant 0 : i32
      %dma_start3A_867 = tpu.memref_slice %arg6[%run_scoped3A_254, %dma_start3A_865, %dma_start3A_866] : memref<2x128x128xf32, #tpu.memory_space<vmem>> -> memref<1x128x128xf32, #tpu.memory_space<vmem>>
      %dma_start3A_868 = tpu.memref_squeeze %dma_start3A_867 : memref<1x128x128xf32, #tpu.memory_space<vmem>> -> memref<128x128xf32, #tpu.memory_space<vmem>>
      %dma_start3A_869 = arith.constant 0 : i32
      %dma_start3A_870 = tpu.memref_slice %arg4[%add3A_253, %dma_start3A_869] : memref<131072x128xf32, #tpu.memory_space<hbm>> -> memref<128x128xf32, #tpu.memory_space<hbm>>
      %dma_start3A_871 = arith.constant 0 : i32
      %dma_start3A_872 = tpu.memref_slice %arg4[%add3A_253, %dma_start3A_871] : memref<131072x128xf32, #tpu.memory_space<hbm>> -> memref<128x128xf32, #tpu.memory_space<hbm>>
      %dma_start3A_873 = arith.constant 0 : i32
      %dma_start3A_874 = arith.constant 0 : i32
      %dma_start3A_875 = tpu.memref_slice %arg6[%run_scoped3A_254, %dma_start3A_873, %dma_start3A_874] : memref<2x128x128xf32, #tpu.memory_space<vmem>> -> memref<1x128x128xf32, #tpu.memory_space<vmem>>
      %dma_start3A_876 = tpu.memref_squeeze %dma_start3A_875 : memref<1x128x128xf32, #tpu.memory_space<vmem>> -> memref<128x128xf32, #tpu.memory_space<vmem>>
      tpu.enqueue_dma source(%dma_start3A_876 : memref<128x128xf32, #tpu.memory_space<vmem>>) target(%dma_start3A_872 : memref<128x128xf32, #tpu.memory_space<hbm>>) target_semaphore(%run_scoped3A_864 : memref<!tpu.dma_semaphore, #tpu.memory_space<semaphore_mem>>)
      %dma_wait3A_877 = arith.constant 0 : i32
      %dma_wait3A_878 = arith.constant 0 : i32
      %dma_wait3A_879 = tpu.memref_slice %arg6[%run_scoped3A_254, %dma_wait3A_877, %dma_wait3A_878] : memref<2x128x128xf32, #tpu.memory_space<vmem>> -> memref<1x128x128xf32, #tpu.memory_space<vmem>>
      %dma_wait3A_880 = tpu.memref_squeeze %dma_wait3A_879 : memref<1x128x128xf32, #tpu.memory_space<vmem>> -> memref<128x128xf32, #tpu.memory_space<vmem>>
      %dma_wait3A_881 = arith.constant 0 : i32
      %dma_wait3A_882 = tpu.memref_slice %arg4[%add3A_253, %dma_wait3A_881] : memref<131072x128xf32, #tpu.memory_space<hbm>> -> memref<128x128xf32, #tpu.memory_space<hbm>>
      %dma_wait3A_883 = arith.constant 0 : i32
      %dma_wait3A_884 = tpu.memref_slice %arg4[%add3A_253, %dma_wait3A_883] : memref<131072x128xf32, #tpu.memory_space<hbm>> -> memref<128x128xf32, #tpu.memory_space<hbm>>
      %dma_wait3A_885 = arith.constant 0 : i32
      %dma_wait3A_886 = arith.constant 0 : i32
      %dma_wait3A_887 = tpu.memref_slice %arg6[%run_scoped3A_254, %dma_wait3A_885, %dma_wait3A_886] : memref<2x128x128xf32, #tpu.memory_space<vmem>> -> memref<1x128x128xf32, #tpu.memory_space<vmem>>
      %dma_wait3A_888 = tpu.memref_squeeze %dma_wait3A_887 : memref<1x128x128xf32, #tpu.memory_space<vmem>> -> memref<128x128xf32, #tpu.memory_space<vmem>>
      tpu.wait_dma2 semaphore(%run_scoped3A_864 : memref<!tpu.dma_semaphore, #tpu.memory_space<semaphore_mem>>) src(%dma_wait3A_888 : memref<128x128xf32, #tpu.memory_space<vmem>>) dst(%dma_wait3A_884 : memref<128x128xf32, #tpu.memory_space<hbm>>)
      tpu.yield
    }) : () -> ()
    %dma_start3A_255 = arith.constant 10 : i32
    %dma_start3A_256 = arith.constant 0 : i32
    %dma_start3A_257 = arith.constant 0 : i32
    %dma_start3A_258 = arith.constant 0 : i32
    %dma_start3A_259 = tpu.memref_slice %arg6[%dma_start3A_256, %dma_start3A_257, %dma_start3A_258] : memref<2x128x128xf32, #tpu.memory_space<vmem>> -> memref<1x128x128xf32, #tpu.memory_space<vmem>>
    %dma_start3A_260 = tpu.memref_squeeze %dma_start3A_259 : memref<1x128x128xf32, #tpu.memory_space<vmem>> -> memref<128x128xf32, #tpu.memory_space<vmem>>
    %dma_start3A_261 = arith.constant 0 : i32
    %dma_start3A_262 = tpu.memref_slice %arg5[%dma_start3A_255, %dma_start3A_261] : memref<32x128xi32, #tpu.memory_space<vmem>> -> memref<1x128xi32, #tpu.memory_space<vmem>>
    %dma_start3A_263 = tpu.memref_squeeze %dma_start3A_262 : memref<1x128xi32, #tpu.memory_space<vmem>> -> memref<128xi32, #tpu.memory_space<vmem>>
    %dma_start3A_264 = arith.constant 0 : i32
    %dma_start3A_265 = arith.constant 0 : i32
    %dma_start3A_266 = tpu.memref_slice %arg2[%dma_start3A_264, %dma_start3A_265] : memref<4096x128xf32, #tpu.memory_space<hbm>> -> memref<4096x128xf32, #tpu.memory_space<hbm>>
    tpu.enqueue_indirect_dma source(%dma_start3A_266 : memref<4096x128xf32, #tpu.memory_space<hbm>>) target(%dma_start3A_260 : memref<128x128xf32, #tpu.memory_space<vmem>>) offsets(%dma_start3A_263 : memref<128xi32, #tpu.memory_space<vmem>>) semaphore(%arg7 : memref<!tpu.dma_semaphore, #tpu.memory_space<semaphore_mem>>)
    %dma_wait3A_267 = arith.constant 9 : i32
    %dma_wait3A_268 = arith.constant 1 : i32
    %dma_wait3A_269 = arith.constant 0 : i32
    %dma_wait3A_270 = arith.constant 0 : i32
    %dma_wait3A_271 = tpu.memref_slice %arg6[%dma_wait3A_268, %dma_wait3A_269, %dma_wait3A_270] : memref<2x128x128xf32, #tpu.memory_space<vmem>> -> memref<1x128x128xf32, #tpu.memory_space<vmem>>
    %dma_wait3A_272 = tpu.memref_squeeze %dma_wait3A_271 : memref<1x128x128xf32, #tpu.memory_space<vmem>> -> memref<128x128xf32, #tpu.memory_space<vmem>>
    %dma_wait3A_273 = arith.constant 0 : i32
    %dma_wait3A_274 = tpu.memref_slice %arg5[%dma_wait3A_267, %dma_wait3A_273] : memref<32x128xi32, #tpu.memory_space<vmem>> -> memref<1x128xi32, #tpu.memory_space<vmem>>
    %dma_wait3A_275 = tpu.memref_squeeze %dma_wait3A_274 : memref<1x128xi32, #tpu.memory_space<vmem>> -> memref<128xi32, #tpu.memory_space<vmem>>
    %dma_wait3A_276 = arith.constant 0 : i32
    %dma_wait3A_277 = arith.constant 0 : i32
    %dma_wait3A_278 = tpu.memref_slice %arg2[%dma_wait3A_276, %dma_wait3A_277] : memref<4096x128xf32, #tpu.memory_space<hbm>> -> memref<4096x128xf32, #tpu.memory_space<hbm>>
    tpu.wait_indirect_dma semaphore(%arg8 : memref<!tpu.dma_semaphore, #tpu.memory_space<semaphore_mem>>) src(%dma_wait3A_278 : memref<4096x128xf32, #tpu.memory_space<hbm>>) dst(%dma_wait3A_272 : memref<128x128xf32, #tpu.memory_space<vmem>>)
    %add3A_279 = arith.constant 1152 : i32
    %add3A_280 = arith.addi %mul3A_2, %add3A_279 : i32
    %run_scoped3A_281 = arith.constant 1 : i32
    "tpu.region"() ({
      %run_scoped3A_864 = tpu.sem_alloc : memref<!tpu.dma_semaphore, #tpu.memory_space<semaphore_mem>>
      %dma_start3A_865 = arith.constant 0 : i32
      %dma_start3A_866 = arith.constant 0 : i32
      %dma_start3A_867 = tpu.memref_slice %arg6[%run_scoped3A_281, %dma_start3A_865, %dma_start3A_866] : memref<2x128x128xf32, #tpu.memory_space<vmem>> -> memref<1x128x128xf32, #tpu.memory_space<vmem>>
      %dma_start3A_868 = tpu.memref_squeeze %dma_start3A_867 : memref<1x128x128xf32, #tpu.memory_space<vmem>> -> memref<128x128xf32, #tpu.memory_space<vmem>>
      %dma_start3A_869 = arith.constant 0 : i32
      %dma_start3A_870 = tpu.memref_slice %arg4[%add3A_280, %dma_start3A_869] : memref<131072x128xf32, #tpu.memory_space<hbm>> -> memref<128x128xf32, #tpu.memory_space<hbm>>
      %dma_start3A_871 = arith.constant 0 : i32
      %dma_start3A_872 = tpu.memref_slice %arg4[%add3A_280, %dma_start3A_871] : memref<131072x128xf32, #tpu.memory_space<hbm>> -> memref<128x128xf32, #tpu.memory_space<hbm>>
      %dma_start3A_873 = arith.constant 0 : i32
      %dma_start3A_874 = arith.constant 0 : i32
      %dma_start3A_875 = tpu.memref_slice %arg6[%run_scoped3A_281, %dma_start3A_873, %dma_start3A_874] : memref<2x128x128xf32, #tpu.memory_space<vmem>> -> memref<1x128x128xf32, #tpu.memory_space<vmem>>
      %dma_start3A_876 = tpu.memref_squeeze %dma_start3A_875 : memref<1x128x128xf32, #tpu.memory_space<vmem>> -> memref<128x128xf32, #tpu.memory_space<vmem>>
      tpu.enqueue_dma source(%dma_start3A_876 : memref<128x128xf32, #tpu.memory_space<vmem>>) target(%dma_start3A_872 : memref<128x128xf32, #tpu.memory_space<hbm>>) target_semaphore(%run_scoped3A_864 : memref<!tpu.dma_semaphore, #tpu.memory_space<semaphore_mem>>)
      %dma_wait3A_877 = arith.constant 0 : i32
      %dma_wait3A_878 = arith.constant 0 : i32
      %dma_wait3A_879 = tpu.memref_slice %arg6[%run_scoped3A_281, %dma_wait3A_877, %dma_wait3A_878] : memref<2x128x128xf32, #tpu.memory_space<vmem>> -> memref<1x128x128xf32, #tpu.memory_space<vmem>>
      %dma_wait3A_880 = tpu.memref_squeeze %dma_wait3A_879 : memref<1x128x128xf32, #tpu.memory_space<vmem>> -> memref<128x128xf32, #tpu.memory_space<vmem>>
      %dma_wait3A_881 = arith.constant 0 : i32
      %dma_wait3A_882 = tpu.memref_slice %arg4[%add3A_280, %dma_wait3A_881] : memref<131072x128xf32, #tpu.memory_space<hbm>> -> memref<128x128xf32, #tpu.memory_space<hbm>>
      %dma_wait3A_883 = arith.constant 0 : i32
      %dma_wait3A_884 = tpu.memref_slice %arg4[%add3A_280, %dma_wait3A_883] : memref<131072x128xf32, #tpu.memory_space<hbm>> -> memref<128x128xf32, #tpu.memory_space<hbm>>
      %dma_wait3A_885 = arith.constant 0 : i32
      %dma_wait3A_886 = arith.constant 0 : i32
      %dma_wait3A_887 = tpu.memref_slice %arg6[%run_scoped3A_281, %dma_wait3A_885, %dma_wait3A_886] : memref<2x128x128xf32, #tpu.memory_space<vmem>> -> memref<1x128x128xf32, #tpu.memory_space<vmem>>
      %dma_wait3A_888 = tpu.memref_squeeze %dma_wait3A_887 : memref<1x128x128xf32, #tpu.memory_space<vmem>> -> memref<128x128xf32, #tpu.memory_space<vmem>>
      tpu.wait_dma2 semaphore(%run_scoped3A_864 : memref<!tpu.dma_semaphore, #tpu.memory_space<semaphore_mem>>) src(%dma_wait3A_888 : memref<128x128xf32, #tpu.memory_space<vmem>>) dst(%dma_wait3A_884 : memref<128x128xf32, #tpu.memory_space<hbm>>)
      tpu.yield
    }) : () -> ()
    %dma_start3A_282 = arith.constant 11 : i32
    %dma_start3A_283 = arith.constant 1 : i32
    %dma_start3A_284 = arith.constant 0 : i32
    %dma_start3A_285 = arith.constant 0 : i32
    %dma_start3A_286 = tpu.memref_slice %arg6[%dma_start3A_283, %dma_start3A_284, %dma_start3A_285] : memref<2x128x128xf32, #tpu.memory_space<vmem>> -> memref<1x128x128xf32, #tpu.memory_space<vmem>>
    %dma_start3A_287 = tpu.memref_squeeze %dma_start3A_286 : memref<1x128x128xf32, #tpu.memory_space<vmem>> -> memref<128x128xf32, #tpu.memory_space<vmem>>
    %dma_start3A_288 = arith.constant 0 : i32
    %dma_start3A_289 = tpu.memref_slice %arg5[%dma_start3A_282, %dma_start3A_288] : memref<32x128xi32, #tpu.memory_space<vmem>> -> memref<1x128xi32, #tpu.memory_space<vmem>>
    %dma_start3A_290 = tpu.memref_squeeze %dma_start3A_289 : memref<1x128xi32, #tpu.memory_space<vmem>> -> memref<128xi32, #tpu.memory_space<vmem>>
    %dma_start3A_291 = arith.constant 0 : i32
    %dma_start3A_292 = arith.constant 0 : i32
    %dma_start3A_293 = tpu.memref_slice %arg2[%dma_start3A_291, %dma_start3A_292] : memref<4096x128xf32, #tpu.memory_space<hbm>> -> memref<4096x128xf32, #tpu.memory_space<hbm>>
    tpu.enqueue_indirect_dma source(%dma_start3A_293 : memref<4096x128xf32, #tpu.memory_space<hbm>>) target(%dma_start3A_287 : memref<128x128xf32, #tpu.memory_space<vmem>>) offsets(%dma_start3A_290 : memref<128xi32, #tpu.memory_space<vmem>>) semaphore(%arg8 : memref<!tpu.dma_semaphore, #tpu.memory_space<semaphore_mem>>)
    %dma_wait3A_294 = arith.constant 10 : i32
    %dma_wait3A_295 = arith.constant 0 : i32
    %dma_wait3A_296 = arith.constant 0 : i32
    %dma_wait3A_297 = arith.constant 0 : i32
    %dma_wait3A_298 = tpu.memref_slice %arg6[%dma_wait3A_295, %dma_wait3A_296, %dma_wait3A_297] : memref<2x128x128xf32, #tpu.memory_space<vmem>> -> memref<1x128x128xf32, #tpu.memory_space<vmem>>
    %dma_wait3A_299 = tpu.memref_squeeze %dma_wait3A_298 : memref<1x128x128xf32, #tpu.memory_space<vmem>> -> memref<128x128xf32, #tpu.memory_space<vmem>>
    %dma_wait3A_300 = arith.constant 0 : i32
    %dma_wait3A_301 = tpu.memref_slice %arg5[%dma_wait3A_294, %dma_wait3A_300] : memref<32x128xi32, #tpu.memory_space<vmem>> -> memref<1x128xi32, #tpu.memory_space<vmem>>
    %dma_wait3A_302 = tpu.memref_squeeze %dma_wait3A_301 : memref<1x128xi32, #tpu.memory_space<vmem>> -> memref<128xi32, #tpu.memory_space<vmem>>
    %dma_wait3A_303 = arith.constant 0 : i32
    %dma_wait3A_304 = arith.constant 0 : i32
    %dma_wait3A_305 = tpu.memref_slice %arg2[%dma_wait3A_303, %dma_wait3A_304] : memref<4096x128xf32, #tpu.memory_space<hbm>> -> memref<4096x128xf32, #tpu.memory_space<hbm>>
    tpu.wait_indirect_dma semaphore(%arg7 : memref<!tpu.dma_semaphore, #tpu.memory_space<semaphore_mem>>) src(%dma_wait3A_305 : memref<4096x128xf32, #tpu.memory_space<hbm>>) dst(%dma_wait3A_299 : memref<128x128xf32, #tpu.memory_space<vmem>>)
    %add3A_306 = arith.constant 1280 : i32
    %add3A_307 = arith.addi %mul3A_2, %add3A_306 : i32
    %run_scoped3A_308 = arith.constant 0 : i32
    "tpu.region"() ({
      %run_scoped3A_864 = tpu.sem_alloc : memref<!tpu.dma_semaphore, #tpu.memory_space<semaphore_mem>>
      %dma_start3A_865 = arith.constant 0 : i32
      %dma_start3A_866 = arith.constant 0 : i32
      %dma_start3A_867 = tpu.memref_slice %arg6[%run_scoped3A_308, %dma_start3A_865, %dma_start3A_866] : memref<2x128x128xf32, #tpu.memory_space<vmem>> -> memref<1x128x128xf32, #tpu.memory_space<vmem>>
      %dma_start3A_868 = tpu.memref_squeeze %dma_start3A_867 : memref<1x128x128xf32, #tpu.memory_space<vmem>> -> memref<128x128xf32, #tpu.memory_space<vmem>>
      %dma_start3A_869 = arith.constant 0 : i32
      %dma_start3A_870 = tpu.memref_slice %arg4[%add3A_307, %dma_start3A_869] : memref<131072x128xf32, #tpu.memory_space<hbm>> -> memref<128x128xf32, #tpu.memory_space<hbm>>
      %dma_start3A_871 = arith.constant 0 : i32
      %dma_start3A_872 = tpu.memref_slice %arg4[%add3A_307, %dma_start3A_871] : memref<131072x128xf32, #tpu.memory_space<hbm>> -> memref<128x128xf32, #tpu.memory_space<hbm>>
      %dma_start3A_873 = arith.constant 0 : i32
      %dma_start3A_874 = arith.constant 0 : i32
      %dma_start3A_875 = tpu.memref_slice %arg6[%run_scoped3A_308, %dma_start3A_873, %dma_start3A_874] : memref<2x128x128xf32, #tpu.memory_space<vmem>> -> memref<1x128x128xf32, #tpu.memory_space<vmem>>
      %dma_start3A_876 = tpu.memref_squeeze %dma_start3A_875 : memref<1x128x128xf32, #tpu.memory_space<vmem>> -> memref<128x128xf32, #tpu.memory_space<vmem>>
      tpu.enqueue_dma source(%dma_start3A_876 : memref<128x128xf32, #tpu.memory_space<vmem>>) target(%dma_start3A_872 : memref<128x128xf32, #tpu.memory_space<hbm>>) target_semaphore(%run_scoped3A_864 : memref<!tpu.dma_semaphore, #tpu.memory_space<semaphore_mem>>)
      %dma_wait3A_877 = arith.constant 0 : i32
      %dma_wait3A_878 = arith.constant 0 : i32
      %dma_wait3A_879 = tpu.memref_slice %arg6[%run_scoped3A_308, %dma_wait3A_877, %dma_wait3A_878] : memref<2x128x128xf32, #tpu.memory_space<vmem>> -> memref<1x128x128xf32, #tpu.memory_space<vmem>>
      %dma_wait3A_880 = tpu.memref_squeeze %dma_wait3A_879 : memref<1x128x128xf32, #tpu.memory_space<vmem>> -> memref<128x128xf32, #tpu.memory_space<vmem>>
      %dma_wait3A_881 = arith.constant 0 : i32
      %dma_wait3A_882 = tpu.memref_slice %arg4[%add3A_307, %dma_wait3A_881] : memref<131072x128xf32, #tpu.memory_space<hbm>> -> memref<128x128xf32, #tpu.memory_space<hbm>>
      %dma_wait3A_883 = arith.constant 0 : i32
      %dma_wait3A_884 = tpu.memref_slice %arg4[%add3A_307, %dma_wait3A_883] : memref<131072x128xf32, #tpu.memory_space<hbm>> -> memref<128x128xf32, #tpu.memory_space<hbm>>
      %dma_wait3A_885 = arith.constant 0 : i32
      %dma_wait3A_886 = arith.constant 0 : i32
      %dma_wait3A_887 = tpu.memref_slice %arg6[%run_scoped3A_308, %dma_wait3A_885, %dma_wait3A_886] : memref<2x128x128xf32, #tpu.memory_space<vmem>> -> memref<1x128x128xf32, #tpu.memory_space<vmem>>
      %dma_wait3A_888 = tpu.memref_squeeze %dma_wait3A_887 : memref<1x128x128xf32, #tpu.memory_space<vmem>> -> memref<128x128xf32, #tpu.memory_space<vmem>>
      tpu.wait_dma2 semaphore(%run_scoped3A_864 : memref<!tpu.dma_semaphore, #tpu.memory_space<semaphore_mem>>) src(%dma_wait3A_888 : memref<128x128xf32, #tpu.memory_space<vmem>>) dst(%dma_wait3A_884 : memref<128x128xf32, #tpu.memory_space<hbm>>)
      tpu.yield
    }) : () -> ()
    %dma_start3A_309 = arith.constant 12 : i32
    %dma_start3A_310 = arith.constant 0 : i32
    %dma_start3A_311 = arith.constant 0 : i32
    %dma_start3A_312 = arith.constant 0 : i32
    %dma_start3A_313 = tpu.memref_slice %arg6[%dma_start3A_310, %dma_start3A_311, %dma_start3A_312] : memref<2x128x128xf32, #tpu.memory_space<vmem>> -> memref<1x128x128xf32, #tpu.memory_space<vmem>>
    %dma_start3A_314 = tpu.memref_squeeze %dma_start3A_313 : memref<1x128x128xf32, #tpu.memory_space<vmem>> -> memref<128x128xf32, #tpu.memory_space<vmem>>
    %dma_start3A_315 = arith.constant 0 : i32
    %dma_start3A_316 = tpu.memref_slice %arg5[%dma_start3A_309, %dma_start3A_315] : memref<32x128xi32, #tpu.memory_space<vmem>> -> memref<1x128xi32, #tpu.memory_space<vmem>>
    %dma_start3A_317 = tpu.memref_squeeze %dma_start3A_316 : memref<1x128xi32, #tpu.memory_space<vmem>> -> memref<128xi32, #tpu.memory_space<vmem>>
    %dma_start3A_318 = arith.constant 0 : i32
    %dma_start3A_319 = arith.constant 0 : i32
    %dma_start3A_320 = tpu.memref_slice %arg2[%dma_start3A_318, %dma_start3A_319] : memref<4096x128xf32, #tpu.memory_space<hbm>> -> memref<4096x128xf32, #tpu.memory_space<hbm>>
    tpu.enqueue_indirect_dma source(%dma_start3A_320 : memref<4096x128xf32, #tpu.memory_space<hbm>>) target(%dma_start3A_314 : memref<128x128xf32, #tpu.memory_space<vmem>>) offsets(%dma_start3A_317 : memref<128xi32, #tpu.memory_space<vmem>>) semaphore(%arg7 : memref<!tpu.dma_semaphore, #tpu.memory_space<semaphore_mem>>)
    %dma_wait3A_321 = arith.constant 11 : i32
    %dma_wait3A_322 = arith.constant 1 : i32
    %dma_wait3A_323 = arith.constant 0 : i32
    %dma_wait3A_324 = arith.constant 0 : i32
    %dma_wait3A_325 = tpu.memref_slice %arg6[%dma_wait3A_322, %dma_wait3A_323, %dma_wait3A_324] : memref<2x128x128xf32, #tpu.memory_space<vmem>> -> memref<1x128x128xf32, #tpu.memory_space<vmem>>
    %dma_wait3A_326 = tpu.memref_squeeze %dma_wait3A_325 : memref<1x128x128xf32, #tpu.memory_space<vmem>> -> memref<128x128xf32, #tpu.memory_space<vmem>>
    %dma_wait3A_327 = arith.constant 0 : i32
    %dma_wait3A_328 = tpu.memref_slice %arg5[%dma_wait3A_321, %dma_wait3A_327] : memref<32x128xi32, #tpu.memory_space<vmem>> -> memref<1x128xi32, #tpu.memory_space<vmem>>
    %dma_wait3A_329 = tpu.memref_squeeze %dma_wait3A_328 : memref<1x128xi32, #tpu.memory_space<vmem>> -> memref<128xi32, #tpu.memory_space<vmem>>
    %dma_wait3A_330 = arith.constant 0 : i32
    %dma_wait3A_331 = arith.constant 0 : i32
    %dma_wait3A_332 = tpu.memref_slice %arg2[%dma_wait3A_330, %dma_wait3A_331] : memref<4096x128xf32, #tpu.memory_space<hbm>> -> memref<4096x128xf32, #tpu.memory_space<hbm>>
    tpu.wait_indirect_dma semaphore(%arg8 : memref<!tpu.dma_semaphore, #tpu.memory_space<semaphore_mem>>) src(%dma_wait3A_332 : memref<4096x128xf32, #tpu.memory_space<hbm>>) dst(%dma_wait3A_326 : memref<128x128xf32, #tpu.memory_space<vmem>>)
    %add3A_333 = arith.constant 1408 : i32
    %add3A_334 = arith.addi %mul3A_2, %add3A_333 : i32
    %run_scoped3A_335 = arith.constant 1 : i32
    "tpu.region"() ({
      %run_scoped3A_864 = tpu.sem_alloc : memref<!tpu.dma_semaphore, #tpu.memory_space<semaphore_mem>>
      %dma_start3A_865 = arith.constant 0 : i32
      %dma_start3A_866 = arith.constant 0 : i32
      %dma_start3A_867 = tpu.memref_slice %arg6[%run_scoped3A_335, %dma_start3A_865, %dma_start3A_866] : memref<2x128x128xf32, #tpu.memory_space<vmem>> -> memref<1x128x128xf32, #tpu.memory_space<vmem>>
      %dma_start3A_868 = tpu.memref_squeeze %dma_start3A_867 : memref<1x128x128xf32, #tpu.memory_space<vmem>> -> memref<128x128xf32, #tpu.memory_space<vmem>>
      %dma_start3A_869 = arith.constant 0 : i32
      %dma_start3A_870 = tpu.memref_slice %arg4[%add3A_334, %dma_start3A_869] : memref<131072x128xf32, #tpu.memory_space<hbm>> -> memref<128x128xf32, #tpu.memory_space<hbm>>
      %dma_start3A_871 = arith.constant 0 : i32
      %dma_start3A_872 = tpu.memref_slice %arg4[%add3A_334, %dma_start3A_871] : memref<131072x128xf32, #tpu.memory_space<hbm>> -> memref<128x128xf32, #tpu.memory_space<hbm>>
      %dma_start3A_873 = arith.constant 0 : i32
      %dma_start3A_874 = arith.constant 0 : i32
      %dma_start3A_875 = tpu.memref_slice %arg6[%run_scoped3A_335, %dma_start3A_873, %dma_start3A_874] : memref<2x128x128xf32, #tpu.memory_space<vmem>> -> memref<1x128x128xf32, #tpu.memory_space<vmem>>
      %dma_start3A_876 = tpu.memref_squeeze %dma_start3A_875 : memref<1x128x128xf32, #tpu.memory_space<vmem>> -> memref<128x128xf32, #tpu.memory_space<vmem>>
      tpu.enqueue_dma source(%dma_start3A_876 : memref<128x128xf32, #tpu.memory_space<vmem>>) target(%dma_start3A_872 : memref<128x128xf32, #tpu.memory_space<hbm>>) target_semaphore(%run_scoped3A_864 : memref<!tpu.dma_semaphore, #tpu.memory_space<semaphore_mem>>)
      %dma_wait3A_877 = arith.constant 0 : i32
      %dma_wait3A_878 = arith.constant 0 : i32
      %dma_wait3A_879 = tpu.memref_slice %arg6[%run_scoped3A_335, %dma_wait3A_877, %dma_wait3A_878] : memref<2x128x128xf32, #tpu.memory_space<vmem>> -> memref<1x128x128xf32, #tpu.memory_space<vmem>>
      %dma_wait3A_880 = tpu.memref_squeeze %dma_wait3A_879 : memref<1x128x128xf32, #tpu.memory_space<vmem>> -> memref<128x128xf32, #tpu.memory_space<vmem>>
      %dma_wait3A_881 = arith.constant 0 : i32
      %dma_wait3A_882 = tpu.memref_slice %arg4[%add3A_334, %dma_wait3A_881] : memref<131072x128xf32, #tpu.memory_space<hbm>> -> memref<128x128xf32, #tpu.memory_space<hbm>>
      %dma_wait3A_883 = arith.constant 0 : i32
      %dma_wait3A_884 = tpu.memref_slice %arg4[%add3A_334, %dma_wait3A_883] : memref<131072x128xf32, #tpu.memory_space<hbm>> -> memref<128x128xf32, #tpu.memory_space<hbm>>
      %dma_wait3A_885 = arith.constant 0 : i32
      %dma_wait3A_886 = arith.constant 0 : i32
      %dma_wait3A_887 = tpu.memref_slice %arg6[%run_scoped3A_335, %dma_wait3A_885, %dma_wait3A_886] : memref<2x128x128xf32, #tpu.memory_space<vmem>> -> memref<1x128x128xf32, #tpu.memory_space<vmem>>
      %dma_wait3A_888 = tpu.memref_squeeze %dma_wait3A_887 : memref<1x128x128xf32, #tpu.memory_space<vmem>> -> memref<128x128xf32, #tpu.memory_space<vmem>>
      tpu.wait_dma2 semaphore(%run_scoped3A_864 : memref<!tpu.dma_semaphore, #tpu.memory_space<semaphore_mem>>) src(%dma_wait3A_888 : memref<128x128xf32, #tpu.memory_space<vmem>>) dst(%dma_wait3A_884 : memref<128x128xf32, #tpu.memory_space<hbm>>)
      tpu.yield
    }) : () -> ()
    %dma_start3A_336 = arith.constant 13 : i32
    %dma_start3A_337 = arith.constant 1 : i32
    %dma_start3A_338 = arith.constant 0 : i32
    %dma_start3A_339 = arith.constant 0 : i32
    %dma_start3A_340 = tpu.memref_slice %arg6[%dma_start3A_337, %dma_start3A_338, %dma_start3A_339] : memref<2x128x128xf32, #tpu.memory_space<vmem>> -> memref<1x128x128xf32, #tpu.memory_space<vmem>>
    %dma_start3A_341 = tpu.memref_squeeze %dma_start3A_340 : memref<1x128x128xf32, #tpu.memory_space<vmem>> -> memref<128x128xf32, #tpu.memory_space<vmem>>
    %dma_start3A_342 = arith.constant 0 : i32
    %dma_start3A_343 = tpu.memref_slice %arg5[%dma_start3A_336, %dma_start3A_342] : memref<32x128xi32, #tpu.memory_space<vmem>> -> memref<1x128xi32, #tpu.memory_space<vmem>>
    %dma_start3A_344 = tpu.memref_squeeze %dma_start3A_343 : memref<1x128xi32, #tpu.memory_space<vmem>> -> memref<128xi32, #tpu.memory_space<vmem>>
    %dma_start3A_345 = arith.constant 0 : i32
    %dma_start3A_346 = arith.constant 0 : i32
    %dma_start3A_347 = tpu.memref_slice %arg2[%dma_start3A_345, %dma_start3A_346] : memref<4096x128xf32, #tpu.memory_space<hbm>> -> memref<4096x128xf32, #tpu.memory_space<hbm>>
    tpu.enqueue_indirect_dma source(%dma_start3A_347 : memref<4096x128xf32, #tpu.memory_space<hbm>>) target(%dma_start3A_341 : memref<128x128xf32, #tpu.memory_space<vmem>>) offsets(%dma_start3A_344 : memref<128xi32, #tpu.memory_space<vmem>>) semaphore(%arg8 : memref<!tpu.dma_semaphore, #tpu.memory_space<semaphore_mem>>)
    %dma_wait3A_348 = arith.constant 12 : i32
    %dma_wait3A_349 = arith.constant 0 : i32
    %dma_wait3A_350 = arith.constant 0 : i32
    %dma_wait3A_351 = arith.constant 0 : i32
    %dma_wait3A_352 = tpu.memref_slice %arg6[%dma_wait3A_349, %dma_wait3A_350, %dma_wait3A_351] : memref<2x128x128xf32, #tpu.memory_space<vmem>> -> memref<1x128x128xf32, #tpu.memory_space<vmem>>
    %dma_wait3A_353 = tpu.memref_squeeze %dma_wait3A_352 : memref<1x128x128xf32, #tpu.memory_space<vmem>> -> memref<128x128xf32, #tpu.memory_space<vmem>>
    %dma_wait3A_354 = arith.constant 0 : i32
    %dma_wait3A_355 = tpu.memref_slice %arg5[%dma_wait3A_348, %dma_wait3A_354] : memref<32x128xi32, #tpu.memory_space<vmem>> -> memref<1x128xi32, #tpu.memory_space<vmem>>
    %dma_wait3A_356 = tpu.memref_squeeze %dma_wait3A_355 : memref<1x128xi32, #tpu.memory_space<vmem>> -> memref<128xi32, #tpu.memory_space<vmem>>
    %dma_wait3A_357 = arith.constant 0 : i32
    %dma_wait3A_358 = arith.constant 0 : i32
    %dma_wait3A_359 = tpu.memref_slice %arg2[%dma_wait3A_357, %dma_wait3A_358] : memref<4096x128xf32, #tpu.memory_space<hbm>> -> memref<4096x128xf32, #tpu.memory_space<hbm>>
    tpu.wait_indirect_dma semaphore(%arg7 : memref<!tpu.dma_semaphore, #tpu.memory_space<semaphore_mem>>) src(%dma_wait3A_359 : memref<4096x128xf32, #tpu.memory_space<hbm>>) dst(%dma_wait3A_353 : memref<128x128xf32, #tpu.memory_space<vmem>>)
    %add3A_360 = arith.constant 1536 : i32
    %add3A_361 = arith.addi %mul3A_2, %add3A_360 : i32
    %run_scoped3A_362 = arith.constant 0 : i32
    "tpu.region"() ({
      %run_scoped3A_864 = tpu.sem_alloc : memref<!tpu.dma_semaphore, #tpu.memory_space<semaphore_mem>>
      %dma_start3A_865 = arith.constant 0 : i32
      %dma_start3A_866 = arith.constant 0 : i32
      %dma_start3A_867 = tpu.memref_slice %arg6[%run_scoped3A_362, %dma_start3A_865, %dma_start3A_866] : memref<2x128x128xf32, #tpu.memory_space<vmem>> -> memref<1x128x128xf32, #tpu.memory_space<vmem>>
      %dma_start3A_868 = tpu.memref_squeeze %dma_start3A_867 : memref<1x128x128xf32, #tpu.memory_space<vmem>> -> memref<128x128xf32, #tpu.memory_space<vmem>>
      %dma_start3A_869 = arith.constant 0 : i32
      %dma_start3A_870 = tpu.memref_slice %arg4[%add3A_361, %dma_start3A_869] : memref<131072x128xf32, #tpu.memory_space<hbm>> -> memref<128x128xf32, #tpu.memory_space<hbm>>
      %dma_start3A_871 = arith.constant 0 : i32
      %dma_start3A_872 = tpu.memref_slice %arg4[%add3A_361, %dma_start3A_871] : memref<131072x128xf32, #tpu.memory_space<hbm>> -> memref<128x128xf32, #tpu.memory_space<hbm>>
      %dma_start3A_873 = arith.constant 0 : i32
      %dma_start3A_874 = arith.constant 0 : i32
      %dma_start3A_875 = tpu.memref_slice %arg6[%run_scoped3A_362, %dma_start3A_873, %dma_start3A_874] : memref<2x128x128xf32, #tpu.memory_space<vmem>> -> memref<1x128x128xf32, #tpu.memory_space<vmem>>
      %dma_start3A_876 = tpu.memref_squeeze %dma_start3A_875 : memref<1x128x128xf32, #tpu.memory_space<vmem>> -> memref<128x128xf32, #tpu.memory_space<vmem>>
      tpu.enqueue_dma source(%dma_start3A_876 : memref<128x128xf32, #tpu.memory_space<vmem>>) target(%dma_start3A_872 : memref<128x128xf32, #tpu.memory_space<hbm>>) target_semaphore(%run_scoped3A_864 : memref<!tpu.dma_semaphore, #tpu.memory_space<semaphore_mem>>)
      %dma_wait3A_877 = arith.constant 0 : i32
      %dma_wait3A_878 = arith.constant 0 : i32
      %dma_wait3A_879 = tpu.memref_slice %arg6[%run_scoped3A_362, %dma_wait3A_877, %dma_wait3A_878] : memref<2x128x128xf32, #tpu.memory_space<vmem>> -> memref<1x128x128xf32, #tpu.memory_space<vmem>>
      %dma_wait3A_880 = tpu.memref_squeeze %dma_wait3A_879 : memref<1x128x128xf32, #tpu.memory_space<vmem>> -> memref<128x128xf32, #tpu.memory_space<vmem>>
      %dma_wait3A_881 = arith.constant 0 : i32
      %dma_wait3A_882 = tpu.memref_slice %arg4[%add3A_361, %dma_wait3A_881] : memref<131072x128xf32, #tpu.memory_space<hbm>> -> memref<128x128xf32, #tpu.memory_space<hbm>>
      %dma_wait3A_883 = arith.constant 0 : i32
      %dma_wait3A_884 = tpu.memref_slice %arg4[%add3A_361, %dma_wait3A_883] : memref<131072x128xf32, #tpu.memory_space<hbm>> -> memref<128x128xf32, #tpu.memory_space<hbm>>
      %dma_wait3A_885 = arith.constant 0 : i32
      %dma_wait3A_886 = arith.constant 0 : i32
      %dma_wait3A_887 = tpu.memref_slice %arg6[%run_scoped3A_362, %dma_wait3A_885, %dma_wait3A_886] : memref<2x128x128xf32, #tpu.memory_space<vmem>> -> memref<1x128x128xf32, #tpu.memory_space<vmem>>
      %dma_wait3A_888 = tpu.memref_squeeze %dma_wait3A_887 : memref<1x128x128xf32, #tpu.memory_space<vmem>> -> memref<128x128xf32, #tpu.memory_space<vmem>>
      tpu.wait_dma2 semaphore(%run_scoped3A_864 : memref<!tpu.dma_semaphore, #tpu.memory_space<semaphore_mem>>) src(%dma_wait3A_888 : memref<128x128xf32, #tpu.memory_space<vmem>>) dst(%dma_wait3A_884 : memref<128x128xf32, #tpu.memory_space<hbm>>)
      tpu.yield
    }) : () -> ()
    %dma_start3A_363 = arith.constant 14 : i32
    %dma_start3A_364 = arith.constant 0 : i32
    %dma_start3A_365 = arith.constant 0 : i32
    %dma_start3A_366 = arith.constant 0 : i32
    %dma_start3A_367 = tpu.memref_slice %arg6[%dma_start3A_364, %dma_start3A_365, %dma_start3A_366] : memref<2x128x128xf32, #tpu.memory_space<vmem>> -> memref<1x128x128xf32, #tpu.memory_space<vmem>>
    %dma_start3A_368 = tpu.memref_squeeze %dma_start3A_367 : memref<1x128x128xf32, #tpu.memory_space<vmem>> -> memref<128x128xf32, #tpu.memory_space<vmem>>
    %dma_start3A_369 = arith.constant 0 : i32
    %dma_start3A_370 = tpu.memref_slice %arg5[%dma_start3A_363, %dma_start3A_369] : memref<32x128xi32, #tpu.memory_space<vmem>> -> memref<1x128xi32, #tpu.memory_space<vmem>>
    %dma_start3A_371 = tpu.memref_squeeze %dma_start3A_370 : memref<1x128xi32, #tpu.memory_space<vmem>> -> memref<128xi32, #tpu.memory_space<vmem>>
    %dma_start3A_372 = arith.constant 0 : i32
    %dma_start3A_373 = arith.constant 0 : i32
    %dma_start3A_374 = tpu.memref_slice %arg2[%dma_start3A_372, %dma_start3A_373] : memref<4096x128xf32, #tpu.memory_space<hbm>> -> memref<4096x128xf32, #tpu.memory_space<hbm>>
    tpu.enqueue_indirect_dma source(%dma_start3A_374 : memref<4096x128xf32, #tpu.memory_space<hbm>>) target(%dma_start3A_368 : memref<128x128xf32, #tpu.memory_space<vmem>>) offsets(%dma_start3A_371 : memref<128xi32, #tpu.memory_space<vmem>>) semaphore(%arg7 : memref<!tpu.dma_semaphore, #tpu.memory_space<semaphore_mem>>)
    %dma_wait3A_375 = arith.constant 13 : i32
    %dma_wait3A_376 = arith.constant 1 : i32
    %dma_wait3A_377 = arith.constant 0 : i32
    %dma_wait3A_378 = arith.constant 0 : i32
    %dma_wait3A_379 = tpu.memref_slice %arg6[%dma_wait3A_376, %dma_wait3A_377, %dma_wait3A_378] : memref<2x128x128xf32, #tpu.memory_space<vmem>> -> memref<1x128x128xf32, #tpu.memory_space<vmem>>
    %dma_wait3A_380 = tpu.memref_squeeze %dma_wait3A_379 : memref<1x128x128xf32, #tpu.memory_space<vmem>> -> memref<128x128xf32, #tpu.memory_space<vmem>>
    %dma_wait3A_381 = arith.constant 0 : i32
    %dma_wait3A_382 = tpu.memref_slice %arg5[%dma_wait3A_375, %dma_wait3A_381] : memref<32x128xi32, #tpu.memory_space<vmem>> -> memref<1x128xi32, #tpu.memory_space<vmem>>
    %dma_wait3A_383 = tpu.memref_squeeze %dma_wait3A_382 : memref<1x128xi32, #tpu.memory_space<vmem>> -> memref<128xi32, #tpu.memory_space<vmem>>
    %dma_wait3A_384 = arith.constant 0 : i32
    %dma_wait3A_385 = arith.constant 0 : i32
    %dma_wait3A_386 = tpu.memref_slice %arg2[%dma_wait3A_384, %dma_wait3A_385] : memref<4096x128xf32, #tpu.memory_space<hbm>> -> memref<4096x128xf32, #tpu.memory_space<hbm>>
    tpu.wait_indirect_dma semaphore(%arg8 : memref<!tpu.dma_semaphore, #tpu.memory_space<semaphore_mem>>) src(%dma_wait3A_386 : memref<4096x128xf32, #tpu.memory_space<hbm>>) dst(%dma_wait3A_380 : memref<128x128xf32, #tpu.memory_space<vmem>>)
    %add3A_387 = arith.constant 1664 : i32
    %add3A_388 = arith.addi %mul3A_2, %add3A_387 : i32
    %run_scoped3A_389 = arith.constant 1 : i32
    "tpu.region"() ({
      %run_scoped3A_864 = tpu.sem_alloc : memref<!tpu.dma_semaphore, #tpu.memory_space<semaphore_mem>>
      %dma_start3A_865 = arith.constant 0 : i32
      %dma_start3A_866 = arith.constant 0 : i32
      %dma_start3A_867 = tpu.memref_slice %arg6[%run_scoped3A_389, %dma_start3A_865, %dma_start3A_866] : memref<2x128x128xf32, #tpu.memory_space<vmem>> -> memref<1x128x128xf32, #tpu.memory_space<vmem>>
      %dma_start3A_868 = tpu.memref_squeeze %dma_start3A_867 : memref<1x128x128xf32, #tpu.memory_space<vmem>> -> memref<128x128xf32, #tpu.memory_space<vmem>>
      %dma_start3A_869 = arith.constant 0 : i32
      %dma_start3A_870 = tpu.memref_slice %arg4[%add3A_388, %dma_start3A_869] : memref<131072x128xf32, #tpu.memory_space<hbm>> -> memref<128x128xf32, #tpu.memory_space<hbm>>
      %dma_start3A_871 = arith.constant 0 : i32
      %dma_start3A_872 = tpu.memref_slice %arg4[%add3A_388, %dma_start3A_871] : memref<131072x128xf32, #tpu.memory_space<hbm>> -> memref<128x128xf32, #tpu.memory_space<hbm>>
      %dma_start3A_873 = arith.constant 0 : i32
      %dma_start3A_874 = arith.constant 0 : i32
      %dma_start3A_875 = tpu.memref_slice %arg6[%run_scoped3A_389, %dma_start3A_873, %dma_start3A_874] : memref<2x128x128xf32, #tpu.memory_space<vmem>> -> memref<1x128x128xf32, #tpu.memory_space<vmem>>
      %dma_start3A_876 = tpu.memref_squeeze %dma_start3A_875 : memref<1x128x128xf32, #tpu.memory_space<vmem>> -> memref<128x128xf32, #tpu.memory_space<vmem>>
      tpu.enqueue_dma source(%dma_start3A_876 : memref<128x128xf32, #tpu.memory_space<vmem>>) target(%dma_start3A_872 : memref<128x128xf32, #tpu.memory_space<hbm>>) target_semaphore(%run_scoped3A_864 : memref<!tpu.dma_semaphore, #tpu.memory_space<semaphore_mem>>)
      %dma_wait3A_877 = arith.constant 0 : i32
      %dma_wait3A_878 = arith.constant 0 : i32
      %dma_wait3A_879 = tpu.memref_slice %arg6[%run_scoped3A_389, %dma_wait3A_877, %dma_wait3A_878] : memref<2x128x128xf32, #tpu.memory_space<vmem>> -> memref<1x128x128xf32, #tpu.memory_space<vmem>>
      %dma_wait3A_880 = tpu.memref_squeeze %dma_wait3A_879 : memref<1x128x128xf32, #tpu.memory_space<vmem>> -> memref<128x128xf32, #tpu.memory_space<vmem>>
      %dma_wait3A_881 = arith.constant 0 : i32
      %dma_wait3A_882 = tpu.memref_slice %arg4[%add3A_388, %dma_wait3A_881] : memref<131072x128xf32, #tpu.memory_space<hbm>> -> memref<128x128xf32, #tpu.memory_space<hbm>>
      %dma_wait3A_883 = arith.constant 0 : i32
      %dma_wait3A_884 = tpu.memref_slice %arg4[%add3A_388, %dma_wait3A_883] : memref<131072x128xf32, #tpu.memory_space<hbm>> -> memref<128x128xf32, #tpu.memory_space<hbm>>
      %dma_wait3A_885 = arith.constant 0 : i32
      %dma_wait3A_886 = arith.constant 0 : i32
      %dma_wait3A_887 = tpu.memref_slice %arg6[%run_scoped3A_389, %dma_wait3A_885, %dma_wait3A_886] : memref<2x128x128xf32, #tpu.memory_space<vmem>> -> memref<1x128x128xf32, #tpu.memory_space<vmem>>
      %dma_wait3A_888 = tpu.memref_squeeze %dma_wait3A_887 : memref<1x128x128xf32, #tpu.memory_space<vmem>> -> memref<128x128xf32, #tpu.memory_space<vmem>>
      tpu.wait_dma2 semaphore(%run_scoped3A_864 : memref<!tpu.dma_semaphore, #tpu.memory_space<semaphore_mem>>) src(%dma_wait3A_888 : memref<128x128xf32, #tpu.memory_space<vmem>>) dst(%dma_wait3A_884 : memref<128x128xf32, #tpu.memory_space<hbm>>)
      tpu.yield
    }) : () -> ()
    %dma_start3A_390 = arith.constant 15 : i32
    %dma_start3A_391 = arith.constant 1 : i32
    %dma_start3A_392 = arith.constant 0 : i32
    %dma_start3A_393 = arith.constant 0 : i32
    %dma_start3A_394 = tpu.memref_slice %arg6[%dma_start3A_391, %dma_start3A_392, %dma_start3A_393] : memref<2x128x128xf32, #tpu.memory_space<vmem>> -> memref<1x128x128xf32, #tpu.memory_space<vmem>>
    %dma_start3A_395 = tpu.memref_squeeze %dma_start3A_394 : memref<1x128x128xf32, #tpu.memory_space<vmem>> -> memref<128x128xf32, #tpu.memory_space<vmem>>
    %dma_start3A_396 = arith.constant 0 : i32
    %dma_start3A_397 = tpu.memref_slice %arg5[%dma_start3A_390, %dma_start3A_396] : memref<32x128xi32, #tpu.memory_space<vmem>> -> memref<1x128xi32, #tpu.memory_space<vmem>>
    %dma_start3A_398 = tpu.memref_squeeze %dma_start3A_397 : memref<1x128xi32, #tpu.memory_space<vmem>> -> memref<128xi32, #tpu.memory_space<vmem>>
    %dma_start3A_399 = arith.constant 0 : i32
    %dma_start3A_400 = arith.constant 0 : i32
    %dma_start3A_401 = tpu.memref_slice %arg2[%dma_start3A_399, %dma_start3A_400] : memref<4096x128xf32, #tpu.memory_space<hbm>> -> memref<4096x128xf32, #tpu.memory_space<hbm>>
    tpu.enqueue_indirect_dma source(%dma_start3A_401 : memref<4096x128xf32, #tpu.memory_space<hbm>>) target(%dma_start3A_395 : memref<128x128xf32, #tpu.memory_space<vmem>>) offsets(%dma_start3A_398 : memref<128xi32, #tpu.memory_space<vmem>>) semaphore(%arg8 : memref<!tpu.dma_semaphore, #tpu.memory_space<semaphore_mem>>)
    %dma_wait3A_402 = arith.constant 14 : i32
    %dma_wait3A_403 = arith.constant 0 : i32
    %dma_wait3A_404 = arith.constant 0 : i32
    %dma_wait3A_405 = arith.constant 0 : i32
    %dma_wait3A_406 = tpu.memref_slice %arg6[%dma_wait3A_403, %dma_wait3A_404, %dma_wait3A_405] : memref<2x128x128xf32, #tpu.memory_space<vmem>> -> memref<1x128x128xf32, #tpu.memory_space<vmem>>
    %dma_wait3A_407 = tpu.memref_squeeze %dma_wait3A_406 : memref<1x128x128xf32, #tpu.memory_space<vmem>> -> memref<128x128xf32, #tpu.memory_space<vmem>>
    %dma_wait3A_408 = arith.constant 0 : i32
    %dma_wait3A_409 = tpu.memref_slice %arg5[%dma_wait3A_402, %dma_wait3A_408] : memref<32x128xi32, #tpu.memory_space<vmem>> -> memref<1x128xi32, #tpu.memory_space<vmem>>
    %dma_wait3A_410 = tpu.memref_squeeze %dma_wait3A_409 : memref<1x128xi32, #tpu.memory_space<vmem>> -> memref<128xi32, #tpu.memory_space<vmem>>
    %dma_wait3A_411 = arith.constant 0 : i32
    %dma_wait3A_412 = arith.constant 0 : i32
    %dma_wait3A_413 = tpu.memref_slice %arg2[%dma_wait3A_411, %dma_wait3A_412] : memref<4096x128xf32, #tpu.memory_space<hbm>> -> memref<4096x128xf32, #tpu.memory_space<hbm>>
    tpu.wait_indirect_dma semaphore(%arg7 : memref<!tpu.dma_semaphore, #tpu.memory_space<semaphore_mem>>) src(%dma_wait3A_413 : memref<4096x128xf32, #tpu.memory_space<hbm>>) dst(%dma_wait3A_407 : memref<128x128xf32, #tpu.memory_space<vmem>>)
    %add3A_414 = arith.constant 1792 : i32
    %add3A_415 = arith.addi %mul3A_2, %add3A_414 : i32
    %run_scoped3A_416 = arith.constant 0 : i32
    "tpu.region"() ({
      %run_scoped3A_864 = tpu.sem_alloc : memref<!tpu.dma_semaphore, #tpu.memory_space<semaphore_mem>>
      %dma_start3A_865 = arith.constant 0 : i32
      %dma_start3A_866 = arith.constant 0 : i32
      %dma_start3A_867 = tpu.memref_slice %arg6[%run_scoped3A_416, %dma_start3A_865, %dma_start3A_866] : memref<2x128x128xf32, #tpu.memory_space<vmem>> -> memref<1x128x128xf32, #tpu.memory_space<vmem>>
      %dma_start3A_868 = tpu.memref_squeeze %dma_start3A_867 : memref<1x128x128xf32, #tpu.memory_space<vmem>> -> memref<128x128xf32, #tpu.memory_space<vmem>>
      %dma_start3A_869 = arith.constant 0 : i32
      %dma_start3A_870 = tpu.memref_slice %arg4[%add3A_415, %dma_start3A_869] : memref<131072x128xf32, #tpu.memory_space<hbm>> -> memref<128x128xf32, #tpu.memory_space<hbm>>
      %dma_start3A_871 = arith.constant 0 : i32
      %dma_start3A_872 = tpu.memref_slice %arg4[%add3A_415, %dma_start3A_871] : memref<131072x128xf32, #tpu.memory_space<hbm>> -> memref<128x128xf32, #tpu.memory_space<hbm>>
      %dma_start3A_873 = arith.constant 0 : i32
      %dma_start3A_874 = arith.constant 0 : i32
      %dma_start3A_875 = tpu.memref_slice %arg6[%run_scoped3A_416, %dma_start3A_873, %dma_start3A_874] : memref<2x128x128xf32, #tpu.memory_space<vmem>> -> memref<1x128x128xf32, #tpu.memory_space<vmem>>
      %dma_start3A_876 = tpu.memref_squeeze %dma_start3A_875 : memref<1x128x128xf32, #tpu.memory_space<vmem>> -> memref<128x128xf32, #tpu.memory_space<vmem>>
      tpu.enqueue_dma source(%dma_start3A_876 : memref<128x128xf32, #tpu.memory_space<vmem>>) target(%dma_start3A_872 : memref<128x128xf32, #tpu.memory_space<hbm>>) target_semaphore(%run_scoped3A_864 : memref<!tpu.dma_semaphore, #tpu.memory_space<semaphore_mem>>)
      %dma_wait3A_877 = arith.constant 0 : i32
      %dma_wait3A_878 = arith.constant 0 : i32
      %dma_wait3A_879 = tpu.memref_slice %arg6[%run_scoped3A_416, %dma_wait3A_877, %dma_wait3A_878] : memref<2x128x128xf32, #tpu.memory_space<vmem>> -> memref<1x128x128xf32, #tpu.memory_space<vmem>>
      %dma_wait3A_880 = tpu.memref_squeeze %dma_wait3A_879 : memref<1x128x128xf32, #tpu.memory_space<vmem>> -> memref<128x128xf32, #tpu.memory_space<vmem>>
      %dma_wait3A_881 = arith.constant 0 : i32
      %dma_wait3A_882 = tpu.memref_slice %arg4[%add3A_415, %dma_wait3A_881] : memref<131072x128xf32, #tpu.memory_space<hbm>> -> memref<128x128xf32, #tpu.memory_space<hbm>>
      %dma_wait3A_883 = arith.constant 0 : i32
      %dma_wait3A_884 = tpu.memref_slice %arg4[%add3A_415, %dma_wait3A_883] : memref<131072x128xf32, #tpu.memory_space<hbm>> -> memref<128x128xf32, #tpu.memory_space<hbm>>
      %dma_wait3A_885 = arith.constant 0 : i32
      %dma_wait3A_886 = arith.constant 0 : i32
      %dma_wait3A_887 = tpu.memref_slice %arg6[%run_scoped3A_416, %dma_wait3A_885, %dma_wait3A_886] : memref<2x128x128xf32, #tpu.memory_space<vmem>> -> memref<1x128x128xf32, #tpu.memory_space<vmem>>
      %dma_wait3A_888 = tpu.memref_squeeze %dma_wait3A_887 : memref<1x128x128xf32, #tpu.memory_space<vmem>> -> memref<128x128xf32, #tpu.memory_space<vmem>>
      tpu.wait_dma2 semaphore(%run_scoped3A_864 : memref<!tpu.dma_semaphore, #tpu.memory_space<semaphore_mem>>) src(%dma_wait3A_888 : memref<128x128xf32, #tpu.memory_space<vmem>>) dst(%dma_wait3A_884 : memref<128x128xf32, #tpu.memory_space<hbm>>)
      tpu.yield
    }) : () -> ()
    %dma_start3A_417 = arith.constant 16 : i32
    %dma_start3A_418 = arith.constant 0 : i32
    %dma_start3A_419 = arith.constant 0 : i32
    %dma_start3A_420 = arith.constant 0 : i32
    %dma_start3A_421 = tpu.memref_slice %arg6[%dma_start3A_418, %dma_start3A_419, %dma_start3A_420] : memref<2x128x128xf32, #tpu.memory_space<vmem>> -> memref<1x128x128xf32, #tpu.memory_space<vmem>>
    %dma_start3A_422 = tpu.memref_squeeze %dma_start3A_421 : memref<1x128x128xf32, #tpu.memory_space<vmem>> -> memref<128x128xf32, #tpu.memory_space<vmem>>
    %dma_start3A_423 = arith.constant 0 : i32
    %dma_start3A_424 = tpu.memref_slice %arg5[%dma_start3A_417, %dma_start3A_423] : memref<32x128xi32, #tpu.memory_space<vmem>> -> memref<1x128xi32, #tpu.memory_space<vmem>>
    %dma_start3A_425 = tpu.memref_squeeze %dma_start3A_424 : memref<1x128xi32, #tpu.memory_space<vmem>> -> memref<128xi32, #tpu.memory_space<vmem>>
    %dma_start3A_426 = arith.constant 0 : i32
    %dma_start3A_427 = arith.constant 0 : i32
    %dma_start3A_428 = tpu.memref_slice %arg2[%dma_start3A_426, %dma_start3A_427] : memref<4096x128xf32, #tpu.memory_space<hbm>> -> memref<4096x128xf32, #tpu.memory_space<hbm>>
    tpu.enqueue_indirect_dma source(%dma_start3A_428 : memref<4096x128xf32, #tpu.memory_space<hbm>>) target(%dma_start3A_422 : memref<128x128xf32, #tpu.memory_space<vmem>>) offsets(%dma_start3A_425 : memref<128xi32, #tpu.memory_space<vmem>>) semaphore(%arg7 : memref<!tpu.dma_semaphore, #tpu.memory_space<semaphore_mem>>)
    %dma_wait3A_429 = arith.constant 15 : i32
    %dma_wait3A_430 = arith.constant 1 : i32
    %dma_wait3A_431 = arith.constant 0 : i32
    %dma_wait3A_432 = arith.constant 0 : i32
    %dma_wait3A_433 = tpu.memref_slice %arg6[%dma_wait3A_430, %dma_wait3A_431, %dma_wait3A_432] : memref<2x128x128xf32, #tpu.memory_space<vmem>> -> memref<1x128x128xf32, #tpu.memory_space<vmem>>
    %dma_wait3A_434 = tpu.memref_squeeze %dma_wait3A_433 : memref<1x128x128xf32, #tpu.memory_space<vmem>> -> memref<128x128xf32, #tpu.memory_space<vmem>>
    %dma_wait3A_435 = arith.constant 0 : i32
    %dma_wait3A_436 = tpu.memref_slice %arg5[%dma_wait3A_429, %dma_wait3A_435] : memref<32x128xi32, #tpu.memory_space<vmem>> -> memref<1x128xi32, #tpu.memory_space<vmem>>
    %dma_wait3A_437 = tpu.memref_squeeze %dma_wait3A_436 : memref<1x128xi32, #tpu.memory_space<vmem>> -> memref<128xi32, #tpu.memory_space<vmem>>
    %dma_wait3A_438 = arith.constant 0 : i32
    %dma_wait3A_439 = arith.constant 0 : i32
    %dma_wait3A_440 = tpu.memref_slice %arg2[%dma_wait3A_438, %dma_wait3A_439] : memref<4096x128xf32, #tpu.memory_space<hbm>> -> memref<4096x128xf32, #tpu.memory_space<hbm>>
    tpu.wait_indirect_dma semaphore(%arg8 : memref<!tpu.dma_semaphore, #tpu.memory_space<semaphore_mem>>) src(%dma_wait3A_440 : memref<4096x128xf32, #tpu.memory_space<hbm>>) dst(%dma_wait3A_434 : memref<128x128xf32, #tpu.memory_space<vmem>>)
    %add3A_441 = arith.constant 1920 : i32
    %add3A_442 = arith.addi %mul3A_2, %add3A_441 : i32
    %run_scoped3A_443 = arith.constant 1 : i32
    "tpu.region"() ({
      %run_scoped3A_864 = tpu.sem_alloc : memref<!tpu.dma_semaphore, #tpu.memory_space<semaphore_mem>>
      %dma_start3A_865 = arith.constant 0 : i32
      %dma_start3A_866 = arith.constant 0 : i32
      %dma_start3A_867 = tpu.memref_slice %arg6[%run_scoped3A_443, %dma_start3A_865, %dma_start3A_866] : memref<2x128x128xf32, #tpu.memory_space<vmem>> -> memref<1x128x128xf32, #tpu.memory_space<vmem>>
      %dma_start3A_868 = tpu.memref_squeeze %dma_start3A_867 : memref<1x128x128xf32, #tpu.memory_space<vmem>> -> memref<128x128xf32, #tpu.memory_space<vmem>>
      %dma_start3A_869 = arith.constant 0 : i32
      %dma_start3A_870 = tpu.memref_slice %arg4[%add3A_442, %dma_start3A_869] : memref<131072x128xf32, #tpu.memory_space<hbm>> -> memref<128x128xf32, #tpu.memory_space<hbm>>
      %dma_start3A_871 = arith.constant 0 : i32
      %dma_start3A_872 = tpu.memref_slice %arg4[%add3A_442, %dma_start3A_871] : memref<131072x128xf32, #tpu.memory_space<hbm>> -> memref<128x128xf32, #tpu.memory_space<hbm>>
      %dma_start3A_873 = arith.constant 0 : i32
      %dma_start3A_874 = arith.constant 0 : i32
      %dma_start3A_875 = tpu.memref_slice %arg6[%run_scoped3A_443, %dma_start3A_873, %dma_start3A_874] : memref<2x128x128xf32, #tpu.memory_space<vmem>> -> memref<1x128x128xf32, #tpu.memory_space<vmem>>
      %dma_start3A_876 = tpu.memref_squeeze %dma_start3A_875 : memref<1x128x128xf32, #tpu.memory_space<vmem>> -> memref<128x128xf32, #tpu.memory_space<vmem>>
      tpu.enqueue_dma source(%dma_start3A_876 : memref<128x128xf32, #tpu.memory_space<vmem>>) target(%dma_start3A_872 : memref<128x128xf32, #tpu.memory_space<hbm>>) target_semaphore(%run_scoped3A_864 : memref<!tpu.dma_semaphore, #tpu.memory_space<semaphore_mem>>)
      %dma_wait3A_877 = arith.constant 0 : i32
      %dma_wait3A_878 = arith.constant 0 : i32
      %dma_wait3A_879 = tpu.memref_slice %arg6[%run_scoped3A_443, %dma_wait3A_877, %dma_wait3A_878] : memref<2x128x128xf32, #tpu.memory_space<vmem>> -> memref<1x128x128xf32, #tpu.memory_space<vmem>>
      %dma_wait3A_880 = tpu.memref_squeeze %dma_wait3A_879 : memref<1x128x128xf32, #tpu.memory_space<vmem>> -> memref<128x128xf32, #tpu.memory_space<vmem>>
      %dma_wait3A_881 = arith.constant 0 : i32
      %dma_wait3A_882 = tpu.memref_slice %arg4[%add3A_442, %dma_wait3A_881] : memref<131072x128xf32, #tpu.memory_space<hbm>> -> memref<128x128xf32, #tpu.memory_space<hbm>>
      %dma_wait3A_883 = arith.constant 0 : i32
      %dma_wait3A_884 = tpu.memref_slice %arg4[%add3A_442, %dma_wait3A_883] : memref<131072x128xf32, #tpu.memory_space<hbm>> -> memref<128x128xf32, #tpu.memory_space<hbm>>
      %dma_wait3A_885 = arith.constant 0 : i32
      %dma_wait3A_886 = arith.constant 0 : i32
      %dma_wait3A_887 = tpu.memref_slice %arg6[%run_scoped3A_443, %dma_wait3A_885, %dma_wait3A_886] : memref<2x128x128xf32, #tpu.memory_space<vmem>> -> memref<1x128x128xf32, #tpu.memory_space<vmem>>
      %dma_wait3A_888 = tpu.memref_squeeze %dma_wait3A_887 : memref<1x128x128xf32, #tpu.memory_space<vmem>> -> memref<128x128xf32, #tpu.memory_space<vmem>>
      tpu.wait_dma2 semaphore(%run_scoped3A_864 : memref<!tpu.dma_semaphore, #tpu.memory_space<semaphore_mem>>) src(%dma_wait3A_888 : memref<128x128xf32, #tpu.memory_space<vmem>>) dst(%dma_wait3A_884 : memref<128x128xf32, #tpu.memory_space<hbm>>)
      tpu.yield
    }) : () -> ()
    %dma_start3A_444 = arith.constant 17 : i32
    %dma_start3A_445 = arith.constant 1 : i32
    %dma_start3A_446 = arith.constant 0 : i32
    %dma_start3A_447 = arith.constant 0 : i32
    %dma_start3A_448 = tpu.memref_slice %arg6[%dma_start3A_445, %dma_start3A_446, %dma_start3A_447] : memref<2x128x128xf32, #tpu.memory_space<vmem>> -> memref<1x128x128xf32, #tpu.memory_space<vmem>>
    %dma_start3A_449 = tpu.memref_squeeze %dma_start3A_448 : memref<1x128x128xf32, #tpu.memory_space<vmem>> -> memref<128x128xf32, #tpu.memory_space<vmem>>
    %dma_start3A_450 = arith.constant 0 : i32
    %dma_start3A_451 = tpu.memref_slice %arg5[%dma_start3A_444, %dma_start3A_450] : memref<32x128xi32, #tpu.memory_space<vmem>> -> memref<1x128xi32, #tpu.memory_space<vmem>>
    %dma_start3A_452 = tpu.memref_squeeze %dma_start3A_451 : memref<1x128xi32, #tpu.memory_space<vmem>> -> memref<128xi32, #tpu.memory_space<vmem>>
    %dma_start3A_453 = arith.constant 0 : i32
    %dma_start3A_454 = arith.constant 0 : i32
    %dma_start3A_455 = tpu.memref_slice %arg2[%dma_start3A_453, %dma_start3A_454] : memref<4096x128xf32, #tpu.memory_space<hbm>> -> memref<4096x128xf32, #tpu.memory_space<hbm>>
    tpu.enqueue_indirect_dma source(%dma_start3A_455 : memref<4096x128xf32, #tpu.memory_space<hbm>>) target(%dma_start3A_449 : memref<128x128xf32, #tpu.memory_space<vmem>>) offsets(%dma_start3A_452 : memref<128xi32, #tpu.memory_space<vmem>>) semaphore(%arg8 : memref<!tpu.dma_semaphore, #tpu.memory_space<semaphore_mem>>)
    %dma_wait3A_456 = arith.constant 16 : i32
    %dma_wait3A_457 = arith.constant 0 : i32
    %dma_wait3A_458 = arith.constant 0 : i32
    %dma_wait3A_459 = arith.constant 0 : i32
    %dma_wait3A_460 = tpu.memref_slice %arg6[%dma_wait3A_457, %dma_wait3A_458, %dma_wait3A_459] : memref<2x128x128xf32, #tpu.memory_space<vmem>> -> memref<1x128x128xf32, #tpu.memory_space<vmem>>
    %dma_wait3A_461 = tpu.memref_squeeze %dma_wait3A_460 : memref<1x128x128xf32, #tpu.memory_space<vmem>> -> memref<128x128xf32, #tpu.memory_space<vmem>>
    %dma_wait3A_462 = arith.constant 0 : i32
    %dma_wait3A_463 = tpu.memref_slice %arg5[%dma_wait3A_456, %dma_wait3A_462] : memref<32x128xi32, #tpu.memory_space<vmem>> -> memref<1x128xi32, #tpu.memory_space<vmem>>
    %dma_wait3A_464 = tpu.memref_squeeze %dma_wait3A_463 : memref<1x128xi32, #tpu.memory_space<vmem>> -> memref<128xi32, #tpu.memory_space<vmem>>
    %dma_wait3A_465 = arith.constant 0 : i32
    %dma_wait3A_466 = arith.constant 0 : i32
    %dma_wait3A_467 = tpu.memref_slice %arg2[%dma_wait3A_465, %dma_wait3A_466] : memref<4096x128xf32, #tpu.memory_space<hbm>> -> memref<4096x128xf32, #tpu.memory_space<hbm>>
    tpu.wait_indirect_dma semaphore(%arg7 : memref<!tpu.dma_semaphore, #tpu.memory_space<semaphore_mem>>) src(%dma_wait3A_467 : memref<4096x128xf32, #tpu.memory_space<hbm>>) dst(%dma_wait3A_461 : memref<128x128xf32, #tpu.memory_space<vmem>>)
    %add3A_468 = arith.constant 2048 : i32
    %add3A_469 = arith.addi %mul3A_2, %add3A_468 : i32
    %run_scoped3A_470 = arith.constant 0 : i32
    "tpu.region"() ({
      %run_scoped3A_864 = tpu.sem_alloc : memref<!tpu.dma_semaphore, #tpu.memory_space<semaphore_mem>>
      %dma_start3A_865 = arith.constant 0 : i32
      %dma_start3A_866 = arith.constant 0 : i32
      %dma_start3A_867 = tpu.memref_slice %arg6[%run_scoped3A_470, %dma_start3A_865, %dma_start3A_866] : memref<2x128x128xf32, #tpu.memory_space<vmem>> -> memref<1x128x128xf32, #tpu.memory_space<vmem>>
      %dma_start3A_868 = tpu.memref_squeeze %dma_start3A_867 : memref<1x128x128xf32, #tpu.memory_space<vmem>> -> memref<128x128xf32, #tpu.memory_space<vmem>>
      %dma_start3A_869 = arith.constant 0 : i32
      %dma_start3A_870 = tpu.memref_slice %arg4[%add3A_469, %dma_start3A_869] : memref<131072x128xf32, #tpu.memory_space<hbm>> -> memref<128x128xf32, #tpu.memory_space<hbm>>
      %dma_start3A_871 = arith.constant 0 : i32
      %dma_start3A_872 = tpu.memref_slice %arg4[%add3A_469, %dma_start3A_871] : memref<131072x128xf32, #tpu.memory_space<hbm>> -> memref<128x128xf32, #tpu.memory_space<hbm>>
      %dma_start3A_873 = arith.constant 0 : i32
      %dma_start3A_874 = arith.constant 0 : i32
      %dma_start3A_875 = tpu.memref_slice %arg6[%run_scoped3A_470, %dma_start3A_873, %dma_start3A_874] : memref<2x128x128xf32, #tpu.memory_space<vmem>> -> memref<1x128x128xf32, #tpu.memory_space<vmem>>
      %dma_start3A_876 = tpu.memref_squeeze %dma_start3A_875 : memref<1x128x128xf32, #tpu.memory_space<vmem>> -> memref<128x128xf32, #tpu.memory_space<vmem>>
      tpu.enqueue_dma source(%dma_start3A_876 : memref<128x128xf32, #tpu.memory_space<vmem>>) target(%dma_start3A_872 : memref<128x128xf32, #tpu.memory_space<hbm>>) target_semaphore(%run_scoped3A_864 : memref<!tpu.dma_semaphore, #tpu.memory_space<semaphore_mem>>)
      %dma_wait3A_877 = arith.constant 0 : i32
      %dma_wait3A_878 = arith.constant 0 : i32
      %dma_wait3A_879 = tpu.memref_slice %arg6[%run_scoped3A_470, %dma_wait3A_877, %dma_wait3A_878] : memref<2x128x128xf32, #tpu.memory_space<vmem>> -> memref<1x128x128xf32, #tpu.memory_space<vmem>>
      %dma_wait3A_880 = tpu.memref_squeeze %dma_wait3A_879 : memref<1x128x128xf32, #tpu.memory_space<vmem>> -> memref<128x128xf32, #tpu.memory_space<vmem>>
      %dma_wait3A_881 = arith.constant 0 : i32
      %dma_wait3A_882 = tpu.memref_slice %arg4[%add3A_469, %dma_wait3A_881] : memref<131072x128xf32, #tpu.memory_space<hbm>> -> memref<128x128xf32, #tpu.memory_space<hbm>>
      %dma_wait3A_883 = arith.constant 0 : i32
      %dma_wait3A_884 = tpu.memref_slice %arg4[%add3A_469, %dma_wait3A_883] : memref<131072x128xf32, #tpu.memory_space<hbm>> -> memref<128x128xf32, #tpu.memory_space<hbm>>
      %dma_wait3A_885 = arith.constant 0 : i32
      %dma_wait3A_886 = arith.constant 0 : i32
      %dma_wait3A_887 = tpu.memref_slice %arg6[%run_scoped3A_470, %dma_wait3A_885, %dma_wait3A_886] : memref<2x128x128xf32, #tpu.memory_space<vmem>> -> memref<1x128x128xf32, #tpu.memory_space<vmem>>
      %dma_wait3A_888 = tpu.memref_squeeze %dma_wait3A_887 : memref<1x128x128xf32, #tpu.memory_space<vmem>> -> memref<128x128xf32, #tpu.memory_space<vmem>>
      tpu.wait_dma2 semaphore(%run_scoped3A_864 : memref<!tpu.dma_semaphore, #tpu.memory_space<semaphore_mem>>) src(%dma_wait3A_888 : memref<128x128xf32, #tpu.memory_space<vmem>>) dst(%dma_wait3A_884 : memref<128x128xf32, #tpu.memory_space<hbm>>)
      tpu.yield
    }) : () -> ()
    %dma_start3A_471 = arith.constant 18 : i32
    %dma_start3A_472 = arith.constant 0 : i32
    %dma_start3A_473 = arith.constant 0 : i32
    %dma_start3A_474 = arith.constant 0 : i32
    %dma_start3A_475 = tpu.memref_slice %arg6[%dma_start3A_472, %dma_start3A_473, %dma_start3A_474] : memref<2x128x128xf32, #tpu.memory_space<vmem>> -> memref<1x128x128xf32, #tpu.memory_space<vmem>>
    %dma_start3A_476 = tpu.memref_squeeze %dma_start3A_475 : memref<1x128x128xf32, #tpu.memory_space<vmem>> -> memref<128x128xf32, #tpu.memory_space<vmem>>
    %dma_start3A_477 = arith.constant 0 : i32
    %dma_start3A_478 = tpu.memref_slice %arg5[%dma_start3A_471, %dma_start3A_477] : memref<32x128xi32, #tpu.memory_space<vmem>> -> memref<1x128xi32, #tpu.memory_space<vmem>>
    %dma_start3A_479 = tpu.memref_squeeze %dma_start3A_478 : memref<1x128xi32, #tpu.memory_space<vmem>> -> memref<128xi32, #tpu.memory_space<vmem>>
    %dma_start3A_480 = arith.constant 0 : i32
    %dma_start3A_481 = arith.constant 0 : i32
    %dma_start3A_482 = tpu.memref_slice %arg2[%dma_start3A_480, %dma_start3A_481] : memref<4096x128xf32, #tpu.memory_space<hbm>> -> memref<4096x128xf32, #tpu.memory_space<hbm>>
    tpu.enqueue_indirect_dma source(%dma_start3A_482 : memref<4096x128xf32, #tpu.memory_space<hbm>>) target(%dma_start3A_476 : memref<128x128xf32, #tpu.memory_space<vmem>>) offsets(%dma_start3A_479 : memref<128xi32, #tpu.memory_space<vmem>>) semaphore(%arg7 : memref<!tpu.dma_semaphore, #tpu.memory_space<semaphore_mem>>)
    %dma_wait3A_483 = arith.constant 17 : i32
    %dma_wait3A_484 = arith.constant 1 : i32
    %dma_wait3A_485 = arith.constant 0 : i32
    %dma_wait3A_486 = arith.constant 0 : i32
    %dma_wait3A_487 = tpu.memref_slice %arg6[%dma_wait3A_484, %dma_wait3A_485, %dma_wait3A_486] : memref<2x128x128xf32, #tpu.memory_space<vmem>> -> memref<1x128x128xf32, #tpu.memory_space<vmem>>
    %dma_wait3A_488 = tpu.memref_squeeze %dma_wait3A_487 : memref<1x128x128xf32, #tpu.memory_space<vmem>> -> memref<128x128xf32, #tpu.memory_space<vmem>>
    %dma_wait3A_489 = arith.constant 0 : i32
    %dma_wait3A_490 = tpu.memref_slice %arg5[%dma_wait3A_483, %dma_wait3A_489] : memref<32x128xi32, #tpu.memory_space<vmem>> -> memref<1x128xi32, #tpu.memory_space<vmem>>
    %dma_wait3A_491 = tpu.memref_squeeze %dma_wait3A_490 : memref<1x128xi32, #tpu.memory_space<vmem>> -> memref<128xi32, #tpu.memory_space<vmem>>
    %dma_wait3A_492 = arith.constant 0 : i32
    %dma_wait3A_493 = arith.constant 0 : i32
    %dma_wait3A_494 = tpu.memref_slice %arg2[%dma_wait3A_492, %dma_wait3A_493] : memref<4096x128xf32, #tpu.memory_space<hbm>> -> memref<4096x128xf32, #tpu.memory_space<hbm>>
    tpu.wait_indirect_dma semaphore(%arg8 : memref<!tpu.dma_semaphore, #tpu.memory_space<semaphore_mem>>) src(%dma_wait3A_494 : memref<4096x128xf32, #tpu.memory_space<hbm>>) dst(%dma_wait3A_488 : memref<128x128xf32, #tpu.memory_space<vmem>>)
    %add3A_495 = arith.constant 2176 : i32
    %add3A_496 = arith.addi %mul3A_2, %add3A_495 : i32
    %run_scoped3A_497 = arith.constant 1 : i32
    "tpu.region"() ({
      %run_scoped3A_864 = tpu.sem_alloc : memref<!tpu.dma_semaphore, #tpu.memory_space<semaphore_mem>>
      %dma_start3A_865 = arith.constant 0 : i32
      %dma_start3A_866 = arith.constant 0 : i32
      %dma_start3A_867 = tpu.memref_slice %arg6[%run_scoped3A_497, %dma_start3A_865, %dma_start3A_866] : memref<2x128x128xf32, #tpu.memory_space<vmem>> -> memref<1x128x128xf32, #tpu.memory_space<vmem>>
      %dma_start3A_868 = tpu.memref_squeeze %dma_start3A_867 : memref<1x128x128xf32, #tpu.memory_space<vmem>> -> memref<128x128xf32, #tpu.memory_space<vmem>>
      %dma_start3A_869 = arith.constant 0 : i32
      %dma_start3A_870 = tpu.memref_slice %arg4[%add3A_496, %dma_start3A_869] : memref<131072x128xf32, #tpu.memory_space<hbm>> -> memref<128x128xf32, #tpu.memory_space<hbm>>
      %dma_start3A_871 = arith.constant 0 : i32
      %dma_start3A_872 = tpu.memref_slice %arg4[%add3A_496, %dma_start3A_871] : memref<131072x128xf32, #tpu.memory_space<hbm>> -> memref<128x128xf32, #tpu.memory_space<hbm>>
      %dma_start3A_873 = arith.constant 0 : i32
      %dma_start3A_874 = arith.constant 0 : i32
      %dma_start3A_875 = tpu.memref_slice %arg6[%run_scoped3A_497, %dma_start3A_873, %dma_start3A_874] : memref<2x128x128xf32, #tpu.memory_space<vmem>> -> memref<1x128x128xf32, #tpu.memory_space<vmem>>
      %dma_start3A_876 = tpu.memref_squeeze %dma_start3A_875 : memref<1x128x128xf32, #tpu.memory_space<vmem>> -> memref<128x128xf32, #tpu.memory_space<vmem>>
      tpu.enqueue_dma source(%dma_start3A_876 : memref<128x128xf32, #tpu.memory_space<vmem>>) target(%dma_start3A_872 : memref<128x128xf32, #tpu.memory_space<hbm>>) target_semaphore(%run_scoped3A_864 : memref<!tpu.dma_semaphore, #tpu.memory_space<semaphore_mem>>)
      %dma_wait3A_877 = arith.constant 0 : i32
      %dma_wait3A_878 = arith.constant 0 : i32
      %dma_wait3A_879 = tpu.memref_slice %arg6[%run_scoped3A_497, %dma_wait3A_877, %dma_wait3A_878] : memref<2x128x128xf32, #tpu.memory_space<vmem>> -> memref<1x128x128xf32, #tpu.memory_space<vmem>>
      %dma_wait3A_880 = tpu.memref_squeeze %dma_wait3A_879 : memref<1x128x128xf32, #tpu.memory_space<vmem>> -> memref<128x128xf32, #tpu.memory_space<vmem>>
      %dma_wait3A_881 = arith.constant 0 : i32
      %dma_wait3A_882 = tpu.memref_slice %arg4[%add3A_496, %dma_wait3A_881] : memref<131072x128xf32, #tpu.memory_space<hbm>> -> memref<128x128xf32, #tpu.memory_space<hbm>>
      %dma_wait3A_883 = arith.constant 0 : i32
      %dma_wait3A_884 = tpu.memref_slice %arg4[%add3A_496, %dma_wait3A_883] : memref<131072x128xf32, #tpu.memory_space<hbm>> -> memref<128x128xf32, #tpu.memory_space<hbm>>
      %dma_wait3A_885 = arith.constant 0 : i32
      %dma_wait3A_886 = arith.constant 0 : i32
      %dma_wait3A_887 = tpu.memref_slice %arg6[%run_scoped3A_497, %dma_wait3A_885, %dma_wait3A_886] : memref<2x128x128xf32, #tpu.memory_space<vmem>> -> memref<1x128x128xf32, #tpu.memory_space<vmem>>
      %dma_wait3A_888 = tpu.memref_squeeze %dma_wait3A_887 : memref<1x128x128xf32, #tpu.memory_space<vmem>> -> memref<128x128xf32, #tpu.memory_space<vmem>>
      tpu.wait_dma2 semaphore(%run_scoped3A_864 : memref<!tpu.dma_semaphore, #tpu.memory_space<semaphore_mem>>) src(%dma_wait3A_888 : memref<128x128xf32, #tpu.memory_space<vmem>>) dst(%dma_wait3A_884 : memref<128x128xf32, #tpu.memory_space<hbm>>)
      tpu.yield
    }) : () -> ()
    %dma_start3A_498 = arith.constant 19 : i32
    %dma_start3A_499 = arith.constant 1 : i32
    %dma_start3A_500 = arith.constant 0 : i32
    %dma_start3A_501 = arith.constant 0 : i32
    %dma_start3A_502 = tpu.memref_slice %arg6[%dma_start3A_499, %dma_start3A_500, %dma_start3A_501] : memref<2x128x128xf32, #tpu.memory_space<vmem>> -> memref<1x128x128xf32, #tpu.memory_space<vmem>>
    %dma_start3A_503 = tpu.memref_squeeze %dma_start3A_502 : memref<1x128x128xf32, #tpu.memory_space<vmem>> -> memref<128x128xf32, #tpu.memory_space<vmem>>
    %dma_start3A_504 = arith.constant 0 : i32
    %dma_start3A_505 = tpu.memref_slice %arg5[%dma_start3A_498, %dma_start3A_504] : memref<32x128xi32, #tpu.memory_space<vmem>> -> memref<1x128xi32, #tpu.memory_space<vmem>>
    %dma_start3A_506 = tpu.memref_squeeze %dma_start3A_505 : memref<1x128xi32, #tpu.memory_space<vmem>> -> memref<128xi32, #tpu.memory_space<vmem>>
    %dma_start3A_507 = arith.constant 0 : i32
    %dma_start3A_508 = arith.constant 0 : i32
    %dma_start3A_509 = tpu.memref_slice %arg2[%dma_start3A_507, %dma_start3A_508] : memref<4096x128xf32, #tpu.memory_space<hbm>> -> memref<4096x128xf32, #tpu.memory_space<hbm>>
    tpu.enqueue_indirect_dma source(%dma_start3A_509 : memref<4096x128xf32, #tpu.memory_space<hbm>>) target(%dma_start3A_503 : memref<128x128xf32, #tpu.memory_space<vmem>>) offsets(%dma_start3A_506 : memref<128xi32, #tpu.memory_space<vmem>>) semaphore(%arg8 : memref<!tpu.dma_semaphore, #tpu.memory_space<semaphore_mem>>)
    %dma_wait3A_510 = arith.constant 18 : i32
    %dma_wait3A_511 = arith.constant 0 : i32
    %dma_wait3A_512 = arith.constant 0 : i32
    %dma_wait3A_513 = arith.constant 0 : i32
    %dma_wait3A_514 = tpu.memref_slice %arg6[%dma_wait3A_511, %dma_wait3A_512, %dma_wait3A_513] : memref<2x128x128xf32, #tpu.memory_space<vmem>> -> memref<1x128x128xf32, #tpu.memory_space<vmem>>
    %dma_wait3A_515 = tpu.memref_squeeze %dma_wait3A_514 : memref<1x128x128xf32, #tpu.memory_space<vmem>> -> memref<128x128xf32, #tpu.memory_space<vmem>>
    %dma_wait3A_516 = arith.constant 0 : i32
    %dma_wait3A_517 = tpu.memref_slice %arg5[%dma_wait3A_510, %dma_wait3A_516] : memref<32x128xi32, #tpu.memory_space<vmem>> -> memref<1x128xi32, #tpu.memory_space<vmem>>
    %dma_wait3A_518 = tpu.memref_squeeze %dma_wait3A_517 : memref<1x128xi32, #tpu.memory_space<vmem>> -> memref<128xi32, #tpu.memory_space<vmem>>
    %dma_wait3A_519 = arith.constant 0 : i32
    %dma_wait3A_520 = arith.constant 0 : i32
    %dma_wait3A_521 = tpu.memref_slice %arg2[%dma_wait3A_519, %dma_wait3A_520] : memref<4096x128xf32, #tpu.memory_space<hbm>> -> memref<4096x128xf32, #tpu.memory_space<hbm>>
    tpu.wait_indirect_dma semaphore(%arg7 : memref<!tpu.dma_semaphore, #tpu.memory_space<semaphore_mem>>) src(%dma_wait3A_521 : memref<4096x128xf32, #tpu.memory_space<hbm>>) dst(%dma_wait3A_515 : memref<128x128xf32, #tpu.memory_space<vmem>>)
    %add3A_522 = arith.constant 2304 : i32
    %add3A_523 = arith.addi %mul3A_2, %add3A_522 : i32
    %run_scoped3A_524 = arith.constant 0 : i32
    "tpu.region"() ({
      %run_scoped3A_864 = tpu.sem_alloc : memref<!tpu.dma_semaphore, #tpu.memory_space<semaphore_mem>>
      %dma_start3A_865 = arith.constant 0 : i32
      %dma_start3A_866 = arith.constant 0 : i32
      %dma_start3A_867 = tpu.memref_slice %arg6[%run_scoped3A_524, %dma_start3A_865, %dma_start3A_866] : memref<2x128x128xf32, #tpu.memory_space<vmem>> -> memref<1x128x128xf32, #tpu.memory_space<vmem>>
      %dma_start3A_868 = tpu.memref_squeeze %dma_start3A_867 : memref<1x128x128xf32, #tpu.memory_space<vmem>> -> memref<128x128xf32, #tpu.memory_space<vmem>>
      %dma_start3A_869 = arith.constant 0 : i32
      %dma_start3A_870 = tpu.memref_slice %arg4[%add3A_523, %dma_start3A_869] : memref<131072x128xf32, #tpu.memory_space<hbm>> -> memref<128x128xf32, #tpu.memory_space<hbm>>
      %dma_start3A_871 = arith.constant 0 : i32
      %dma_start3A_872 = tpu.memref_slice %arg4[%add3A_523, %dma_start3A_871] : memref<131072x128xf32, #tpu.memory_space<hbm>> -> memref<128x128xf32, #tpu.memory_space<hbm>>
      %dma_start3A_873 = arith.constant 0 : i32
      %dma_start3A_874 = arith.constant 0 : i32
      %dma_start3A_875 = tpu.memref_slice %arg6[%run_scoped3A_524, %dma_start3A_873, %dma_start3A_874] : memref<2x128x128xf32, #tpu.memory_space<vmem>> -> memref<1x128x128xf32, #tpu.memory_space<vmem>>
      %dma_start3A_876 = tpu.memref_squeeze %dma_start3A_875 : memref<1x128x128xf32, #tpu.memory_space<vmem>> -> memref<128x128xf32, #tpu.memory_space<vmem>>
      tpu.enqueue_dma source(%dma_start3A_876 : memref<128x128xf32, #tpu.memory_space<vmem>>) target(%dma_start3A_872 : memref<128x128xf32, #tpu.memory_space<hbm>>) target_semaphore(%run_scoped3A_864 : memref<!tpu.dma_semaphore, #tpu.memory_space<semaphore_mem>>)
      %dma_wait3A_877 = arith.constant 0 : i32
      %dma_wait3A_878 = arith.constant 0 : i32
      %dma_wait3A_879 = tpu.memref_slice %arg6[%run_scoped3A_524, %dma_wait3A_877, %dma_wait3A_878] : memref<2x128x128xf32, #tpu.memory_space<vmem>> -> memref<1x128x128xf32, #tpu.memory_space<vmem>>
      %dma_wait3A_880 = tpu.memref_squeeze %dma_wait3A_879 : memref<1x128x128xf32, #tpu.memory_space<vmem>> -> memref<128x128xf32, #tpu.memory_space<vmem>>
      %dma_wait3A_881 = arith.constant 0 : i32
      %dma_wait3A_882 = tpu.memref_slice %arg4[%add3A_523, %dma_wait3A_881] : memref<131072x128xf32, #tpu.memory_space<hbm>> -> memref<128x128xf32, #tpu.memory_space<hbm>>
      %dma_wait3A_883 = arith.constant 0 : i32
      %dma_wait3A_884 = tpu.memref_slice %arg4[%add3A_523, %dma_wait3A_883] : memref<131072x128xf32, #tpu.memory_space<hbm>> -> memref<128x128xf32, #tpu.memory_space<hbm>>
      %dma_wait3A_885 = arith.constant 0 : i32
      %dma_wait3A_886 = arith.constant 0 : i32
      %dma_wait3A_887 = tpu.memref_slice %arg6[%run_scoped3A_524, %dma_wait3A_885, %dma_wait3A_886] : memref<2x128x128xf32, #tpu.memory_space<vmem>> -> memref<1x128x128xf32, #tpu.memory_space<vmem>>
      %dma_wait3A_888 = tpu.memref_squeeze %dma_wait3A_887 : memref<1x128x128xf32, #tpu.memory_space<vmem>> -> memref<128x128xf32, #tpu.memory_space<vmem>>
      tpu.wait_dma2 semaphore(%run_scoped3A_864 : memref<!tpu.dma_semaphore, #tpu.memory_space<semaphore_mem>>) src(%dma_wait3A_888 : memref<128x128xf32, #tpu.memory_space<vmem>>) dst(%dma_wait3A_884 : memref<128x128xf32, #tpu.memory_space<hbm>>)
      tpu.yield
    }) : () -> ()
    %dma_start3A_525 = arith.constant 20 : i32
    %dma_start3A_526 = arith.constant 0 : i32
    %dma_start3A_527 = arith.constant 0 : i32
    %dma_start3A_528 = arith.constant 0 : i32
    %dma_start3A_529 = tpu.memref_slice %arg6[%dma_start3A_526, %dma_start3A_527, %dma_start3A_528] : memref<2x128x128xf32, #tpu.memory_space<vmem>> -> memref<1x128x128xf32, #tpu.memory_space<vmem>>
    %dma_start3A_530 = tpu.memref_squeeze %dma_start3A_529 : memref<1x128x128xf32, #tpu.memory_space<vmem>> -> memref<128x128xf32, #tpu.memory_space<vmem>>
    %dma_start3A_531 = arith.constant 0 : i32
    %dma_start3A_532 = tpu.memref_slice %arg5[%dma_start3A_525, %dma_start3A_531] : memref<32x128xi32, #tpu.memory_space<vmem>> -> memref<1x128xi32, #tpu.memory_space<vmem>>
    %dma_start3A_533 = tpu.memref_squeeze %dma_start3A_532 : memref<1x128xi32, #tpu.memory_space<vmem>> -> memref<128xi32, #tpu.memory_space<vmem>>
    %dma_start3A_534 = arith.constant 0 : i32
    %dma_start3A_535 = arith.constant 0 : i32
    %dma_start3A_536 = tpu.memref_slice %arg2[%dma_start3A_534, %dma_start3A_535] : memref<4096x128xf32, #tpu.memory_space<hbm>> -> memref<4096x128xf32, #tpu.memory_space<hbm>>
    tpu.enqueue_indirect_dma source(%dma_start3A_536 : memref<4096x128xf32, #tpu.memory_space<hbm>>) target(%dma_start3A_530 : memref<128x128xf32, #tpu.memory_space<vmem>>) offsets(%dma_start3A_533 : memref<128xi32, #tpu.memory_space<vmem>>) semaphore(%arg7 : memref<!tpu.dma_semaphore, #tpu.memory_space<semaphore_mem>>)
    %dma_wait3A_537 = arith.constant 19 : i32
    %dma_wait3A_538 = arith.constant 1 : i32
    %dma_wait3A_539 = arith.constant 0 : i32
    %dma_wait3A_540 = arith.constant 0 : i32
    %dma_wait3A_541 = tpu.memref_slice %arg6[%dma_wait3A_538, %dma_wait3A_539, %dma_wait3A_540] : memref<2x128x128xf32, #tpu.memory_space<vmem>> -> memref<1x128x128xf32, #tpu.memory_space<vmem>>
    %dma_wait3A_542 = tpu.memref_squeeze %dma_wait3A_541 : memref<1x128x128xf32, #tpu.memory_space<vmem>> -> memref<128x128xf32, #tpu.memory_space<vmem>>
    %dma_wait3A_543 = arith.constant 0 : i32
    %dma_wait3A_544 = tpu.memref_slice %arg5[%dma_wait3A_537, %dma_wait3A_543] : memref<32x128xi32, #tpu.memory_space<vmem>> -> memref<1x128xi32, #tpu.memory_space<vmem>>
    %dma_wait3A_545 = tpu.memref_squeeze %dma_wait3A_544 : memref<1x128xi32, #tpu.memory_space<vmem>> -> memref<128xi32, #tpu.memory_space<vmem>>
    %dma_wait3A_546 = arith.constant 0 : i32
    %dma_wait3A_547 = arith.constant 0 : i32
    %dma_wait3A_548 = tpu.memref_slice %arg2[%dma_wait3A_546, %dma_wait3A_547] : memref<4096x128xf32, #tpu.memory_space<hbm>> -> memref<4096x128xf32, #tpu.memory_space<hbm>>
    tpu.wait_indirect_dma semaphore(%arg8 : memref<!tpu.dma_semaphore, #tpu.memory_space<semaphore_mem>>) src(%dma_wait3A_548 : memref<4096x128xf32, #tpu.memory_space<hbm>>) dst(%dma_wait3A_542 : memref<128x128xf32, #tpu.memory_space<vmem>>)
    %add3A_549 = arith.constant 2432 : i32
    %add3A_550 = arith.addi %mul3A_2, %add3A_549 : i32
    %run_scoped3A_551 = arith.constant 1 : i32
    "tpu.region"() ({
      %run_scoped3A_864 = tpu.sem_alloc : memref<!tpu.dma_semaphore, #tpu.memory_space<semaphore_mem>>
      %dma_start3A_865 = arith.constant 0 : i32
      %dma_start3A_866 = arith.constant 0 : i32
      %dma_start3A_867 = tpu.memref_slice %arg6[%run_scoped3A_551, %dma_start3A_865, %dma_start3A_866] : memref<2x128x128xf32, #tpu.memory_space<vmem>> -> memref<1x128x128xf32, #tpu.memory_space<vmem>>
      %dma_start3A_868 = tpu.memref_squeeze %dma_start3A_867 : memref<1x128x128xf32, #tpu.memory_space<vmem>> -> memref<128x128xf32, #tpu.memory_space<vmem>>
      %dma_start3A_869 = arith.constant 0 : i32
      %dma_start3A_870 = tpu.memref_slice %arg4[%add3A_550, %dma_start3A_869] : memref<131072x128xf32, #tpu.memory_space<hbm>> -> memref<128x128xf32, #tpu.memory_space<hbm>>
      %dma_start3A_871 = arith.constant 0 : i32
      %dma_start3A_872 = tpu.memref_slice %arg4[%add3A_550, %dma_start3A_871] : memref<131072x128xf32, #tpu.memory_space<hbm>> -> memref<128x128xf32, #tpu.memory_space<hbm>>
      %dma_start3A_873 = arith.constant 0 : i32
      %dma_start3A_874 = arith.constant 0 : i32
      %dma_start3A_875 = tpu.memref_slice %arg6[%run_scoped3A_551, %dma_start3A_873, %dma_start3A_874] : memref<2x128x128xf32, #tpu.memory_space<vmem>> -> memref<1x128x128xf32, #tpu.memory_space<vmem>>
      %dma_start3A_876 = tpu.memref_squeeze %dma_start3A_875 : memref<1x128x128xf32, #tpu.memory_space<vmem>> -> memref<128x128xf32, #tpu.memory_space<vmem>>
      tpu.enqueue_dma source(%dma_start3A_876 : memref<128x128xf32, #tpu.memory_space<vmem>>) target(%dma_start3A_872 : memref<128x128xf32, #tpu.memory_space<hbm>>) target_semaphore(%run_scoped3A_864 : memref<!tpu.dma_semaphore, #tpu.memory_space<semaphore_mem>>)
      %dma_wait3A_877 = arith.constant 0 : i32
      %dma_wait3A_878 = arith.constant 0 : i32
      %dma_wait3A_879 = tpu.memref_slice %arg6[%run_scoped3A_551, %dma_wait3A_877, %dma_wait3A_878] : memref<2x128x128xf32, #tpu.memory_space<vmem>> -> memref<1x128x128xf32, #tpu.memory_space<vmem>>
      %dma_wait3A_880 = tpu.memref_squeeze %dma_wait3A_879 : memref<1x128x128xf32, #tpu.memory_space<vmem>> -> memref<128x128xf32, #tpu.memory_space<vmem>>
      %dma_wait3A_881 = arith.constant 0 : i32
      %dma_wait3A_882 = tpu.memref_slice %arg4[%add3A_550, %dma_wait3A_881] : memref<131072x128xf32, #tpu.memory_space<hbm>> -> memref<128x128xf32, #tpu.memory_space<hbm>>
      %dma_wait3A_883 = arith.constant 0 : i32
      %dma_wait3A_884 = tpu.memref_slice %arg4[%add3A_550, %dma_wait3A_883] : memref<131072x128xf32, #tpu.memory_space<hbm>> -> memref<128x128xf32, #tpu.memory_space<hbm>>
      %dma_wait3A_885 = arith.constant 0 : i32
      %dma_wait3A_886 = arith.constant 0 : i32
      %dma_wait3A_887 = tpu.memref_slice %arg6[%run_scoped3A_551, %dma_wait3A_885, %dma_wait3A_886] : memref<2x128x128xf32, #tpu.memory_space<vmem>> -> memref<1x128x128xf32, #tpu.memory_space<vmem>>
      %dma_wait3A_888 = tpu.memref_squeeze %dma_wait3A_887 : memref<1x128x128xf32, #tpu.memory_space<vmem>> -> memref<128x128xf32, #tpu.memory_space<vmem>>
      tpu.wait_dma2 semaphore(%run_scoped3A_864 : memref<!tpu.dma_semaphore, #tpu.memory_space<semaphore_mem>>) src(%dma_wait3A_888 : memref<128x128xf32, #tpu.memory_space<vmem>>) dst(%dma_wait3A_884 : memref<128x128xf32, #tpu.memory_space<hbm>>)
      tpu.yield
    }) : () -> ()
    %dma_start3A_552 = arith.constant 21 : i32
    %dma_start3A_553 = arith.constant 1 : i32
    %dma_start3A_554 = arith.constant 0 : i32
    %dma_start3A_555 = arith.constant 0 : i32
    %dma_start3A_556 = tpu.memref_slice %arg6[%dma_start3A_553, %dma_start3A_554, %dma_start3A_555] : memref<2x128x128xf32, #tpu.memory_space<vmem>> -> memref<1x128x128xf32, #tpu.memory_space<vmem>>
    %dma_start3A_557 = tpu.memref_squeeze %dma_start3A_556 : memref<1x128x128xf32, #tpu.memory_space<vmem>> -> memref<128x128xf32, #tpu.memory_space<vmem>>
    %dma_start3A_558 = arith.constant 0 : i32
    %dma_start3A_559 = tpu.memref_slice %arg5[%dma_start3A_552, %dma_start3A_558] : memref<32x128xi32, #tpu.memory_space<vmem>> -> memref<1x128xi32, #tpu.memory_space<vmem>>
    %dma_start3A_560 = tpu.memref_squeeze %dma_start3A_559 : memref<1x128xi32, #tpu.memory_space<vmem>> -> memref<128xi32, #tpu.memory_space<vmem>>
    %dma_start3A_561 = arith.constant 0 : i32
    %dma_start3A_562 = arith.constant 0 : i32
    %dma_start3A_563 = tpu.memref_slice %arg2[%dma_start3A_561, %dma_start3A_562] : memref<4096x128xf32, #tpu.memory_space<hbm>> -> memref<4096x128xf32, #tpu.memory_space<hbm>>
    tpu.enqueue_indirect_dma source(%dma_start3A_563 : memref<4096x128xf32, #tpu.memory_space<hbm>>) target(%dma_start3A_557 : memref<128x128xf32, #tpu.memory_space<vmem>>) offsets(%dma_start3A_560 : memref<128xi32, #tpu.memory_space<vmem>>) semaphore(%arg8 : memref<!tpu.dma_semaphore, #tpu.memory_space<semaphore_mem>>)
    %dma_wait3A_564 = arith.constant 20 : i32
    %dma_wait3A_565 = arith.constant 0 : i32
    %dma_wait3A_566 = arith.constant 0 : i32
    %dma_wait3A_567 = arith.constant 0 : i32
    %dma_wait3A_568 = tpu.memref_slice %arg6[%dma_wait3A_565, %dma_wait3A_566, %dma_wait3A_567] : memref<2x128x128xf32, #tpu.memory_space<vmem>> -> memref<1x128x128xf32, #tpu.memory_space<vmem>>
    %dma_wait3A_569 = tpu.memref_squeeze %dma_wait3A_568 : memref<1x128x128xf32, #tpu.memory_space<vmem>> -> memref<128x128xf32, #tpu.memory_space<vmem>>
    %dma_wait3A_570 = arith.constant 0 : i32
    %dma_wait3A_571 = tpu.memref_slice %arg5[%dma_wait3A_564, %dma_wait3A_570] : memref<32x128xi32, #tpu.memory_space<vmem>> -> memref<1x128xi32, #tpu.memory_space<vmem>>
    %dma_wait3A_572 = tpu.memref_squeeze %dma_wait3A_571 : memref<1x128xi32, #tpu.memory_space<vmem>> -> memref<128xi32, #tpu.memory_space<vmem>>
    %dma_wait3A_573 = arith.constant 0 : i32
    %dma_wait3A_574 = arith.constant 0 : i32
    %dma_wait3A_575 = tpu.memref_slice %arg2[%dma_wait3A_573, %dma_wait3A_574] : memref<4096x128xf32, #tpu.memory_space<hbm>> -> memref<4096x128xf32, #tpu.memory_space<hbm>>
    tpu.wait_indirect_dma semaphore(%arg7 : memref<!tpu.dma_semaphore, #tpu.memory_space<semaphore_mem>>) src(%dma_wait3A_575 : memref<4096x128xf32, #tpu.memory_space<hbm>>) dst(%dma_wait3A_569 : memref<128x128xf32, #tpu.memory_space<vmem>>)
    %add3A_576 = arith.constant 2560 : i32
    %add3A_577 = arith.addi %mul3A_2, %add3A_576 : i32
    %run_scoped3A_578 = arith.constant 0 : i32
    "tpu.region"() ({
      %run_scoped3A_864 = tpu.sem_alloc : memref<!tpu.dma_semaphore, #tpu.memory_space<semaphore_mem>>
      %dma_start3A_865 = arith.constant 0 : i32
      %dma_start3A_866 = arith.constant 0 : i32
      %dma_start3A_867 = tpu.memref_slice %arg6[%run_scoped3A_578, %dma_start3A_865, %dma_start3A_866] : memref<2x128x128xf32, #tpu.memory_space<vmem>> -> memref<1x128x128xf32, #tpu.memory_space<vmem>>
      %dma_start3A_868 = tpu.memref_squeeze %dma_start3A_867 : memref<1x128x128xf32, #tpu.memory_space<vmem>> -> memref<128x128xf32, #tpu.memory_space<vmem>>
      %dma_start3A_869 = arith.constant 0 : i32
      %dma_start3A_870 = tpu.memref_slice %arg4[%add3A_577, %dma_start3A_869] : memref<131072x128xf32, #tpu.memory_space<hbm>> -> memref<128x128xf32, #tpu.memory_space<hbm>>
      %dma_start3A_871 = arith.constant 0 : i32
      %dma_start3A_872 = tpu.memref_slice %arg4[%add3A_577, %dma_start3A_871] : memref<131072x128xf32, #tpu.memory_space<hbm>> -> memref<128x128xf32, #tpu.memory_space<hbm>>
      %dma_start3A_873 = arith.constant 0 : i32
      %dma_start3A_874 = arith.constant 0 : i32
      %dma_start3A_875 = tpu.memref_slice %arg6[%run_scoped3A_578, %dma_start3A_873, %dma_start3A_874] : memref<2x128x128xf32, #tpu.memory_space<vmem>> -> memref<1x128x128xf32, #tpu.memory_space<vmem>>
      %dma_start3A_876 = tpu.memref_squeeze %dma_start3A_875 : memref<1x128x128xf32, #tpu.memory_space<vmem>> -> memref<128x128xf32, #tpu.memory_space<vmem>>
      tpu.enqueue_dma source(%dma_start3A_876 : memref<128x128xf32, #tpu.memory_space<vmem>>) target(%dma_start3A_872 : memref<128x128xf32, #tpu.memory_space<hbm>>) target_semaphore(%run_scoped3A_864 : memref<!tpu.dma_semaphore, #tpu.memory_space<semaphore_mem>>)
      %dma_wait3A_877 = arith.constant 0 : i32
      %dma_wait3A_878 = arith.constant 0 : i32
      %dma_wait3A_879 = tpu.memref_slice %arg6[%run_scoped3A_578, %dma_wait3A_877, %dma_wait3A_878] : memref<2x128x128xf32, #tpu.memory_space<vmem>> -> memref<1x128x128xf32, #tpu.memory_space<vmem>>
      %dma_wait3A_880 = tpu.memref_squeeze %dma_wait3A_879 : memref<1x128x128xf32, #tpu.memory_space<vmem>> -> memref<128x128xf32, #tpu.memory_space<vmem>>
      %dma_wait3A_881 = arith.constant 0 : i32
      %dma_wait3A_882 = tpu.memref_slice %arg4[%add3A_577, %dma_wait3A_881] : memref<131072x128xf32, #tpu.memory_space<hbm>> -> memref<128x128xf32, #tpu.memory_space<hbm>>
      %dma_wait3A_883 = arith.constant 0 : i32
      %dma_wait3A_884 = tpu.memref_slice %arg4[%add3A_577, %dma_wait3A_883] : memref<131072x128xf32, #tpu.memory_space<hbm>> -> memref<128x128xf32, #tpu.memory_space<hbm>>
      %dma_wait3A_885 = arith.constant 0 : i32
      %dma_wait3A_886 = arith.constant 0 : i32
      %dma_wait3A_887 = tpu.memref_slice %arg6[%run_scoped3A_578, %dma_wait3A_885, %dma_wait3A_886] : memref<2x128x128xf32, #tpu.memory_space<vmem>> -> memref<1x128x128xf32, #tpu.memory_space<vmem>>
      %dma_wait3A_888 = tpu.memref_squeeze %dma_wait3A_887 : memref<1x128x128xf32, #tpu.memory_space<vmem>> -> memref<128x128xf32, #tpu.memory_space<vmem>>
      tpu.wait_dma2 semaphore(%run_scoped3A_864 : memref<!tpu.dma_semaphore, #tpu.memory_space<semaphore_mem>>) src(%dma_wait3A_888 : memref<128x128xf32, #tpu.memory_space<vmem>>) dst(%dma_wait3A_884 : memref<128x128xf32, #tpu.memory_space<hbm>>)
      tpu.yield
    }) : () -> ()
    %dma_start3A_579 = arith.constant 22 : i32
    %dma_start3A_580 = arith.constant 0 : i32
    %dma_start3A_581 = arith.constant 0 : i32
    %dma_start3A_582 = arith.constant 0 : i32
    %dma_start3A_583 = tpu.memref_slice %arg6[%dma_start3A_580, %dma_start3A_581, %dma_start3A_582] : memref<2x128x128xf32, #tpu.memory_space<vmem>> -> memref<1x128x128xf32, #tpu.memory_space<vmem>>
    %dma_start3A_584 = tpu.memref_squeeze %dma_start3A_583 : memref<1x128x128xf32, #tpu.memory_space<vmem>> -> memref<128x128xf32, #tpu.memory_space<vmem>>
    %dma_start3A_585 = arith.constant 0 : i32
    %dma_start3A_586 = tpu.memref_slice %arg5[%dma_start3A_579, %dma_start3A_585] : memref<32x128xi32, #tpu.memory_space<vmem>> -> memref<1x128xi32, #tpu.memory_space<vmem>>
    %dma_start3A_587 = tpu.memref_squeeze %dma_start3A_586 : memref<1x128xi32, #tpu.memory_space<vmem>> -> memref<128xi32, #tpu.memory_space<vmem>>
    %dma_start3A_588 = arith.constant 0 : i32
    %dma_start3A_589 = arith.constant 0 : i32
    %dma_start3A_590 = tpu.memref_slice %arg2[%dma_start3A_588, %dma_start3A_589] : memref<4096x128xf32, #tpu.memory_space<hbm>> -> memref<4096x128xf32, #tpu.memory_space<hbm>>
    tpu.enqueue_indirect_dma source(%dma_start3A_590 : memref<4096x128xf32, #tpu.memory_space<hbm>>) target(%dma_start3A_584 : memref<128x128xf32, #tpu.memory_space<vmem>>) offsets(%dma_start3A_587 : memref<128xi32, #tpu.memory_space<vmem>>) semaphore(%arg7 : memref<!tpu.dma_semaphore, #tpu.memory_space<semaphore_mem>>)
    %dma_wait3A_591 = arith.constant 21 : i32
    %dma_wait3A_592 = arith.constant 1 : i32
    %dma_wait3A_593 = arith.constant 0 : i32
    %dma_wait3A_594 = arith.constant 0 : i32
    %dma_wait3A_595 = tpu.memref_slice %arg6[%dma_wait3A_592, %dma_wait3A_593, %dma_wait3A_594] : memref<2x128x128xf32, #tpu.memory_space<vmem>> -> memref<1x128x128xf32, #tpu.memory_space<vmem>>
    %dma_wait3A_596 = tpu.memref_squeeze %dma_wait3A_595 : memref<1x128x128xf32, #tpu.memory_space<vmem>> -> memref<128x128xf32, #tpu.memory_space<vmem>>
    %dma_wait3A_597 = arith.constant 0 : i32
    %dma_wait3A_598 = tpu.memref_slice %arg5[%dma_wait3A_591, %dma_wait3A_597] : memref<32x128xi32, #tpu.memory_space<vmem>> -> memref<1x128xi32, #tpu.memory_space<vmem>>
    %dma_wait3A_599 = tpu.memref_squeeze %dma_wait3A_598 : memref<1x128xi32, #tpu.memory_space<vmem>> -> memref<128xi32, #tpu.memory_space<vmem>>
    %dma_wait3A_600 = arith.constant 0 : i32
    %dma_wait3A_601 = arith.constant 0 : i32
    %dma_wait3A_602 = tpu.memref_slice %arg2[%dma_wait3A_600, %dma_wait3A_601] : memref<4096x128xf32, #tpu.memory_space<hbm>> -> memref<4096x128xf32, #tpu.memory_space<hbm>>
    tpu.wait_indirect_dma semaphore(%arg8 : memref<!tpu.dma_semaphore, #tpu.memory_space<semaphore_mem>>) src(%dma_wait3A_602 : memref<4096x128xf32, #tpu.memory_space<hbm>>) dst(%dma_wait3A_596 : memref<128x128xf32, #tpu.memory_space<vmem>>)
    %add3A_603 = arith.constant 2688 : i32
    %add3A_604 = arith.addi %mul3A_2, %add3A_603 : i32
    %run_scoped3A_605 = arith.constant 1 : i32
    "tpu.region"() ({
      %run_scoped3A_864 = tpu.sem_alloc : memref<!tpu.dma_semaphore, #tpu.memory_space<semaphore_mem>>
      %dma_start3A_865 = arith.constant 0 : i32
      %dma_start3A_866 = arith.constant 0 : i32
      %dma_start3A_867 = tpu.memref_slice %arg6[%run_scoped3A_605, %dma_start3A_865, %dma_start3A_866] : memref<2x128x128xf32, #tpu.memory_space<vmem>> -> memref<1x128x128xf32, #tpu.memory_space<vmem>>
      %dma_start3A_868 = tpu.memref_squeeze %dma_start3A_867 : memref<1x128x128xf32, #tpu.memory_space<vmem>> -> memref<128x128xf32, #tpu.memory_space<vmem>>
      %dma_start3A_869 = arith.constant 0 : i32
      %dma_start3A_870 = tpu.memref_slice %arg4[%add3A_604, %dma_start3A_869] : memref<131072x128xf32, #tpu.memory_space<hbm>> -> memref<128x128xf32, #tpu.memory_space<hbm>>
      %dma_start3A_871 = arith.constant 0 : i32
      %dma_start3A_872 = tpu.memref_slice %arg4[%add3A_604, %dma_start3A_871] : memref<131072x128xf32, #tpu.memory_space<hbm>> -> memref<128x128xf32, #tpu.memory_space<hbm>>
      %dma_start3A_873 = arith.constant 0 : i32
      %dma_start3A_874 = arith.constant 0 : i32
      %dma_start3A_875 = tpu.memref_slice %arg6[%run_scoped3A_605, %dma_start3A_873, %dma_start3A_874] : memref<2x128x128xf32, #tpu.memory_space<vmem>> -> memref<1x128x128xf32, #tpu.memory_space<vmem>>
      %dma_start3A_876 = tpu.memref_squeeze %dma_start3A_875 : memref<1x128x128xf32, #tpu.memory_space<vmem>> -> memref<128x128xf32, #tpu.memory_space<vmem>>
      tpu.enqueue_dma source(%dma_start3A_876 : memref<128x128xf32, #tpu.memory_space<vmem>>) target(%dma_start3A_872 : memref<128x128xf32, #tpu.memory_space<hbm>>) target_semaphore(%run_scoped3A_864 : memref<!tpu.dma_semaphore, #tpu.memory_space<semaphore_mem>>)
      %dma_wait3A_877 = arith.constant 0 : i32
      %dma_wait3A_878 = arith.constant 0 : i32
      %dma_wait3A_879 = tpu.memref_slice %arg6[%run_scoped3A_605, %dma_wait3A_877, %dma_wait3A_878] : memref<2x128x128xf32, #tpu.memory_space<vmem>> -> memref<1x128x128xf32, #tpu.memory_space<vmem>>
      %dma_wait3A_880 = tpu.memref_squeeze %dma_wait3A_879 : memref<1x128x128xf32, #tpu.memory_space<vmem>> -> memref<128x128xf32, #tpu.memory_space<vmem>>
      %dma_wait3A_881 = arith.constant 0 : i32
      %dma_wait3A_882 = tpu.memref_slice %arg4[%add3A_604, %dma_wait3A_881] : memref<131072x128xf32, #tpu.memory_space<hbm>> -> memref<128x128xf32, #tpu.memory_space<hbm>>
      %dma_wait3A_883 = arith.constant 0 : i32
      %dma_wait3A_884 = tpu.memref_slice %arg4[%add3A_604, %dma_wait3A_883] : memref<131072x128xf32, #tpu.memory_space<hbm>> -> memref<128x128xf32, #tpu.memory_space<hbm>>
      %dma_wait3A_885 = arith.constant 0 : i32
      %dma_wait3A_886 = arith.constant 0 : i32
      %dma_wait3A_887 = tpu.memref_slice %arg6[%run_scoped3A_605, %dma_wait3A_885, %dma_wait3A_886] : memref<2x128x128xf32, #tpu.memory_space<vmem>> -> memref<1x128x128xf32, #tpu.memory_space<vmem>>
      %dma_wait3A_888 = tpu.memref_squeeze %dma_wait3A_887 : memref<1x128x128xf32, #tpu.memory_space<vmem>> -> memref<128x128xf32, #tpu.memory_space<vmem>>
      tpu.wait_dma2 semaphore(%run_scoped3A_864 : memref<!tpu.dma_semaphore, #tpu.memory_space<semaphore_mem>>) src(%dma_wait3A_888 : memref<128x128xf32, #tpu.memory_space<vmem>>) dst(%dma_wait3A_884 : memref<128x128xf32, #tpu.memory_space<hbm>>)
      tpu.yield
    }) : () -> ()
    %dma_start3A_606 = arith.constant 23 : i32
    %dma_start3A_607 = arith.constant 1 : i32
    %dma_start3A_608 = arith.constant 0 : i32
    %dma_start3A_609 = arith.constant 0 : i32
    %dma_start3A_610 = tpu.memref_slice %arg6[%dma_start3A_607, %dma_start3A_608, %dma_start3A_609] : memref<2x128x128xf32, #tpu.memory_space<vmem>> -> memref<1x128x128xf32, #tpu.memory_space<vmem>>
    %dma_start3A_611 = tpu.memref_squeeze %dma_start3A_610 : memref<1x128x128xf32, #tpu.memory_space<vmem>> -> memref<128x128xf32, #tpu.memory_space<vmem>>
    %dma_start3A_612 = arith.constant 0 : i32
    %dma_start3A_613 = tpu.memref_slice %arg5[%dma_start3A_606, %dma_start3A_612] : memref<32x128xi32, #tpu.memory_space<vmem>> -> memref<1x128xi32, #tpu.memory_space<vmem>>
    %dma_start3A_614 = tpu.memref_squeeze %dma_start3A_613 : memref<1x128xi32, #tpu.memory_space<vmem>> -> memref<128xi32, #tpu.memory_space<vmem>>
    %dma_start3A_615 = arith.constant 0 : i32
    %dma_start3A_616 = arith.constant 0 : i32
    %dma_start3A_617 = tpu.memref_slice %arg2[%dma_start3A_615, %dma_start3A_616] : memref<4096x128xf32, #tpu.memory_space<hbm>> -> memref<4096x128xf32, #tpu.memory_space<hbm>>
    tpu.enqueue_indirect_dma source(%dma_start3A_617 : memref<4096x128xf32, #tpu.memory_space<hbm>>) target(%dma_start3A_611 : memref<128x128xf32, #tpu.memory_space<vmem>>) offsets(%dma_start3A_614 : memref<128xi32, #tpu.memory_space<vmem>>) semaphore(%arg8 : memref<!tpu.dma_semaphore, #tpu.memory_space<semaphore_mem>>)
    %dma_wait3A_618 = arith.constant 22 : i32
    %dma_wait3A_619 = arith.constant 0 : i32
    %dma_wait3A_620 = arith.constant 0 : i32
    %dma_wait3A_621 = arith.constant 0 : i32
    %dma_wait3A_622 = tpu.memref_slice %arg6[%dma_wait3A_619, %dma_wait3A_620, %dma_wait3A_621] : memref<2x128x128xf32, #tpu.memory_space<vmem>> -> memref<1x128x128xf32, #tpu.memory_space<vmem>>
    %dma_wait3A_623 = tpu.memref_squeeze %dma_wait3A_622 : memref<1x128x128xf32, #tpu.memory_space<vmem>> -> memref<128x128xf32, #tpu.memory_space<vmem>>
    %dma_wait3A_624 = arith.constant 0 : i32
    %dma_wait3A_625 = tpu.memref_slice %arg5[%dma_wait3A_618, %dma_wait3A_624] : memref<32x128xi32, #tpu.memory_space<vmem>> -> memref<1x128xi32, #tpu.memory_space<vmem>>
    %dma_wait3A_626 = tpu.memref_squeeze %dma_wait3A_625 : memref<1x128xi32, #tpu.memory_space<vmem>> -> memref<128xi32, #tpu.memory_space<vmem>>
    %dma_wait3A_627 = arith.constant 0 : i32
    %dma_wait3A_628 = arith.constant 0 : i32
    %dma_wait3A_629 = tpu.memref_slice %arg2[%dma_wait3A_627, %dma_wait3A_628] : memref<4096x128xf32, #tpu.memory_space<hbm>> -> memref<4096x128xf32, #tpu.memory_space<hbm>>
    tpu.wait_indirect_dma semaphore(%arg7 : memref<!tpu.dma_semaphore, #tpu.memory_space<semaphore_mem>>) src(%dma_wait3A_629 : memref<4096x128xf32, #tpu.memory_space<hbm>>) dst(%dma_wait3A_623 : memref<128x128xf32, #tpu.memory_space<vmem>>)
    %add3A_630 = arith.constant 2816 : i32
    %add3A_631 = arith.addi %mul3A_2, %add3A_630 : i32
    %run_scoped3A_632 = arith.constant 0 : i32
    "tpu.region"() ({
      %run_scoped3A_864 = tpu.sem_alloc : memref<!tpu.dma_semaphore, #tpu.memory_space<semaphore_mem>>
      %dma_start3A_865 = arith.constant 0 : i32
      %dma_start3A_866 = arith.constant 0 : i32
      %dma_start3A_867 = tpu.memref_slice %arg6[%run_scoped3A_632, %dma_start3A_865, %dma_start3A_866] : memref<2x128x128xf32, #tpu.memory_space<vmem>> -> memref<1x128x128xf32, #tpu.memory_space<vmem>>
      %dma_start3A_868 = tpu.memref_squeeze %dma_start3A_867 : memref<1x128x128xf32, #tpu.memory_space<vmem>> -> memref<128x128xf32, #tpu.memory_space<vmem>>
      %dma_start3A_869 = arith.constant 0 : i32
      %dma_start3A_870 = tpu.memref_slice %arg4[%add3A_631, %dma_start3A_869] : memref<131072x128xf32, #tpu.memory_space<hbm>> -> memref<128x128xf32, #tpu.memory_space<hbm>>
      %dma_start3A_871 = arith.constant 0 : i32
      %dma_start3A_872 = tpu.memref_slice %arg4[%add3A_631, %dma_start3A_871] : memref<131072x128xf32, #tpu.memory_space<hbm>> -> memref<128x128xf32, #tpu.memory_space<hbm>>
      %dma_start3A_873 = arith.constant 0 : i32
      %dma_start3A_874 = arith.constant 0 : i32
      %dma_start3A_875 = tpu.memref_slice %arg6[%run_scoped3A_632, %dma_start3A_873, %dma_start3A_874] : memref<2x128x128xf32, #tpu.memory_space<vmem>> -> memref<1x128x128xf32, #tpu.memory_space<vmem>>
      %dma_start3A_876 = tpu.memref_squeeze %dma_start3A_875 : memref<1x128x128xf32, #tpu.memory_space<vmem>> -> memref<128x128xf32, #tpu.memory_space<vmem>>
      tpu.enqueue_dma source(%dma_start3A_876 : memref<128x128xf32, #tpu.memory_space<vmem>>) target(%dma_start3A_872 : memref<128x128xf32, #tpu.memory_space<hbm>>) target_semaphore(%run_scoped3A_864 : memref<!tpu.dma_semaphore, #tpu.memory_space<semaphore_mem>>)
      %dma_wait3A_877 = arith.constant 0 : i32
      %dma_wait3A_878 = arith.constant 0 : i32
      %dma_wait3A_879 = tpu.memref_slice %arg6[%run_scoped3A_632, %dma_wait3A_877, %dma_wait3A_878] : memref<2x128x128xf32, #tpu.memory_space<vmem>> -> memref<1x128x128xf32, #tpu.memory_space<vmem>>
      %dma_wait3A_880 = tpu.memref_squeeze %dma_wait3A_879 : memref<1x128x128xf32, #tpu.memory_space<vmem>> -> memref<128x128xf32, #tpu.memory_space<vmem>>
      %dma_wait3A_881 = arith.constant 0 : i32
      %dma_wait3A_882 = tpu.memref_slice %arg4[%add3A_631, %dma_wait3A_881] : memref<131072x128xf32, #tpu.memory_space<hbm>> -> memref<128x128xf32, #tpu.memory_space<hbm>>
      %dma_wait3A_883 = arith.constant 0 : i32
      %dma_wait3A_884 = tpu.memref_slice %arg4[%add3A_631, %dma_wait3A_883] : memref<131072x128xf32, #tpu.memory_space<hbm>> -> memref<128x128xf32, #tpu.memory_space<hbm>>
      %dma_wait3A_885 = arith.constant 0 : i32
      %dma_wait3A_886 = arith.constant 0 : i32
      %dma_wait3A_887 = tpu.memref_slice %arg6[%run_scoped3A_632, %dma_wait3A_885, %dma_wait3A_886] : memref<2x128x128xf32, #tpu.memory_space<vmem>> -> memref<1x128x128xf32, #tpu.memory_space<vmem>>
      %dma_wait3A_888 = tpu.memref_squeeze %dma_wait3A_887 : memref<1x128x128xf32, #tpu.memory_space<vmem>> -> memref<128x128xf32, #tpu.memory_space<vmem>>
      tpu.wait_dma2 semaphore(%run_scoped3A_864 : memref<!tpu.dma_semaphore, #tpu.memory_space<semaphore_mem>>) src(%dma_wait3A_888 : memref<128x128xf32, #tpu.memory_space<vmem>>) dst(%dma_wait3A_884 : memref<128x128xf32, #tpu.memory_space<hbm>>)
      tpu.yield
    }) : () -> ()
    %dma_start3A_633 = arith.constant 24 : i32
    %dma_start3A_634 = arith.constant 0 : i32
    %dma_start3A_635 = arith.constant 0 : i32
    %dma_start3A_636 = arith.constant 0 : i32
    %dma_start3A_637 = tpu.memref_slice %arg6[%dma_start3A_634, %dma_start3A_635, %dma_start3A_636] : memref<2x128x128xf32, #tpu.memory_space<vmem>> -> memref<1x128x128xf32, #tpu.memory_space<vmem>>
    %dma_start3A_638 = tpu.memref_squeeze %dma_start3A_637 : memref<1x128x128xf32, #tpu.memory_space<vmem>> -> memref<128x128xf32, #tpu.memory_space<vmem>>
    %dma_start3A_639 = arith.constant 0 : i32
    %dma_start3A_640 = tpu.memref_slice %arg5[%dma_start3A_633, %dma_start3A_639] : memref<32x128xi32, #tpu.memory_space<vmem>> -> memref<1x128xi32, #tpu.memory_space<vmem>>
    %dma_start3A_641 = tpu.memref_squeeze %dma_start3A_640 : memref<1x128xi32, #tpu.memory_space<vmem>> -> memref<128xi32, #tpu.memory_space<vmem>>
    %dma_start3A_642 = arith.constant 0 : i32
    %dma_start3A_643 = arith.constant 0 : i32
    %dma_start3A_644 = tpu.memref_slice %arg2[%dma_start3A_642, %dma_start3A_643] : memref<4096x128xf32, #tpu.memory_space<hbm>> -> memref<4096x128xf32, #tpu.memory_space<hbm>>
    tpu.enqueue_indirect_dma source(%dma_start3A_644 : memref<4096x128xf32, #tpu.memory_space<hbm>>) target(%dma_start3A_638 : memref<128x128xf32, #tpu.memory_space<vmem>>) offsets(%dma_start3A_641 : memref<128xi32, #tpu.memory_space<vmem>>) semaphore(%arg7 : memref<!tpu.dma_semaphore, #tpu.memory_space<semaphore_mem>>)
    %dma_wait3A_645 = arith.constant 23 : i32
    %dma_wait3A_646 = arith.constant 1 : i32
    %dma_wait3A_647 = arith.constant 0 : i32
    %dma_wait3A_648 = arith.constant 0 : i32
    %dma_wait3A_649 = tpu.memref_slice %arg6[%dma_wait3A_646, %dma_wait3A_647, %dma_wait3A_648] : memref<2x128x128xf32, #tpu.memory_space<vmem>> -> memref<1x128x128xf32, #tpu.memory_space<vmem>>
    %dma_wait3A_650 = tpu.memref_squeeze %dma_wait3A_649 : memref<1x128x128xf32, #tpu.memory_space<vmem>> -> memref<128x128xf32, #tpu.memory_space<vmem>>
    %dma_wait3A_651 = arith.constant 0 : i32
    %dma_wait3A_652 = tpu.memref_slice %arg5[%dma_wait3A_645, %dma_wait3A_651] : memref<32x128xi32, #tpu.memory_space<vmem>> -> memref<1x128xi32, #tpu.memory_space<vmem>>
    %dma_wait3A_653 = tpu.memref_squeeze %dma_wait3A_652 : memref<1x128xi32, #tpu.memory_space<vmem>> -> memref<128xi32, #tpu.memory_space<vmem>>
    %dma_wait3A_654 = arith.constant 0 : i32
    %dma_wait3A_655 = arith.constant 0 : i32
    %dma_wait3A_656 = tpu.memref_slice %arg2[%dma_wait3A_654, %dma_wait3A_655] : memref<4096x128xf32, #tpu.memory_space<hbm>> -> memref<4096x128xf32, #tpu.memory_space<hbm>>
    tpu.wait_indirect_dma semaphore(%arg8 : memref<!tpu.dma_semaphore, #tpu.memory_space<semaphore_mem>>) src(%dma_wait3A_656 : memref<4096x128xf32, #tpu.memory_space<hbm>>) dst(%dma_wait3A_650 : memref<128x128xf32, #tpu.memory_space<vmem>>)
    %add3A_657 = arith.constant 2944 : i32
    %add3A_658 = arith.addi %mul3A_2, %add3A_657 : i32
    %run_scoped3A_659 = arith.constant 1 : i32
    "tpu.region"() ({
      %run_scoped3A_864 = tpu.sem_alloc : memref<!tpu.dma_semaphore, #tpu.memory_space<semaphore_mem>>
      %dma_start3A_865 = arith.constant 0 : i32
      %dma_start3A_866 = arith.constant 0 : i32
      %dma_start3A_867 = tpu.memref_slice %arg6[%run_scoped3A_659, %dma_start3A_865, %dma_start3A_866] : memref<2x128x128xf32, #tpu.memory_space<vmem>> -> memref<1x128x128xf32, #tpu.memory_space<vmem>>
      %dma_start3A_868 = tpu.memref_squeeze %dma_start3A_867 : memref<1x128x128xf32, #tpu.memory_space<vmem>> -> memref<128x128xf32, #tpu.memory_space<vmem>>
      %dma_start3A_869 = arith.constant 0 : i32
      %dma_start3A_870 = tpu.memref_slice %arg4[%add3A_658, %dma_start3A_869] : memref<131072x128xf32, #tpu.memory_space<hbm>> -> memref<128x128xf32, #tpu.memory_space<hbm>>
      %dma_start3A_871 = arith.constant 0 : i32
      %dma_start3A_872 = tpu.memref_slice %arg4[%add3A_658, %dma_start3A_871] : memref<131072x128xf32, #tpu.memory_space<hbm>> -> memref<128x128xf32, #tpu.memory_space<hbm>>
      %dma_start3A_873 = arith.constant 0 : i32
      %dma_start3A_874 = arith.constant 0 : i32
      %dma_start3A_875 = tpu.memref_slice %arg6[%run_scoped3A_659, %dma_start3A_873, %dma_start3A_874] : memref<2x128x128xf32, #tpu.memory_space<vmem>> -> memref<1x128x128xf32, #tpu.memory_space<vmem>>
      %dma_start3A_876 = tpu.memref_squeeze %dma_start3A_875 : memref<1x128x128xf32, #tpu.memory_space<vmem>> -> memref<128x128xf32, #tpu.memory_space<vmem>>
      tpu.enqueue_dma source(%dma_start3A_876 : memref<128x128xf32, #tpu.memory_space<vmem>>) target(%dma_start3A_872 : memref<128x128xf32, #tpu.memory_space<hbm>>) target_semaphore(%run_scoped3A_864 : memref<!tpu.dma_semaphore, #tpu.memory_space<semaphore_mem>>)
      %dma_wait3A_877 = arith.constant 0 : i32
      %dma_wait3A_878 = arith.constant 0 : i32
      %dma_wait3A_879 = tpu.memref_slice %arg6[%run_scoped3A_659, %dma_wait3A_877, %dma_wait3A_878] : memref<2x128x128xf32, #tpu.memory_space<vmem>> -> memref<1x128x128xf32, #tpu.memory_space<vmem>>
      %dma_wait3A_880 = tpu.memref_squeeze %dma_wait3A_879 : memref<1x128x128xf32, #tpu.memory_space<vmem>> -> memref<128x128xf32, #tpu.memory_space<vmem>>
      %dma_wait3A_881 = arith.constant 0 : i32
      %dma_wait3A_882 = tpu.memref_slice %arg4[%add3A_658, %dma_wait3A_881] : memref<131072x128xf32, #tpu.memory_space<hbm>> -> memref<128x128xf32, #tpu.memory_space<hbm>>
      %dma_wait3A_883 = arith.constant 0 : i32
      %dma_wait3A_884 = tpu.memref_slice %arg4[%add3A_658, %dma_wait3A_883] : memref<131072x128xf32, #tpu.memory_space<hbm>> -> memref<128x128xf32, #tpu.memory_space<hbm>>
      %dma_wait3A_885 = arith.constant 0 : i32
      %dma_wait3A_886 = arith.constant 0 : i32
      %dma_wait3A_887 = tpu.memref_slice %arg6[%run_scoped3A_659, %dma_wait3A_885, %dma_wait3A_886] : memref<2x128x128xf32, #tpu.memory_space<vmem>> -> memref<1x128x128xf32, #tpu.memory_space<vmem>>
      %dma_wait3A_888 = tpu.memref_squeeze %dma_wait3A_887 : memref<1x128x128xf32, #tpu.memory_space<vmem>> -> memref<128x128xf32, #tpu.memory_space<vmem>>
      tpu.wait_dma2 semaphore(%run_scoped3A_864 : memref<!tpu.dma_semaphore, #tpu.memory_space<semaphore_mem>>) src(%dma_wait3A_888 : memref<128x128xf32, #tpu.memory_space<vmem>>) dst(%dma_wait3A_884 : memref<128x128xf32, #tpu.memory_space<hbm>>)
      tpu.yield
    }) : () -> ()
    %dma_start3A_660 = arith.constant 25 : i32
    %dma_start3A_661 = arith.constant 1 : i32
    %dma_start3A_662 = arith.constant 0 : i32
    %dma_start3A_663 = arith.constant 0 : i32
    %dma_start3A_664 = tpu.memref_slice %arg6[%dma_start3A_661, %dma_start3A_662, %dma_start3A_663] : memref<2x128x128xf32, #tpu.memory_space<vmem>> -> memref<1x128x128xf32, #tpu.memory_space<vmem>>
    %dma_start3A_665 = tpu.memref_squeeze %dma_start3A_664 : memref<1x128x128xf32, #tpu.memory_space<vmem>> -> memref<128x128xf32, #tpu.memory_space<vmem>>
    %dma_start3A_666 = arith.constant 0 : i32
    %dma_start3A_667 = tpu.memref_slice %arg5[%dma_start3A_660, %dma_start3A_666] : memref<32x128xi32, #tpu.memory_space<vmem>> -> memref<1x128xi32, #tpu.memory_space<vmem>>
    %dma_start3A_668 = tpu.memref_squeeze %dma_start3A_667 : memref<1x128xi32, #tpu.memory_space<vmem>> -> memref<128xi32, #tpu.memory_space<vmem>>
    %dma_start3A_669 = arith.constant 0 : i32
    %dma_start3A_670 = arith.constant 0 : i32
    %dma_start3A_671 = tpu.memref_slice %arg2[%dma_start3A_669, %dma_start3A_670] : memref<4096x128xf32, #tpu.memory_space<hbm>> -> memref<4096x128xf32, #tpu.memory_space<hbm>>
    tpu.enqueue_indirect_dma source(%dma_start3A_671 : memref<4096x128xf32, #tpu.memory_space<hbm>>) target(%dma_start3A_665 : memref<128x128xf32, #tpu.memory_space<vmem>>) offsets(%dma_start3A_668 : memref<128xi32, #tpu.memory_space<vmem>>) semaphore(%arg8 : memref<!tpu.dma_semaphore, #tpu.memory_space<semaphore_mem>>)
    %dma_wait3A_672 = arith.constant 24 : i32
    %dma_wait3A_673 = arith.constant 0 : i32
    %dma_wait3A_674 = arith.constant 0 : i32
    %dma_wait3A_675 = arith.constant 0 : i32
    %dma_wait3A_676 = tpu.memref_slice %arg6[%dma_wait3A_673, %dma_wait3A_674, %dma_wait3A_675] : memref<2x128x128xf32, #tpu.memory_space<vmem>> -> memref<1x128x128xf32, #tpu.memory_space<vmem>>
    %dma_wait3A_677 = tpu.memref_squeeze %dma_wait3A_676 : memref<1x128x128xf32, #tpu.memory_space<vmem>> -> memref<128x128xf32, #tpu.memory_space<vmem>>
    %dma_wait3A_678 = arith.constant 0 : i32
    %dma_wait3A_679 = tpu.memref_slice %arg5[%dma_wait3A_672, %dma_wait3A_678] : memref<32x128xi32, #tpu.memory_space<vmem>> -> memref<1x128xi32, #tpu.memory_space<vmem>>
    %dma_wait3A_680 = tpu.memref_squeeze %dma_wait3A_679 : memref<1x128xi32, #tpu.memory_space<vmem>> -> memref<128xi32, #tpu.memory_space<vmem>>
    %dma_wait3A_681 = arith.constant 0 : i32
    %dma_wait3A_682 = arith.constant 0 : i32
    %dma_wait3A_683 = tpu.memref_slice %arg2[%dma_wait3A_681, %dma_wait3A_682] : memref<4096x128xf32, #tpu.memory_space<hbm>> -> memref<4096x128xf32, #tpu.memory_space<hbm>>
    tpu.wait_indirect_dma semaphore(%arg7 : memref<!tpu.dma_semaphore, #tpu.memory_space<semaphore_mem>>) src(%dma_wait3A_683 : memref<4096x128xf32, #tpu.memory_space<hbm>>) dst(%dma_wait3A_677 : memref<128x128xf32, #tpu.memory_space<vmem>>)
    %add3A_684 = arith.constant 3072 : i32
    %add3A_685 = arith.addi %mul3A_2, %add3A_684 : i32
    %run_scoped3A_686 = arith.constant 0 : i32
    "tpu.region"() ({
      %run_scoped3A_864 = tpu.sem_alloc : memref<!tpu.dma_semaphore, #tpu.memory_space<semaphore_mem>>
      %dma_start3A_865 = arith.constant 0 : i32
      %dma_start3A_866 = arith.constant 0 : i32
      %dma_start3A_867 = tpu.memref_slice %arg6[%run_scoped3A_686, %dma_start3A_865, %dma_start3A_866] : memref<2x128x128xf32, #tpu.memory_space<vmem>> -> memref<1x128x128xf32, #tpu.memory_space<vmem>>
      %dma_start3A_868 = tpu.memref_squeeze %dma_start3A_867 : memref<1x128x128xf32, #tpu.memory_space<vmem>> -> memref<128x128xf32, #tpu.memory_space<vmem>>
      %dma_start3A_869 = arith.constant 0 : i32
      %dma_start3A_870 = tpu.memref_slice %arg4[%add3A_685, %dma_start3A_869] : memref<131072x128xf32, #tpu.memory_space<hbm>> -> memref<128x128xf32, #tpu.memory_space<hbm>>
      %dma_start3A_871 = arith.constant 0 : i32
      %dma_start3A_872 = tpu.memref_slice %arg4[%add3A_685, %dma_start3A_871] : memref<131072x128xf32, #tpu.memory_space<hbm>> -> memref<128x128xf32, #tpu.memory_space<hbm>>
      %dma_start3A_873 = arith.constant 0 : i32
      %dma_start3A_874 = arith.constant 0 : i32
      %dma_start3A_875 = tpu.memref_slice %arg6[%run_scoped3A_686, %dma_start3A_873, %dma_start3A_874] : memref<2x128x128xf32, #tpu.memory_space<vmem>> -> memref<1x128x128xf32, #tpu.memory_space<vmem>>
      %dma_start3A_876 = tpu.memref_squeeze %dma_start3A_875 : memref<1x128x128xf32, #tpu.memory_space<vmem>> -> memref<128x128xf32, #tpu.memory_space<vmem>>
      tpu.enqueue_dma source(%dma_start3A_876 : memref<128x128xf32, #tpu.memory_space<vmem>>) target(%dma_start3A_872 : memref<128x128xf32, #tpu.memory_space<hbm>>) target_semaphore(%run_scoped3A_864 : memref<!tpu.dma_semaphore, #tpu.memory_space<semaphore_mem>>)
      %dma_wait3A_877 = arith.constant 0 : i32
      %dma_wait3A_878 = arith.constant 0 : i32
      %dma_wait3A_879 = tpu.memref_slice %arg6[%run_scoped3A_686, %dma_wait3A_877, %dma_wait3A_878] : memref<2x128x128xf32, #tpu.memory_space<vmem>> -> memref<1x128x128xf32, #tpu.memory_space<vmem>>
      %dma_wait3A_880 = tpu.memref_squeeze %dma_wait3A_879 : memref<1x128x128xf32, #tpu.memory_space<vmem>> -> memref<128x128xf32, #tpu.memory_space<vmem>>
      %dma_wait3A_881 = arith.constant 0 : i32
      %dma_wait3A_882 = tpu.memref_slice %arg4[%add3A_685, %dma_wait3A_881] : memref<131072x128xf32, #tpu.memory_space<hbm>> -> memref<128x128xf32, #tpu.memory_space<hbm>>
      %dma_wait3A_883 = arith.constant 0 : i32
      %dma_wait3A_884 = tpu.memref_slice %arg4[%add3A_685, %dma_wait3A_883] : memref<131072x128xf32, #tpu.memory_space<hbm>> -> memref<128x128xf32, #tpu.memory_space<hbm>>
      %dma_wait3A_885 = arith.constant 0 : i32
      %dma_wait3A_886 = arith.constant 0 : i32
      %dma_wait3A_887 = tpu.memref_slice %arg6[%run_scoped3A_686, %dma_wait3A_885, %dma_wait3A_886] : memref<2x128x128xf32, #tpu.memory_space<vmem>> -> memref<1x128x128xf32, #tpu.memory_space<vmem>>
      %dma_wait3A_888 = tpu.memref_squeeze %dma_wait3A_887 : memref<1x128x128xf32, #tpu.memory_space<vmem>> -> memref<128x128xf32, #tpu.memory_space<vmem>>
      tpu.wait_dma2 semaphore(%run_scoped3A_864 : memref<!tpu.dma_semaphore, #tpu.memory_space<semaphore_mem>>) src(%dma_wait3A_888 : memref<128x128xf32, #tpu.memory_space<vmem>>) dst(%dma_wait3A_884 : memref<128x128xf32, #tpu.memory_space<hbm>>)
      tpu.yield
    }) : () -> ()
    %dma_start3A_687 = arith.constant 26 : i32
    %dma_start3A_688 = arith.constant 0 : i32
    %dma_start3A_689 = arith.constant 0 : i32
    %dma_start3A_690 = arith.constant 0 : i32
    %dma_start3A_691 = tpu.memref_slice %arg6[%dma_start3A_688, %dma_start3A_689, %dma_start3A_690] : memref<2x128x128xf32, #tpu.memory_space<vmem>> -> memref<1x128x128xf32, #tpu.memory_space<vmem>>
    %dma_start3A_692 = tpu.memref_squeeze %dma_start3A_691 : memref<1x128x128xf32, #tpu.memory_space<vmem>> -> memref<128x128xf32, #tpu.memory_space<vmem>>
    %dma_start3A_693 = arith.constant 0 : i32
    %dma_start3A_694 = tpu.memref_slice %arg5[%dma_start3A_687, %dma_start3A_693] : memref<32x128xi32, #tpu.memory_space<vmem>> -> memref<1x128xi32, #tpu.memory_space<vmem>>
    %dma_start3A_695 = tpu.memref_squeeze %dma_start3A_694 : memref<1x128xi32, #tpu.memory_space<vmem>> -> memref<128xi32, #tpu.memory_space<vmem>>
    %dma_start3A_696 = arith.constant 0 : i32
    %dma_start3A_697 = arith.constant 0 : i32
    %dma_start3A_698 = tpu.memref_slice %arg2[%dma_start3A_696, %dma_start3A_697] : memref<4096x128xf32, #tpu.memory_space<hbm>> -> memref<4096x128xf32, #tpu.memory_space<hbm>>
    tpu.enqueue_indirect_dma source(%dma_start3A_698 : memref<4096x128xf32, #tpu.memory_space<hbm>>) target(%dma_start3A_692 : memref<128x128xf32, #tpu.memory_space<vmem>>) offsets(%dma_start3A_695 : memref<128xi32, #tpu.memory_space<vmem>>) semaphore(%arg7 : memref<!tpu.dma_semaphore, #tpu.memory_space<semaphore_mem>>)
    %dma_wait3A_699 = arith.constant 25 : i32
    %dma_wait3A_700 = arith.constant 1 : i32
    %dma_wait3A_701 = arith.constant 0 : i32
    %dma_wait3A_702 = arith.constant 0 : i32
    %dma_wait3A_703 = tpu.memref_slice %arg6[%dma_wait3A_700, %dma_wait3A_701, %dma_wait3A_702] : memref<2x128x128xf32, #tpu.memory_space<vmem>> -> memref<1x128x128xf32, #tpu.memory_space<vmem>>
    %dma_wait3A_704 = tpu.memref_squeeze %dma_wait3A_703 : memref<1x128x128xf32, #tpu.memory_space<vmem>> -> memref<128x128xf32, #tpu.memory_space<vmem>>
    %dma_wait3A_705 = arith.constant 0 : i32
    %dma_wait3A_706 = tpu.memref_slice %arg5[%dma_wait3A_699, %dma_wait3A_705] : memref<32x128xi32, #tpu.memory_space<vmem>> -> memref<1x128xi32, #tpu.memory_space<vmem>>
    %dma_wait3A_707 = tpu.memref_squeeze %dma_wait3A_706 : memref<1x128xi32, #tpu.memory_space<vmem>> -> memref<128xi32, #tpu.memory_space<vmem>>
    %dma_wait3A_708 = arith.constant 0 : i32
    %dma_wait3A_709 = arith.constant 0 : i32
    %dma_wait3A_710 = tpu.memref_slice %arg2[%dma_wait3A_708, %dma_wait3A_709] : memref<4096x128xf32, #tpu.memory_space<hbm>> -> memref<4096x128xf32, #tpu.memory_space<hbm>>
    tpu.wait_indirect_dma semaphore(%arg8 : memref<!tpu.dma_semaphore, #tpu.memory_space<semaphore_mem>>) src(%dma_wait3A_710 : memref<4096x128xf32, #tpu.memory_space<hbm>>) dst(%dma_wait3A_704 : memref<128x128xf32, #tpu.memory_space<vmem>>)
    %add3A_711 = arith.constant 3200 : i32
    %add3A_712 = arith.addi %mul3A_2, %add3A_711 : i32
    %run_scoped3A_713 = arith.constant 1 : i32
    "tpu.region"() ({
      %run_scoped3A_864 = tpu.sem_alloc : memref<!tpu.dma_semaphore, #tpu.memory_space<semaphore_mem>>
      %dma_start3A_865 = arith.constant 0 : i32
      %dma_start3A_866 = arith.constant 0 : i32
      %dma_start3A_867 = tpu.memref_slice %arg6[%run_scoped3A_713, %dma_start3A_865, %dma_start3A_866] : memref<2x128x128xf32, #tpu.memory_space<vmem>> -> memref<1x128x128xf32, #tpu.memory_space<vmem>>
      %dma_start3A_868 = tpu.memref_squeeze %dma_start3A_867 : memref<1x128x128xf32, #tpu.memory_space<vmem>> -> memref<128x128xf32, #tpu.memory_space<vmem>>
      %dma_start3A_869 = arith.constant 0 : i32
      %dma_start3A_870 = tpu.memref_slice %arg4[%add3A_712, %dma_start3A_869] : memref<131072x128xf32, #tpu.memory_space<hbm>> -> memref<128x128xf32, #tpu.memory_space<hbm>>
      %dma_start3A_871 = arith.constant 0 : i32
      %dma_start3A_872 = tpu.memref_slice %arg4[%add3A_712, %dma_start3A_871] : memref<131072x128xf32, #tpu.memory_space<hbm>> -> memref<128x128xf32, #tpu.memory_space<hbm>>
      %dma_start3A_873 = arith.constant 0 : i32
      %dma_start3A_874 = arith.constant 0 : i32
      %dma_start3A_875 = tpu.memref_slice %arg6[%run_scoped3A_713, %dma_start3A_873, %dma_start3A_874] : memref<2x128x128xf32, #tpu.memory_space<vmem>> -> memref<1x128x128xf32, #tpu.memory_space<vmem>>
      %dma_start3A_876 = tpu.memref_squeeze %dma_start3A_875 : memref<1x128x128xf32, #tpu.memory_space<vmem>> -> memref<128x128xf32, #tpu.memory_space<vmem>>
      tpu.enqueue_dma source(%dma_start3A_876 : memref<128x128xf32, #tpu.memory_space<vmem>>) target(%dma_start3A_872 : memref<128x128xf32, #tpu.memory_space<hbm>>) target_semaphore(%run_scoped3A_864 : memref<!tpu.dma_semaphore, #tpu.memory_space<semaphore_mem>>)
      %dma_wait3A_877 = arith.constant 0 : i32
      %dma_wait3A_878 = arith.constant 0 : i32
      %dma_wait3A_879 = tpu.memref_slice %arg6[%run_scoped3A_713, %dma_wait3A_877, %dma_wait3A_878] : memref<2x128x128xf32, #tpu.memory_space<vmem>> -> memref<1x128x128xf32, #tpu.memory_space<vmem>>
      %dma_wait3A_880 = tpu.memref_squeeze %dma_wait3A_879 : memref<1x128x128xf32, #tpu.memory_space<vmem>> -> memref<128x128xf32, #tpu.memory_space<vmem>>
      %dma_wait3A_881 = arith.constant 0 : i32
      %dma_wait3A_882 = tpu.memref_slice %arg4[%add3A_712, %dma_wait3A_881] : memref<131072x128xf32, #tpu.memory_space<hbm>> -> memref<128x128xf32, #tpu.memory_space<hbm>>
      %dma_wait3A_883 = arith.constant 0 : i32
      %dma_wait3A_884 = tpu.memref_slice %arg4[%add3A_712, %dma_wait3A_883] : memref<131072x128xf32, #tpu.memory_space<hbm>> -> memref<128x128xf32, #tpu.memory_space<hbm>>
      %dma_wait3A_885 = arith.constant 0 : i32
      %dma_wait3A_886 = arith.constant 0 : i32
      %dma_wait3A_887 = tpu.memref_slice %arg6[%run_scoped3A_713, %dma_wait3A_885, %dma_wait3A_886] : memref<2x128x128xf32, #tpu.memory_space<vmem>> -> memref<1x128x128xf32, #tpu.memory_space<vmem>>
      %dma_wait3A_888 = tpu.memref_squeeze %dma_wait3A_887 : memref<1x128x128xf32, #tpu.memory_space<vmem>> -> memref<128x128xf32, #tpu.memory_space<vmem>>
      tpu.wait_dma2 semaphore(%run_scoped3A_864 : memref<!tpu.dma_semaphore, #tpu.memory_space<semaphore_mem>>) src(%dma_wait3A_888 : memref<128x128xf32, #tpu.memory_space<vmem>>) dst(%dma_wait3A_884 : memref<128x128xf32, #tpu.memory_space<hbm>>)
      tpu.yield
    }) : () -> ()
    %dma_start3A_714 = arith.constant 27 : i32
    %dma_start3A_715 = arith.constant 1 : i32
    %dma_start3A_716 = arith.constant 0 : i32
    %dma_start3A_717 = arith.constant 0 : i32
    %dma_start3A_718 = tpu.memref_slice %arg6[%dma_start3A_715, %dma_start3A_716, %dma_start3A_717] : memref<2x128x128xf32, #tpu.memory_space<vmem>> -> memref<1x128x128xf32, #tpu.memory_space<vmem>>
    %dma_start3A_719 = tpu.memref_squeeze %dma_start3A_718 : memref<1x128x128xf32, #tpu.memory_space<vmem>> -> memref<128x128xf32, #tpu.memory_space<vmem>>
    %dma_start3A_720 = arith.constant 0 : i32
    %dma_start3A_721 = tpu.memref_slice %arg5[%dma_start3A_714, %dma_start3A_720] : memref<32x128xi32, #tpu.memory_space<vmem>> -> memref<1x128xi32, #tpu.memory_space<vmem>>
    %dma_start3A_722 = tpu.memref_squeeze %dma_start3A_721 : memref<1x128xi32, #tpu.memory_space<vmem>> -> memref<128xi32, #tpu.memory_space<vmem>>
    %dma_start3A_723 = arith.constant 0 : i32
    %dma_start3A_724 = arith.constant 0 : i32
    %dma_start3A_725 = tpu.memref_slice %arg2[%dma_start3A_723, %dma_start3A_724] : memref<4096x128xf32, #tpu.memory_space<hbm>> -> memref<4096x128xf32, #tpu.memory_space<hbm>>
    tpu.enqueue_indirect_dma source(%dma_start3A_725 : memref<4096x128xf32, #tpu.memory_space<hbm>>) target(%dma_start3A_719 : memref<128x128xf32, #tpu.memory_space<vmem>>) offsets(%dma_start3A_722 : memref<128xi32, #tpu.memory_space<vmem>>) semaphore(%arg8 : memref<!tpu.dma_semaphore, #tpu.memory_space<semaphore_mem>>)
    %dma_wait3A_726 = arith.constant 26 : i32
    %dma_wait3A_727 = arith.constant 0 : i32
    %dma_wait3A_728 = arith.constant 0 : i32
    %dma_wait3A_729 = arith.constant 0 : i32
    %dma_wait3A_730 = tpu.memref_slice %arg6[%dma_wait3A_727, %dma_wait3A_728, %dma_wait3A_729] : memref<2x128x128xf32, #tpu.memory_space<vmem>> -> memref<1x128x128xf32, #tpu.memory_space<vmem>>
    %dma_wait3A_731 = tpu.memref_squeeze %dma_wait3A_730 : memref<1x128x128xf32, #tpu.memory_space<vmem>> -> memref<128x128xf32, #tpu.memory_space<vmem>>
    %dma_wait3A_732 = arith.constant 0 : i32
    %dma_wait3A_733 = tpu.memref_slice %arg5[%dma_wait3A_726, %dma_wait3A_732] : memref<32x128xi32, #tpu.memory_space<vmem>> -> memref<1x128xi32, #tpu.memory_space<vmem>>
    %dma_wait3A_734 = tpu.memref_squeeze %dma_wait3A_733 : memref<1x128xi32, #tpu.memory_space<vmem>> -> memref<128xi32, #tpu.memory_space<vmem>>
    %dma_wait3A_735 = arith.constant 0 : i32
    %dma_wait3A_736 = arith.constant 0 : i32
    %dma_wait3A_737 = tpu.memref_slice %arg2[%dma_wait3A_735, %dma_wait3A_736] : memref<4096x128xf32, #tpu.memory_space<hbm>> -> memref<4096x128xf32, #tpu.memory_space<hbm>>
    tpu.wait_indirect_dma semaphore(%arg7 : memref<!tpu.dma_semaphore, #tpu.memory_space<semaphore_mem>>) src(%dma_wait3A_737 : memref<4096x128xf32, #tpu.memory_space<hbm>>) dst(%dma_wait3A_731 : memref<128x128xf32, #tpu.memory_space<vmem>>)
    %add3A_738 = arith.constant 3328 : i32
    %add3A_739 = arith.addi %mul3A_2, %add3A_738 : i32
    %run_scoped3A_740 = arith.constant 0 : i32
    "tpu.region"() ({
      %run_scoped3A_864 = tpu.sem_alloc : memref<!tpu.dma_semaphore, #tpu.memory_space<semaphore_mem>>
      %dma_start3A_865 = arith.constant 0 : i32
      %dma_start3A_866 = arith.constant 0 : i32
      %dma_start3A_867 = tpu.memref_slice %arg6[%run_scoped3A_740, %dma_start3A_865, %dma_start3A_866] : memref<2x128x128xf32, #tpu.memory_space<vmem>> -> memref<1x128x128xf32, #tpu.memory_space<vmem>>
      %dma_start3A_868 = tpu.memref_squeeze %dma_start3A_867 : memref<1x128x128xf32, #tpu.memory_space<vmem>> -> memref<128x128xf32, #tpu.memory_space<vmem>>
      %dma_start3A_869 = arith.constant 0 : i32
      %dma_start3A_870 = tpu.memref_slice %arg4[%add3A_739, %dma_start3A_869] : memref<131072x128xf32, #tpu.memory_space<hbm>> -> memref<128x128xf32, #tpu.memory_space<hbm>>
      %dma_start3A_871 = arith.constant 0 : i32
      %dma_start3A_872 = tpu.memref_slice %arg4[%add3A_739, %dma_start3A_871] : memref<131072x128xf32, #tpu.memory_space<hbm>> -> memref<128x128xf32, #tpu.memory_space<hbm>>
      %dma_start3A_873 = arith.constant 0 : i32
      %dma_start3A_874 = arith.constant 0 : i32
      %dma_start3A_875 = tpu.memref_slice %arg6[%run_scoped3A_740, %dma_start3A_873, %dma_start3A_874] : memref<2x128x128xf32, #tpu.memory_space<vmem>> -> memref<1x128x128xf32, #tpu.memory_space<vmem>>
      %dma_start3A_876 = tpu.memref_squeeze %dma_start3A_875 : memref<1x128x128xf32, #tpu.memory_space<vmem>> -> memref<128x128xf32, #tpu.memory_space<vmem>>
      tpu.enqueue_dma source(%dma_start3A_876 : memref<128x128xf32, #tpu.memory_space<vmem>>) target(%dma_start3A_872 : memref<128x128xf32, #tpu.memory_space<hbm>>) target_semaphore(%run_scoped3A_864 : memref<!tpu.dma_semaphore, #tpu.memory_space<semaphore_mem>>)
      %dma_wait3A_877 = arith.constant 0 : i32
      %dma_wait3A_878 = arith.constant 0 : i32
      %dma_wait3A_879 = tpu.memref_slice %arg6[%run_scoped3A_740, %dma_wait3A_877, %dma_wait3A_878] : memref<2x128x128xf32, #tpu.memory_space<vmem>> -> memref<1x128x128xf32, #tpu.memory_space<vmem>>
      %dma_wait3A_880 = tpu.memref_squeeze %dma_wait3A_879 : memref<1x128x128xf32, #tpu.memory_space<vmem>> -> memref<128x128xf32, #tpu.memory_space<vmem>>
      %dma_wait3A_881 = arith.constant 0 : i32
      %dma_wait3A_882 = tpu.memref_slice %arg4[%add3A_739, %dma_wait3A_881] : memref<131072x128xf32, #tpu.memory_space<hbm>> -> memref<128x128xf32, #tpu.memory_space<hbm>>
      %dma_wait3A_883 = arith.constant 0 : i32
      %dma_wait3A_884 = tpu.memref_slice %arg4[%add3A_739, %dma_wait3A_883] : memref<131072x128xf32, #tpu.memory_space<hbm>> -> memref<128x128xf32, #tpu.memory_space<hbm>>
      %dma_wait3A_885 = arith.constant 0 : i32
      %dma_wait3A_886 = arith.constant 0 : i32
      %dma_wait3A_887 = tpu.memref_slice %arg6[%run_scoped3A_740, %dma_wait3A_885, %dma_wait3A_886] : memref<2x128x128xf32, #tpu.memory_space<vmem>> -> memref<1x128x128xf32, #tpu.memory_space<vmem>>
      %dma_wait3A_888 = tpu.memref_squeeze %dma_wait3A_887 : memref<1x128x128xf32, #tpu.memory_space<vmem>> -> memref<128x128xf32, #tpu.memory_space<vmem>>
      tpu.wait_dma2 semaphore(%run_scoped3A_864 : memref<!tpu.dma_semaphore, #tpu.memory_space<semaphore_mem>>) src(%dma_wait3A_888 : memref<128x128xf32, #tpu.memory_space<vmem>>) dst(%dma_wait3A_884 : memref<128x128xf32, #tpu.memory_space<hbm>>)
      tpu.yield
    }) : () -> ()
    %dma_start3A_741 = arith.constant 28 : i32
    %dma_start3A_742 = arith.constant 0 : i32
    %dma_start3A_743 = arith.constant 0 : i32
    %dma_start3A_744 = arith.constant 0 : i32
    %dma_start3A_745 = tpu.memref_slice %arg6[%dma_start3A_742, %dma_start3A_743, %dma_start3A_744] : memref<2x128x128xf32, #tpu.memory_space<vmem>> -> memref<1x128x128xf32, #tpu.memory_space<vmem>>
    %dma_start3A_746 = tpu.memref_squeeze %dma_start3A_745 : memref<1x128x128xf32, #tpu.memory_space<vmem>> -> memref<128x128xf32, #tpu.memory_space<vmem>>
    %dma_start3A_747 = arith.constant 0 : i32
    %dma_start3A_748 = tpu.memref_slice %arg5[%dma_start3A_741, %dma_start3A_747] : memref<32x128xi32, #tpu.memory_space<vmem>> -> memref<1x128xi32, #tpu.memory_space<vmem>>
    %dma_start3A_749 = tpu.memref_squeeze %dma_start3A_748 : memref<1x128xi32, #tpu.memory_space<vmem>> -> memref<128xi32, #tpu.memory_space<vmem>>
    %dma_start3A_750 = arith.constant 0 : i32
    %dma_start3A_751 = arith.constant 0 : i32
    %dma_start3A_752 = tpu.memref_slice %arg2[%dma_start3A_750, %dma_start3A_751] : memref<4096x128xf32, #tpu.memory_space<hbm>> -> memref<4096x128xf32, #tpu.memory_space<hbm>>
    tpu.enqueue_indirect_dma source(%dma_start3A_752 : memref<4096x128xf32, #tpu.memory_space<hbm>>) target(%dma_start3A_746 : memref<128x128xf32, #tpu.memory_space<vmem>>) offsets(%dma_start3A_749 : memref<128xi32, #tpu.memory_space<vmem>>) semaphore(%arg7 : memref<!tpu.dma_semaphore, #tpu.memory_space<semaphore_mem>>)
    %dma_wait3A_753 = arith.constant 27 : i32
    %dma_wait3A_754 = arith.constant 1 : i32
    %dma_wait3A_755 = arith.constant 0 : i32
    %dma_wait3A_756 = arith.constant 0 : i32
    %dma_wait3A_757 = tpu.memref_slice %arg6[%dma_wait3A_754, %dma_wait3A_755, %dma_wait3A_756] : memref<2x128x128xf32, #tpu.memory_space<vmem>> -> memref<1x128x128xf32, #tpu.memory_space<vmem>>
    %dma_wait3A_758 = tpu.memref_squeeze %dma_wait3A_757 : memref<1x128x128xf32, #tpu.memory_space<vmem>> -> memref<128x128xf32, #tpu.memory_space<vmem>>
    %dma_wait3A_759 = arith.constant 0 : i32
    %dma_wait3A_760 = tpu.memref_slice %arg5[%dma_wait3A_753, %dma_wait3A_759] : memref<32x128xi32, #tpu.memory_space<vmem>> -> memref<1x128xi32, #tpu.memory_space<vmem>>
    %dma_wait3A_761 = tpu.memref_squeeze %dma_wait3A_760 : memref<1x128xi32, #tpu.memory_space<vmem>> -> memref<128xi32, #tpu.memory_space<vmem>>
    %dma_wait3A_762 = arith.constant 0 : i32
    %dma_wait3A_763 = arith.constant 0 : i32
    %dma_wait3A_764 = tpu.memref_slice %arg2[%dma_wait3A_762, %dma_wait3A_763] : memref<4096x128xf32, #tpu.memory_space<hbm>> -> memref<4096x128xf32, #tpu.memory_space<hbm>>
    tpu.wait_indirect_dma semaphore(%arg8 : memref<!tpu.dma_semaphore, #tpu.memory_space<semaphore_mem>>) src(%dma_wait3A_764 : memref<4096x128xf32, #tpu.memory_space<hbm>>) dst(%dma_wait3A_758 : memref<128x128xf32, #tpu.memory_space<vmem>>)
    %add3A_765 = arith.constant 3456 : i32
    %add3A_766 = arith.addi %mul3A_2, %add3A_765 : i32
    %run_scoped3A_767 = arith.constant 1 : i32
    "tpu.region"() ({
      %run_scoped3A_864 = tpu.sem_alloc : memref<!tpu.dma_semaphore, #tpu.memory_space<semaphore_mem>>
      %dma_start3A_865 = arith.constant 0 : i32
      %dma_start3A_866 = arith.constant 0 : i32
      %dma_start3A_867 = tpu.memref_slice %arg6[%run_scoped3A_767, %dma_start3A_865, %dma_start3A_866] : memref<2x128x128xf32, #tpu.memory_space<vmem>> -> memref<1x128x128xf32, #tpu.memory_space<vmem>>
      %dma_start3A_868 = tpu.memref_squeeze %dma_start3A_867 : memref<1x128x128xf32, #tpu.memory_space<vmem>> -> memref<128x128xf32, #tpu.memory_space<vmem>>
      %dma_start3A_869 = arith.constant 0 : i32
      %dma_start3A_870 = tpu.memref_slice %arg4[%add3A_766, %dma_start3A_869] : memref<131072x128xf32, #tpu.memory_space<hbm>> -> memref<128x128xf32, #tpu.memory_space<hbm>>
      %dma_start3A_871 = arith.constant 0 : i32
      %dma_start3A_872 = tpu.memref_slice %arg4[%add3A_766, %dma_start3A_871] : memref<131072x128xf32, #tpu.memory_space<hbm>> -> memref<128x128xf32, #tpu.memory_space<hbm>>
      %dma_start3A_873 = arith.constant 0 : i32
      %dma_start3A_874 = arith.constant 0 : i32
      %dma_start3A_875 = tpu.memref_slice %arg6[%run_scoped3A_767, %dma_start3A_873, %dma_start3A_874] : memref<2x128x128xf32, #tpu.memory_space<vmem>> -> memref<1x128x128xf32, #tpu.memory_space<vmem>>
      %dma_start3A_876 = tpu.memref_squeeze %dma_start3A_875 : memref<1x128x128xf32, #tpu.memory_space<vmem>> -> memref<128x128xf32, #tpu.memory_space<vmem>>
      tpu.enqueue_dma source(%dma_start3A_876 : memref<128x128xf32, #tpu.memory_space<vmem>>) target(%dma_start3A_872 : memref<128x128xf32, #tpu.memory_space<hbm>>) target_semaphore(%run_scoped3A_864 : memref<!tpu.dma_semaphore, #tpu.memory_space<semaphore_mem>>)
      %dma_wait3A_877 = arith.constant 0 : i32
      %dma_wait3A_878 = arith.constant 0 : i32
      %dma_wait3A_879 = tpu.memref_slice %arg6[%run_scoped3A_767, %dma_wait3A_877, %dma_wait3A_878] : memref<2x128x128xf32, #tpu.memory_space<vmem>> -> memref<1x128x128xf32, #tpu.memory_space<vmem>>
      %dma_wait3A_880 = tpu.memref_squeeze %dma_wait3A_879 : memref<1x128x128xf32, #tpu.memory_space<vmem>> -> memref<128x128xf32, #tpu.memory_space<vmem>>
      %dma_wait3A_881 = arith.constant 0 : i32
      %dma_wait3A_882 = tpu.memref_slice %arg4[%add3A_766, %dma_wait3A_881] : memref<131072x128xf32, #tpu.memory_space<hbm>> -> memref<128x128xf32, #tpu.memory_space<hbm>>
      %dma_wait3A_883 = arith.constant 0 : i32
      %dma_wait3A_884 = tpu.memref_slice %arg4[%add3A_766, %dma_wait3A_883] : memref<131072x128xf32, #tpu.memory_space<hbm>> -> memref<128x128xf32, #tpu.memory_space<hbm>>
      %dma_wait3A_885 = arith.constant 0 : i32
      %dma_wait3A_886 = arith.constant 0 : i32
      %dma_wait3A_887 = tpu.memref_slice %arg6[%run_scoped3A_767, %dma_wait3A_885, %dma_wait3A_886] : memref<2x128x128xf32, #tpu.memory_space<vmem>> -> memref<1x128x128xf32, #tpu.memory_space<vmem>>
      %dma_wait3A_888 = tpu.memref_squeeze %dma_wait3A_887 : memref<1x128x128xf32, #tpu.memory_space<vmem>> -> memref<128x128xf32, #tpu.memory_space<vmem>>
      tpu.wait_dma2 semaphore(%run_scoped3A_864 : memref<!tpu.dma_semaphore, #tpu.memory_space<semaphore_mem>>) src(%dma_wait3A_888 : memref<128x128xf32, #tpu.memory_space<vmem>>) dst(%dma_wait3A_884 : memref<128x128xf32, #tpu.memory_space<hbm>>)
      tpu.yield
    }) : () -> ()
    %dma_start3A_768 = arith.constant 29 : i32
    %dma_start3A_769 = arith.constant 1 : i32
    %dma_start3A_770 = arith.constant 0 : i32
    %dma_start3A_771 = arith.constant 0 : i32
    %dma_start3A_772 = tpu.memref_slice %arg6[%dma_start3A_769, %dma_start3A_770, %dma_start3A_771] : memref<2x128x128xf32, #tpu.memory_space<vmem>> -> memref<1x128x128xf32, #tpu.memory_space<vmem>>
    %dma_start3A_773 = tpu.memref_squeeze %dma_start3A_772 : memref<1x128x128xf32, #tpu.memory_space<vmem>> -> memref<128x128xf32, #tpu.memory_space<vmem>>
    %dma_start3A_774 = arith.constant 0 : i32
    %dma_start3A_775 = tpu.memref_slice %arg5[%dma_start3A_768, %dma_start3A_774] : memref<32x128xi32, #tpu.memory_space<vmem>> -> memref<1x128xi32, #tpu.memory_space<vmem>>
    %dma_start3A_776 = tpu.memref_squeeze %dma_start3A_775 : memref<1x128xi32, #tpu.memory_space<vmem>> -> memref<128xi32, #tpu.memory_space<vmem>>
    %dma_start3A_777 = arith.constant 0 : i32
    %dma_start3A_778 = arith.constant 0 : i32
    %dma_start3A_779 = tpu.memref_slice %arg2[%dma_start3A_777, %dma_start3A_778] : memref<4096x128xf32, #tpu.memory_space<hbm>> -> memref<4096x128xf32, #tpu.memory_space<hbm>>
    tpu.enqueue_indirect_dma source(%dma_start3A_779 : memref<4096x128xf32, #tpu.memory_space<hbm>>) target(%dma_start3A_773 : memref<128x128xf32, #tpu.memory_space<vmem>>) offsets(%dma_start3A_776 : memref<128xi32, #tpu.memory_space<vmem>>) semaphore(%arg8 : memref<!tpu.dma_semaphore, #tpu.memory_space<semaphore_mem>>)
    %dma_wait3A_780 = arith.constant 28 : i32
    %dma_wait3A_781 = arith.constant 0 : i32
    %dma_wait3A_782 = arith.constant 0 : i32
    %dma_wait3A_783 = arith.constant 0 : i32
    %dma_wait3A_784 = tpu.memref_slice %arg6[%dma_wait3A_781, %dma_wait3A_782, %dma_wait3A_783] : memref<2x128x128xf32, #tpu.memory_space<vmem>> -> memref<1x128x128xf32, #tpu.memory_space<vmem>>
    %dma_wait3A_785 = tpu.memref_squeeze %dma_wait3A_784 : memref<1x128x128xf32, #tpu.memory_space<vmem>> -> memref<128x128xf32, #tpu.memory_space<vmem>>
    %dma_wait3A_786 = arith.constant 0 : i32
    %dma_wait3A_787 = tpu.memref_slice %arg5[%dma_wait3A_780, %dma_wait3A_786] : memref<32x128xi32, #tpu.memory_space<vmem>> -> memref<1x128xi32, #tpu.memory_space<vmem>>
    %dma_wait3A_788 = tpu.memref_squeeze %dma_wait3A_787 : memref<1x128xi32, #tpu.memory_space<vmem>> -> memref<128xi32, #tpu.memory_space<vmem>>
    %dma_wait3A_789 = arith.constant 0 : i32
    %dma_wait3A_790 = arith.constant 0 : i32
    %dma_wait3A_791 = tpu.memref_slice %arg2[%dma_wait3A_789, %dma_wait3A_790] : memref<4096x128xf32, #tpu.memory_space<hbm>> -> memref<4096x128xf32, #tpu.memory_space<hbm>>
    tpu.wait_indirect_dma semaphore(%arg7 : memref<!tpu.dma_semaphore, #tpu.memory_space<semaphore_mem>>) src(%dma_wait3A_791 : memref<4096x128xf32, #tpu.memory_space<hbm>>) dst(%dma_wait3A_785 : memref<128x128xf32, #tpu.memory_space<vmem>>)
    %add3A_792 = arith.constant 3584 : i32
    %add3A_793 = arith.addi %mul3A_2, %add3A_792 : i32
    %run_scoped3A_794 = arith.constant 0 : i32
    "tpu.region"() ({
      %run_scoped3A_864 = tpu.sem_alloc : memref<!tpu.dma_semaphore, #tpu.memory_space<semaphore_mem>>
      %dma_start3A_865 = arith.constant 0 : i32
      %dma_start3A_866 = arith.constant 0 : i32
      %dma_start3A_867 = tpu.memref_slice %arg6[%run_scoped3A_794, %dma_start3A_865, %dma_start3A_866] : memref<2x128x128xf32, #tpu.memory_space<vmem>> -> memref<1x128x128xf32, #tpu.memory_space<vmem>>
      %dma_start3A_868 = tpu.memref_squeeze %dma_start3A_867 : memref<1x128x128xf32, #tpu.memory_space<vmem>> -> memref<128x128xf32, #tpu.memory_space<vmem>>
      %dma_start3A_869 = arith.constant 0 : i32
      %dma_start3A_870 = tpu.memref_slice %arg4[%add3A_793, %dma_start3A_869] : memref<131072x128xf32, #tpu.memory_space<hbm>> -> memref<128x128xf32, #tpu.memory_space<hbm>>
      %dma_start3A_871 = arith.constant 0 : i32
      %dma_start3A_872 = tpu.memref_slice %arg4[%add3A_793, %dma_start3A_871] : memref<131072x128xf32, #tpu.memory_space<hbm>> -> memref<128x128xf32, #tpu.memory_space<hbm>>
      %dma_start3A_873 = arith.constant 0 : i32
      %dma_start3A_874 = arith.constant 0 : i32
      %dma_start3A_875 = tpu.memref_slice %arg6[%run_scoped3A_794, %dma_start3A_873, %dma_start3A_874] : memref<2x128x128xf32, #tpu.memory_space<vmem>> -> memref<1x128x128xf32, #tpu.memory_space<vmem>>
      %dma_start3A_876 = tpu.memref_squeeze %dma_start3A_875 : memref<1x128x128xf32, #tpu.memory_space<vmem>> -> memref<128x128xf32, #tpu.memory_space<vmem>>
      tpu.enqueue_dma source(%dma_start3A_876 : memref<128x128xf32, #tpu.memory_space<vmem>>) target(%dma_start3A_872 : memref<128x128xf32, #tpu.memory_space<hbm>>) target_semaphore(%run_scoped3A_864 : memref<!tpu.dma_semaphore, #tpu.memory_space<semaphore_mem>>)
      %dma_wait3A_877 = arith.constant 0 : i32
      %dma_wait3A_878 = arith.constant 0 : i32
      %dma_wait3A_879 = tpu.memref_slice %arg6[%run_scoped3A_794, %dma_wait3A_877, %dma_wait3A_878] : memref<2x128x128xf32, #tpu.memory_space<vmem>> -> memref<1x128x128xf32, #tpu.memory_space<vmem>>
      %dma_wait3A_880 = tpu.memref_squeeze %dma_wait3A_879 : memref<1x128x128xf32, #tpu.memory_space<vmem>> -> memref<128x128xf32, #tpu.memory_space<vmem>>
      %dma_wait3A_881 = arith.constant 0 : i32
      %dma_wait3A_882 = tpu.memref_slice %arg4[%add3A_793, %dma_wait3A_881] : memref<131072x128xf32, #tpu.memory_space<hbm>> -> memref<128x128xf32, #tpu.memory_space<hbm>>
      %dma_wait3A_883 = arith.constant 0 : i32
      %dma_wait3A_884 = tpu.memref_slice %arg4[%add3A_793, %dma_wait3A_883] : memref<131072x128xf32, #tpu.memory_space<hbm>> -> memref<128x128xf32, #tpu.memory_space<hbm>>
      %dma_wait3A_885 = arith.constant 0 : i32
      %dma_wait3A_886 = arith.constant 0 : i32
      %dma_wait3A_887 = tpu.memref_slice %arg6[%run_scoped3A_794, %dma_wait3A_885, %dma_wait3A_886] : memref<2x128x128xf32, #tpu.memory_space<vmem>> -> memref<1x128x128xf32, #tpu.memory_space<vmem>>
      %dma_wait3A_888 = tpu.memref_squeeze %dma_wait3A_887 : memref<1x128x128xf32, #tpu.memory_space<vmem>> -> memref<128x128xf32, #tpu.memory_space<vmem>>
      tpu.wait_dma2 semaphore(%run_scoped3A_864 : memref<!tpu.dma_semaphore, #tpu.memory_space<semaphore_mem>>) src(%dma_wait3A_888 : memref<128x128xf32, #tpu.memory_space<vmem>>) dst(%dma_wait3A_884 : memref<128x128xf32, #tpu.memory_space<hbm>>)
      tpu.yield
    }) : () -> ()
    %dma_start3A_795 = arith.constant 30 : i32
    %dma_start3A_796 = arith.constant 0 : i32
    %dma_start3A_797 = arith.constant 0 : i32
    %dma_start3A_798 = arith.constant 0 : i32
    %dma_start3A_799 = tpu.memref_slice %arg6[%dma_start3A_796, %dma_start3A_797, %dma_start3A_798] : memref<2x128x128xf32, #tpu.memory_space<vmem>> -> memref<1x128x128xf32, #tpu.memory_space<vmem>>
    %dma_start3A_800 = tpu.memref_squeeze %dma_start3A_799 : memref<1x128x128xf32, #tpu.memory_space<vmem>> -> memref<128x128xf32, #tpu.memory_space<vmem>>
    %dma_start3A_801 = arith.constant 0 : i32
    %dma_start3A_802 = tpu.memref_slice %arg5[%dma_start3A_795, %dma_start3A_801] : memref<32x128xi32, #tpu.memory_space<vmem>> -> memref<1x128xi32, #tpu.memory_space<vmem>>
    %dma_start3A_803 = tpu.memref_squeeze %dma_start3A_802 : memref<1x128xi32, #tpu.memory_space<vmem>> -> memref<128xi32, #tpu.memory_space<vmem>>
    %dma_start3A_804 = arith.constant 0 : i32
    %dma_start3A_805 = arith.constant 0 : i32
    %dma_start3A_806 = tpu.memref_slice %arg2[%dma_start3A_804, %dma_start3A_805] : memref<4096x128xf32, #tpu.memory_space<hbm>> -> memref<4096x128xf32, #tpu.memory_space<hbm>>
    tpu.enqueue_indirect_dma source(%dma_start3A_806 : memref<4096x128xf32, #tpu.memory_space<hbm>>) target(%dma_start3A_800 : memref<128x128xf32, #tpu.memory_space<vmem>>) offsets(%dma_start3A_803 : memref<128xi32, #tpu.memory_space<vmem>>) semaphore(%arg7 : memref<!tpu.dma_semaphore, #tpu.memory_space<semaphore_mem>>)
    %dma_wait3A_807 = arith.constant 29 : i32
    %dma_wait3A_808 = arith.constant 1 : i32
    %dma_wait3A_809 = arith.constant 0 : i32
    %dma_wait3A_810 = arith.constant 0 : i32
    %dma_wait3A_811 = tpu.memref_slice %arg6[%dma_wait3A_808, %dma_wait3A_809, %dma_wait3A_810] : memref<2x128x128xf32, #tpu.memory_space<vmem>> -> memref<1x128x128xf32, #tpu.memory_space<vmem>>
    %dma_wait3A_812 = tpu.memref_squeeze %dma_wait3A_811 : memref<1x128x128xf32, #tpu.memory_space<vmem>> -> memref<128x128xf32, #tpu.memory_space<vmem>>
    %dma_wait3A_813 = arith.constant 0 : i32
    %dma_wait3A_814 = tpu.memref_slice %arg5[%dma_wait3A_807, %dma_wait3A_813] : memref<32x128xi32, #tpu.memory_space<vmem>> -> memref<1x128xi32, #tpu.memory_space<vmem>>
    %dma_wait3A_815 = tpu.memref_squeeze %dma_wait3A_814 : memref<1x128xi32, #tpu.memory_space<vmem>> -> memref<128xi32, #tpu.memory_space<vmem>>
    %dma_wait3A_816 = arith.constant 0 : i32
    %dma_wait3A_817 = arith.constant 0 : i32
    %dma_wait3A_818 = tpu.memref_slice %arg2[%dma_wait3A_816, %dma_wait3A_817] : memref<4096x128xf32, #tpu.memory_space<hbm>> -> memref<4096x128xf32, #tpu.memory_space<hbm>>
    tpu.wait_indirect_dma semaphore(%arg8 : memref<!tpu.dma_semaphore, #tpu.memory_space<semaphore_mem>>) src(%dma_wait3A_818 : memref<4096x128xf32, #tpu.memory_space<hbm>>) dst(%dma_wait3A_812 : memref<128x128xf32, #tpu.memory_space<vmem>>)
    %add3A_819 = arith.constant 3712 : i32
    %add3A_820 = arith.addi %mul3A_2, %add3A_819 : i32
    %run_scoped3A_821 = arith.constant 1 : i32
    "tpu.region"() ({
      %run_scoped3A_864 = tpu.sem_alloc : memref<!tpu.dma_semaphore, #tpu.memory_space<semaphore_mem>>
      %dma_start3A_865 = arith.constant 0 : i32
      %dma_start3A_866 = arith.constant 0 : i32
      %dma_start3A_867 = tpu.memref_slice %arg6[%run_scoped3A_821, %dma_start3A_865, %dma_start3A_866] : memref<2x128x128xf32, #tpu.memory_space<vmem>> -> memref<1x128x128xf32, #tpu.memory_space<vmem>>
      %dma_start3A_868 = tpu.memref_squeeze %dma_start3A_867 : memref<1x128x128xf32, #tpu.memory_space<vmem>> -> memref<128x128xf32, #tpu.memory_space<vmem>>
      %dma_start3A_869 = arith.constant 0 : i32
      %dma_start3A_870 = tpu.memref_slice %arg4[%add3A_820, %dma_start3A_869] : memref<131072x128xf32, #tpu.memory_space<hbm>> -> memref<128x128xf32, #tpu.memory_space<hbm>>
      %dma_start3A_871 = arith.constant 0 : i32
      %dma_start3A_872 = tpu.memref_slice %arg4[%add3A_820, %dma_start3A_871] : memref<131072x128xf32, #tpu.memory_space<hbm>> -> memref<128x128xf32, #tpu.memory_space<hbm>>
      %dma_start3A_873 = arith.constant 0 : i32
      %dma_start3A_874 = arith.constant 0 : i32
      %dma_start3A_875 = tpu.memref_slice %arg6[%run_scoped3A_821, %dma_start3A_873, %dma_start3A_874] : memref<2x128x128xf32, #tpu.memory_space<vmem>> -> memref<1x128x128xf32, #tpu.memory_space<vmem>>
      %dma_start3A_876 = tpu.memref_squeeze %dma_start3A_875 : memref<1x128x128xf32, #tpu.memory_space<vmem>> -> memref<128x128xf32, #tpu.memory_space<vmem>>
      tpu.enqueue_dma source(%dma_start3A_876 : memref<128x128xf32, #tpu.memory_space<vmem>>) target(%dma_start3A_872 : memref<128x128xf32, #tpu.memory_space<hbm>>) target_semaphore(%run_scoped3A_864 : memref<!tpu.dma_semaphore, #tpu.memory_space<semaphore_mem>>)
      %dma_wait3A_877 = arith.constant 0 : i32
      %dma_wait3A_878 = arith.constant 0 : i32
      %dma_wait3A_879 = tpu.memref_slice %arg6[%run_scoped3A_821, %dma_wait3A_877, %dma_wait3A_878] : memref<2x128x128xf32, #tpu.memory_space<vmem>> -> memref<1x128x128xf32, #tpu.memory_space<vmem>>
      %dma_wait3A_880 = tpu.memref_squeeze %dma_wait3A_879 : memref<1x128x128xf32, #tpu.memory_space<vmem>> -> memref<128x128xf32, #tpu.memory_space<vmem>>
      %dma_wait3A_881 = arith.constant 0 : i32
      %dma_wait3A_882 = tpu.memref_slice %arg4[%add3A_820, %dma_wait3A_881] : memref<131072x128xf32, #tpu.memory_space<hbm>> -> memref<128x128xf32, #tpu.memory_space<hbm>>
      %dma_wait3A_883 = arith.constant 0 : i32
      %dma_wait3A_884 = tpu.memref_slice %arg4[%add3A_820, %dma_wait3A_883] : memref<131072x128xf32, #tpu.memory_space<hbm>> -> memref<128x128xf32, #tpu.memory_space<hbm>>
      %dma_wait3A_885 = arith.constant 0 : i32
      %dma_wait3A_886 = arith.constant 0 : i32
      %dma_wait3A_887 = tpu.memref_slice %arg6[%run_scoped3A_821, %dma_wait3A_885, %dma_wait3A_886] : memref<2x128x128xf32, #tpu.memory_space<vmem>> -> memref<1x128x128xf32, #tpu.memory_space<vmem>>
      %dma_wait3A_888 = tpu.memref_squeeze %dma_wait3A_887 : memref<1x128x128xf32, #tpu.memory_space<vmem>> -> memref<128x128xf32, #tpu.memory_space<vmem>>
      tpu.wait_dma2 semaphore(%run_scoped3A_864 : memref<!tpu.dma_semaphore, #tpu.memory_space<semaphore_mem>>) src(%dma_wait3A_888 : memref<128x128xf32, #tpu.memory_space<vmem>>) dst(%dma_wait3A_884 : memref<128x128xf32, #tpu.memory_space<hbm>>)
      tpu.yield
    }) : () -> ()
    %dma_start3A_822 = arith.constant 31 : i32
    %dma_start3A_823 = arith.constant 1 : i32
    %dma_start3A_824 = arith.constant 0 : i32
    %dma_start3A_825 = arith.constant 0 : i32
    %dma_start3A_826 = tpu.memref_slice %arg6[%dma_start3A_823, %dma_start3A_824, %dma_start3A_825] : memref<2x128x128xf32, #tpu.memory_space<vmem>> -> memref<1x128x128xf32, #tpu.memory_space<vmem>>
    %dma_start3A_827 = tpu.memref_squeeze %dma_start3A_826 : memref<1x128x128xf32, #tpu.memory_space<vmem>> -> memref<128x128xf32, #tpu.memory_space<vmem>>
    %dma_start3A_828 = arith.constant 0 : i32
    %dma_start3A_829 = tpu.memref_slice %arg5[%dma_start3A_822, %dma_start3A_828] : memref<32x128xi32, #tpu.memory_space<vmem>> -> memref<1x128xi32, #tpu.memory_space<vmem>>
    %dma_start3A_830 = tpu.memref_squeeze %dma_start3A_829 : memref<1x128xi32, #tpu.memory_space<vmem>> -> memref<128xi32, #tpu.memory_space<vmem>>
    %dma_start3A_831 = arith.constant 0 : i32
    %dma_start3A_832 = arith.constant 0 : i32
    %dma_start3A_833 = tpu.memref_slice %arg2[%dma_start3A_831, %dma_start3A_832] : memref<4096x128xf32, #tpu.memory_space<hbm>> -> memref<4096x128xf32, #tpu.memory_space<hbm>>
    tpu.enqueue_indirect_dma source(%dma_start3A_833 : memref<4096x128xf32, #tpu.memory_space<hbm>>) target(%dma_start3A_827 : memref<128x128xf32, #tpu.memory_space<vmem>>) offsets(%dma_start3A_830 : memref<128xi32, #tpu.memory_space<vmem>>) semaphore(%arg8 : memref<!tpu.dma_semaphore, #tpu.memory_space<semaphore_mem>>)
    %dma_wait3A_834 = arith.constant 30 : i32
    %dma_wait3A_835 = arith.constant 0 : i32
    %dma_wait3A_836 = arith.constant 0 : i32
    %dma_wait3A_837 = arith.constant 0 : i32
    %dma_wait3A_838 = tpu.memref_slice %arg6[%dma_wait3A_835, %dma_wait3A_836, %dma_wait3A_837] : memref<2x128x128xf32, #tpu.memory_space<vmem>> -> memref<1x128x128xf32, #tpu.memory_space<vmem>>
    %dma_wait3A_839 = tpu.memref_squeeze %dma_wait3A_838 : memref<1x128x128xf32, #tpu.memory_space<vmem>> -> memref<128x128xf32, #tpu.memory_space<vmem>>
    %dma_wait3A_840 = arith.constant 0 : i32
    %dma_wait3A_841 = tpu.memref_slice %arg5[%dma_wait3A_834, %dma_wait3A_840] : memref<32x128xi32, #tpu.memory_space<vmem>> -> memref<1x128xi32, #tpu.memory_space<vmem>>
    %dma_wait3A_842 = tpu.memref_squeeze %dma_wait3A_841 : memref<1x128xi32, #tpu.memory_space<vmem>> -> memref<128xi32, #tpu.memory_space<vmem>>
    %dma_wait3A_843 = arith.constant 0 : i32
    %dma_wait3A_844 = arith.constant 0 : i32
    %dma_wait3A_845 = tpu.memref_slice %arg2[%dma_wait3A_843, %dma_wait3A_844] : memref<4096x128xf32, #tpu.memory_space<hbm>> -> memref<4096x128xf32, #tpu.memory_space<hbm>>
    tpu.wait_indirect_dma semaphore(%arg7 : memref<!tpu.dma_semaphore, #tpu.memory_space<semaphore_mem>>) src(%dma_wait3A_845 : memref<4096x128xf32, #tpu.memory_space<hbm>>) dst(%dma_wait3A_839 : memref<128x128xf32, #tpu.memory_space<vmem>>)
    %add3A_846 = arith.constant 3840 : i32
    %add3A_847 = arith.addi %mul3A_2, %add3A_846 : i32
    %run_scoped3A_848 = arith.constant 0 : i32
    "tpu.region"() ({
      %run_scoped3A_864 = tpu.sem_alloc : memref<!tpu.dma_semaphore, #tpu.memory_space<semaphore_mem>>
      %dma_start3A_865 = arith.constant 0 : i32
      %dma_start3A_866 = arith.constant 0 : i32
      %dma_start3A_867 = tpu.memref_slice %arg6[%run_scoped3A_848, %dma_start3A_865, %dma_start3A_866] : memref<2x128x128xf32, #tpu.memory_space<vmem>> -> memref<1x128x128xf32, #tpu.memory_space<vmem>>
      %dma_start3A_868 = tpu.memref_squeeze %dma_start3A_867 : memref<1x128x128xf32, #tpu.memory_space<vmem>> -> memref<128x128xf32, #tpu.memory_space<vmem>>
      %dma_start3A_869 = arith.constant 0 : i32
      %dma_start3A_870 = tpu.memref_slice %arg4[%add3A_847, %dma_start3A_869] : memref<131072x128xf32, #tpu.memory_space<hbm>> -> memref<128x128xf32, #tpu.memory_space<hbm>>
      %dma_start3A_871 = arith.constant 0 : i32
      %dma_start3A_872 = tpu.memref_slice %arg4[%add3A_847, %dma_start3A_871] : memref<131072x128xf32, #tpu.memory_space<hbm>> -> memref<128x128xf32, #tpu.memory_space<hbm>>
      %dma_start3A_873 = arith.constant 0 : i32
      %dma_start3A_874 = arith.constant 0 : i32
      %dma_start3A_875 = tpu.memref_slice %arg6[%run_scoped3A_848, %dma_start3A_873, %dma_start3A_874] : memref<2x128x128xf32, #tpu.memory_space<vmem>> -> memref<1x128x128xf32, #tpu.memory_space<vmem>>
      %dma_start3A_876 = tpu.memref_squeeze %dma_start3A_875 : memref<1x128x128xf32, #tpu.memory_space<vmem>> -> memref<128x128xf32, #tpu.memory_space<vmem>>
      tpu.enqueue_dma source(%dma_start3A_876 : memref<128x128xf32, #tpu.memory_space<vmem>>) target(%dma_start3A_872 : memref<128x128xf32, #tpu.memory_space<hbm>>) target_semaphore(%run_scoped3A_864 : memref<!tpu.dma_semaphore, #tpu.memory_space<semaphore_mem>>)
      %dma_wait3A_877 = arith.constant 0 : i32
      %dma_wait3A_878 = arith.constant 0 : i32
      %dma_wait3A_879 = tpu.memref_slice %arg6[%run_scoped3A_848, %dma_wait3A_877, %dma_wait3A_878] : memref<2x128x128xf32, #tpu.memory_space<vmem>> -> memref<1x128x128xf32, #tpu.memory_space<vmem>>
      %dma_wait3A_880 = tpu.memref_squeeze %dma_wait3A_879 : memref<1x128x128xf32, #tpu.memory_space<vmem>> -> memref<128x128xf32, #tpu.memory_space<vmem>>
      %dma_wait3A_881 = arith.constant 0 : i32
      %dma_wait3A_882 = tpu.memref_slice %arg4[%add3A_847, %dma_wait3A_881] : memref<131072x128xf32, #tpu.memory_space<hbm>> -> memref<128x128xf32, #tpu.memory_space<hbm>>
      %dma_wait3A_883 = arith.constant 0 : i32
      %dma_wait3A_884 = tpu.memref_slice %arg4[%add3A_847, %dma_wait3A_883] : memref<131072x128xf32, #tpu.memory_space<hbm>> -> memref<128x128xf32, #tpu.memory_space<hbm>>
      %dma_wait3A_885 = arith.constant 0 : i32
      %dma_wait3A_886 = arith.constant 0 : i32
      %dma_wait3A_887 = tpu.memref_slice %arg6[%run_scoped3A_848, %dma_wait3A_885, %dma_wait3A_886] : memref<2x128x128xf32, #tpu.memory_space<vmem>> -> memref<1x128x128xf32, #tpu.memory_space<vmem>>
      %dma_wait3A_888 = tpu.memref_squeeze %dma_wait3A_887 : memref<1x128x128xf32, #tpu.memory_space<vmem>> -> memref<128x128xf32, #tpu.memory_space<vmem>>
      tpu.wait_dma2 semaphore(%run_scoped3A_864 : memref<!tpu.dma_semaphore, #tpu.memory_space<semaphore_mem>>) src(%dma_wait3A_888 : memref<128x128xf32, #tpu.memory_space<vmem>>) dst(%dma_wait3A_884 : memref<128x128xf32, #tpu.memory_space<hbm>>)
      tpu.yield
    }) : () -> ()
    %dma_wait3A_849 = arith.constant 31 : i32
    %dma_wait3A_850 = arith.constant 1 : i32
    %dma_wait3A_851 = arith.constant 0 : i32
    %dma_wait3A_852 = arith.constant 0 : i32
    %dma_wait3A_853 = tpu.memref_slice %arg6[%dma_wait3A_850, %dma_wait3A_851, %dma_wait3A_852] : memref<2x128x128xf32, #tpu.memory_space<vmem>> -> memref<1x128x128xf32, #tpu.memory_space<vmem>>
    %dma_wait3A_854 = tpu.memref_squeeze %dma_wait3A_853 : memref<1x128x128xf32, #tpu.memory_space<vmem>> -> memref<128x128xf32, #tpu.memory_space<vmem>>
    %dma_wait3A_855 = arith.constant 0 : i32
    %dma_wait3A_856 = tpu.memref_slice %arg5[%dma_wait3A_849, %dma_wait3A_855] : memref<32x128xi32, #tpu.memory_space<vmem>> -> memref<1x128xi32, #tpu.memory_space<vmem>>
    %dma_wait3A_857 = tpu.memref_squeeze %dma_wait3A_856 : memref<1x128xi32, #tpu.memory_space<vmem>> -> memref<128xi32, #tpu.memory_space<vmem>>
    %dma_wait3A_858 = arith.constant 0 : i32
    %dma_wait3A_859 = arith.constant 0 : i32
    %dma_wait3A_860 = tpu.memref_slice %arg2[%dma_wait3A_858, %dma_wait3A_859] : memref<4096x128xf32, #tpu.memory_space<hbm>> -> memref<4096x128xf32, #tpu.memory_space<hbm>>
    tpu.wait_indirect_dma semaphore(%arg8 : memref<!tpu.dma_semaphore, #tpu.memory_space<semaphore_mem>>) src(%dma_wait3A_860 : memref<4096x128xf32, #tpu.memory_space<hbm>>) dst(%dma_wait3A_854 : memref<128x128xf32, #tpu.memory_space<vmem>>)
    %add3A_861 = arith.constant 3968 : i32
    %add3A_862 = arith.addi %mul3A_2, %add3A_861 : i32
    %run_scoped3A_863 = arith.constant 1 : i32
    "tpu.region"() ({
      %run_scoped3A_864 = tpu.sem_alloc : memref<!tpu.dma_semaphore, #tpu.memory_space<semaphore_mem>>
      %dma_start3A_865 = arith.constant 0 : i32
      %dma_start3A_866 = arith.constant 0 : i32
      %dma_start3A_867 = tpu.memref_slice %arg6[%run_scoped3A_863, %dma_start3A_865, %dma_start3A_866] : memref<2x128x128xf32, #tpu.memory_space<vmem>> -> memref<1x128x128xf32, #tpu.memory_space<vmem>>
      %dma_start3A_868 = tpu.memref_squeeze %dma_start3A_867 : memref<1x128x128xf32, #tpu.memory_space<vmem>> -> memref<128x128xf32, #tpu.memory_space<vmem>>
      %dma_start3A_869 = arith.constant 0 : i32
      %dma_start3A_870 = tpu.memref_slice %arg4[%add3A_862, %dma_start3A_869] : memref<131072x128xf32, #tpu.memory_space<hbm>> -> memref<128x128xf32, #tpu.memory_space<hbm>>
      %dma_start3A_871 = arith.constant 0 : i32
      %dma_start3A_872 = tpu.memref_slice %arg4[%add3A_862, %dma_start3A_871] : memref<131072x128xf32, #tpu.memory_space<hbm>> -> memref<128x128xf32, #tpu.memory_space<hbm>>
      %dma_start3A_873 = arith.constant 0 : i32
      %dma_start3A_874 = arith.constant 0 : i32
      %dma_start3A_875 = tpu.memref_slice %arg6[%run_scoped3A_863, %dma_start3A_873, %dma_start3A_874] : memref<2x128x128xf32, #tpu.memory_space<vmem>> -> memref<1x128x128xf32, #tpu.memory_space<vmem>>
      %dma_start3A_876 = tpu.memref_squeeze %dma_start3A_875 : memref<1x128x128xf32, #tpu.memory_space<vmem>> -> memref<128x128xf32, #tpu.memory_space<vmem>>
      tpu.enqueue_dma source(%dma_start3A_876 : memref<128x128xf32, #tpu.memory_space<vmem>>) target(%dma_start3A_872 : memref<128x128xf32, #tpu.memory_space<hbm>>) target_semaphore(%run_scoped3A_864 : memref<!tpu.dma_semaphore, #tpu.memory_space<semaphore_mem>>)
      %dma_wait3A_877 = arith.constant 0 : i32
      %dma_wait3A_878 = arith.constant 0 : i32
      %dma_wait3A_879 = tpu.memref_slice %arg6[%run_scoped3A_863, %dma_wait3A_877, %dma_wait3A_878] : memref<2x128x128xf32, #tpu.memory_space<vmem>> -> memref<1x128x128xf32, #tpu.memory_space<vmem>>
      %dma_wait3A_880 = tpu.memref_squeeze %dma_wait3A_879 : memref<1x128x128xf32, #tpu.memory_space<vmem>> -> memref<128x128xf32, #tpu.memory_space<vmem>>
      %dma_wait3A_881 = arith.constant 0 : i32
      %dma_wait3A_882 = tpu.memref_slice %arg4[%add3A_862, %dma_wait3A_881] : memref<131072x128xf32, #tpu.memory_space<hbm>> -> memref<128x128xf32, #tpu.memory_space<hbm>>
      %dma_wait3A_883 = arith.constant 0 : i32
      %dma_wait3A_884 = tpu.memref_slice %arg4[%add3A_862, %dma_wait3A_883] : memref<131072x128xf32, #tpu.memory_space<hbm>> -> memref<128x128xf32, #tpu.memory_space<hbm>>
      %dma_wait3A_885 = arith.constant 0 : i32
      %dma_wait3A_886 = arith.constant 0 : i32
      %dma_wait3A_887 = tpu.memref_slice %arg6[%run_scoped3A_863, %dma_wait3A_885, %dma_wait3A_886] : memref<2x128x128xf32, #tpu.memory_space<vmem>> -> memref<1x128x128xf32, #tpu.memory_space<vmem>>
      %dma_wait3A_888 = tpu.memref_squeeze %dma_wait3A_887 : memref<1x128x128xf32, #tpu.memory_space<vmem>> -> memref<128x128xf32, #tpu.memory_space<vmem>>
      tpu.wait_dma2 semaphore(%run_scoped3A_864 : memref<!tpu.dma_semaphore, #tpu.memory_space<semaphore_mem>>) src(%dma_wait3A_888 : memref<128x128xf32, #tpu.memory_space<vmem>>) dst(%dma_wait3A_884 : memref<128x128xf32, #tpu.memory_space<hbm>>)
      tpu.yield
    }) : () -> ()
    return
  }
}

module attributes {stable_mosaic.version = 14 : i64} {
  func.func @_prep_body(%arg0: memref<4096x128xf32, #tpu.memory_space<vmem>>, %arg1: memref<128x128xf32, #tpu.memory_space<vmem>>, %arg2: memref<1x128xf32, #tpu.memory_space<vmem>>, %arg3: memref<256x128xf32, #tpu.memory_space<vmem>>, %arg4: memref<4096x128xf32, #tpu.memory_space<vmem>>, %arg5: memref<256x128xf32, #tpu.memory_space<vmem>>) attributes {dimension_semantics = [], scalar_prefetch = 0 : i64, scratch_operands = 0 : i64, tpu.core_type = #tpu.core_type<tc>} {
    %get3A = arith.constant 0 : index
    %get3A_0 = arith.constant 0 : index
    %get3A_1 = vector.load %arg0[%get3A, %get3A_0] : memref<4096x128xf32, #tpu.memory_space<vmem>>, vector<4096x128xf32>
    %get3A_2 = arith.constant 0 : index
    %get3A_3 = arith.constant 0 : index
    %get3A_4 = vector.load %arg1[%get3A_2, %get3A_3] : memref<128x128xf32, #tpu.memory_space<vmem>>, vector<128x128xf32>
    %dot_general3A = arith.constant dense<0.000000e+00> : vector<4096x128xf32>
    %dot_general3A_5 = tpu.matmul %get3A_1, %get3A_4, %dot_general3A {dimension_numbers = #tpu.dot_dimension_numbers<[1], [0], [0], [1], [0, 0, 1, 1], [], []>, transpose_lhs_hint = false} : vector<4096x128xf32>, vector<128x128xf32>, vector<4096x128xf32> -> vector<4096x128xf32>
    %get3A_6 = arith.constant 0 : index
    %get3A_7 = arith.constant 0 : index
    %get3A_8 = vector.load %arg2[%get3A_6, %get3A_7] : memref<1x128xf32, #tpu.memory_space<vmem>>, vector<1x128xf32>
    %add3A = vector.broadcast %get3A_8 : vector<1x128xf32> to vector<4096x128xf32>
    %add3A_9 = arith.addf %dot_general3A_5, %add3A : vector<4096x128xf32>
    %swap3A = arith.constant 0 : index
    %swap3A_10 = arith.constant 0 : index
    %swap3A_11 = vector.load %arg4[%swap3A, %swap3A_10] : memref<4096x128xf32, #tpu.memory_space<vmem>>, vector<4096x128xf32>
    tpu.vector_store %arg4[%swap3A, %swap3A_10], %add3A_9 {strides = array<i32>} : memref<4096x128xf32, #tpu.memory_space<vmem>>, vector<4096x128xf32>,
    %get3A_12 = arith.constant 0 : index
    %get3A_13 = arith.constant 0 : index
    %get3A_14 = vector.load %arg3[%get3A_12, %get3A_13] : memref<256x128xf32, #tpu.memory_space<vmem>>, vector<256x128xf32>
    %mul3A = arith.mulf %get3A_14, %get3A_14 : vector<256x128xf32>
    %reduce_sum3A = arith.constant dense<0.000000e+00> : vector<256xf32>
    %reduce_sum3A_15 = vector.multi_reduction <add>, %mul3A, %reduce_sum3A [1] : vector<256x128xf32> to vector<256xf32>
    %broadcast_in_dim3A = vector.shape_cast %reduce_sum3A_15 : vector<256xf32> to vector<256x1xf32>
    %sqrt3A = math.sqrt %broadcast_in_dim3A : vector<256x1xf32>
    %max3A = arith.constant 9.99999996E-13 : f32
    %max3A_16 = vector.broadcast %max3A : f32 to vector<256x1xf32>
    %max3A_17 = arith.maximumf %sqrt3A, %max3A_16 : vector<256x1xf32>
    %div3A = vector.broadcast %max3A_17 : vector<256x1xf32> to vector<256x128xf32>
    %div3A_18 = arith.divf %get3A_14, %div3A : vector<256x128xf32>
    %swap3A_19 = arith.constant 0 : index
    %swap3A_20 = arith.constant 0 : index
    %swap3A_21 = vector.load %arg5[%swap3A_19, %swap3A_20] : memref<256x128xf32, #tpu.memory_space<vmem>>, vector<256x128xf32>
    tpu.vector_store %arg5[%swap3A_19, %swap3A_20], %div3A_18 {strides = array<i32>} : memref<256x128xf32, #tpu.memory_space<vmem>>, vector<256x128xf32>,
    return
  }
}

module attributes {stable_mosaic.version = 14 : i64} {
  func.func @_gru_body(%arg0: i32, %arg1: memref<8x1024x1xi32, #tpu.memory_space<vmem>>, %arg2: memref<1x1x1024xi32, #tpu.memory_space<vmem>>, %arg3: memref<8x1x1024x128xf32, #tpu.memory_space<vmem>>, %arg4: memref<256x128xf32, #tpu.memory_space<vmem>>, %arg5: memref<128x384xf32, #tpu.memory_space<vmem>>, %arg6: memref<128x384xf32, #tpu.memory_space<vmem>>, %arg7: memref<1x384xf32, #tpu.memory_space<vmem>>, %arg8: memref<1x384xf32, #tpu.memory_space<vmem>>, %arg9: memref<1024x128xf32, #tpu.memory_space<vmem>>) attributes {dimension_semantics = [#tpu.dimension_semantics<arbitrary>], iteration_bounds = array<i64: 16>, scalar_prefetch = 0 : i64, scratch_operands = 0 : i64, tpu.core_type = #tpu.core_type<tc>, window_params = [{transform_indices = @transform_0, window_bounds = array<i64: 8, 1024, 1>}, {transform_indices = @transform_1, window_bounds = array<i64: 1, 1, 1024>}, {transform_indices = @transform_2, window_bounds = array<i64: 8, 1, 1024, 128>}, {pipeline_mode = #tpu.pipeline_mode<synchronous>, transform_indices = @transform_3, window_bounds = array<i64: 256, 128>}, {pipeline_mode = #tpu.pipeline_mode<synchronous>, transform_indices = @transform_4, window_bounds = array<i64: 128, 384>}, {pipeline_mode = #tpu.pipeline_mode<synchronous>, transform_indices = @transform_5, window_bounds = array<i64: 128, 384>}, {pipeline_mode = #tpu.pipeline_mode<synchronous>, transform_indices = @transform_6, window_bounds = array<i64: 1, 384>}, {pipeline_mode = #tpu.pipeline_mode<synchronous>, transform_indices = @transform_7, window_bounds = array<i64: 1, 384>}, {transform_indices = @transform_8, window_bounds = array<i64: 1024, 128>}]} {
    %get3A = arith.constant 0 : index
    %get3A_0 = arith.constant 0 : index
    %get3A_1 = arith.constant 0 : index
    %get3A_2 = vector.load %arg1[%get3A, %get3A_0, %get3A_1] : memref<8x1024x1xi32, #tpu.memory_space<vmem>>, vector<8x1024x1xi32>
    %reshape3A = vector.shape_cast %get3A_2 : vector<8x1024x1xi32> to vector<8192x1xi32>
    %iota3A = tpu.iota {dimensions = array<i32: 1>} : vector<1x256xi32>
    %eq3A = vector.broadcast %reshape3A : vector<8192x1xi32> to vector<8192x256xi32>
    %eq3A_3 = vector.broadcast %iota3A : vector<1x256xi32> to vector<8192x256xi32>
    %eq3A_4 = arith.cmpi eq, %eq3A, %eq3A_3 : vector<8192x256xi32>
    %get3A_5 = arith.constant 0 : index
    %get3A_6 = arith.constant 0 : index
    %get3A_7 = arith.constant 0 : index
    %get3A_8 = arith.constant 0 : index
    %get3A_9 = vector.load %arg3[%get3A_5, %get3A_6, %get3A_7, %get3A_8] : memref<8x1x1024x128xf32, #tpu.memory_space<vmem>>, vector<8x1x1024x128xf32>
    %reshape3A_10 = vector.shape_cast %get3A_9 : vector<8x1x1024x128xf32> to vector<8192x128xf32>
    %convert_element_type3A = arith.extui %eq3A_4 : vector<8192x256xi1> to vector<8192x256xi32>
    %convert_element_type3A_11 = arith.sitofp %convert_element_type3A : vector<8192x256xi32> to vector<8192x256xf32>
    %get3A_12 = arith.constant 0 : index
    %get3A_13 = arith.constant 0 : index
    %get3A_14 = vector.load %arg4[%get3A_12, %get3A_13] : memref<256x128xf32, #tpu.memory_space<vmem>>, vector<256x128xf32>
    %dot_general3A = arith.constant dense<0.000000e+00> : vector<8192x128xf32>
    %dot_general3A_15 = tpu.matmul %convert_element_type3A_11, %get3A_14, %dot_general3A {dimension_numbers = #tpu.dot_dimension_numbers<[1], [0], [0], [1], [0, 0, 1, 1], [], []>, transpose_lhs_hint = false} : vector<8192x256xf32>, vector<256x128xf32>, vector<8192x128xf32> -> vector<8192x128xf32>
    %add3A = arith.addf %reshape3A_10, %dot_general3A_15 : vector<8192x128xf32>
    %get3A_16 = arith.constant 0 : index
    %get3A_17 = arith.constant 0 : index
    %get3A_18 = vector.load %arg5[%get3A_16, %get3A_17] : memref<128x384xf32, #tpu.memory_space<vmem>>, vector<128x384xf32>
    %dot_general3A_19 = arith.constant dense<0.000000e+00> : vector<8192x384xf32>
    %dot_general3A_20 = tpu.matmul %add3A, %get3A_18, %dot_general3A_19 {dimension_numbers = #tpu.dot_dimension_numbers<[1], [0], [0], [1], [0, 0, 1, 1], [], []>, transpose_lhs_hint = false} : vector<8192x128xf32>, vector<128x384xf32>, vector<8192x384xf32> -> vector<8192x384xf32>
    %get3A_21 = arith.constant 0 : index
    %get3A_22 = arith.constant 0 : index
    %get3A_23 = vector.load %arg7[%get3A_21, %get3A_22] : memref<1x384xf32, #tpu.memory_space<vmem>>, vector<1x384xf32>
    %add3A_24 = vector.broadcast %get3A_23 : vector<1x384xf32> to vector<8192x384xf32>
    %add3A_25 = arith.addf %dot_general3A_20, %add3A_24 : vector<8192x384xf32>
    %reshape3A_26 = vector.shape_cast %add3A_25 : vector<8192x384xf32> to vector<8x1024x384xf32>
    %get3A_27 = arith.constant 0 : index
    %get3A_28 = arith.constant 0 : index
    %get3A_29 = arith.constant 0 : index
    %get3A_30 = vector.load %arg2[%get3A_27, %get3A_28, %get3A_29] : memref<1x1x1024xi32, #tpu.memory_space<vmem>>, vector<1x1x1024xi32>
    %get3A_31 = vector.shape_cast %get3A_30 : vector<1x1x1024xi32> to vector<1024xi32>
    %reshape3A_32 = vector.shape_cast %get3A_31 : vector<1024xi32> to vector<1024x1xi32>
    %broadcast_in_dim3A = arith.constant 0.000000e+00 : f32
    %broadcast_in_dim3A_33 = vector.broadcast %broadcast_in_dim3A : f32 to vector<1024x128xf32>
    %get3A_34 = arith.constant 0 : index
    %get3A_35 = arith.constant 0 : index
    %get3A_36 = vector.load %arg6[%get3A_34, %get3A_35] : memref<128x384xf32, #tpu.memory_space<vmem>>, vector<128x384xf32>
    %dot_general3A_37 = arith.constant dense<0.000000e+00> : vector<1024x384xf32>
    %dot_general3A_38 = tpu.matmul %broadcast_in_dim3A_33, %get3A_36, %dot_general3A_37 {dimension_numbers = #tpu.dot_dimension_numbers<[1], [0], [0], [1], [0, 0, 1, 1], [], []>, transpose_lhs_hint = false} : vector<1024x128xf32>, vector<128x384xf32>, vector<1024x384xf32> -> vector<1024x384xf32>
    %get3A_39 = arith.constant 0 : index
    %get3A_40 = arith.constant 0 : index
    %get3A_41 = vector.load %arg8[%get3A_39, %get3A_40] : memref<1x384xf32, #tpu.memory_space<vmem>>, vector<1x384xf32>
    %add3A_42 = vector.broadcast %get3A_41 : vector<1x384xf32> to vector<1024x384xf32>
    %add3A_43 = arith.addf %dot_general3A_38, %add3A_42 : vector<1024x384xf32>
    %slice3A = vector.extract_strided_slice %reshape3A_26 {offsets = [0, 0, 0], sizes = [1, 1024, 384], strides = [1, 1, 1]} : vector<8x1024x384xf32> to vector<1x1024x384xf32>
    %squeeze3A = vector.shape_cast %slice3A : vector<1x1024x384xf32> to vector<1024x384xf32>
    %slice3A_44 = vector.extract_strided_slice %squeeze3A {offsets = [0, 0], sizes = [1024, 128], strides = [1, 1]} : vector<1024x384xf32> to vector<1024x128xf32>
    %slice3A_45 = vector.extract_strided_slice %add3A_43 {offsets = [0, 0], sizes = [1024, 128], strides = [1, 1]} : vector<1024x384xf32> to vector<1024x128xf32>
    %add3A_46 = arith.addf %slice3A_44, %slice3A_45 : vector<1024x128xf32>
    %logistic3A = arith.negf %add3A_46 : vector<1024x128xf32>
    %logistic3A_47 = math.exp %logistic3A : vector<1024x128xf32>
    %logistic3A_48 = arith.constant 1.000000e+00 : f32
    %logistic3A_49 = vector.broadcast %logistic3A_48 : f32 to vector<1024x128xf32>
    %logistic3A_50 = arith.addf %logistic3A_49, %logistic3A_47 : vector<1024x128xf32>
    %logistic3A_51 = arith.divf %logistic3A_49, %logistic3A_50 : vector<1024x128xf32>
    %slice3A_52 = vector.extract_strided_slice %squeeze3A {offsets = [0, 128], sizes = [1024, 128], strides = [1, 1]} : vector<1024x384xf32> to vector<1024x128xf32>
    %slice3A_53 = vector.extract_strided_slice %add3A_43 {offsets = [0, 128], sizes = [1024, 128], strides = [1, 1]} : vector<1024x384xf32> to vector<1024x128xf32>
    %add3A_54 = arith.addf %slice3A_52, %slice3A_53 : vector<1024x128xf32>
    %logistic3A_55 = arith.negf %add3A_54 : vector<1024x128xf32>
    %logistic3A_56 = math.exp %logistic3A_55 : vector<1024x128xf32>
    %logistic3A_57 = arith.constant 1.000000e+00 : f32
    %logistic3A_58 = vector.broadcast %logistic3A_57 : f32 to vector<1024x128xf32>
    %logistic3A_59 = arith.addf %logistic3A_58, %logistic3A_56 : vector<1024x128xf32>
    %logistic3A_60 = arith.divf %logistic3A_58, %logistic3A_59 : vector<1024x128xf32>
    %slice3A_61 = vector.extract_strided_slice %squeeze3A {offsets = [0, 256], sizes = [1024, 128], strides = [1, 1]} : vector<1024x384xf32> to vector<1024x128xf32>
    %slice3A_62 = vector.extract_strided_slice %add3A_43 {offsets = [0, 256], sizes = [1024, 128], strides = [1, 1]} : vector<1024x384xf32> to vector<1024x128xf32>
    %mul3A = arith.mulf %logistic3A_51, %slice3A_62 : vector<1024x128xf32>
    %add3A_63 = arith.addf %slice3A_61, %mul3A : vector<1024x128xf32>
    %tanh3A = math.tanh %add3A_63 : vector<1024x128xf32>
    %sub3A = arith.constant 1.000000e+00 : f32
    %sub3A_64 = vector.broadcast %sub3A : f32 to vector<1024x128xf32>
    %sub3A_65 = arith.subf %sub3A_64, %logistic3A_60 : vector<1024x128xf32>
    %mul3A_66 = arith.mulf %sub3A_65, %tanh3A : vector<1024x128xf32>
    %mul3A_67 = arith.mulf %logistic3A_60, %broadcast_in_dim3A_33 : vector<1024x128xf32>
    %add3A_68 = arith.addf %mul3A_66, %mul3A_67 : vector<1024x128xf32>
    %gt3A = arith.constant 0 : i32
    %gt3A_69 = vector.broadcast %gt3A : i32 to vector<1024x1xi32>
    %gt3A_70 = arith.cmpi sgt, %reshape3A_32, %gt3A_69 : vector<1024x1xi32>
    %broadcast_in_dim3A_71 = vector.shape_cast %gt3A_70 : vector<1024x1xi1> to vector<1024x1xi1>
    %broadcast_in_dim3A_72 = vector.broadcast %broadcast_in_dim3A_71 : vector<1024x1xi1> to vector<1024x128xi1>
    %select_n3A = arith.select %broadcast_in_dim3A_72, %add3A_68, %broadcast_in_dim3A_33 : vector<1024x128xi1>, vector<1024x128xf32>
    %get3A_73 = arith.constant 0 : index
    %get3A_74 = arith.constant 0 : index
    %get3A_75 = vector.load %arg6[%get3A_73, %get3A_74] : memref<128x384xf32, #tpu.memory_space<vmem>>, vector<128x384xf32>
    %dot_general3A_76 = arith.constant dense<0.000000e+00> : vector<1024x384xf32>
    %dot_general3A_77 = tpu.matmul %select_n3A, %get3A_75, %dot_general3A_76 {dimension_numbers = #tpu.dot_dimension_numbers<[1], [0], [0], [1], [0, 0, 1, 1], [], []>, transpose_lhs_hint = false} : vector<1024x128xf32>, vector<128x384xf32>, vector<1024x384xf32> -> vector<1024x384xf32>
    %get3A_78 = arith.constant 0 : index
    %get3A_79 = arith.constant 0 : index
    %get3A_80 = vector.load %arg8[%get3A_78, %get3A_79] : memref<1x384xf32, #tpu.memory_space<vmem>>, vector<1x384xf32>
    %add3A_81 = vector.broadcast %get3A_80 : vector<1x384xf32> to vector<1024x384xf32>
    %add3A_82 = arith.addf %dot_general3A_77, %add3A_81 : vector<1024x384xf32>
    %slice3A_83 = vector.extract_strided_slice %reshape3A_26 {offsets = [1, 0, 0], sizes = [1, 1024, 384], strides = [1, 1, 1]} : vector<8x1024x384xf32> to vector<1x1024x384xf32>
    %squeeze3A_84 = vector.shape_cast %slice3A_83 : vector<1x1024x384xf32> to vector<1024x384xf32>
    %slice3A_85 = vector.extract_strided_slice %squeeze3A_84 {offsets = [0, 0], sizes = [1024, 128], strides = [1, 1]} : vector<1024x384xf32> to vector<1024x128xf32>
    %slice3A_86 = vector.extract_strided_slice %add3A_82 {offsets = [0, 0], sizes = [1024, 128], strides = [1, 1]} : vector<1024x384xf32> to vector<1024x128xf32>
    %add3A_87 = arith.addf %slice3A_85, %slice3A_86 : vector<1024x128xf32>
    %logistic3A_88 = arith.negf %add3A_87 : vector<1024x128xf32>
    %logistic3A_89 = math.exp %logistic3A_88 : vector<1024x128xf32>
    %logistic3A_90 = arith.constant 1.000000e+00 : f32
    %logistic3A_91 = vector.broadcast %logistic3A_90 : f32 to vector<1024x128xf32>
    %logistic3A_92 = arith.addf %logistic3A_91, %logistic3A_89 : vector<1024x128xf32>
    %logistic3A_93 = arith.divf %logistic3A_91, %logistic3A_92 : vector<1024x128xf32>
    %slice3A_94 = vector.extract_strided_slice %squeeze3A_84 {offsets = [0, 128], sizes = [1024, 128], strides = [1, 1]} : vector<1024x384xf32> to vector<1024x128xf32>
    %slice3A_95 = vector.extract_strided_slice %add3A_82 {offsets = [0, 128], sizes = [1024, 128], strides = [1, 1]} : vector<1024x384xf32> to vector<1024x128xf32>
    %add3A_96 = arith.addf %slice3A_94, %slice3A_95 : vector<1024x128xf32>
    %logistic3A_97 = arith.negf %add3A_96 : vector<1024x128xf32>
    %logistic3A_98 = math.exp %logistic3A_97 : vector<1024x128xf32>
    %logistic3A_99 = arith.constant 1.000000e+00 : f32
    %logistic3A_100 = vector.broadcast %logistic3A_99 : f32 to vector<1024x128xf32>
    %logistic3A_101 = arith.addf %logistic3A_100, %logistic3A_98 : vector<1024x128xf32>
    %logistic3A_102 = arith.divf %logistic3A_100, %logistic3A_101 : vector<1024x128xf32>
    %slice3A_103 = vector.extract_strided_slice %squeeze3A_84 {offsets = [0, 256], sizes = [1024, 128], strides = [1, 1]} : vector<1024x384xf32> to vector<1024x128xf32>
    %slice3A_104 = vector.extract_strided_slice %add3A_82 {offsets = [0, 256], sizes = [1024, 128], strides = [1, 1]} : vector<1024x384xf32> to vector<1024x128xf32>
    %mul3A_105 = arith.mulf %logistic3A_93, %slice3A_104 : vector<1024x128xf32>
    %add3A_106 = arith.addf %slice3A_103, %mul3A_105 : vector<1024x128xf32>
    %tanh3A_107 = math.tanh %add3A_106 : vector<1024x128xf32>
    %sub3A_108 = arith.constant 1.000000e+00 : f32
    %sub3A_109 = vector.broadcast %sub3A_108 : f32 to vector<1024x128xf32>
    %sub3A_110 = arith.subf %sub3A_109, %logistic3A_102 : vector<1024x128xf32>
    %mul3A_111 = arith.mulf %sub3A_110, %tanh3A_107 : vector<1024x128xf32>
    %mul3A_112 = arith.mulf %logistic3A_102, %select_n3A : vector<1024x128xf32>
    %add3A_113 = arith.addf %mul3A_111, %mul3A_112 : vector<1024x128xf32>
    %gt3A_114 = arith.constant 1 : i32
    %gt3A_115 = vector.broadcast %gt3A_114 : i32 to vector<1024x1xi32>
    %gt3A_116 = arith.cmpi sgt, %reshape3A_32, %gt3A_115 : vector<1024x1xi32>
    %broadcast_in_dim3A_117 = vector.shape_cast %gt3A_116 : vector<1024x1xi1> to vector<1024x1xi1>
    %broadcast_in_dim3A_118 = vector.broadcast %broadcast_in_dim3A_117 : vector<1024x1xi1> to vector<1024x128xi1>
    %select_n3A_119 = arith.select %broadcast_in_dim3A_118, %add3A_113, %select_n3A : vector<1024x128xi1>, vector<1024x128xf32>
    %get3A_120 = arith.constant 0 : index
    %get3A_121 = arith.constant 0 : index
    %get3A_122 = vector.load %arg6[%get3A_120, %get3A_121] : memref<128x384xf32, #tpu.memory_space<vmem>>, vector<128x384xf32>
    %dot_general3A_123 = arith.constant dense<0.000000e+00> : vector<1024x384xf32>
    %dot_general3A_124 = tpu.matmul %select_n3A_119, %get3A_122, %dot_general3A_123 {dimension_numbers = #tpu.dot_dimension_numbers<[1], [0], [0], [1], [0, 0, 1, 1], [], []>, transpose_lhs_hint = false} : vector<1024x128xf32>, vector<128x384xf32>, vector<1024x384xf32> -> vector<1024x384xf32>
    %get3A_125 = arith.constant 0 : index
    %get3A_126 = arith.constant 0 : index
    %get3A_127 = vector.load %arg8[%get3A_125, %get3A_126] : memref<1x384xf32, #tpu.memory_space<vmem>>, vector<1x384xf32>
    %add3A_128 = vector.broadcast %get3A_127 : vector<1x384xf32> to vector<1024x384xf32>
    %add3A_129 = arith.addf %dot_general3A_124, %add3A_128 : vector<1024x384xf32>
    %slice3A_130 = vector.extract_strided_slice %reshape3A_26 {offsets = [2, 0, 0], sizes = [1, 1024, 384], strides = [1, 1, 1]} : vector<8x1024x384xf32> to vector<1x1024x384xf32>
    %squeeze3A_131 = vector.shape_cast %slice3A_130 : vector<1x1024x384xf32> to vector<1024x384xf32>
    %slice3A_132 = vector.extract_strided_slice %squeeze3A_131 {offsets = [0, 0], sizes = [1024, 128], strides = [1, 1]} : vector<1024x384xf32> to vector<1024x128xf32>
    %slice3A_133 = vector.extract_strided_slice %add3A_129 {offsets = [0, 0], sizes = [1024, 128], strides = [1, 1]} : vector<1024x384xf32> to vector<1024x128xf32>
    %add3A_134 = arith.addf %slice3A_132, %slice3A_133 : vector<1024x128xf32>
    %logistic3A_135 = arith.negf %add3A_134 : vector<1024x128xf32>
    %logistic3A_136 = math.exp %logistic3A_135 : vector<1024x128xf32>
    %logistic3A_137 = arith.constant 1.000000e+00 : f32
    %logistic3A_138 = vector.broadcast %logistic3A_137 : f32 to vector<1024x128xf32>
    %logistic3A_139 = arith.addf %logistic3A_138, %logistic3A_136 : vector<1024x128xf32>
    %logistic3A_140 = arith.divf %logistic3A_138, %logistic3A_139 : vector<1024x128xf32>
    %slice3A_141 = vector.extract_strided_slice %squeeze3A_131 {offsets = [0, 128], sizes = [1024, 128], strides = [1, 1]} : vector<1024x384xf32> to vector<1024x128xf32>
    %slice3A_142 = vector.extract_strided_slice %add3A_129 {offsets = [0, 128], sizes = [1024, 128], strides = [1, 1]} : vector<1024x384xf32> to vector<1024x128xf32>
    %add3A_143 = arith.addf %slice3A_141, %slice3A_142 : vector<1024x128xf32>
    %logistic3A_144 = arith.negf %add3A_143 : vector<1024x128xf32>
    %logistic3A_145 = math.exp %logistic3A_144 : vector<1024x128xf32>
    %logistic3A_146 = arith.constant 1.000000e+00 : f32
    %logistic3A_147 = vector.broadcast %logistic3A_146 : f32 to vector<1024x128xf32>
    %logistic3A_148 = arith.addf %logistic3A_147, %logistic3A_145 : vector<1024x128xf32>
    %logistic3A_149 = arith.divf %logistic3A_147, %logistic3A_148 : vector<1024x128xf32>
    %slice3A_150 = vector.extract_strided_slice %squeeze3A_131 {offsets = [0, 256], sizes = [1024, 128], strides = [1, 1]} : vector<1024x384xf32> to vector<1024x128xf32>
    %slice3A_151 = vector.extract_strided_slice %add3A_129 {offsets = [0, 256], sizes = [1024, 128], strides = [1, 1]} : vector<1024x384xf32> to vector<1024x128xf32>
    %mul3A_152 = arith.mulf %logistic3A_140, %slice3A_151 : vector<1024x128xf32>
    %add3A_153 = arith.addf %slice3A_150, %mul3A_152 : vector<1024x128xf32>
    %tanh3A_154 = math.tanh %add3A_153 : vector<1024x128xf32>
    %sub3A_155 = arith.constant 1.000000e+00 : f32
    %sub3A_156 = vector.broadcast %sub3A_155 : f32 to vector<1024x128xf32>
    %sub3A_157 = arith.subf %sub3A_156, %logistic3A_149 : vector<1024x128xf32>
    %mul3A_158 = arith.mulf %sub3A_157, %tanh3A_154 : vector<1024x128xf32>
    %mul3A_159 = arith.mulf %logistic3A_149, %select_n3A_119 : vector<1024x128xf32>
    %add3A_160 = arith.addf %mul3A_158, %mul3A_159 : vector<1024x128xf32>
    %gt3A_161 = arith.constant 2 : i32
    %gt3A_162 = vector.broadcast %gt3A_161 : i32 to vector<1024x1xi32>
    %gt3A_163 = arith.cmpi sgt, %reshape3A_32, %gt3A_162 : vector<1024x1xi32>
    %broadcast_in_dim3A_164 = vector.shape_cast %gt3A_163 : vector<1024x1xi1> to vector<1024x1xi1>
    %broadcast_in_dim3A_165 = vector.broadcast %broadcast_in_dim3A_164 : vector<1024x1xi1> to vector<1024x128xi1>
    %select_n3A_166 = arith.select %broadcast_in_dim3A_165, %add3A_160, %select_n3A_119 : vector<1024x128xi1>, vector<1024x128xf32>
    %get3A_167 = arith.constant 0 : index
    %get3A_168 = arith.constant 0 : index
    %get3A_169 = vector.load %arg6[%get3A_167, %get3A_168] : memref<128x384xf32, #tpu.memory_space<vmem>>, vector<128x384xf32>
    %dot_general3A_170 = arith.constant dense<0.000000e+00> : vector<1024x384xf32>
    %dot_general3A_171 = tpu.matmul %select_n3A_166, %get3A_169, %dot_general3A_170 {dimension_numbers = #tpu.dot_dimension_numbers<[1], [0], [0], [1], [0, 0, 1, 1], [], []>, transpose_lhs_hint = false} : vector<1024x128xf32>, vector<128x384xf32>, vector<1024x384xf32> -> vector<1024x384xf32>
    %get3A_172 = arith.constant 0 : index
    %get3A_173 = arith.constant 0 : index
    %get3A_174 = vector.load %arg8[%get3A_172, %get3A_173] : memref<1x384xf32, #tpu.memory_space<vmem>>, vector<1x384xf32>
    %add3A_175 = vector.broadcast %get3A_174 : vector<1x384xf32> to vector<1024x384xf32>
    %add3A_176 = arith.addf %dot_general3A_171, %add3A_175 : vector<1024x384xf32>
    %slice3A_177 = vector.extract_strided_slice %reshape3A_26 {offsets = [3, 0, 0], sizes = [1, 1024, 384], strides = [1, 1, 1]} : vector<8x1024x384xf32> to vector<1x1024x384xf32>
    %squeeze3A_178 = vector.shape_cast %slice3A_177 : vector<1x1024x384xf32> to vector<1024x384xf32>
    %slice3A_179 = vector.extract_strided_slice %squeeze3A_178 {offsets = [0, 0], sizes = [1024, 128], strides = [1, 1]} : vector<1024x384xf32> to vector<1024x128xf32>
    %slice3A_180 = vector.extract_strided_slice %add3A_176 {offsets = [0, 0], sizes = [1024, 128], strides = [1, 1]} : vector<1024x384xf32> to vector<1024x128xf32>
    %add3A_181 = arith.addf %slice3A_179, %slice3A_180 : vector<1024x128xf32>
    %logistic3A_182 = arith.negf %add3A_181 : vector<1024x128xf32>
    %logistic3A_183 = math.exp %logistic3A_182 : vector<1024x128xf32>
    %logistic3A_184 = arith.constant 1.000000e+00 : f32
    %logistic3A_185 = vector.broadcast %logistic3A_184 : f32 to vector<1024x128xf32>
    %logistic3A_186 = arith.addf %logistic3A_185, %logistic3A_183 : vector<1024x128xf32>
    %logistic3A_187 = arith.divf %logistic3A_185, %logistic3A_186 : vector<1024x128xf32>
    %slice3A_188 = vector.extract_strided_slice %squeeze3A_178 {offsets = [0, 128], sizes = [1024, 128], strides = [1, 1]} : vector<1024x384xf32> to vector<1024x128xf32>
    %slice3A_189 = vector.extract_strided_slice %add3A_176 {offsets = [0, 128], sizes = [1024, 128], strides = [1, 1]} : vector<1024x384xf32> to vector<1024x128xf32>
    %add3A_190 = arith.addf %slice3A_188, %slice3A_189 : vector<1024x128xf32>
    %logistic3A_191 = arith.negf %add3A_190 : vector<1024x128xf32>
    %logistic3A_192 = math.exp %logistic3A_191 : vector<1024x128xf32>
    %logistic3A_193 = arith.constant 1.000000e+00 : f32
    %logistic3A_194 = vector.broadcast %logistic3A_193 : f32 to vector<1024x128xf32>
    %logistic3A_195 = arith.addf %logistic3A_194, %logistic3A_192 : vector<1024x128xf32>
    %logistic3A_196 = arith.divf %logistic3A_194, %logistic3A_195 : vector<1024x128xf32>
    %slice3A_197 = vector.extract_strided_slice %squeeze3A_178 {offsets = [0, 256], sizes = [1024, 128], strides = [1, 1]} : vector<1024x384xf32> to vector<1024x128xf32>
    %slice3A_198 = vector.extract_strided_slice %add3A_176 {offsets = [0, 256], sizes = [1024, 128], strides = [1, 1]} : vector<1024x384xf32> to vector<1024x128xf32>
    %mul3A_199 = arith.mulf %logistic3A_187, %slice3A_198 : vector<1024x128xf32>
    %add3A_200 = arith.addf %slice3A_197, %mul3A_199 : vector<1024x128xf32>
    %tanh3A_201 = math.tanh %add3A_200 : vector<1024x128xf32>
    %sub3A_202 = arith.constant 1.000000e+00 : f32
    %sub3A_203 = vector.broadcast %sub3A_202 : f32 to vector<1024x128xf32>
    %sub3A_204 = arith.subf %sub3A_203, %logistic3A_196 : vector<1024x128xf32>
    %mul3A_205 = arith.mulf %sub3A_204, %tanh3A_201 : vector<1024x128xf32>
    %mul3A_206 = arith.mulf %logistic3A_196, %select_n3A_166 : vector<1024x128xf32>
    %add3A_207 = arith.addf %mul3A_205, %mul3A_206 : vector<1024x128xf32>
    %gt3A_208 = arith.constant 3 : i32
    %gt3A_209 = vector.broadcast %gt3A_208 : i32 to vector<1024x1xi32>
    %gt3A_210 = arith.cmpi sgt, %reshape3A_32, %gt3A_209 : vector<1024x1xi32>
    %broadcast_in_dim3A_211 = vector.shape_cast %gt3A_210 : vector<1024x1xi1> to vector<1024x1xi1>
    %broadcast_in_dim3A_212 = vector.broadcast %broadcast_in_dim3A_211 : vector<1024x1xi1> to vector<1024x128xi1>
    %select_n3A_213 = arith.select %broadcast_in_dim3A_212, %add3A_207, %select_n3A_166 : vector<1024x128xi1>, vector<1024x128xf32>
    %get3A_214 = arith.constant 0 : index
    %get3A_215 = arith.constant 0 : index
    %get3A_216 = vector.load %arg6[%get3A_214, %get3A_215] : memref<128x384xf32, #tpu.memory_space<vmem>>, vector<128x384xf32>
    %dot_general3A_217 = arith.constant dense<0.000000e+00> : vector<1024x384xf32>
    %dot_general3A_218 = tpu.matmul %select_n3A_213, %get3A_216, %dot_general3A_217 {dimension_numbers = #tpu.dot_dimension_numbers<[1], [0], [0], [1], [0, 0, 1, 1], [], []>, transpose_lhs_hint = false} : vector<1024x128xf32>, vector<128x384xf32>, vector<1024x384xf32> -> vector<1024x384xf32>
    %get3A_219 = arith.constant 0 : index
    %get3A_220 = arith.constant 0 : index
    %get3A_221 = vector.load %arg8[%get3A_219, %get3A_220] : memref<1x384xf32, #tpu.memory_space<vmem>>, vector<1x384xf32>
    %add3A_222 = vector.broadcast %get3A_221 : vector<1x384xf32> to vector<1024x384xf32>
    %add3A_223 = arith.addf %dot_general3A_218, %add3A_222 : vector<1024x384xf32>
    %slice3A_224 = vector.extract_strided_slice %reshape3A_26 {offsets = [4, 0, 0], sizes = [1, 1024, 384], strides = [1, 1, 1]} : vector<8x1024x384xf32> to vector<1x1024x384xf32>
    %squeeze3A_225 = vector.shape_cast %slice3A_224 : vector<1x1024x384xf32> to vector<1024x384xf32>
    %slice3A_226 = vector.extract_strided_slice %squeeze3A_225 {offsets = [0, 0], sizes = [1024, 128], strides = [1, 1]} : vector<1024x384xf32> to vector<1024x128xf32>
    %slice3A_227 = vector.extract_strided_slice %add3A_223 {offsets = [0, 0], sizes = [1024, 128], strides = [1, 1]} : vector<1024x384xf32> to vector<1024x128xf32>
    %add3A_228 = arith.addf %slice3A_226, %slice3A_227 : vector<1024x128xf32>
    %logistic3A_229 = arith.negf %add3A_228 : vector<1024x128xf32>
    %logistic3A_230 = math.exp %logistic3A_229 : vector<1024x128xf32>
    %logistic3A_231 = arith.constant 1.000000e+00 : f32
    %logistic3A_232 = vector.broadcast %logistic3A_231 : f32 to vector<1024x128xf32>
    %logistic3A_233 = arith.addf %logistic3A_232, %logistic3A_230 : vector<1024x128xf32>
    %logistic3A_234 = arith.divf %logistic3A_232, %logistic3A_233 : vector<1024x128xf32>
    %slice3A_235 = vector.extract_strided_slice %squeeze3A_225 {offsets = [0, 128], sizes = [1024, 128], strides = [1, 1]} : vector<1024x384xf32> to vector<1024x128xf32>
    %slice3A_236 = vector.extract_strided_slice %add3A_223 {offsets = [0, 128], sizes = [1024, 128], strides = [1, 1]} : vector<1024x384xf32> to vector<1024x128xf32>
    %add3A_237 = arith.addf %slice3A_235, %slice3A_236 : vector<1024x128xf32>
    %logistic3A_238 = arith.negf %add3A_237 : vector<1024x128xf32>
    %logistic3A_239 = math.exp %logistic3A_238 : vector<1024x128xf32>
    %logistic3A_240 = arith.constant 1.000000e+00 : f32
    %logistic3A_241 = vector.broadcast %logistic3A_240 : f32 to vector<1024x128xf32>
    %logistic3A_242 = arith.addf %logistic3A_241, %logistic3A_239 : vector<1024x128xf32>
    %logistic3A_243 = arith.divf %logistic3A_241, %logistic3A_242 : vector<1024x128xf32>
    %slice3A_244 = vector.extract_strided_slice %squeeze3A_225 {offsets = [0, 256], sizes = [1024, 128], strides = [1, 1]} : vector<1024x384xf32> to vector<1024x128xf32>
    %slice3A_245 = vector.extract_strided_slice %add3A_223 {offsets = [0, 256], sizes = [1024, 128], strides = [1, 1]} : vector<1024x384xf32> to vector<1024x128xf32>
    %mul3A_246 = arith.mulf %logistic3A_234, %slice3A_245 : vector<1024x128xf32>
    %add3A_247 = arith.addf %slice3A_244, %mul3A_246 : vector<1024x128xf32>
    %tanh3A_248 = math.tanh %add3A_247 : vector<1024x128xf32>
    %sub3A_249 = arith.constant 1.000000e+00 : f32
    %sub3A_250 = vector.broadcast %sub3A_249 : f32 to vector<1024x128xf32>
    %sub3A_251 = arith.subf %sub3A_250, %logistic3A_243 : vector<1024x128xf32>
    %mul3A_252 = arith.mulf %sub3A_251, %tanh3A_248 : vector<1024x128xf32>
    %mul3A_253 = arith.mulf %logistic3A_243, %select_n3A_213 : vector<1024x128xf32>
    %add3A_254 = arith.addf %mul3A_252, %mul3A_253 : vector<1024x128xf32>
    %gt3A_255 = arith.constant 4 : i32
    %gt3A_256 = vector.broadcast %gt3A_255 : i32 to vector<1024x1xi32>
    %gt3A_257 = arith.cmpi sgt, %reshape3A_32, %gt3A_256 : vector<1024x1xi32>
    %broadcast_in_dim3A_258 = vector.shape_cast %gt3A_257 : vector<1024x1xi1> to vector<1024x1xi1>
    %broadcast_in_dim3A_259 = vector.broadcast %broadcast_in_dim3A_258 : vector<1024x1xi1> to vector<1024x128xi1>
    %select_n3A_260 = arith.select %broadcast_in_dim3A_259, %add3A_254, %select_n3A_213 : vector<1024x128xi1>, vector<1024x128xf32>
    %get3A_261 = arith.constant 0 : index
    %get3A_262 = arith.constant 0 : index
    %get3A_263 = vector.load %arg6[%get3A_261, %get3A_262] : memref<128x384xf32, #tpu.memory_space<vmem>>, vector<128x384xf32>
    %dot_general3A_264 = arith.constant dense<0.000000e+00> : vector<1024x384xf32>
    %dot_general3A_265 = tpu.matmul %select_n3A_260, %get3A_263, %dot_general3A_264 {dimension_numbers = #tpu.dot_dimension_numbers<[1], [0], [0], [1], [0, 0, 1, 1], [], []>, transpose_lhs_hint = false} : vector<1024x128xf32>, vector<128x384xf32>, vector<1024x384xf32> -> vector<1024x384xf32>
    %get3A_266 = arith.constant 0 : index
    %get3A_267 = arith.constant 0 : index
    %get3A_268 = vector.load %arg8[%get3A_266, %get3A_267] : memref<1x384xf32, #tpu.memory_space<vmem>>, vector<1x384xf32>
    %add3A_269 = vector.broadcast %get3A_268 : vector<1x384xf32> to vector<1024x384xf32>
    %add3A_270 = arith.addf %dot_general3A_265, %add3A_269 : vector<1024x384xf32>
    %slice3A_271 = vector.extract_strided_slice %reshape3A_26 {offsets = [5, 0, 0], sizes = [1, 1024, 384], strides = [1, 1, 1]} : vector<8x1024x384xf32> to vector<1x1024x384xf32>
    %squeeze3A_272 = vector.shape_cast %slice3A_271 : vector<1x1024x384xf32> to vector<1024x384xf32>
    %slice3A_273 = vector.extract_strided_slice %squeeze3A_272 {offsets = [0, 0], sizes = [1024, 128], strides = [1, 1]} : vector<1024x384xf32> to vector<1024x128xf32>
    %slice3A_274 = vector.extract_strided_slice %add3A_270 {offsets = [0, 0], sizes = [1024, 128], strides = [1, 1]} : vector<1024x384xf32> to vector<1024x128xf32>
    %add3A_275 = arith.addf %slice3A_273, %slice3A_274 : vector<1024x128xf32>
    %logistic3A_276 = arith.negf %add3A_275 : vector<1024x128xf32>
    %logistic3A_277 = math.exp %logistic3A_276 : vector<1024x128xf32>
    %logistic3A_278 = arith.constant 1.000000e+00 : f32
    %logistic3A_279 = vector.broadcast %logistic3A_278 : f32 to vector<1024x128xf32>
    %logistic3A_280 = arith.addf %logistic3A_279, %logistic3A_277 : vector<1024x128xf32>
    %logistic3A_281 = arith.divf %logistic3A_279, %logistic3A_280 : vector<1024x128xf32>
    %slice3A_282 = vector.extract_strided_slice %squeeze3A_272 {offsets = [0, 128], sizes = [1024, 128], strides = [1, 1]} : vector<1024x384xf32> to vector<1024x128xf32>
    %slice3A_283 = vector.extract_strided_slice %add3A_270 {offsets = [0, 128], sizes = [1024, 128], strides = [1, 1]} : vector<1024x384xf32> to vector<1024x128xf32>
    %add3A_284 = arith.addf %slice3A_282, %slice3A_283 : vector<1024x128xf32>
    %logistic3A_285 = arith.negf %add3A_284 : vector<1024x128xf32>
    %logistic3A_286 = math.exp %logistic3A_285 : vector<1024x128xf32>
    %logistic3A_287 = arith.constant 1.000000e+00 : f32
    %logistic3A_288 = vector.broadcast %logistic3A_287 : f32 to vector<1024x128xf32>
    %logistic3A_289 = arith.addf %logistic3A_288, %logistic3A_286 : vector<1024x128xf32>
    %logistic3A_290 = arith.divf %logistic3A_288, %logistic3A_289 : vector<1024x128xf32>
    %slice3A_291 = vector.extract_strided_slice %squeeze3A_272 {offsets = [0, 256], sizes = [1024, 128], strides = [1, 1]} : vector<1024x384xf32> to vector<1024x128xf32>
    %slice3A_292 = vector.extract_strided_slice %add3A_270 {offsets = [0, 256], sizes = [1024, 128], strides = [1, 1]} : vector<1024x384xf32> to vector<1024x128xf32>
    %mul3A_293 = arith.mulf %logistic3A_281, %slice3A_292 : vector<1024x128xf32>
    %add3A_294 = arith.addf %slice3A_291, %mul3A_293 : vector<1024x128xf32>
    %tanh3A_295 = math.tanh %add3A_294 : vector<1024x128xf32>
    %sub3A_296 = arith.constant 1.000000e+00 : f32
    %sub3A_297 = vector.broadcast %sub3A_296 : f32 to vector<1024x128xf32>
    %sub3A_298 = arith.subf %sub3A_297, %logistic3A_290 : vector<1024x128xf32>
    %mul3A_299 = arith.mulf %sub3A_298, %tanh3A_295 : vector<1024x128xf32>
    %mul3A_300 = arith.mulf %logistic3A_290, %select_n3A_260 : vector<1024x128xf32>
    %add3A_301 = arith.addf %mul3A_299, %mul3A_300 : vector<1024x128xf32>
    %gt3A_302 = arith.constant 5 : i32
    %gt3A_303 = vector.broadcast %gt3A_302 : i32 to vector<1024x1xi32>
    %gt3A_304 = arith.cmpi sgt, %reshape3A_32, %gt3A_303 : vector<1024x1xi32>
    %broadcast_in_dim3A_305 = vector.shape_cast %gt3A_304 : vector<1024x1xi1> to vector<1024x1xi1>
    %broadcast_in_dim3A_306 = vector.broadcast %broadcast_in_dim3A_305 : vector<1024x1xi1> to vector<1024x128xi1>
    %select_n3A_307 = arith.select %broadcast_in_dim3A_306, %add3A_301, %select_n3A_260 : vector<1024x128xi1>, vector<1024x128xf32>
    %get3A_308 = arith.constant 0 : index
    %get3A_309 = arith.constant 0 : index
    %get3A_310 = vector.load %arg6[%get3A_308, %get3A_309] : memref<128x384xf32, #tpu.memory_space<vmem>>, vector<128x384xf32>
    %dot_general3A_311 = arith.constant dense<0.000000e+00> : vector<1024x384xf32>
    %dot_general3A_312 = tpu.matmul %select_n3A_307, %get3A_310, %dot_general3A_311 {dimension_numbers = #tpu.dot_dimension_numbers<[1], [0], [0], [1], [0, 0, 1, 1], [], []>, transpose_lhs_hint = false} : vector<1024x128xf32>, vector<128x384xf32>, vector<1024x384xf32> -> vector<1024x384xf32>
    %get3A_313 = arith.constant 0 : index
    %get3A_314 = arith.constant 0 : index
    %get3A_315 = vector.load %arg8[%get3A_313, %get3A_314] : memref<1x384xf32, #tpu.memory_space<vmem>>, vector<1x384xf32>
    %add3A_316 = vector.broadcast %get3A_315 : vector<1x384xf32> to vector<1024x384xf32>
    %add3A_317 = arith.addf %dot_general3A_312, %add3A_316 : vector<1024x384xf32>
    %slice3A_318 = vector.extract_strided_slice %reshape3A_26 {offsets = [6, 0, 0], sizes = [1, 1024, 384], strides = [1, 1, 1]} : vector<8x1024x384xf32> to vector<1x1024x384xf32>
    %squeeze3A_319 = vector.shape_cast %slice3A_318 : vector<1x1024x384xf32> to vector<1024x384xf32>
    %slice3A_320 = vector.extract_strided_slice %squeeze3A_319 {offsets = [0, 0], sizes = [1024, 128], strides = [1, 1]} : vector<1024x384xf32> to vector<1024x128xf32>
    %slice3A_321 = vector.extract_strided_slice %add3A_317 {offsets = [0, 0], sizes = [1024, 128], strides = [1, 1]} : vector<1024x384xf32> to vector<1024x128xf32>
    %add3A_322 = arith.addf %slice3A_320, %slice3A_321 : vector<1024x128xf32>
    %logistic3A_323 = arith.negf %add3A_322 : vector<1024x128xf32>
    %logistic3A_324 = math.exp %logistic3A_323 : vector<1024x128xf32>
    %logistic3A_325 = arith.constant 1.000000e+00 : f32
    %logistic3A_326 = vector.broadcast %logistic3A_325 : f32 to vector<1024x128xf32>
    %logistic3A_327 = arith.addf %logistic3A_326, %logistic3A_324 : vector<1024x128xf32>
    %logistic3A_328 = arith.divf %logistic3A_326, %logistic3A_327 : vector<1024x128xf32>
    %slice3A_329 = vector.extract_strided_slice %squeeze3A_319 {offsets = [0, 128], sizes = [1024, 128], strides = [1, 1]} : vector<1024x384xf32> to vector<1024x128xf32>
    %slice3A_330 = vector.extract_strided_slice %add3A_317 {offsets = [0, 128], sizes = [1024, 128], strides = [1, 1]} : vector<1024x384xf32> to vector<1024x128xf32>
    %add3A_331 = arith.addf %slice3A_329, %slice3A_330 : vector<1024x128xf32>
    %logistic3A_332 = arith.negf %add3A_331 : vector<1024x128xf32>
    %logistic3A_333 = math.exp %logistic3A_332 : vector<1024x128xf32>
    %logistic3A_334 = arith.constant 1.000000e+00 : f32
    %logistic3A_335 = vector.broadcast %logistic3A_334 : f32 to vector<1024x128xf32>
    %logistic3A_336 = arith.addf %logistic3A_335, %logistic3A_333 : vector<1024x128xf32>
    %logistic3A_337 = arith.divf %logistic3A_335, %logistic3A_336 : vector<1024x128xf32>
    %slice3A_338 = vector.extract_strided_slice %squeeze3A_319 {offsets = [0, 256], sizes = [1024, 128], strides = [1, 1]} : vector<1024x384xf32> to vector<1024x128xf32>
    %slice3A_339 = vector.extract_strided_slice %add3A_317 {offsets = [0, 256], sizes = [1024, 128], strides = [1, 1]} : vector<1024x384xf32> to vector<1024x128xf32>
    %mul3A_340 = arith.mulf %logistic3A_328, %slice3A_339 : vector<1024x128xf32>
    %add3A_341 = arith.addf %slice3A_338, %mul3A_340 : vector<1024x128xf32>
    %tanh3A_342 = math.tanh %add3A_341 : vector<1024x128xf32>
    %sub3A_343 = arith.constant 1.000000e+00 : f32
    %sub3A_344 = vector.broadcast %sub3A_343 : f32 to vector<1024x128xf32>
    %sub3A_345 = arith.subf %sub3A_344, %logistic3A_337 : vector<1024x128xf32>
    %mul3A_346 = arith.mulf %sub3A_345, %tanh3A_342 : vector<1024x128xf32>
    %mul3A_347 = arith.mulf %logistic3A_337, %select_n3A_307 : vector<1024x128xf32>
    %add3A_348 = arith.addf %mul3A_346, %mul3A_347 : vector<1024x128xf32>
    %gt3A_349 = arith.constant 6 : i32
    %gt3A_350 = vector.broadcast %gt3A_349 : i32 to vector<1024x1xi32>
    %gt3A_351 = arith.cmpi sgt, %reshape3A_32, %gt3A_350 : vector<1024x1xi32>
    %broadcast_in_dim3A_352 = vector.shape_cast %gt3A_351 : vector<1024x1xi1> to vector<1024x1xi1>
    %broadcast_in_dim3A_353 = vector.broadcast %broadcast_in_dim3A_352 : vector<1024x1xi1> to vector<1024x128xi1>
    %select_n3A_354 = arith.select %broadcast_in_dim3A_353, %add3A_348, %select_n3A_307 : vector<1024x128xi1>, vector<1024x128xf32>
    %get3A_355 = arith.constant 0 : index
    %get3A_356 = arith.constant 0 : index
    %get3A_357 = vector.load %arg6[%get3A_355, %get3A_356] : memref<128x384xf32, #tpu.memory_space<vmem>>, vector<128x384xf32>
    %dot_general3A_358 = arith.constant dense<0.000000e+00> : vector<1024x384xf32>
    %dot_general3A_359 = tpu.matmul %select_n3A_354, %get3A_357, %dot_general3A_358 {dimension_numbers = #tpu.dot_dimension_numbers<[1], [0], [0], [1], [0, 0, 1, 1], [], []>, transpose_lhs_hint = false} : vector<1024x128xf32>, vector<128x384xf32>, vector<1024x384xf32> -> vector<1024x384xf32>
    %get3A_360 = arith.constant 0 : index
    %get3A_361 = arith.constant 0 : index
    %get3A_362 = vector.load %arg8[%get3A_360, %get3A_361] : memref<1x384xf32, #tpu.memory_space<vmem>>, vector<1x384xf32>
    %add3A_363 = vector.broadcast %get3A_362 : vector<1x384xf32> to vector<1024x384xf32>
    %add3A_364 = arith.addf %dot_general3A_359, %add3A_363 : vector<1024x384xf32>
    %slice3A_365 = vector.extract_strided_slice %reshape3A_26 {offsets = [7, 0, 0], sizes = [1, 1024, 384], strides = [1, 1, 1]} : vector<8x1024x384xf32> to vector<1x1024x384xf32>
    %squeeze3A_366 = vector.shape_cast %slice3A_365 : vector<1x1024x384xf32> to vector<1024x384xf32>
    %slice3A_367 = vector.extract_strided_slice %squeeze3A_366 {offsets = [0, 0], sizes = [1024, 128], strides = [1, 1]} : vector<1024x384xf32> to vector<1024x128xf32>
    %slice3A_368 = vector.extract_strided_slice %add3A_364 {offsets = [0, 0], sizes = [1024, 128], strides = [1, 1]} : vector<1024x384xf32> to vector<1024x128xf32>
    %add3A_369 = arith.addf %slice3A_367, %slice3A_368 : vector<1024x128xf32>
    %logistic3A_370 = arith.negf %add3A_369 : vector<1024x128xf32>
    %logistic3A_371 = math.exp %logistic3A_370 : vector<1024x128xf32>
    %logistic3A_372 = arith.constant 1.000000e+00 : f32
    %logistic3A_373 = vector.broadcast %logistic3A_372 : f32 to vector<1024x128xf32>
    %logistic3A_374 = arith.addf %logistic3A_373, %logistic3A_371 : vector<1024x128xf32>
    %logistic3A_375 = arith.divf %logistic3A_373, %logistic3A_374 : vector<1024x128xf32>
    %slice3A_376 = vector.extract_strided_slice %squeeze3A_366 {offsets = [0, 128], sizes = [1024, 128], strides = [1, 1]} : vector<1024x384xf32> to vector<1024x128xf32>
    %slice3A_377 = vector.extract_strided_slice %add3A_364 {offsets = [0, 128], sizes = [1024, 128], strides = [1, 1]} : vector<1024x384xf32> to vector<1024x128xf32>
    %add3A_378 = arith.addf %slice3A_376, %slice3A_377 : vector<1024x128xf32>
    %logistic3A_379 = arith.negf %add3A_378 : vector<1024x128xf32>
    %logistic3A_380 = math.exp %logistic3A_379 : vector<1024x128xf32>
    %logistic3A_381 = arith.constant 1.000000e+00 : f32
    %logistic3A_382 = vector.broadcast %logistic3A_381 : f32 to vector<1024x128xf32>
    %logistic3A_383 = arith.addf %logistic3A_382, %logistic3A_380 : vector<1024x128xf32>
    %logistic3A_384 = arith.divf %logistic3A_382, %logistic3A_383 : vector<1024x128xf32>
    %slice3A_385 = vector.extract_strided_slice %squeeze3A_366 {offsets = [0, 256], sizes = [1024, 128], strides = [1, 1]} : vector<1024x384xf32> to vector<1024x128xf32>
    %slice3A_386 = vector.extract_strided_slice %add3A_364 {offsets = [0, 256], sizes = [1024, 128], strides = [1, 1]} : vector<1024x384xf32> to vector<1024x128xf32>
    %mul3A_387 = arith.mulf %logistic3A_375, %slice3A_386 : vector<1024x128xf32>
    %add3A_388 = arith.addf %slice3A_385, %mul3A_387 : vector<1024x128xf32>
    %tanh3A_389 = math.tanh %add3A_388 : vector<1024x128xf32>
    %sub3A_390 = arith.constant 1.000000e+00 : f32
    %sub3A_391 = vector.broadcast %sub3A_390 : f32 to vector<1024x128xf32>
    %sub3A_392 = arith.subf %sub3A_391, %logistic3A_384 : vector<1024x128xf32>
    %mul3A_393 = arith.mulf %sub3A_392, %tanh3A_389 : vector<1024x128xf32>
    %mul3A_394 = arith.mulf %logistic3A_384, %select_n3A_354 : vector<1024x128xf32>
    %add3A_395 = arith.addf %mul3A_393, %mul3A_394 : vector<1024x128xf32>
    %gt3A_396 = arith.constant 7 : i32
    %gt3A_397 = vector.broadcast %gt3A_396 : i32 to vector<1024x1xi32>
    %gt3A_398 = arith.cmpi sgt, %reshape3A_32, %gt3A_397 : vector<1024x1xi32>
    %broadcast_in_dim3A_399 = vector.shape_cast %gt3A_398 : vector<1024x1xi1> to vector<1024x1xi1>
    %broadcast_in_dim3A_400 = vector.broadcast %broadcast_in_dim3A_399 : vector<1024x1xi1> to vector<1024x128xi1>
    %select_n3A_401 = arith.select %broadcast_in_dim3A_400, %add3A_395, %select_n3A_354 : vector<1024x128xi1>, vector<1024x128xf32>
    %mul3A_402 = arith.mulf %select_n3A_401, %select_n3A_401 : vector<1024x128xf32>
    %reduce_sum3A = arith.constant dense<0.000000e+00> : vector<1024xf32>
    %reduce_sum3A_403 = vector.multi_reduction <add>, %mul3A_402, %reduce_sum3A [1] : vector<1024x128xf32> to vector<1024xf32>
    %broadcast_in_dim3A_404 = vector.shape_cast %reduce_sum3A_403 : vector<1024xf32> to vector<1024x1xf32>
    %sqrt3A = math.sqrt %broadcast_in_dim3A_404 : vector<1024x1xf32>
    %max3A = arith.constant 9.99999996E-13 : f32
    %max3A_405 = vector.broadcast %max3A : f32 to vector<1024x1xf32>
    %max3A_406 = arith.maximumf %sqrt3A, %max3A_405 : vector<1024x1xf32>
    %div3A = vector.broadcast %max3A_406 : vector<1024x1xf32> to vector<1024x128xf32>
    %div3A_407 = arith.divf %select_n3A_401, %div3A : vector<1024x128xf32>
    %swap3A = arith.constant 0 : index
    %swap3A_408 = arith.constant 0 : index
    %swap3A_409 = vector.load %arg9[%swap3A, %swap3A_408] : memref<1024x128xf32, #tpu.memory_space<vmem>>, vector<1024x128xf32>
    tpu.vector_store %arg9[%swap3A, %swap3A_408], %div3A_407 {strides = array<i32>} : memref<1024x128xf32, #tpu.memory_space<vmem>>, vector<1024x128xf32>,
    return
  }
  func.func @transform_0(%arg0: i32) -> (i32, i32, i32) {
    %c0_i32 = arith.constant 0 : i32
    %c0_i32_0 = arith.constant 0 : i32
    %c0_i32_1 = arith.constant 0 : i32
    return %c0_i32, %arg0, %c0_i32_0 : i32, i32, i32
  }
  func.func @transform_1(%arg0: i32) -> (i32, i32, i32) {
    %c0_i32 = arith.constant 0 : i32
    %c0_i32_0 = arith.constant 0 : i32
    %c0_i32_1 = arith.constant 0 : i32
    return %arg0, %c0_i32, %c0_i32_0 : i32, i32, i32
  }
  func.func @transform_2(%arg0: i32) -> (i32, i32, i32, i32) {
    %c0_i32 = arith.constant 0 : i32
    %c0_i32_0 = arith.constant 0 : i32
    %c0_i32_1 = arith.constant 0 : i32
    %c0_i32_2 = arith.constant 0 : i32
    return %c0_i32, %arg0, %c0_i32_0, %c0_i32_1 : i32, i32, i32, i32
  }
  func.func @transform_3(%arg0: i32) -> (i32, i32) {
    %c0_i32 = arith.constant 0 : i32
    %c0_i32_0 = arith.constant 0 : i32
    %c0_i32_1 = arith.constant 0 : i32
    return %c0_i32, %c0_i32_0 : i32, i32
  }
  func.func @transform_4(%arg0: i32) -> (i32, i32) {
    %c0_i32 = arith.constant 0 : i32
    %c0_i32_0 = arith.constant 0 : i32
    %c0_i32_1 = arith.constant 0 : i32
    return %c0_i32, %c0_i32_0 : i32, i32
  }
  func.func @transform_5(%arg0: i32) -> (i32, i32) {
    %c0_i32 = arith.constant 0 : i32
    %c0_i32_0 = arith.constant 0 : i32
    %c0_i32_1 = arith.constant 0 : i32
    return %c0_i32, %c0_i32_0 : i32, i32
  }
  func.func @transform_6(%arg0: i32) -> (i32, i32) {
    %c0_i32 = arith.constant 0 : i32
    %c0_i32_0 = arith.constant 0 : i32
    %c0_i32_1 = arith.constant 0 : i32
    return %c0_i32, %c0_i32_0 : i32, i32
  }
  func.func @transform_7(%arg0: i32) -> (i32, i32) {
    %c0_i32 = arith.constant 0 : i32
    %c0_i32_0 = arith.constant 0 : i32
    %c0_i32_1 = arith.constant 0 : i32
    return %c0_i32, %c0_i32_0 : i32, i32
  }
  func.func @transform_8(%arg0: i32) -> (i32, i32) {
    %c0_i32 = arith.constant 0 : i32
    %c0_i32_0 = arith.constant 0 : i32
    return %arg0, %c0_i32 : i32, i32
  }
}

module attributes {stable_mosaic.version = 14 : i64} {
  func.func @_score_body(%arg0: i32, %arg1: memref<4096x128xf32, #tpu.memory_space<vmem>>, %arg2: memref<128x128xf32, #tpu.memory_space<vmem>>, %arg3: memref<1x1x128xf32, #tpu.memory_space<vmem>>) attributes {dimension_semantics = [#tpu.dimension_semantics<arbitrary>], iteration_bounds = array<i64: 8>, scalar_prefetch = 0 : i64, scratch_operands = 0 : i64, tpu.core_type = #tpu.core_type<tc>, window_params = [{transform_indices = @transform_0, window_bounds = array<i64: 4096, 128>}, {transform_indices = @transform_1, window_bounds = array<i64: 128, 128>}, {transform_indices = @transform_2, window_bounds = array<i64: 1, 1, 128>}]} {
    %get3A = arith.constant 0 : index
    %get3A_0 = arith.constant 0 : index
    %get3A_1 = vector.load %arg1[%get3A, %get3A_0] : memref<4096x128xf32, #tpu.memory_space<vmem>>, vector<4096x128xf32>
    %reshape3A = vector.shape_cast %get3A_1 : vector<4096x128xf32> to vector<128x32x128xf32>
    %get3A_2 = arith.constant 0 : index
    %get3A_3 = arith.constant 0 : index
    %get3A_4 = vector.load %arg2[%get3A_2, %get3A_3] : memref<128x128xf32, #tpu.memory_space<vmem>>, vector<128x128xf32>
    %broadcast_in_dim3A = vector.shape_cast %get3A_4 : vector<128x128xf32> to vector<128x1x128xf32>
    %mul3A = vector.broadcast %broadcast_in_dim3A : vector<128x1x128xf32> to vector<128x32x128xf32>
    %mul3A_5 = arith.mulf %reshape3A, %mul3A : vector<128x32x128xf32>
    %reduce_sum3A = arith.constant dense<0.000000e+00> : vector<128x32xf32>
    %reduce_sum3A_6 = vector.multi_reduction <add>, %mul3A_5, %reduce_sum3A [2] : vector<128x32x128xf32> to vector<128x32xf32>
    %reduce_max3A = arith.constant dense<0xFF800000> : vector<128xf32>
    %reduce_max3A_7 = vector.multi_reduction <maximumf>, %reduce_sum3A_6, %reduce_max3A [1] : vector<128x32xf32> to vector<128xf32>
    %max3A = arith.constant 0.000000e+00 : f32
    %max3A_8 = vector.broadcast %max3A : f32 to vector<128xf32>
    %max3A_9 = arith.maximumf %reduce_max3A_7, %max3A_8 : vector<128xf32>
    %reshape3A_10 = vector.shape_cast %max3A_9 : vector<128xf32> to vector<1x1x128xf32>
    %swap3A = arith.constant 0 : index
    %swap3A_11 = arith.constant 0 : index
    %swap3A_12 = arith.constant 0 : index
    %swap3A_13 = vector.load %arg3[%swap3A, %swap3A_11, %swap3A_12] : memref<1x1x128xf32, #tpu.memory_space<vmem>>, vector<1x1x128xf32>
    tpu.vector_store %arg3[%swap3A, %swap3A_11, %swap3A_12], %reshape3A_10 {strides = array<i32>} : memref<1x1x128xf32, #tpu.memory_space<vmem>>, vector<1x1x128xf32>,
    return
  }
  func.func @transform_0(%arg0: i32) -> (i32, i32) {
    %c0_i32 = arith.constant 0 : i32
    %c0_i32_0 = arith.constant 0 : i32
    return %arg0, %c0_i32 : i32, i32
  }
  func.func @transform_1(%arg0: i32) -> (i32, i32) {
    %c0_i32 = arith.constant 0 : i32
    %c0_i32_0 = arith.constant 0 : i32
    return %arg0, %c0_i32 : i32, i32
  }
  func.func @transform_2(%arg0: i32) -> (i32, i32, i32) {
    %c0_i32 = arith.constant 0 : i32
    %c0_i32_0 = arith.constant 0 : i32
    %c0_i32_1 = arith.constant 0 : i32
    return %arg0, %c0_i32, %c0_i32_0 : i32, i32, i32
  }
}

</mosaic_0001>

<sc_bundles>
// kernel: kernel.11.cloned.1.call-start
scs
__scs_entry_jumppad:
0x0: {  	(pc) =	sbr.rel $0x88, $3  }
0x1: {  	(tag) =	ssettag $0x0;
	lr =	simm.s32 $0x1  }
0x2: {  	[smem:$0x3F92] =	sst lr;
	_ =	strace $0xD0000000  }
0x3: {  	_ = 	snop  }
0x4: {  	_ = 	snop  }
0x5: {  	_ = 	snop  }
0x6: {  	_ = 	snop  }
0x7: {  	_ = 	snop  }
__scs_overlays_trampoline_lowered:
0x8: {  	[smem:$0x3FA1] =	sst s0  }
0x9: {  	[smem:$0x3FA2] =	sst s1  }
0xa: {  	[smem:$0x3FA3] =	sst s2  }
0xb: {  	[smem:$0x3FA4] =	sst s3  }
0xc: {  	[smem:$0x3FA5] =	sst s4  }
0xd: {  	[smem:$0x3FA6] =	sst s5  }
0xe: {  	[smem:$0x3FA7] =	sst s6  }
0xf: {  	[smem:$0x3FA8] =	sst s7  }
0x10: {  	[smem:$0x3FA9] =	sst s8  }
0x11: {  	[smem:$0x3FAA] =	sst s9;
	s0 =	simm.s32 @!p0 $0x0  }
0x12: {  	s1 =	sld [smem:$0x3F90];
	s0 =	simm.s32 @p0 $0x1  }
0x13: {  	[smem:$0x3FAB] =	sst s0;
	s0 =	simm.s32 @!p1 $0x0  }
0x14: {  	s2 =	sld [smem:$0x3F8F];
	s0 =	simm.s32 @p1 $0x1  }
0x15: {  	[smem:$0x3FAC] =	sst s0;
	s0 =	simm.s32 @!p2 $0x0  }
0x16: {  	s3 =	sld [smem:$0x3FDB];
	s0 =	simm.s32 @p2 $0x1  }
0x17: {  	s4 =	simm.s32 $0x1BF5;
	[smem:$0x3FAE] =	sst s0  }
0x18: {  	s0 =	sld [smem:$0x3F91];
	_ =	swait.ge [sflag:s4], $0x0  }
0x19: {  	s7 =	sld [smem:$0x3F92]  }
0x1a: {  	s8 =	sadd.s32 $0xFFFFE003, lr  }
0x1b: {  	s9 =	sadd.s32 $0xFFFFFEF7, lr;
	s5 =	simm.s32 $0xFFFFFFFF;
	p2 =	slt.u32 s8, $0xFFFFF086  }
0x1c: {  	p1 =	slt.u32 s9, $0xF7A;
	s5 =	simm.s32 @!p2 $0x0  }
0x1d: {  	s5 =	simm.s32 @p1 $0x1;
	p0 =	seq.s32 s7, s2  }
0x1e: {  	s7 =	smul.u32 @!p0 $0xF7A, s2;
	p2 =	seq.s32 @!p0 s5, $0x0  }
0x1f: {  	s9 =	smul.u32 $0xF7A, s1;
	s8 =	simm.s32 @!p0 $0x1BF5;
	p2 =	por !p2, p0  }
0x20: {  	[sflag:s8] =	ssyncset.s32 @!p0 $0xFFFFF086;
	s6 =	sadd.s32 @!p0 s3, s7;
	s7 =	simm.s32 @!p0 $0x108  }
0x21: {  	s3 =	sadd.s32 s3, s9;
	s6 =	sadd.s32 @!p0 $0x88, s6;
	s7 =	simm.s32 @p2 $0x1082  }
0x22: {  	[simem:s7], [sflag:s8] =	dma.local @!p0 [hbm:s6], $0xF7A  }
0x23: {  	s9 =	sor.u32 $0xD0000000, s2;
	s6 =	simm.s32 $0x108;
	_ =	swait.ge @!p0 [sflag:s8], $0x0  }
0x24: {  	s3 =	sadd.s32 $0x88, s3;
	s6 =	simm.s32 @!p1 $0x1082;
	[sflag:s4] =	ssyncset.s32 $0xFFFFF086  }
0x25: {  	[simem:s6], [sflag:s4] =	dma.local [hbm:s3], $0xF7A  }
0x26: {  	[smem:$0x3F92] =	sst s1;
	(tag) =	ssettag s2;
	_ =	strace s9  }
0x27: {  	s1 =	sld [smem:$0x3FA2]  }
0x28: {  	s2 =	sld [smem:$0x3FA3]  }
0x29: {  	s4 =	sld [smem:$0x3FA5]  }
0x2a: {  	p0 =	seq.s32 s5, $0x0;
	s5 =	sld [smem:$0x3FA6]  }
0x2b: {  	s6 =	sld [smem:$0x3FA7]  }
0x2c: {  	s7 =	sld [smem:$0x3FA8]  }
0x2d: {  	s3 =	simm.s32 $0x108;
	s8 =	sld [smem:$0x3FA9]  }
0x2e: {  	s3 =	simm.s32 @!p0 $0x1082;
	s9 =	sld [smem:$0x3FAA]  }
0x2f: {  	lr =	sadd.s32 s0, s3;
	s0 =	sld [smem:$0x3FA1]  }
0x30: {  	s3 =	sld [smem:$0x3FA4]  }
0x31: {  	[smem:$0x3FAD] =	sst s10  }
0x32: {  	s10 =	sld [smem:$0x3FAB];
	_ =	sdelay $0x3  }
0x33: {  	p0 =	seq.s32 s10, $0x1;
	s10 =	sld [smem:$0x3FAD];
	_ =	sdelay $0x3  }
0x34: {  	[smem:$0x3FAD] =	sst s10  }
0x35: {  	s10 =	sld [smem:$0x3FAC];
	_ =	sdelay $0x3  }
0x36: {  	p1 =	seq.s32 s10, $0x1;
	s10 =	sld [smem:$0x3FAD];
	_ =	sdelay $0x3  }
0x37: {  	[smem:$0x3FAD] =	sst s10  }
0x38: {  	s10 =	sld [smem:$0x3FAE]  }
0x39: {  	_ = 	snop;
	(pc) =	sbr.ind lr, $3  }
0x3a: {  	_ = 	snop  }
0x3b: {  	_ = 	snop  }
0x3c: {  	p2 =	seq.s32 s10, $0x1;
	s10 =	sld [smem:$0x3FAD]  }
0x3d: {  	_ =	shalt  }
0x3e: {  	_ =	shalt  }
0x3f: {  	_ =	shalt  }
0x40: {  	_ =	shalt  }
0x41: {  	_ =	shalt  }
0x42: {  	_ =	shalt  }
0x43: {  	_ =	shalt  }
0x44: {  	_ =	shalt  }
0x45: {  	_ =	shalt  }
0x46: {  	_ =	shalt  }
0x47: {  	_ =	shalt  }
0x48: {  	_ =	shalt  }
0x49: {  	_ =	shalt  }
0x4a: {  	_ =	shalt  }
0x4b: {  	_ =	shalt  }
0x4c: {  	_ =	shalt  }
0x4d: {  	_ =	shalt  }
0x4e: {  	_ =	shalt  }
0x4f: {  	_ =	shalt  }
0x50: {  	_ =	shalt  }
0x51: {  	_ =	shalt  }
0x52: {  	_ =	shalt  }
0x53: {  	_ =	shalt  }
0x54: {  	_ =	shalt  }
0x55: {  	_ =	shalt  }
0x56: {  	_ =	shalt  }
0x57: {  	_ =	shalt  }
0x58: {  	_ =	shalt  }
0x59: {  	_ =	shalt  }
0x5a: {  	_ =	shalt  }
0x5b: {  	_ =	shalt  }
0x5c: {  	_ =	shalt  }
0x5d: {  	_ =	shalt  }
0x5e: {  	_ =	shalt  }
0x5f: {  	_ =	shalt  }
0x60: {  	_ =	shalt  }
0x61: {  	_ =	shalt  }
0x62: {  	_ =	shalt  }
0x63: {  	_ =	shalt  }
0x64: {  	_ =	shalt  }
0x65: {  	_ =	shalt  }
0x66: {  	_ =	shalt  }
0x67: {  	_ =	shalt  }
0x68: {  	_ =	shalt  }
0x69: {  	_ =	shalt  }
0x6a: {  	_ =	shalt  }
0x6b: {  	_ =	shalt  }
0x6c: {  	_ =	shalt  }
0x6d: {  	_ =	shalt  }
0x6e: {  	_ =	shalt  }
0x6f: {  	_ =	shalt  }
0x70: {  	_ =	shalt  }
0x71: {  	_ =	shalt  }
0x72: {  	_ =	shalt  }
0x73: {  	_ =	shalt  }
0x74: {  	_ =	shalt  }
0x75: {  	_ =	shalt  }
0x76: {  	_ =	shalt  }
0x77: {  	_ =	shalt  }
0x78: {  	_ =	shalt  }
0x79: {  	_ =	shalt  }
0x7a: {  	_ =	shalt  }
0x7b: {  	_ =	shalt  }
0x7c: {  	_ =	shalt  }
0x7d: {  	_ =	shalt  }
0x7e: {  	_ =	shalt  }
0x7f: {  	_ =	shalt  }
0x80: {  	_ =	shalt  }
0x81: {  	_ =	shalt  }
0x82: {  	_ =	shalt  }
0x83: {  	_ =	shalt  }
0x84: {  	_ =	shalt  }
0x85: {  	_ =	shalt  }
0x86: {  	_ =	shalt  }
0x87: {  	_ =	shalt  }
.Lfunc_end0:
.L_simem_size_0:
called_computation.1_lowered:
.L_overlay_start_0:
0x88: {  	s2 =	sld [smem:$0x3FD9]  }
0x89: {  	s3 =	sld [smem:$0x3FFE];
	_ =	sdelay $0x1  }
0x8a: {  	s1 =	srdreg.scid  }
0x8b: {  	s0 =	sand.u32 $0x1, s1  }
0x8c: {  	s17 =	sshll.u32 s0, $0xA;
	s2 =	sadd.s32 s3, s2  }
0x8d: {  	s2 =	sadd.s32 s2, s17  }
0x8e: {  	[smem:$0x3FB9] =	sst s2  }
0x8f: {  	_ = 	snop  }
0x90: {  	(tm) =	ssettm $0x1  }
0x91: {  	s18 =	sld [smem:$0x3FFB];
	_ =	sdelay $0x3  }
0x92: {  	_ =	strace s18  }
0x93: {  	s2 =	sld [smem:$0x3FFC];
	_ =	sdelay $0x3  }
0x94: {  	_ =	strace s2  }
0x95: {  	s2 =	sld [smem:$0x3FFD];
	_ =	sdelay $0x3  }
0x96: {  	_ =	strace s2  }
0x97: {  	_ =	strace $0x8FFFFFFF  }
0x98: {  	s19 =	sld [smem:$0x3FDB];
	_ =	sdelay $0x1  }
0x99: {  	s20 =	simm.s32 $_scs_section_size  }
0x9a: {  	s4 =	simm.s32 $_size__tile_overlayer_lowered;
	s5 =	simm.s32 $_tile_overlayer_lowered  }
0x9b: {  	s6 =	simm.s32 $0x1BFF;
	s21 =	sshll.u32 s5, $0x1;
	s3 =	sadd.s32 s20, s19  }
0x9c: {  	s22 =	simm.s32 $0x0;
	s4 =	sshll.u32 s4, $0x1;
	s5 =	sadd.s32 s21, s3  }
0x9d: {  	[timem:s22], [sflag:s6] =	dma.local [hbm:s5], s4  }
0x9e: {  	_ =	swait.ge [sflag:s6], s4  }
0x9f: {  	s4 =	ssub.s32 $0x0, s4;
	[sflag:s6] =	ssyncset.done $0x0  }
0xa0: {  	[sflag:s6] =	ssyncadd.s32 s4;
	_ =	sdelay $0x1  }
0xa1: {  	s23 =	simm.s32 $0x1B8B  }
0xa2: {  	_ =	swait.ge [sflag:s23], $0x1  }
0xa3: {  	[sflag:s23] =	ssyncset.done $0x0  }
0xa4: {  	[sflag:s23] =	ssyncadd.s32 $0xFFFFFFFF  }
0xa5: {  	s4 =	sld [smem:$0x0]  }
0xa6: {  	s5 =	sand.u32 $0xFFFFFFFE, s1  }
0xa7: {  	p0 =	sne.s32 s1, s5  }
0xa8: {  	s5 =	sshll.u32 @p0 s5, $0xE  }
0xa9: {  	s5 =	sadd.s32 @p0 $0x11B8D, s5;
	s6 =	sshll.u32 @p0 s4, $0x11  }
0xaa: {  	s5 =	sor.u32 @p0 s6, s5  }
0xab: {  	[sflag:s5] =	ssyncadd.remote.s32 @p0 $0x1;
	_ =	sdelay $0x1  }
0xac: {  	s5 =	simm.s32 @p0 $0x1B8D  }
0xad: {  	_ =	swait.eq @p0 [sflag:s5], $0x1  }
0xae: {  	[sflag:s5] =	ssyncadd.s32 @p0 $0xFFFFFFFF  }
0xaf: {  	s6 =	sshll.u32 @!p0 s1, $0xE  }
0xb0: {  	s6 =	sor.u32 @!p0 $0x4000, s6;
	s5 =	simm.s32 @!p0 $0x1B8D  }
0xb1: {  	s4 =	sshll.u32 @!p0 s4, $0x11;
	s6 =	sadd.s32 @!p0 $0x11B8D, s6;
	_ =	swait.eq @!p0 [sflag:s5], $0x1  }
0xb2: {  	s4 =	sor.u32 @!p0 s4, s6;
	[sflag:s5] =	ssyncadd.s32 @!p0 $0xFFFFFFFF  }
0xb3: {  	s25 =	simm.s32 $0x1B8E;
	s24 =	sld [smem:$0x3FFE];
	[sflag:s4] =	ssyncadd.remote.s32 @!p0 $0x1  }
0xb4: {  	s26 =	simm.s32 $execute0_lowered;
	[smem:$0x3FD2] =	sst s25  }
0xb5: {  	s5 =	sshll.u32 s26, $0x1;
	_ =	strace $0x8000004C;
	[dreg:$0x1] =	wrdreg $0xFFFFFFFF  }
0xb6: {  	s28 =	simm.s32 $_size_execute0_lowered;
	s3 =	sadd.s32 s3, s5;
	[dreg:$0x0] =	wrdreg $0x0  }
0xb7: {  	s5 =	sshll.u32 s28, $0x1;
	[dreg:$0x2] =	wrdreg s3  }
0xb8: {  	[dreg:$0x3] =	wrdreg s5  }
0xb9: {  	[dreg:$0x4] =	wrdreg $0xC0  }
0xba: {  	_ =	task [dreg:s22], $0x5FFFF  }
0xbb: {  	[dreg:$0x1] =	wrdreg $0xFFFFFFFF  }
0xbc: {  	[dreg:$0x0] =	wrdreg $0x60  }
0xbd: {  	[dreg:$0x2] =	wrdreg s24  }
0xbe: {  	[dreg:$0x3] =	wrdreg $0xA  }
0xbf: {  	_ =	task.clear_ibuf [dreg:s22], $0x4FFFF;
	_ =	strace $0x9000004C  }
0xc0: {  	s29 =	simm.s32 $0xA;
	_ =	strace $0x8000004E  }
0xc1: {  	_ =	swait.ge [sflag:s29], $0x1  }
0xc2: {  	[sflag:s29] =	ssyncadd.s32 $0xFFFFFFFF  }
0xc3: {  	_ =	strace $0x9000004E  }
0xc4: {  	_ =	sfence  }
0xc5: {  	s30 =	sld [smem:$0x0];
	_ =	sdelay $0x2  }
0xc6: {  	s31 =	sshll.u32 s1, $0xD;
	s1 =	sshrl.u32 s1, $0x2  }
0xc7: {  	s4 =	sand.u32 $0x4000, s31;
	s1 =	sadd.s32 s1, s30  }
0xc8: {  	s0 =	sor.u32 s4, s0;
	s1 =	sshll.u32 s1, $0x11  }
0xc9: {  	s0 =	sor.u32 s1, s0  }
0xca: {  	s0 =	sadd.s32 $0x8F2B, s0  }
0xcb: {  	[sflag:s0] =	ssyncadd.remote.s32 $0x1  }
0xcc: {  	_ =	sfence.sel $0xFFFF  }
0xcd: {  	[dreg:$0x0] =	wrdreg $0xFFFFFFFF;
	(pc) =	sbr.abs _section_cstart, $3  }
0xce: {  	[dreg:$0x1] =	wrdreg $0xFFFFFFFF  }
0xcf: {  	_ =	task.clear_ibuf [dreg:s22], $0x2FFFF;
	_ =	strace $0x9FFFFFFF  }
0xd0: {  	(tm) =	ssettm $0x7FFFFFFF  }
0xd1: {  	_ =	shalt  }
tec
execute0_lowered:
.L_overlay_start_1:
0x0: {  	(tag) =	ssettag $0x1  }
0x1: {  	s1 =	srdreg.scid;
	s0 =	stileid.u32  }
0x2: {  	s1 =	sand.u32 $0x1, s1;
	s2 =	sshll.u32 s0, $0x1  }
0x3: {  	s11 =	sor.u32 s1, s2  }
0x4: {  	s10 =	rddreg [dreg:$0x0];
	s3 =	sshll.u32 s11, $0x8  }
0x5: {  	s2 =	simm.s32 $0x0;
	s3 =	sadd.s32 s3, s10  }
0x6: {  	[smem:$0x7FF] =	sst s2;
	s3 =	sadd.s32 $0x41AC00, s3  }
0x7: {  	_ =	strace $0x8000004D;
	[dreg:$0x2] =	wrdreg s3  }
0x8: {  	s3 =	simm.s32 $0x3;
	s4 =	rddreg [dreg:$0x2]  }
0x9: {  	[tilespmem:s2], [sflag:$0x3] =	stream.linear.gather [hbm4b:s4+s2], $0x580, $0x38;
	[tilespmem:$0x6800] =	vst v63  }
0xa: {  	_ =	swait.ge [sflag:s3], $0x580  }
0xb: {  	s5 =	simm.s32 $0x60;
	[sflag:s3] =	ssyncset.done $0x0  }
0xc: {  	s6 =	simm.s32 $0x800;
	s4 =	sadd.s32 $0x21AC00, s10;
	[sflag:s3] =	ssyncadd.s32 $0xFFFFFA80  }
0xd: {  	[tilespmem:s6], [sflag:$0x1] =	stream.indirect.gather [hbm4b:s4+s5], $0x80, s2, s5, $0xb8;
	[tilespmem:$0x6800] =	vst v63  }
0xe: {  	s7 =	simm.s32 $0x80;
	s8 =	simm.s32 $0x3800;
	s9 =	simm.s32 $0x1  }
0xf: {  	[tilespmem:s8], [sflag:$0x2] =	stream.indirect.gather [hbm4b:s4+s5], $0x80, s7, s5, $0xb8;
	[tilespmem:$0x6800] =	vst v63  }
0x10: {  	s12 =	smul.u32 $0x4200, s11;
	_ =	swait.ge [sflag:s9], $0x3000  }
0x11: {  	s13 =	sadd.s32 $0x25AE00, s10;
	[sflag:s9] =	ssyncset.done $0x0  }
0x12: {  	s10 =	sadd.s32 s13, s12;
	[sflag:s9] =	ssyncadd.s32 $0xFFFFD000  }
0x13: {  	[hbm4b:s10+s2] =	stream.linear.scatter [tilespmem:s6], [sflag:$0x3], $0x3000, $0x38;
	[tilespmem:$0x6800] =	vst v63  }
0x14: {  	_ =	swait.ge [sflag:s3], $0x3000  }
0x15: {  	s14 =	smul.u32 $0x21000, s11;
	[sflag:s3] =	ssyncset.done $0x0  }
0x16: {  	s11 =	simm.s32 $0x100;
	s12 =	simm.s32 $0x2;
	[sflag:s3] =	ssyncadd.s32 $0xFFFFD000  }
0x17: {  	[tilespmem:s6], [sflag:$0x1] =	stream.indirect.gather [hbm4b:s4+s5], $0x80, s11, s5, $0xb8;
	[tilespmem:$0x6800] =	vst v63  }
0x18: {  	s14 =	sshrl.u32 s14, $0x3;
	_ =	swait.ge [sflag:s12], $0x3000  }
0x19: {  	s31 =	sadd.s32 s13, s14;
	[sflag:s12] =	ssyncset.done $0x0  }
0x1a: {  	s13 =	sadd.s32 $0x600, s31;
	[sflag:s12] =	ssyncadd.s32 $0xFFFFD000  }
0x1b: {  	[hbm4b:s13+s2] =	stream.linear.scatter [tilespmem:s8], [sflag:$0x3], $0x3000, $0x38;
	[tilespmem:$0x6800] =	vst v63  }
0x1c: {  	_ =	swait.ge [sflag:s3], $0x3000  }
0x1d: {  	[sflag:s3] =	ssyncset.done $0x0  }
0x1e: {  	s14 =	simm.s32 $0x180;
	[sflag:s3] =	ssyncadd.s32 $0xFFFFD000  }
0x1f: {  	[tilespmem:s8], [sflag:$0x2] =	stream.indirect.gather [hbm4b:s4+s5], $0x80, s14, s5, $0xb8;
	[tilespmem:$0x6800] =	vst v63  }
0x20: {  	_ =	swait.ge [sflag:s9], $0x3000  }
0x21: {  	[sflag:s9] =	ssyncset.done $0x0  }
0x22: {  	s15 =	sadd.s32 $0xC00, s31;
	[sflag:s9] =	ssyncadd.s32 $0xFFFFD000  }
0x23: {  	[hbm4b:s15+s2] =	stream.linear.scatter [tilespmem:s6], [sflag:$0x3], $0x3000, $0x38;
	[tilespmem:$0x6800] =	vst v63  }
0x24: {  	_ =	swait.ge [sflag:s3], $0x3000  }
0x25: {  	[sflag:s3] =	ssyncset.done $0x0  }
0x26: {  	s16 =	simm.s32 $0x200;
	[sflag:s3] =	ssyncadd.s32 $0xFFFFD000  }
0x27: {  	[tilespmem:s6], [sflag:$0x1] =	stream.indirect.gather [hbm4b:s4+s5], $0x80, s16, s5, $0xb8;
	[tilespmem:$0x6800] =	vst v63  }
0x28: {  	_ =	swait.ge [sflag:s12], $0x3000  }
0x29: {  	[sflag:s12] =	ssyncset.done $0x0  }
0x2a: {  	s17 =	sadd.s32 $0x1200, s31;
	[sflag:s12] =	ssyncadd.s32 $0xFFFFD000  }
0x2b: {  	[hbm4b:s17+s2] =	stream.linear.scatter [tilespmem:s8], [sflag:$0x3], $0x3000, $0x38;
	[tilespmem:$0x6800] =	vst v63  }
0x2c: {  	_ =	swait.ge [sflag:s3], $0x3000  }
0x2d: {  	[sflag:s3] =	ssyncset.done $0x0  }
0x2e: {  	s18 =	simm.s32 $0x280;
	[sflag:s3] =	ssyncadd.s32 $0xFFFFD000  }
0x2f: {  	[tilespmem:s8], [sflag:$0x2] =	stream.indirect.gather [hbm4b:s4+s5], $0x80, s18, s5, $0xb8;
	[tilespmem:$0x6800] =	vst v63  }
0x30: {  	_ =	swait.ge [sflag:s9], $0x3000  }
0x31: {  	[sflag:s9] =	ssyncset.done $0x0  }
0x32: {  	s19 =	sadd.s32 $0x1800, s31;
	[sflag:s9] =	ssyncadd.s32 $0xFFFFD000  }
0x33: {  	[hbm4b:s19+s2] =	stream.linear.scatter [tilespmem:s6], [sflag:$0x3], $0x3000, $0x38;
	[tilespmem:$0x6800] =	vst v63  }
0x34: {  	_ =	swait.ge [sflag:s3], $0x3000  }
0x35: {  	[sflag:s3] =	ssyncset.done $0x0  }
0x36: {  	s20 =	simm.s32 $0x300;
	[sflag:s3] =	ssyncadd.s32 $0xFFFFD000  }
0x37: {  	[tilespmem:s6], [sflag:$0x1] =	stream.indirect.gather [hbm4b:s4+s5], $0x80, s20, s5, $0xb8;
	[tilespmem:$0x6800] =	vst v63  }
0x38: {  	_ =	swait.ge [sflag:s12], $0x3000  }
0x39: {  	[sflag:s12] =	ssyncset.done $0x0  }
0x3a: {  	s21 =	sadd.s32 $0x1E00, s31;
	[sflag:s12] =	ssyncadd.s32 $0xFFFFD000  }
0x3b: {  	[hbm4b:s21+s2] =	stream.linear.scatter [tilespmem:s8], [sflag:$0x3], $0x3000, $0x38;
	[tilespmem:$0x6800] =	vst v63  }
0x3c: {  	_ =	swait.ge [sflag:s3], $0x3000  }
0x3d: {  	[sflag:s3] =	ssyncset.done $0x0  }
0x3e: {  	s22 =	simm.s32 $0x380;
	[sflag:s3] =	ssyncadd.s32 $0xFFFFD000  }
0x3f: {  	[tilespmem:s8], [sflag:$0x2] =	stream.indirect.gather [hbm4b:s4+s5], $0x80, s22, s5, $0xb8;
	[tilespmem:$0x6800] =	vst v63  }
0x40: {  	_ =	swait.ge [sflag:s9], $0x3000  }
0x41: {  	[sflag:s9] =	ssyncset.done $0x0  }
0x42: {  	s23 =	sadd.s32 $0x2400, s31;
	[sflag:s9] =	ssyncadd.s32 $0xFFFFD000  }
0x43: {  	[hbm4b:s23+s2] =	stream.linear.scatter [tilespmem:s6], [sflag:$0x3], $0x3000, $0x38;
	[tilespmem:$0x6800] =	vst v63  }
0x44: {  	_ =	swait.ge [sflag:s3], $0x3000  }
0x45: {  	[sflag:s3] =	ssyncset.done $0x0  }
0x46: {  	s24 =	simm.s32 $0x400;
	[sflag:s3] =	ssyncadd.s32 $0xFFFFD000  }
0x47: {  	[tilespmem:s6], [sflag:$0x1] =	stream.indirect.gather [hbm4b:s4+s5], $0x80, s24, s5, $0xb8;
	[tilespmem:$0x6800] =	vst v63  }
0x48: {  	_ =	swait.ge [sflag:s12], $0x3000  }
0x49: {  	[sflag:s12] =	ssyncset.done $0x0  }
0x4a: {  	s25 =	sadd.s32 $0x2A00, s31;
	[sflag:s12] =	ssyncadd.s32 $0xFFFFD000  }
0x4b: {  	[hbm4b:s25+s2] =	stream.linear.scatter [tilespmem:s8], [sflag:$0x3], $0x3000, $0x38;
	[tilespmem:$0x6800] =	vst v63  }
0x4c: {  	_ =	swait.ge [sflag:s3], $0x3000  }
0x4d: {  	[sflag:s3] =	ssyncset.done $0x0  }
0x4e: {  	s26 =	simm.s32 $0x480;
	[sflag:s3] =	ssyncadd.s32 $0xFFFFD000  }
0x4f: {  	[tilespmem:s8], [sflag:$0x2] =	stream.indirect.gather [hbm4b:s4+s5], $0x80, s26, s5, $0xb8;
	[tilespmem:$0x6800] =	vst v63  }
0x50: {  	_ =	swait.ge [sflag:s9], $0x3000  }
0x51: {  	[sflag:s9] =	ssyncset.done $0x0  }
0x52: {  	s28 =	sadd.s32 $0x3000, s31;
	[sflag:s9] =	ssyncadd.s32 $0xFFFFD000  }
0x53: {  	[hbm4b:s28+s2] =	stream.linear.scatter [tilespmem:s6], [sflag:$0x3], $0x3000, $0x38;
	[tilespmem:$0x6800] =	vst v63  }
0x54: {  	_ =	swait.ge [sflag:s3], $0x3000  }
0x55: {  	[sflag:s3] =	ssyncset.done $0x0  }
0x56: {  	s29 =	simm.s32 $0x500;
	[sflag:s3] =	ssyncadd.s32 $0xFFFFD000  }
0x57: {  	[tilespmem:s6], [sflag:$0x1] =	stream.indirect.gather [hbm4b:s4+s5], $0x80, s29, s5, $0xb8;
	[tilespmem:$0x6800] =	vst v63  }
0x58: {  	_ =	swait.ge [sflag:s12], $0x3000  }
0x59: {  	s1 =	ssub.s32 $0x2, s1;
	[sflag:s12] =	ssyncset.done $0x0  }
0x5a: {  	s0 =	sshrl.u32 s1, $0x1;
	s30 =	sadd.s32 $0x3600, s31;
	[sflag:s12] =	ssyncadd.s32 $0xFFFFD000  }
0x5b: {  	[hbm4b:s30+s2] =	stream.linear.scatter [tilespmem:s8], [sflag:$0x3], $0x3000, $0x38;
	[tilespmem:$0x6800] =	vst v63  }
0x5c: {  	s0 =	ssub.s32 s1, s0;
	_ =	swait.ge [sflag:s3], $0x3000  }
0x5d: {  	s0 =	smax.u32 s0, $0x1;
	[sflag:s3] =	ssyncset.done $0x0  }
0x5e: {  	p0 =	sne.s32 s0, $0x1;
	[sflag:s3] =	ssyncadd.s32 $0xFFFFD000  }
.Ltmp0:
0x5f: {  	_ =	swait.ge [sflag:s9], $0x3000;
	(pc) =	sbr.rel @!p0 .LBB2_2-.Ltmp0, $4  }
0x60: {  	[sflag:s9] =	ssyncset.done $0x0  }
0x61: {  	s31 =	sadd.s32 $0x3C00, s31;
	[sflag:s9] =	ssyncadd.s32 $0xFFFFD000  }
0x62: {  	[hbm4b:s31+s2] =	stream.linear.scatter [tilespmem:s6], [sflag:$0x3], $0x3000, $0x38;
	[tilespmem:$0x6800] =	vst v63  }
0x63: {  	s1 =	sadd.s32 $0xFFFFFFFF, s0;
	_ =	swait.ge [sflag:s3], $0x3000  }
.LBB2_1:
0x64: {  	[sflag:s3] =	ssyncset.done $0x0  }
0x65: {  	s0 =	rddreg [dreg:$0x2];
	[sflag:s3] =	ssyncadd.s32 $0xFFFFD000  }
0x66: {  	[tilespmem:s2], [sflag:$0x3] =	stream.linear.gather [hbm4b:s0+s2], $0x580, $0x38;
	[tilespmem:$0x6800] =	vst v63  }
0x67: {  	_ =	swait.ge [sflag:s3], $0x580  }
0x68: {  	[sflag:s3] =	ssyncset.done $0x0  }
0x69: {  	[sflag:s3] =	ssyncadd.s32 $0xFFFFFA80  }
0x6a: {  	[tilespmem:s6], [sflag:$0x1] =	stream.indirect.gather [hbm4b:s4+s5], $0x80, s2, s5, $0xb8;
	[tilespmem:$0x6800] =	vst v63  }
0x6b: {  	_ = 	snop  }
0x6c: {  	[tilespmem:s8], [sflag:$0x2] =	stream.indirect.gather [hbm4b:s4+s5], $0x80, s7, s5, $0xb8;
	[tilespmem:$0x6800] =	vst v63  }
0x6d: {  	_ =	swait.ge [sflag:s9], $0x3000  }
0x6e: {  	[sflag:s9] =	ssyncset.done $0x0  }
0x6f: {  	[sflag:s9] =	ssyncadd.s32 $0xFFFFD000  }
0x70: {  	[hbm4b:s10+s2] =	stream.linear.scatter [tilespmem:s6], [sflag:$0x3], $0x3000, $0x38;
	[tilespmem:$0x6800] =	vst v63  }
0x71: {  	_ =	swait.ge [sflag:s3], $0x3000  }
0x72: {  	[sflag:s3] =	ssyncset.done $0x0  }
0x73: {  	[sflag:s3] =	ssyncadd.s32 $0xFFFFD000  }
0x74: {  	[tilespmem:s6], [sflag:$0x1] =	stream.indirect.gather [hbm4b:s4+s5], $0x80, s11, s5, $0xb8;
	[tilespmem:$0x6800] =	vst v63  }
0x75: {  	_ =	swait.ge [sflag:s12], $0x3000  }
0x76: {  	[sflag:s12] =	ssyncset.done $0x0  }
0x77: {  	[sflag:s12] =	ssyncadd.s32 $0xFFFFD000  }
0x78: {  	[hbm4b:s13+s2] =	stream.linear.scatter [tilespmem:s8], [sflag:$0x3], $0x3000, $0x38;
	[tilespmem:$0x6800] =	vst v63  }
0x79: {  	_ =	swait.ge [sflag:s3], $0x3000  }
0x7a: {  	[sflag:s3] =	ssyncset.done $0x0  }
0x7b: {  	[sflag:s3] =	ssyncadd.s32 $0xFFFFD000  }
0x7c: {  	[tilespmem:s8], [sflag:$0x2] =	stream.indirect.gather [hbm4b:s4+s5], $0x80, s14, s5, $0xb8;
	[tilespmem:$0x6800] =	vst v63  }
0x7d: {  	_ =	swait.ge [sflag:s9], $0x3000  }
0x7e: {  	[sflag:s9] =	ssyncset.done $0x0  }
0x7f: {  	[sflag:s9] =	ssyncadd.s32 $0xFFFFD000  }
0x80: {  	[hbm4b:s15+s2] =	stream.linear.scatter [tilespmem:s6], [sflag:$0x3], $0x3000, $0x38;
	[tilespmem:$0x6800] =	vst v63  }
0x81: {  	_ =	swait.ge [sflag:s3], $0x3000  }
0x82: {  	[sflag:s3] =	ssyncset.done $0x0  }
0x83: {  	[sflag:s3] =	ssyncadd.s32 $0xFFFFD000  }
0x84: {  	[tilespmem:s6], [sflag:$0x1] =	stream.indirect.gather [hbm4b:s4+s5], $0x80, s16, s5, $0xb8;
	[tilespmem:$0x6800] =	vst v63  }
0x85: {  	_ =	swait.ge [sflag:s12], $0x3000  }
0x86: {  	[sflag:s12] =	ssyncset.done $0x0  }
0x87: {  	[sflag:s12] =	ssyncadd.s32 $0xFFFFD000  }
0x88: {  	[hbm4b:s17+s2] =	stream.linear.scatter [tilespmem:s8], [sflag:$0x3], $0x3000, $0x38;
	[tilespmem:$0x6800] =	vst v63  }
0x89: {  	_ =	swait.ge [sflag:s3], $0x3000  }
0x8a: {  	[sflag:s3] =	ssyncset.done $0x0  }
0x8b: {  	[sflag:s3] =	ssyncadd.s32 $0xFFFFD000  }
0x8c: {  	[tilespmem:s8], [sflag:$0x2] =	stream.indirect.gather [hbm4b:s4+s5], $0x80, s18, s5, $0xb8;
	[tilespmem:$0x6800] =	vst v63  }
0x8d: {  	_ =	swait.ge [sflag:s9], $0x3000  }
0x8e: {  	[sflag:s9] =	ssyncset.done $0x0  }
0x8f: {  	[sflag:s9] =	ssyncadd.s32 $0xFFFFD000  }
0x90: {  	[hbm4b:s19+s2] =	stream.linear.scatter [tilespmem:s6], [sflag:$0x3], $0x3000, $0x38;
	[tilespmem:$0x6800] =	vst v63  }
0x91: {  	_ =	swait.ge [sflag:s3], $0x3000  }
0x92: {  	[sflag:s3] =	ssyncset.done $0x0  }
0x93: {  	[sflag:s3] =	ssyncadd.s32 $0xFFFFD000  }
0x94: {  	[tilespmem:s6], [sflag:$0x1] =	stream.indirect.gather [hbm4b:s4+s5], $0x80, s20, s5, $0xb8;
	[tilespmem:$0x6800] =	vst v63  }
0x95: {  	_ =	swait.ge [sflag:s12], $0x3000  }
0x96: {  	[sflag:s12] =	ssyncset.done $0x0  }
0x97: {  	[sflag:s12] =	ssyncadd.s32 $0xFFFFD000  }
0x98: {  	[hbm4b:s21+s2] =	stream.linear.scatter [tilespmem:s8], [sflag:$0x3], $0x3000, $0x38;
	[tilespmem:$0x6800] =	vst v63  }
0x99: {  	_ =	swait.ge [sflag:s3], $0x3000  }
0x9a: {  	[sflag:s3] =	ssyncset.done $0x0  }
0x9b: {  	[sflag:s3] =	ssyncadd.s32 $0xFFFFD000  }
0x9c: {  	[tilespmem:s8], [sflag:$0x2] =	stream.indirect.gather [hbm4b:s4+s5], $0x80, s22, s5, $0xb8;
	[tilespmem:$0x6800] =	vst v63  }
0x9d: {  	_ =	swait.ge [sflag:s9], $0x3000  }
0x9e: {  	[sflag:s9] =	ssyncset.done $0x0  }
0x9f: {  	[sflag:s9] =	ssyncadd.s32 $0xFFFFD000  }
0xa0: {  	[hbm4b:s23+s2] =	stream.linear.scatter [tilespmem:s6], [sflag:$0x3], $0x3000, $0x38;
	[tilespmem:$0x6800] =	vst v63  }
0xa1: {  	_ =	swait.ge [sflag:s3], $0x3000  }
0xa2: {  	[sflag:s3] =	ssyncset.done $0x0  }
0xa3: {  	[sflag:s3] =	ssyncadd.s32 $0xFFFFD000  }
0xa4: {  	[tilespmem:s6], [sflag:$0x1] =	stream.indirect.gather [hbm4b:s4+s5], $0x80, s24, s5, $0xb8;
	[tilespmem:$0x6800] =	vst v63  }
0xa5: {  	_ =	swait.ge [sflag:s12], $0x3000  }
0xa6: {  	[sflag:s12] =	ssyncset.done $0x0  }
0xa7: {  	[sflag:s12] =	ssyncadd.s32 $0xFFFFD000  }
0xa8: {  	[hbm4b:s25+s2] =	stream.linear.scatter [tilespmem:s8], [sflag:$0x3], $0x3000, $0x38;
	[tilespmem:$0x6800] =	vst v63  }
0xa9: {  	_ =	swait.ge [sflag:s3], $0x3000  }
0xaa: {  	[sflag:s3] =	ssyncset.done $0x0  }
0xab: {  	[sflag:s3] =	ssyncadd.s32 $0xFFFFD000  }
0xac: {  	[tilespmem:s8], [sflag:$0x2] =	stream.indirect.gather [hbm4b:s4+s5], $0x80, s26, s5, $0xb8;
	[tilespmem:$0x6800] =	vst v63  }
0xad: {  	_ =	swait.ge [sflag:s9], $0x3000  }
0xae: {  	[sflag:s9] =	ssyncset.done $0x0  }
0xaf: {  	[sflag:s9] =	ssyncadd.s32 $0xFFFFD000  }
0xb0: {  	[hbm4b:s28+s2] =	stream.linear.scatter [tilespmem:s6], [sflag:$0x3], $0x3000, $0x38;
	[tilespmem:$0x6800] =	vst v63  }
0xb1: {  	_ =	swait.ge [sflag:s3], $0x3000  }
0xb2: {  	[sflag:s3] =	ssyncset.done $0x0  }
0xb3: {  	[sflag:s3] =	ssyncadd.s32 $0xFFFFD000  }
0xb4: {  	[tilespmem:s6], [sflag:$0x1] =	stream.indirect.gather [hbm4b:s4+s5], $0x80, s29, s5, $0xb8;
	[tilespmem:$0x6800] =	vst v63  }
0xb5: {  	_ =	swait.ge [sflag:s12], $0x3000  }
0xb6: {  	[sflag:s12] =	ssyncset.done $0x0  }
0xb7: {  	[sflag:s12] =	ssyncadd.s32 $0xFFFFD000  }
0xb8: {  	[hbm4b:s30+s2] =	stream.linear.scatter [tilespmem:s8], [sflag:$0x3], $0x3000, $0x38;
	[tilespmem:$0x6800] =	vst v63  }
0xb9: {  	_ =	swait.ge [sflag:s3], $0x3000  }
0xba: {  	[sflag:s3] =	ssyncset.done $0x0  }
0xbb: {  	p0 =	sne.s32 s1, $0x1;
	[sflag:s3] =	ssyncadd.s32 $0xFFFFD000  }
.Ltmp1:
0xbc: {  	_ =	swait.ge [sflag:s9], $0x3000;
	(pc) =	sbr.rel @p0 .LBB2_1-.Ltmp1, $4  }
0xbd: {  	[sflag:s9] =	ssyncset.done $0x0  }
0xbe: {  	[sflag:s9] =	ssyncadd.s32 $0xFFFFD000  }
0xbf: {  	[hbm4b:s31+s2] =	stream.linear.scatter [tilespmem:s6], [sflag:$0x3], $0x3000, $0x38;
	[tilespmem:$0x6800] =	vst v63  }
0xc0: {  	s1 =	sadd.s32 $0xFFFFFFFF, s1;
	_ =	swait.ge [sflag:s3], $0x3000  }
.LBB2_2:
0xc1: {  	[sflag:s3] =	ssyncset.done $0x0  }
0xc2: {  	[sflag:s3] =	ssyncadd.s32 $0xFFFFD000  }
0xc3: {  	_ =	sfence.sel $0x180000  }
0xc4: {  	[bflag:$0x0] =	sbarrier.arrive $0xFFFF  }
0xc5: {  	_ =	strace $0x9000004D  }
0xc6: {  	s0 =	stileid.u32;
	[bflag:$0x2] =	sbarrier.arrive $0xFFFF  }
0xc7: {  	p0 =	sne.s32 s0, $0x0;
	s0 =	rddreg [dreg:$0x1]  }
0xc8: {  	s0 =	sadd.s32 @!p0 $0x100000, s0  }
0xc9: {  	[sflag:s0] =	ssyncadd.tile.s32 @!p0 $0x1;
	_ =	shalt  }
.Lfunc_end2:
_tile_overlayer_lowered:
.L_overlay_start_2:
0xca: {  	(tag) =	ssettag $0x2  }
0xcb: {  	s0 =	rddreg [dreg:$0x0];
	s2 =	stileid.u32  }
0xcc: {  	s1 =	rddreg [dreg:$0x1];
	p0 =	sne.s32 s2, $0x0  }
0xcd: {  	s3 =	rddreg [dreg:$0x2];
	[bflag:$0x3] =	sbarrier.arrive $0xFFFF;
	s2 =	simm.s32 @!p0 $0x1C03  }
0xce: {  	[timem:s3], [sflag:s2] =	dma.local @!p0 [hbm:s0], s1  }
0xcf: {  	s0 =	simm.s32 @!p0 $0x3  }
0xd0: {  	_ =	swait.ge @!p0 [sflag:s0], s1  }
0xd1: {  	s1 =	ssub.s32 @!p0 $0x0, s1;
	[sflag:s0] =	ssyncset.done @!p0 $0x0  }
0xd2: {  	[sflag:s0] =	ssyncadd.s32 @!p0 s1  }
0xd3: {  	[bflag:$0x3] =	sbarrier.arrive $0xFFFF  }
0xd4: {  	_ =	shalt  }

// kernel: kernel.14.cloned.1.call-start
scs
__scs_entry_jumppad:
0x0: {  	(pc) =	sbr.rel $0x88, $3  }
0x1: {  	(tag) =	ssettag $0x0;
	lr =	simm.s32 $0x1  }
0x2: {  	[smem:$0x3F92] =	sst lr;
	_ =	strace $0xD0000000  }
0x3: {  	_ = 	snop  }
0x4: {  	_ = 	snop  }
0x5: {  	_ = 	snop  }
0x6: {  	_ = 	snop  }
0x7: {  	_ = 	snop  }
__scs_overlays_trampoline_lowered:
0x8: {  	[smem:$0x3FA1] =	sst s0  }
0x9: {  	[smem:$0x3FA2] =	sst s1  }
0xa: {  	[smem:$0x3FA3] =	sst s2  }
0xb: {  	[smem:$0x3FA4] =	sst s3  }
0xc: {  	[smem:$0x3FA5] =	sst s4  }
0xd: {  	[smem:$0x3FA6] =	sst s5  }
0xe: {  	[smem:$0x3FA7] =	sst s6  }
0xf: {  	[smem:$0x3FA8] =	sst s7  }
0x10: {  	[smem:$0x3FA9] =	sst s8  }
0x11: {  	[smem:$0x3FAA] =	sst s9;
	s0 =	simm.s32 @!p0 $0x0  }
0x12: {  	s1 =	sld [smem:$0x3F90];
	s0 =	simm.s32 @p0 $0x1  }
0x13: {  	[smem:$0x3FAB] =	sst s0;
	s0 =	simm.s32 @!p1 $0x0  }
0x14: {  	s2 =	sld [smem:$0x3F8F];
	s0 =	simm.s32 @p1 $0x1  }
0x15: {  	[smem:$0x3FAC] =	sst s0;
	s0 =	simm.s32 @!p2 $0x0  }
0x16: {  	s3 =	sld [smem:$0x3FDB];
	s0 =	simm.s32 @p2 $0x1  }
0x17: {  	s4 =	simm.s32 $0x1BF5;
	[smem:$0x3FAE] =	sst s0  }
0x18: {  	s0 =	sld [smem:$0x3F91];
	_ =	swait.ge [sflag:s4], $0x0  }
0x19: {  	s7 =	sld [smem:$0x3F92]  }
0x1a: {  	s8 =	sadd.s32 $0xFFFFE003, lr  }
0x1b: {  	s9 =	sadd.s32 $0xFFFFFEF7, lr;
	s5 =	simm.s32 $0xFFFFFFFF;
	p2 =	slt.u32 s8, $0xFFFFF086  }
0x1c: {  	p1 =	slt.u32 s9, $0xF7A;
	s5 =	simm.s32 @!p2 $0x0  }
0x1d: {  	s5 =	simm.s32 @p1 $0x1;
	p0 =	seq.s32 s7, s2  }
0x1e: {  	s7 =	smul.u32 @!p0 $0xF7A, s2;
	p2 =	seq.s32 @!p0 s5, $0x0  }
0x1f: {  	s9 =	smul.u32 $0xF7A, s1;
	s8 =	simm.s32 @!p0 $0x1BF5;
	p2 =	por !p2, p0  }
0x20: {  	[sflag:s8] =	ssyncset.s32 @!p0 $0xFFFFF086;
	s6 =	sadd.s32 @!p0 s3, s7;
	s7 =	simm.s32 @!p0 $0x108  }
0x21: {  	s3 =	sadd.s32 s3, s9;
	s6 =	sadd.s32 @!p0 $0x88, s6;
	s7 =	simm.s32 @p2 $0x1082  }
0x22: {  	[simem:s7], [sflag:s8] =	dma.local @!p0 [hbm:s6], $0xF7A  }
0x23: {  	s9 =	sor.u32 $0xD0000000, s2;
	s6 =	simm.s32 $0x108;
	_ =	swait.ge @!p0 [sflag:s8], $0x0  }
0x24: {  	s3 =	sadd.s32 $0x88, s3;
	s6 =	simm.s32 @!p1 $0x1082;
	[sflag:s4] =	ssyncset.s32 $0xFFFFF086  }
0x25: {  	[simem:s6], [sflag:s4] =	dma.local [hbm:s3], $0xF7A  }
0x26: {  	[smem:$0x3F92] =	sst s1;
	(tag) =	ssettag s2;
	_ =	strace s9  }
0x27: {  	s1 =	sld [smem:$0x3FA2]  }
0x28: {  	s2 =	sld [smem:$0x3FA3]  }
0x29: {  	s4 =	sld [smem:$0x3FA5]  }
0x2a: {  	p0 =	seq.s32 s5, $0x0;
	s5 =	sld [smem:$0x3FA6]  }
0x2b: {  	s6 =	sld [smem:$0x3FA7]  }
0x2c: {  	s7 =	sld [smem:$0x3FA8]  }
0x2d: {  	s3 =	simm.s32 $0x108;
	s8 =	sld [smem:$0x3FA9]  }
0x2e: {  	s3 =	simm.s32 @!p0 $0x1082;
	s9 =	sld [smem:$0x3FAA]  }
0x2f: {  	lr =	sadd.s32 s0, s3;
	s0 =	sld [smem:$0x3FA1]  }
0x30: {  	s3 =	sld [smem:$0x3FA4]  }
0x31: {  	[smem:$0x3FAD] =	sst s10  }
0x32: {  	s10 =	sld [smem:$0x3FAB];
	_ =	sdelay $0x3  }
0x33: {  	p0 =	seq.s32 s10, $0x1;
	s10 =	sld [smem:$0x3FAD];
	_ =	sdelay $0x3  }
0x34: {  	[smem:$0x3FAD] =	sst s10  }
0x35: {  	s10 =	sld [smem:$0x3FAC];
	_ =	sdelay $0x3  }
0x36: {  	p1 =	seq.s32 s10, $0x1;
	s10 =	sld [smem:$0x3FAD];
	_ =	sdelay $0x3  }
0x37: {  	[smem:$0x3FAD] =	sst s10  }
0x38: {  	s10 =	sld [smem:$0x3FAE]  }
0x39: {  	_ = 	snop;
	(pc) =	sbr.ind lr, $3  }
0x3a: {  	_ = 	snop  }
0x3b: {  	_ = 	snop  }
0x3c: {  	p2 =	seq.s32 s10, $0x1;
	s10 =	sld [smem:$0x3FAD]  }
0x3d: {  	_ =	shalt  }
0x3e: {  	_ =	shalt  }
0x3f: {  	_ =	shalt  }
0x40: {  	_ =	shalt  }
0x41: {  	_ =	shalt  }
0x42: {  	_ =	shalt  }
0x43: {  	_ =	shalt  }
0x44: {  	_ =	shalt  }
0x45: {  	_ =	shalt  }
0x46: {  	_ =	shalt  }
0x47: {  	_ =	shalt  }
0x48: {  	_ =	shalt  }
0x49: {  	_ =	shalt  }
0x4a: {  	_ =	shalt  }
0x4b: {  	_ =	shalt  }
0x4c: {  	_ =	shalt  }
0x4d: {  	_ =	shalt  }
0x4e: {  	_ =	shalt  }
0x4f: {  	_ =	shalt  }
0x50: {  	_ =	shalt  }
0x51: {  	_ =	shalt  }
0x52: {  	_ =	shalt  }
0x53: {  	_ =	shalt  }
0x54: {  	_ =	shalt  }
0x55: {  	_ =	shalt  }
0x56: {  	_ =	shalt  }
0x57: {  	_ =	shalt  }
0x58: {  	_ =	shalt  }
0x59: {  	_ =	shalt  }
0x5a: {  	_ =	shalt  }
0x5b: {  	_ =	shalt  }
0x5c: {  	_ =	shalt  }
0x5d: {  	_ =	shalt  }
0x5e: {  	_ =	shalt  }
0x5f: {  	_ =	shalt  }
0x60: {  	_ =	shalt  }
0x61: {  	_ =	shalt  }
0x62: {  	_ =	shalt  }
0x63: {  	_ =	shalt  }
0x64: {  	_ =	shalt  }
0x65: {  	_ =	shalt  }
0x66: {  	_ =	shalt  }
0x67: {  	_ =	shalt  }
0x68: {  	_ =	shalt  }
0x69: {  	_ =	shalt  }
0x6a: {  	_ =	shalt  }
0x6b: {  	_ =	shalt  }
0x6c: {  	_ =	shalt  }
0x6d: {  	_ =	shalt  }
0x6e: {  	_ =	shalt  }
0x6f: {  	_ =	shalt  }
0x70: {  	_ =	shalt  }
0x71: {  	_ =	shalt  }
0x72: {  	_ =	shalt  }
0x73: {  	_ =	shalt  }
0x74: {  	_ =	shalt  }
0x75: {  	_ =	shalt  }
0x76: {  	_ =	shalt  }
0x77: {  	_ =	shalt  }
0x78: {  	_ =	shalt  }
0x79: {  	_ =	shalt  }
0x7a: {  	_ =	shalt  }
0x7b: {  	_ =	shalt  }
0x7c: {  	_ =	shalt  }
0x7d: {  	_ =	shalt  }
0x7e: {  	_ =	shalt  }
0x7f: {  	_ =	shalt  }
0x80: {  	_ =	shalt  }
0x81: {  	_ =	shalt  }
0x82: {  	_ =	shalt  }
0x83: {  	_ =	shalt  }
0x84: {  	_ =	shalt  }
0x85: {  	_ =	shalt  }
0x86: {  	_ =	shalt  }
0x87: {  	_ =	shalt  }
.Lfunc_end0:
.L_simem_size_0:
called_computation.2_lowered:
.L_overlay_start_0:
0x88: {  	s2 =	sld [smem:$0x3FD9]  }
0x89: {  	s3 =	sld [smem:$0x3FFE];
	_ =	sdelay $0x1  }
0x8a: {  	s1 =	srdreg.scid  }
0x8b: {  	s0 =	sand.u32 $0x1, s1  }
0x8c: {  	s15 =	sshll.u32 s0, $0xA;
	s2 =	sadd.s32 s3, s2  }
0x8d: {  	s2 =	sadd.s32 s2, s15  }
0x8e: {  	[smem:$0x3FB9] =	sst s2  }
0x8f: {  	_ = 	snop  }
0x90: {  	s2 =	sld [smem:$0x3FD0];
	_ =	sdelay $0x2  }
0x91: {  	s16 =	simm.s32 $0xB;
	s4 =	simm.s32 $0x10  }
0x92: {  	[smem:s4], [sflag:s16] =	dma.local [hbm:s2], $0x1  }
0x93: {  	_ =	swait.eq [sflag:s16], $0x1  }
0x94: {  	[sflag:s16] =	ssyncset.done $0x0  }
0x95: {  	[sflag:s16] =	ssyncadd.s32 $0xFFFFFFFF  }
0x96: {  	s17 =	sld [smem:$0x12];
	(tm) =	ssettm $0x1  }
0x97: {  	s18 =	sld [smem:$0x3FFB];
	_ =	sdelay $0x3  }
0x98: {  	_ =	strace s18  }
0x99: {  	s2 =	sld [smem:$0x3FFC];
	_ =	sdelay $0x3  }
0x9a: {  	_ =	strace s2  }
0x9b: {  	s2 =	sld [smem:$0x3FFD];
	_ =	sdelay $0x3  }
0x9c: {  	_ =	strace s2  }
0x9d: {  	_ =	strace $0x8FFFFFFF  }
0x9e: {  	s19 =	sld [smem:$0x3FDB];
	_ =	sdelay $0x1  }
0x9f: {  	s20 =	simm.s32 $_scs_section_size  }
0xa0: {  	s5 =	simm.s32 $_size__tile_overlayer_lowered;
	s6 =	simm.s32 $_tile_overlayer_lowered  }
0xa1: {  	s7 =	simm.s32 $0x1BFF;
	s21 =	sshll.u32 s6, $0x1;
	s4 =	sadd.s32 s20, s19  }
0xa2: {  	s22 =	simm.s32 $0x0;
	s5 =	sshll.u32 s5, $0x1;
	s6 =	sadd.s32 s21, s4  }
0xa3: {  	[timem:s22], [sflag:s7] =	dma.local [hbm:s6], s5  }
0xa4: {  	_ =	swait.ge [sflag:s7], s5  }
0xa5: {  	s5 =	ssub.s32 $0x0, s5;
	[sflag:s7] =	ssyncset.done $0x0  }
0xa6: {  	[sflag:s7] =	ssyncadd.s32 s5;
	_ =	sdelay $0x1  }
0xa7: {  	s23 =	simm.s32 $0x1B8B  }
0xa8: {  	_ =	swait.ge [sflag:s23], $0x1  }
0xa9: {  	[sflag:s23] =	ssyncset.done $0x0  }
0xaa: {  	[sflag:s23] =	ssyncadd.s32 $0xFFFFFFFF  }
0xab: {  	s5 =	sld [smem:$0x0]  }
0xac: {  	s6 =	sand.u32 $0xFFFFFFFE, s1  }
0xad: {  	p0 =	sne.s32 s1, s6  }
0xae: {  	s6 =	sshll.u32 @p0 s6, $0xE  }
0xaf: {  	s6 =	sadd.s32 @p0 $0x11B8D, s6;
	s7 =	sshll.u32 @p0 s5, $0x11  }
0xb0: {  	s6 =	sor.u32 @p0 s7, s6  }
0xb1: {  	[sflag:s6] =	ssyncadd.remote.s32 @p0 $0x1;
	_ =	sdelay $0x1  }
0xb2: {  	s6 =	simm.s32 @p0 $0x1B8D  }
0xb3: {  	_ =	swait.eq @p0 [sflag:s6], $0x1  }
0xb4: {  	[sflag:s6] =	ssyncadd.s32 @p0 $0xFFFFFFFF  }
0xb5: {  	s7 =	sshll.u32 @!p0 s1, $0xE  }
0xb6: {  	s7 =	sor.u32 @!p0 $0x4000, s7;
	s6 =	simm.s32 @!p0 $0x1B8D  }
0xb7: {  	s5 =	sshll.u32 @!p0 s5, $0x11;
	s7 =	sadd.s32 @!p0 $0x11B8D, s7;
	_ =	swait.eq @!p0 [sflag:s6], $0x1  }
0xb8: {  	s5 =	sor.u32 @!p0 s5, s7;
	[sflag:s6] =	ssyncadd.s32 @!p0 $0xFFFFFFFF  }
0xb9: {  	s25 =	simm.s32 $0x1B8E;
	s24 =	sld [smem:$0x3FFE];
	[sflag:s5] =	ssyncadd.remote.s32 @!p0 $0x1  }
0xba: {  	s26 =	simm.s32 $execute0_lowered;
	[smem:$0x3FD2] =	sst s25  }
0xbb: {  	s6 =	sshll.u32 s26, $0x1;
	_ =	strace $0x80000049;
	[dreg:$0x1] =	wrdreg $0xFFFFFFFF  }
0xbc: {  	s28 =	simm.s32 $_size_execute0_lowered;
	s4 =	sadd.s32 s4, s6;
	[dreg:$0x0] =	wrdreg $0x0  }
0xbd: {  	s6 =	sshll.u32 s28, $0x1;
	[dreg:$0x2] =	wrdreg s4  }
0xbe: {  	[dreg:$0x3] =	wrdreg s6  }
0xbf: {  	[dreg:$0x4] =	wrdreg $0xC0  }
0xc0: {  	_ =	task [dreg:s22], $0x5FFFF  }
0xc1: {  	[dreg:$0x1] =	wrdreg $0xFFFFFFFF  }
0xc2: {  	[dreg:$0x0] =	wrdreg $0x60  }
0xc3: {  	[dreg:$0x2] =	wrdreg s17  }
0xc4: {  	[dreg:$0x3] =	wrdreg s24  }
0xc5: {  	[dreg:$0x4] =	wrdreg $0x9  }
0xc6: {  	_ =	task.clear_ibuf [dreg:s22], $0x5FFFF;
	_ =	strace $0x90000049  }
0xc7: {  	s29 =	simm.s32 $0x9;
	_ =	strace $0x8000004B  }
0xc8: {  	_ =	swait.ge [sflag:s29], $0x1  }
0xc9: {  	[sflag:s29] =	ssyncadd.s32 $0xFFFFFFFF  }
0xca: {  	_ =	strace $0x9000004B  }
0xcb: {  	_ =	sfence  }
0xcc: {  	s30 =	sld [smem:$0x0];
	_ =	sdelay $0x2  }
0xcd: {  	s31 =	sshll.u32 s1, $0xD;
	s1 =	sshrl.u32 s1, $0x2  }
0xce: {  	s4 =	sand.u32 $0x4000, s31;
	s1 =	sadd.s32 s1, s30  }
0xcf: {  	s0 =	sor.u32 s4, s0;
	s1 =	sshll.u32 s1, $0x11  }
0xd0: {  	s0 =	sor.u32 s1, s0  }
0xd1: {  	s0 =	sadd.s32 $0x8F2B, s0  }
0xd2: {  	[sflag:s0] =	ssyncadd.remote.s32 $0x1  }
0xd3: {  	_ =	sfence.sel $0xFFFF  }
0xd4: {  	[dreg:$0x0] =	wrdreg $0xFFFFFFFF;
	(pc) =	sbr.abs _section_cstart, $3  }
0xd5: {  	[dreg:$0x1] =	wrdreg $0xFFFFFFFF  }
0xd6: {  	_ =	task.clear_ibuf [dreg:s22], $0x2FFFF;
	_ =	strace $0x9FFFFFFF  }
0xd7: {  	(tm) =	ssettm $0x7FFFFFFF  }
tec
execute0_lowered:
.L_overlay_start_1:
0x0: {  	(tag) =	ssettag $0x1  }
0x1: {  	s1 =	srdreg.scid  }
0x2: {  	s0 =	stileid.u32;
	s2 =	rddreg [dreg:$0x0]  }
0x3: {  	s9 =	rddreg [dreg:$0x1];
	s6 =	sand.u32 $0x1, s1;
	s30 =	sshll.u32 s0, $0x1  }
0x4: {  	s3 =	simm.s32 $0x0;
	s7 =	simm.s32 $0x80;
	s10 =	sor.u32 s6, s30  }
0x5: {  	s8 =	simm.s32 $0x1;
	[smem:$0x7FF] =	sst s3;
	s4 =	sshll.u32 s10, $0x4  }
0x6: {  	s1 =	rddreg [dreg:$0x2];
	_ =	strace $0x8000004A;
	s4 =	sadd.s32 s4, s9  }
0x7: {  	s11 =	ssub.s32 $0x2, s6;
	s5 =	sadd.s32 $0x212A00, s4;
	s4 =	simm.s32 $0x2  }
0x8: {  	[tilespmem:s3], [sflag:$0x2] =	stream.linear.gather [hbm4b:s5+s3], $0x80, $0x38;
	[tilespmem:$0x4080] =	vst v63  }
0x9: {  	s6 =	simm.s32 $0x40;
	s12 =	sshrl.u32 s11, $0x1;
	_ =	swait.ge [sflag:s4], $0x80  }
0xa: {  	s10 =	sshll.u32 s10, $0xA;
	s31 =	ssub.s32 s11, s12;
	[sflag:s4] =	ssyncset.done $0x0  }
0xb: {  	s9 =	sadd.s32 s10, s9;
	s10 =	smax.u32 s31, $0x1;
	[sflag:s4] =	ssyncadd.s32 $0xFFFFFF80  }
0xc: {  	[tilespmem:s7], [sflag:$0x1] =	stream.indirect.gather [hbm4b:s2+s6], $0x80, s3, s6, $0xb8;
	[tilespmem:$0x4080] =	vst v63  }
0xd: {  	p0 =	sne.s32 s10, $0x1;
	_ =	swait.ge [sflag:s8], $0x2000  }
.Ltmp0:
0xe: {  	[sflag:s8] =	ssyncset.done $0x0;
	(pc) =	sbr.rel @!p0 .LBB2_2-.Ltmp0, $4  }
0xf: {  	s9 =	sadd.s32 $0x212C00, s9;
	[sflag:s8] =	ssyncadd.s32 $0xFFFFE000  }
0x10: {  	[hbm4b:s9+s3] =	stream.linear.scatter [tilespmem:s7], [sflag:$0x2], $0x2000, $0x38;
	[tilespmem:$0x4080] =	vst v63  }
0x11: {  	_ =	swait.ge [sflag:s4], $0x2000  }
0x12: {  	s10 =	sadd.s32 $0xFFFFFFFF, s10;
	[sflag:s4] =	ssyncset.done $0x0  }
.LBB2_1:
0x13: {  	p0 =	sne.s32 s10, $0x1;
	s10 =	sadd.s32 $0xFFFFFFFF, s10;
	[sflag:s4] =	ssyncadd.s32 $0xFFFFE000  }
0x14: {  	[tilespmem:s3], [sflag:$0x2] =	stream.linear.gather [hbm4b:s5+s3], $0x80, $0x38;
	[tilespmem:$0x4080] =	vst v63  }
0x15: {  	_ =	swait.ge [sflag:s4], $0x80  }
0x16: {  	[sflag:s4] =	ssyncset.done $0x0  }
0x17: {  	[sflag:s4] =	ssyncadd.s32 $0xFFFFFF80  }
0x18: {  	[tilespmem:s7], [sflag:$0x1] =	stream.indirect.gather [hbm4b:s2+s6], $0x80, s3, s6, $0xb8;
	[tilespmem:$0x4080] =	vst v63  }
0x19: {  	_ =	swait.ge [sflag:s8], $0x2000  }
.Ltmp1:
0x1a: {  	[sflag:s8] =	ssyncset.done $0x0;
	(pc) =	sbr.rel @p0 .LBB2_1-.Ltmp1, $4  }
0x1b: {  	[sflag:s8] =	ssyncadd.s32 $0xFFFFE000  }
0x1c: {  	[hbm4b:s9+s3] =	stream.linear.scatter [tilespmem:s7], [sflag:$0x2], $0x2000, $0x38;
	[tilespmem:$0x4080] =	vst v63  }
0x1d: {  	_ =	swait.ge [sflag:s4], $0x2000  }
0x1e: {  	[sflag:s4] =	ssyncset.done $0x0  }
.LBB2_2:
0x1f: {  	[sflag:s4] =	ssyncadd.s32 $0xFFFFE000  }
0x20: {  	_ =	sfence.sel $0x180000  }
0x21: {  	[bflag:$0x0] =	sbarrier.arrive $0xFFFF  }
0x22: {  	p0 =	sne.s32 s0, $0x0;
	_ =	strace $0x9000004A  }
0x23: {  	s0 =	sadd.s32 @!p0 $0x100000, s1;
	[bflag:$0x2] =	sbarrier.arrive $0xFFFF  }
0x24: {  	[sflag:s0] =	ssyncadd.tile.s32 @!p0 $0x1;
	_ =	shalt  }
.Lfunc_end2:
_tile_overlayer_lowered:
.L_overlay_start_2:
0x25: {  	(tag) =	ssettag $0x2  }
0x26: {  	s0 =	rddreg [dreg:$0x0];
	s2 =	stileid.u32  }
0x27: {  	s1 =	rddreg [dreg:$0x1];
	p0 =	sne.s32 s2, $0x0  }
0x28: {  	s3 =	rddreg [dreg:$0x2];
	[bflag:$0x3] =	sbarrier.arrive $0xFFFF;
	s2 =	simm.s32 @!p0 $0x1C02  }
0x29: {  	[timem:s3], [sflag:s2] =	dma.local @!p0 [hbm:s0], s1  }
0x2a: {  	s0 =	simm.s32 @!p0 $0x2  }
0x2b: {  	_ =	swait.ge @!p0 [sflag:s0], s1  }
0x2c: {  	s1 =	ssub.s32 @!p0 $0x0, s1;
	[sflag:s0] =	ssyncset.done @!p0 $0x0  }
0x2d: {  	[sflag:s0] =	ssyncadd.s32 @!p0 s1  }
0x2e: {  	[bflag:$0x3] =	sbarrier.arrive $0xFFFF  }
0x2f: {  	_ =	shalt  }

// kernel: kernel.8.cloned.1.call-start
scs
__scs_entry_jumppad:
0x0: {  	(pc) =	sbr.rel $0x88, $3  }
0x1: {  	(tag) =	ssettag $0x0;
	lr =	simm.s32 $0x1  }
0x2: {  	[smem:$0x3F92] =	sst lr;
	_ =	strace $0xD0000000  }
0x3: {  	_ = 	snop  }
0x4: {  	_ = 	snop  }
0x5: {  	_ = 	snop  }
0x6: {  	_ = 	snop  }
0x7: {  	_ = 	snop  }
__scs_overlays_trampoline_lowered:
0x8: {  	[smem:$0x3FA1] =	sst s0  }
0x9: {  	[smem:$0x3FA2] =	sst s1  }
0xa: {  	[smem:$0x3FA3] =	sst s2  }
0xb: {  	[smem:$0x3FA4] =	sst s3  }
0xc: {  	[smem:$0x3FA5] =	sst s4  }
0xd: {  	[smem:$0x3FA6] =	sst s5  }
0xe: {  	[smem:$0x3FA7] =	sst s6  }
0xf: {  	[smem:$0x3FA8] =	sst s7  }
0x10: {  	[smem:$0x3FA9] =	sst s8  }
0x11: {  	[smem:$0x3FAA] =	sst s9;
	s0 =	simm.s32 @!p0 $0x0  }
0x12: {  	s1 =	sld [smem:$0x3F90];
	s0 =	simm.s32 @p0 $0x1  }
0x13: {  	[smem:$0x3FAB] =	sst s0;
	s0 =	simm.s32 @!p1 $0x0  }
0x14: {  	s2 =	sld [smem:$0x3F8F];
	s0 =	simm.s32 @p1 $0x1  }
0x15: {  	[smem:$0x3FAC] =	sst s0;
	s0 =	simm.s32 @!p2 $0x0  }
0x16: {  	s3 =	sld [smem:$0x3FDB];
	s0 =	simm.s32 @p2 $0x1  }
0x17: {  	s4 =	simm.s32 $0x1BF5;
	[smem:$0x3FAE] =	sst s0  }
0x18: {  	s0 =	sld [smem:$0x3F91];
	_ =	swait.ge [sflag:s4], $0x0  }
0x19: {  	s7 =	sld [smem:$0x3F92]  }
0x1a: {  	s8 =	sadd.s32 $0xFFFFE003, lr  }
0x1b: {  	s9 =	sadd.s32 $0xFFFFFEF7, lr;
	s5 =	simm.s32 $0xFFFFFFFF;
	p2 =	slt.u32 s8, $0xFFFFF086  }
0x1c: {  	p1 =	slt.u32 s9, $0xF7A;
	s5 =	simm.s32 @!p2 $0x0  }
0x1d: {  	s5 =	simm.s32 @p1 $0x1;
	p0 =	seq.s32 s7, s2  }
0x1e: {  	s7 =	smul.u32 @!p0 $0xF7A, s2;
	p2 =	seq.s32 @!p0 s5, $0x0  }
0x1f: {  	s9 =	smul.u32 $0xF7A, s1;
	s8 =	simm.s32 @!p0 $0x1BF5;
	p2 =	por !p2, p0  }
0x20: {  	[sflag:s8] =	ssyncset.s32 @!p0 $0xFFFFF086;
	s6 =	sadd.s32 @!p0 s3, s7;
	s7 =	simm.s32 @!p0 $0x108  }
0x21: {  	s3 =	sadd.s32 s3, s9;
	s6 =	sadd.s32 @!p0 $0x88, s6;
	s7 =	simm.s32 @p2 $0x1082  }
0x22: {  	[simem:s7], [sflag:s8] =	dma.local @!p0 [hbm:s6], $0xF7A  }
0x23: {  	s9 =	sor.u32 $0xD0000000, s2;
	s6 =	simm.s32 $0x108;
	_ =	swait.ge @!p0 [sflag:s8], $0x0  }
0x24: {  	s3 =	sadd.s32 $0x88, s3;
	s6 =	simm.s32 @!p1 $0x1082;
	[sflag:s4] =	ssyncset.s32 $0xFFFFF086  }
0x25: {  	[simem:s6], [sflag:s4] =	dma.local [hbm:s3], $0xF7A  }
0x26: {  	[smem:$0x3F92] =	sst s1;
	(tag) =	ssettag s2;
	_ =	strace s9  }
0x27: {  	s1 =	sld [smem:$0x3FA2]  }
0x28: {  	s2 =	sld [smem:$0x3FA3]  }
0x29: {  	s4 =	sld [smem:$0x3FA5]  }
0x2a: {  	p0 =	seq.s32 s5, $0x0;
	s5 =	sld [smem:$0x3FA6]  }
0x2b: {  	s6 =	sld [smem:$0x3FA7]  }
0x2c: {  	s7 =	sld [smem:$0x3FA8]  }
0x2d: {  	s3 =	simm.s32 $0x108;
	s8 =	sld [smem:$0x3FA9]  }
0x2e: {  	s3 =	simm.s32 @!p0 $0x1082;
	s9 =	sld [smem:$0x3FAA]  }
0x2f: {  	lr =	sadd.s32 s0, s3;
	s0 =	sld [smem:$0x3FA1]  }
0x30: {  	s3 =	sld [smem:$0x3FA4]  }
0x31: {  	[smem:$0x3FAD] =	sst s10  }
0x32: {  	s10 =	sld [smem:$0x3FAB];
	_ =	sdelay $0x3  }
0x33: {  	p0 =	seq.s32 s10, $0x1;
	s10 =	sld [smem:$0x3FAD];
	_ =	sdelay $0x3  }
0x34: {  	[smem:$0x3FAD] =	sst s10  }
0x35: {  	s10 =	sld [smem:$0x3FAC];
	_ =	sdelay $0x3  }
0x36: {  	p1 =	seq.s32 s10, $0x1;
	s10 =	sld [smem:$0x3FAD];
	_ =	sdelay $0x3  }
0x37: {  	[smem:$0x3FAD] =	sst s10  }
0x38: {  	s10 =	sld [smem:$0x3FAE]  }
0x39: {  	_ = 	snop;
	(pc) =	sbr.ind lr, $3  }
0x3a: {  	_ = 	snop  }
0x3b: {  	_ = 	snop  }
0x3c: {  	p2 =	seq.s32 s10, $0x1;
	s10 =	sld [smem:$0x3FAD]  }
0x3d: {  	_ =	shalt  }
0x3e: {  	_ =	shalt  }
0x3f: {  	_ =	shalt  }
0x40: {  	_ =	shalt  }
0x41: {  	_ =	shalt  }
0x42: {  	_ =	shalt  }
0x43: {  	_ =	shalt  }
0x44: {  	_ =	shalt  }
0x45: {  	_ =	shalt  }
0x46: {  	_ =	shalt  }
0x47: {  	_ =	shalt  }
0x48: {  	_ =	shalt  }
0x49: {  	_ =	shalt  }
0x4a: {  	_ =	shalt  }
0x4b: {  	_ =	shalt  }
0x4c: {  	_ =	shalt  }
0x4d: {  	_ =	shalt  }
0x4e: {  	_ =	shalt  }
0x4f: {  	_ =	shalt  }
0x50: {  	_ =	shalt  }
0x51: {  	_ =	shalt  }
0x52: {  	_ =	shalt  }
0x53: {  	_ =	shalt  }
0x54: {  	_ =	shalt  }
0x55: {  	_ =	shalt  }
0x56: {  	_ =	shalt  }
0x57: {  	_ =	shalt  }
0x58: {  	_ =	shalt  }
0x59: {  	_ =	shalt  }
0x5a: {  	_ =	shalt  }
0x5b: {  	_ =	shalt  }
0x5c: {  	_ =	shalt  }
0x5d: {  	_ =	shalt  }
0x5e: {  	_ =	shalt  }
0x5f: {  	_ =	shalt  }
0x60: {  	_ =	shalt  }
0x61: {  	_ =	shalt  }
0x62: {  	_ =	shalt  }
0x63: {  	_ =	shalt  }
0x64: {  	_ =	shalt  }
0x65: {  	_ =	shalt  }
0x66: {  	_ =	shalt  }
0x67: {  	_ =	shalt  }
0x68: {  	_ =	shalt  }
0x69: {  	_ =	shalt  }
0x6a: {  	_ =	shalt  }
0x6b: {  	_ =	shalt  }
0x6c: {  	_ =	shalt  }
0x6d: {  	_ =	shalt  }
0x6e: {  	_ =	shalt  }
0x6f: {  	_ =	shalt  }
0x70: {  	_ =	shalt  }
0x71: {  	_ =	shalt  }
0x72: {  	_ =	shalt  }
0x73: {  	_ =	shalt  }
0x74: {  	_ =	shalt  }
0x75: {  	_ =	shalt  }
0x76: {  	_ =	shalt  }
0x77: {  	_ =	shalt  }
0x78: {  	_ =	shalt  }
0x79: {  	_ =	shalt  }
0x7a: {  	_ =	shalt  }
0x7b: {  	_ =	shalt  }
0x7c: {  	_ =	shalt  }
0x7d: {  	_ =	shalt  }
0x7e: {  	_ =	shalt  }
0x7f: {  	_ =	shalt  }
0x80: {  	_ =	shalt  }
0x81: {  	_ =	shalt  }
0x82: {  	_ =	shalt  }
0x83: {  	_ =	shalt  }
0x84: {  	_ =	shalt  }
0x85: {  	_ =	shalt  }
0x86: {  	_ =	shalt  }
0x87: {  	_ =	shalt  }
.Lfunc_end0:
.L_simem_size_0:
called_computation_lowered:
.L_overlay_start_0:
0x88: {  	s2 =	sld [smem:$0x3FD9]  }
0x89: {  	s3 =	sld [smem:$0x3FFE];
	_ =	sdelay $0x1  }
0x8a: {  	s1 =	srdreg.scid  }
0x8b: {  	s0 =	sand.u32 $0x1, s1  }
0x8c: {  	s14 =	sshll.u32 s0, $0xA;
	s2 =	sadd.s32 s3, s2  }
0x8d: {  	s2 =	sadd.s32 s2, s14  }
0x8e: {  	[smem:$0x3FB9] =	sst s2  }
0x8f: {  	_ = 	snop  }
0x90: {  	s2 =	sld [smem:$0x3FD0];
	_ =	sdelay $0x2  }
0x91: {  	s15 =	simm.s32 $0xB;
	s4 =	simm.s32 $0x10  }
0x92: {  	[smem:s4], [sflag:s15] =	dma.local [hbm:s2], $0x1  }
0x93: {  	_ =	swait.eq [sflag:s15], $0x1  }
0x94: {  	[sflag:s15] =	ssyncset.done $0x0  }
0x95: {  	[sflag:s15] =	ssyncadd.s32 $0xFFFFFFFF  }
0x96: {  	s16 =	sld [smem:$0x11];
	(tm) =	ssettm $0x1  }
0x97: {  	s17 =	sld [smem:$0x3FFB];
	_ =	sdelay $0x3  }
0x98: {  	_ =	strace s17  }
0x99: {  	s3 =	sld [smem:$0x3FFC];
	_ =	sdelay $0x3  }
0x9a: {  	_ =	strace s3  }
0x9b: {  	s3 =	sld [smem:$0x3FFD];
	_ =	sdelay $0x3  }
0x9c: {  	_ =	strace s3  }
0x9d: {  	_ =	strace $0x8FFFFFFF  }
0x9e: {  	s18 =	sld [smem:$0x3FDB];
	_ =	sdelay $0x1  }
0x9f: {  	s19 =	simm.s32 $_scs_section_size  }
0xa0: {  	s5 =	simm.s32 $_size__tile_overlayer_lowered;
	s6 =	simm.s32 $_tile_overlayer_lowered  }
0xa1: {  	s22 =	simm.s32 $0x1BFF;
	s21 =	sshll.u32 s6, $0x1;
	s3 =	sadd.s32 s19, s18  }
0xa2: {  	s7 =	simm.s32 $0x0;
	s20 =	sshll.u32 s5, $0x1;
	s5 =	sadd.s32 s21, s3  }
0xa3: {  	[timem:s7], [sflag:s22] =	dma.local [hbm:s5], s20  }
0xa4: {  	_ =	swait.ge [sflag:s22], s20  }
0xa5: {  	s4 =	ssub.s32 $0x0, s20;
	[sflag:s22] =	ssyncset.done $0x0  }
0xa6: {  	[sflag:s22] =	ssyncadd.s32 s4;
	_ =	sdelay $0x1  }
0xa7: {  	s23 =	simm.s32 $0x1B8B  }
0xa8: {  	_ =	swait.ge [sflag:s23], $0x1  }
0xa9: {  	[sflag:s23] =	ssyncset.done $0x0  }
0xaa: {  	s25 =	simm.s32 $0x1B8E;
	s24 =	sld [smem:$0x3FFE];
	[sflag:s23] =	ssyncadd.s32 $0xFFFFFFFF  }
0xab: {  	s26 =	simm.s32 $execute0_lowered;
	[smem:$0x3FD2] =	sst s25  }
0xac: {  	s5 =	sshll.u32 s26, $0x1;
	_ =	strace $0x80000046;
	[dreg:$0x1] =	wrdreg $0xFFFFFFFF  }
0xad: {  	s28 =	simm.s32 $_size_execute0_lowered;
	s3 =	sadd.s32 s3, s5;
	[dreg:$0x0] =	wrdreg $0x0  }
0xae: {  	s5 =	sshll.u32 s28, $0x1;
	[dreg:$0x2] =	wrdreg s3  }
0xaf: {  	[dreg:$0x3] =	wrdreg s5  }
0xb0: {  	[dreg:$0x4] =	wrdreg $0xC0  }
0xb1: {  	_ =	task [dreg:s7], $0x5FFFF  }
0xb2: {  	[dreg:$0x1] =	wrdreg $0xFFFFFFFF  }
0xb3: {  	[dreg:$0x0] =	wrdreg $0x60  }
0xb4: {  	[dreg:$0x2] =	wrdreg s24  }
0xb5: {  	[dreg:$0x3] =	wrdreg s16  }
0xb6: {  	[dreg:$0x4] =	wrdreg $0xA  }
0xb7: {  	_ =	task.clear_ibuf [dreg:s7], $0x5FFFF;
	_ =	strace $0x90000046  }
0xb8: {  	s29 =	simm.s32 $0xA;
	_ =	strace $0x80000048  }
0xb9: {  	_ =	swait.ge [sflag:s29], $0x1  }
0xba: {  	[sflag:s29] =	ssyncadd.s32 $0xFFFFFFFF  }
0xbb: {  	_ =	strace $0x90000048  }
0xbc: {  	_ =	sfence  }
0xbd: {  	s30 =	sld [smem:$0x0];
	_ =	sdelay $0x2  }
0xbe: {  	s31 =	sshll.u32 s1, $0xD;
	s1 =	sshrl.u32 s1, $0x2  }
0xbf: {  	s3 =	sand.u32 $0x4000, s31;
	s1 =	sadd.s32 s1, s30  }
0xc0: {  	s0 =	sor.u32 s3, s0;
	s1 =	sshll.u32 s1, $0x11  }
0xc1: {  	s0 =	sor.u32 s1, s0  }
0xc2: {  	s0 =	sadd.s32 $0x8F2B, s0  }
0xc3: {  	[sflag:s0] =	ssyncadd.remote.s32 $0x1  }
0xc4: {  	_ =	sfence.sel $0xFFFF  }
0xc5: {  	[dreg:$0x0] =	wrdreg $0xFFFFFFFF;
	(pc) =	sbr.abs _section_cstart, $3  }
0xc6: {  	[dreg:$0x1] =	wrdreg $0xFFFFFFFF  }
0xc7: {  	_ =	task.clear_ibuf [dreg:s7], $0x2FFFF;
	_ =	strace $0x9FFFFFFF  }
0xc8: {  	(tm) =	ssettm $0x7FFFFFFF  }
0xc9: {  	_ =	shalt  }
tec
execute0_lowered:
.L_overlay_start_1:
0x0: {  	(tag) =	ssettag $0x1  }
0x1: {  	s0 =	srdreg.scid  }
0x2: {  	s2 =	stileid.u32;
	s1 =	sand.u32 $0x1, s0  }
0x3: {  	s3 =	rddreg [dreg:$0x0];
	s4 =	sshll.u32 s2, $0xD;
	s5 =	sshll.u32 s1, $0xC  }
0x4: {  	s6 =	rddreg [dreg:$0x1];
	s4 =	sor.u32 s5, s4  }
0x5: {  	s2 =	simm.s32 $0x0;
	s5 =	sshll.u32 s4, $0x4;
	s4 =	sshrl.u32 s4, $0x3  }
0x6: {  	[smem:$0x7FF] =	sst s2;
	s5 =	sadd.s32 s5, s3;
	s0 =	sadd.s32 s6, s4  }
0x7: {  	_ =	strace $0x80000047;
	[dreg:$0x3] =	wrdreg s0;
	s7 =	sadd.s32 $0x12A00, s5  }
0x8: {  	s8 =	sadd.s32 $0x13200, s5;
	[dreg:$0x4] =	wrdreg s7  }
0x9: {  	s9 =	sadd.s32 $0x13A00, s5;
	[dreg:$0x5] =	wrdreg s8  }
0xa: {  	s10 =	sadd.s32 $0x14200, s5;
	[dreg:$0x6] =	wrdreg s9  }
0xb: {  	s11 =	sadd.s32 $0x14A00, s5;
	[dreg:$0x7] =	wrdreg s10  }
0xc: {  	s12 =	sadd.s32 $0x15200, s5;
	[dreg:$0x8] =	wrdreg s11  }
0xd: {  	s13 =	sadd.s32 $0x15A00, s5;
	[dreg:$0x9] =	wrdreg s12  }
0xe: {  	s14 =	sadd.s32 $0x16200, s5;
	[dreg:$0xa] =	wrdreg s13  }
0xf: {  	s15 =	sadd.s32 $0x16A00, s5;
	[dreg:$0xb] =	wrdreg s14  }
0x10: {  	s16 =	sadd.s32 $0x17200, s5;
	[dreg:$0xc] =	wrdreg s15  }
0x11: {  	s17 =	sadd.s32 $0x17A00, s5;
	[dreg:$0xd] =	wrdreg s16  }
0x12: {  	s18 =	sadd.s32 $0x18200, s5;
	[dreg:$0xe] =	wrdreg s17  }
0x13: {  	s19 =	sadd.s32 $0x18A00, s5;
	[dreg:$0xf] =	wrdreg s18  }
0x14: {  	s20 =	sadd.s32 $0x19200, s5;
	[dreg:$0x10] =	wrdreg s19  }
0x15: {  	s21 =	sadd.s32 $0x19A00, s5;
	[dreg:$0x11] =	wrdreg s20  }
0x16: {  	s22 =	sadd.s32 $0x1A200, s5;
	[dreg:$0x12] =	wrdreg s21  }
0x17: {  	s23 =	sadd.s32 $0x1AA00, s5;
	[dreg:$0x13] =	wrdreg s22  }
0x18: {  	s24 =	sadd.s32 $0x1B200, s5;
	[dreg:$0x14] =	wrdreg s23  }
0x19: {  	s25 =	sadd.s32 $0x1BA00, s5;
	[dreg:$0x15] =	wrdreg s24  }
0x1a: {  	s26 =	sadd.s32 $0x1C200, s5;
	[dreg:$0x16] =	wrdreg s25  }
0x1b: {  	s4 =	sadd.s32 $0x1CA00, s5;
	[dreg:$0x17] =	wrdreg s26  }
0x1c: {  	s6 =	sadd.s32 $0x1D200, s5;
	[dreg:$0x18] =	wrdreg s4  }
0x1d: {  	[dreg:$0x19] =	wrdreg s6  }
0x1e: {  	s7 =	sadd.s32 $0x1DA00, s5;
	s0 =	rddreg [dreg:$0x3]  }
0x1f: {  	s8 =	sadd.s32 $0x1E200, s5;
	[dreg:$0x1a] =	wrdreg s7  }
0x20: {  	s9 =	sadd.s32 $0x1EA00, s5;
	[dreg:$0x1b] =	wrdreg s8  }
0x21: {  	s10 =	sadd.s32 $0x1F200, s5;
	[dreg:$0x1c] =	wrdreg s9  }
0x22: {  	s11 =	sadd.s32 $0x1FA00, s5;
	[dreg:$0x1d] =	wrdreg s10  }
0x23: {  	s12 =	sadd.s32 $0x20200, s5;
	[dreg:$0x1e] =	wrdreg s11  }
0x24: {  	s31 =	simm.s32 $0x580;
	s13 =	sadd.s32 $0x20A00, s5;
	[dreg:$0x1f] =	wrdreg s12  }
0x25: {  	s30 =	simm.s32 $0x600;
	s14 =	sadd.s32 $0x21200, s5;
	[smem:$0x7F1] =	sst s13  }
0x26: {  	s29 =	simm.s32 $0x680;
	s15 =	sadd.s32 $0x21A00, s5;
	[smem:$0x7F2] =	sst s14  }
0x27: {  	s28 =	simm.s32 $0x700;
	s16 =	sadd.s32 $0x22200, s5;
	[smem:$0x7F3] =	sst s15  }
0x28: {  	p0 =	por $0x0, $0x0;
	s17 =	simm.s32 $0x100;
	[smem:$0x7F4] =	sst s16  }
0x29: {  	s1 =	ssub.s32 $0x2, s1;
	s19 =	simm.s32 $0x180;
	[smem:$0x7F5] =	sst s17  }
0x2a: {  	s4 =	sadd.s32 $0x2A00, s3;
	s20 =	simm.s32 $0x200;
	[smem:$0x7F6] =	sst s19  }
0x2b: {  	s18 =	sshrl.u32 s1, $0x1;
	s21 =	simm.s32 $0x280;
	[smem:$0x7F7] =	sst s20  }
0x2c: {  	s3 =	simm.s32 $0x3;
	s22 =	simm.s32 $0x300;
	[smem:$0x7F8] =	sst s21  }
0x2d: {  	s23 =	simm.s32 $0x380;
	s6 =	simm.s32 $0x1000;
	[smem:$0x7F9] =	sst s22  }
0x2e: {  	s24 =	simm.s32 $0x400;
	s5 =	simm.s32 $0x5000;
	[smem:$0x7FA] =	sst s23  }
0x2f: {  	s25 =	simm.s32 $0x480;
	s26 =	simm.s32 $0x500;
	[smem:$0x7FB] =	sst s24  }
0x30: {  	s1 =	ssub.s32 s1, s18;
	s7 =	simm.s32 $0x80;
	[smem:$0x7FC] =	sst s25  }
0x31: {  	s9 =	simm.s32 $0x1;
	s8 =	simm.s32 $0x2;
	[smem:$0x7FD] =	sst s26  }
0x32: {  	s26 =	simm.s32 $0x780;
	s25 =	simm.s32 $0x800;
	s1 =	smax.u32 s1, $0x1  }
0x33: {  	s24 =	simm.s32 $0x880;
	s23 =	simm.s32 $0x900;
	p1 =	sne.s32 s1, $0x1  }
.Ltmp0:
0x34: {  	s22 =	simm.s32 $0x980;
	s21 =	simm.s32 $0xA00;
	(pc) =	sbr.rel @!p1 .LBB2_3-.Ltmp0, $4  }
0x35: {  	s20 =	simm.s32 $0xA80;
	s19 =	simm.s32 $0xB00;
	s18 =	simm.s32 $0xB80  }
0x36: {  	s17 =	simm.s32 $0xC00;
	s16 =	simm.s32 $0xC80;
	s15 =	simm.s32 $0xD00  }
0x37: {  	s14 =	simm.s32 $0xD80;
	s13 =	simm.s32 $0xE00;
	s12 =	simm.s32 $0xE80  }
0x38: {  	s11 =	simm.s32 $0xF00;
	s10 =	simm.s32 $0xF80;
	s1 =	sadd.s32 $0xFFFFFFFF, s1  }
0x39: {  	[tilespmem:s2], [sflag:$0x3] =	stream.linear.gather [hbm4b:s0+s2], $0x1000, $0x38;
	[tilespmem:$0x9000] =	vst v63  }
0x3a: {  	_ =	swait.ge [sflag:s3], $0x1000  }
0x3b: {  	[sflag:s3] =	ssyncset.done $0x0  }
0x3c: {  	[sflag:s3] =	ssyncadd.s32 $0xFFFFF000  }
0x3d: {  	[tilespmem:s6], [sflag:$0x1] =	stream.indirect.gather [hbm4b:s4+s7], $0x80, s2, s7, $0xb8;
	[tilespmem:$0x9000] =	vst v63  }
0x3e: {  	_ = 	snop  }
0x3f: {  	[tilespmem:s5], [sflag:$0x2] =	stream.indirect.gather [hbm4b:s4+s7], $0x80, s7, s7, $0xb8;
	[tilespmem:$0x9000] =	vst v63  }
0x40: {  	_ =	swait.ge [sflag:s9], $0x4000  }
0x41: {  	[sflag:s9] =	ssyncset.done $0x0  }
0x42: {  	s0 =	rddreg [dreg:$0x4];
	[sflag:s9] =	ssyncadd.s32 $0xFFFFC000  }
0x43: {  	[hbm4b:s0+s2] =	stream.linear.scatter [tilespmem:s6], [sflag:$0x3], $0x4000, $0x38;
	[tilespmem:$0x9000] =	vst v63  }
0x44: {  	_ =	swait.ge [sflag:s3], $0x4000  }
0x45: {  	s0 =	sld [smem:$0x7F5]  }
0x46: {  	[sflag:s3] =	ssyncset.done $0x0  }
0x47: {  	[sflag:s3] =	ssyncadd.s32 $0xFFFFC000  }
0x48: {  	[tilespmem:s6], [sflag:$0x1] =	stream.indirect.gather [hbm4b:s4+s7], $0x80, s0, s7, $0xb8;
	[tilespmem:$0x9000] =	vst v63  }
0x49: {  	_ =	swait.ge [sflag:s8], $0x4000  }
0x4a: {  	[sflag:s8] =	ssyncset.done $0x0  }
0x4b: {  	s0 =	rddreg [dreg:$0x5];
	[sflag:s8] =	ssyncadd.s32 $0xFFFFC000  }
0x4c: {  	[hbm4b:s0+s2] =	stream.linear.scatter [tilespmem:s5], [sflag:$0x3], $0x4000, $0x38;
	[tilespmem:$0x9000] =	vst v63  }
0x4d: {  	_ =	swait.ge [sflag:s3], $0x4000  }
0x4e: {  	s0 =	sld [smem:$0x7F6]  }
0x4f: {  	[sflag:s3] =	ssyncset.done $0x0  }
0x50: {  	[sflag:s3] =	ssyncadd.s32 $0xFFFFC000  }
0x51: {  	[tilespmem:s5], [sflag:$0x2] =	stream.indirect.gather [hbm4b:s4+s7], $0x80, s0, s7, $0xb8;
	[tilespmem:$0x9000] =	vst v63  }
0x52: {  	_ =	swait.ge [sflag:s9], $0x4000  }
0x53: {  	[sflag:s9] =	ssyncset.done $0x0  }
0x54: {  	s0 =	rddreg [dreg:$0x6];
	[sflag:s9] =	ssyncadd.s32 $0xFFFFC000  }
0x55: {  	[hbm4b:s0+s2] =	stream.linear.scatter [tilespmem:s6], [sflag:$0x3], $0x4000, $0x38;
	[tilespmem:$0x9000] =	vst v63  }
0x56: {  	_ =	swait.ge [sflag:s3], $0x4000  }
0x57: {  	s0 =	sld [smem:$0x7F7]  }
0x58: {  	[sflag:s3] =	ssyncset.done $0x0  }
0x59: {  	[sflag:s3] =	ssyncadd.s32 $0xFFFFC000  }
0x5a: {  	[tilespmem:s6], [sflag:$0x1] =	stream.indirect.gather [hbm4b:s4+s7], $0x80, s0, s7, $0xb8;
	[tilespmem:$0x9000] =	vst v63  }
0x5b: {  	_ =	swait.ge [sflag:s8], $0x4000  }
0x5c: {  	[sflag:s8] =	ssyncset.done $0x0  }
0x5d: {  	s0 =	rddreg [dreg:$0x7];
	[sflag:s8] =	ssyncadd.s32 $0xFFFFC000  }
0x5e: {  	[hbm4b:s0+s2] =	stream.linear.scatter [tilespmem:s5], [sflag:$0x3], $0x4000, $0x38;
	[tilespmem:$0x9000] =	vst v63  }
0x5f: {  	_ =	swait.ge [sflag:s3], $0x4000  }
0x60: {  	s0 =	sld [smem:$0x7F8]  }
0x61: {  	[sflag:s3] =	ssyncset.done $0x0  }
0x62: {  	[sflag:s3] =	ssyncadd.s32 $0xFFFFC000  }
0x63: {  	[tilespmem:s5], [sflag:$0x2] =	stream.indirect.gather [hbm4b:s4+s7], $0x80, s0, s7, $0xb8;
	[tilespmem:$0x9000] =	vst v63  }
0x64: {  	_ =	swait.ge [sflag:s9], $0x4000  }
0x65: {  	[sflag:s9] =	ssyncset.done $0x0  }
0x66: {  	s0 =	rddreg [dreg:$0x8];
	[sflag:s9] =	ssyncadd.s32 $0xFFFFC000  }
0x67: {  	[hbm4b:s0+s2] =	stream.linear.scatter [tilespmem:s6], [sflag:$0x3], $0x4000, $0x38;
	[tilespmem:$0x9000] =	vst v63  }
0x68: {  	_ =	swait.ge [sflag:s3], $0x4000  }
0x69: {  	s0 =	sld [smem:$0x7F9]  }
0x6a: {  	[sflag:s3] =	ssyncset.done $0x0  }
0x6b: {  	[sflag:s3] =	ssyncadd.s32 $0xFFFFC000  }
0x6c: {  	[tilespmem:s6], [sflag:$0x1] =	stream.indirect.gather [hbm4b:s4+s7], $0x80, s0, s7, $0xb8;
	[tilespmem:$0x9000] =	vst v63  }
0x6d: {  	_ =	swait.ge [sflag:s8], $0x4000  }
0x6e: {  	[sflag:s8] =	ssyncset.done $0x0  }
0x6f: {  	s0 =	rddreg [dreg:$0x9];
	[sflag:s8] =	ssyncadd.s32 $0xFFFFC000  }
0x70: {  	[hbm4b:s0+s2] =	stream.linear.scatter [tilespmem:s5], [sflag:$0x3], $0x4000, $0x38;
	[tilespmem:$0x9000] =	vst v63  }
0x71: {  	_ =	swait.ge [sflag:s3], $0x4000  }
0x72: {  	s0 =	sld [smem:$0x7FA]  }
0x73: {  	[sflag:s3] =	ssyncset.done $0x0  }
0x74: {  	[sflag:s3] =	ssyncadd.s32 $0xFFFFC000  }
0x75: {  	[tilespmem:s5], [sflag:$0x2] =	stream.indirect.gather [hbm4b:s4+s7], $0x80, s0, s7, $0xb8;
	[tilespmem:$0x9000] =	vst v63  }
0x76: {  	_ =	swait.ge [sflag:s9], $0x4000  }
0x77: {  	[sflag:s9] =	ssyncset.done $0x0  }
0x78: {  	s0 =	rddreg [dreg:$0xa];
	[sflag:s9] =	ssyncadd.s32 $0xFFFFC000  }
0x79: {  	[hbm4b:s0+s2] =	stream.linear.scatter [tilespmem:s6], [sflag:$0x3], $0x4000, $0x38;
	[tilespmem:$0x9000] =	vst v63  }
0x7a: {  	_ =	swait.ge [sflag:s3], $0x4000  }
0x7b: {  	s0 =	sld [smem:$0x7FB]  }
0x7c: {  	[sflag:s3] =	ssyncset.done $0x0  }
0x7d: {  	[sflag:s3] =	ssyncadd.s32 $0xFFFFC000  }
0x7e: {  	[tilespmem:s6], [sflag:$0x1] =	stream.indirect.gather [hbm4b:s4+s7], $0x80, s0, s7, $0xb8;
	[tilespmem:$0x9000] =	vst v63  }
0x7f: {  	_ =	swait.ge [sflag:s8], $0x4000  }
0x80: {  	[sflag:s8] =	ssyncset.done $0x0  }
0x81: {  	s0 =	rddreg [dreg:$0xb];
	[sflag:s8] =	ssyncadd.s32 $0xFFFFC000  }
0x82: {  	[hbm4b:s0+s2] =	stream.linear.scatter [tilespmem:s5], [sflag:$0x3], $0x4000, $0x38;
	[tilespmem:$0x9000] =	vst v63  }
0x83: {  	_ =	swait.ge [sflag:s3], $0x4000  }
0x84: {  	s0 =	sld [smem:$0x7FC]  }
0x85: {  	[sflag:s3] =	ssyncset.done $0x0  }
0x86: {  	[sflag:s3] =	ssyncadd.s32 $0xFFFFC000  }
0x87: {  	[tilespmem:s5], [sflag:$0x2] =	stream.indirect.gather [hbm4b:s4+s7], $0x80, s0, s7, $0xb8;
	[tilespmem:$0x9000] =	vst v63  }
0x88: {  	_ =	swait.ge [sflag:s9], $0x4000  }
0x89: {  	[sflag:s9] =	ssyncset.done $0x0  }
0x8a: {  	s0 =	rddreg [dreg:$0xc];
	[sflag:s9] =	ssyncadd.s32 $0xFFFFC000  }
0x8b: {  	[hbm4b:s0+s2] =	stream.linear.scatter [tilespmem:s6], [sflag:$0x3], $0x4000, $0x38;
	[tilespmem:$0x9000] =	vst v63  }
0x8c: {  	_ =	swait.ge [sflag:s3], $0x4000  }
0x8d: {  	s0 =	sld [smem:$0x7FD]  }
0x8e: {  	[sflag:s3] =	ssyncset.done $0x0  }
0x8f: {  	[sflag:s3] =	ssyncadd.s32 $0xFFFFC000  }
0x90: {  	[tilespmem:s6], [sflag:$0x1] =	stream.indirect.gather [hbm4b:s4+s7], $0x80, s0, s7, $0xb8;
	[tilespmem:$0x9000] =	vst v63  }
0x91: {  	_ =	swait.ge [sflag:s8], $0x4000  }
0x92: {  	[sflag:s8] =	ssyncset.done $0x0  }
0x93: {  	s0 =	rddreg [dreg:$0xd];
	[sflag:s8] =	ssyncadd.s32 $0xFFFFC000  }
0x94: {  	[hbm4b:s0+s2] =	stream.linear.scatter [tilespmem:s5], [sflag:$0x3], $0x4000, $0x38;
	[tilespmem:$0x9000] =	vst v63  }
0x95: {  	_ =	swait.ge [sflag:s3], $0x4000  }
0x96: {  	[sflag:s3] =	ssyncset.done $0x0  }
0x97: {  	[sflag:s3] =	ssyncadd.s32 $0xFFFFC000  }
0x98: {  	[tilespmem:s5], [sflag:$0x2] =	stream.indirect.gather [hbm4b:s4+s7], $0x80, s31, s7, $0xb8;
	[tilespmem:$0x9000] =	vst v63  }
0x99: {  	_ =	swait.ge [sflag:s9], $0x4000  }
0x9a: {  	[sflag:s9] =	ssyncset.done $0x0  }
0x9b: {  	s0 =	rddreg [dreg:$0xe];
	[sflag:s9] =	ssyncadd.s32 $0xFFFFC000  }
0x9c: {  	[hbm4b:s0+s2] =	stream.linear.scatter [tilespmem:s6], [sflag:$0x3], $0x4000, $0x38;
	[tilespmem:$0x9000] =	vst v63  }
0x9d: {  	_ =	swait.ge [sflag:s3], $0x4000  }
0x9e: {  	[sflag:s3] =	ssyncset.done $0x0  }
0x9f: {  	[sflag:s3] =	ssyncadd.s32 $0xFFFFC000  }
0xa0: {  	[tilespmem:s6], [sflag:$0x1] =	stream.indirect.gather [hbm4b:s4+s7], $0x80, s30, s7, $0xb8;
	[tilespmem:$0x9000] =	vst v63  }
0xa1: {  	_ =	swait.ge [sflag:s8], $0x4000  }
0xa2: {  	[sflag:s8] =	ssyncset.done $0x0  }
0xa3: {  	s0 =	rddreg [dreg:$0xf];
	[sflag:s8] =	ssyncadd.s32 $0xFFFFC000  }
0xa4: {  	[hbm4b:s0+s2] =	stream.linear.scatter [tilespmem:s5], [sflag:$0x3], $0x4000, $0x38;
	[tilespmem:$0x9000] =	vst v63  }
0xa5: {  	_ =	swait.ge [sflag:s3], $0x4000  }
0xa6: {  	[sflag:s3] =	ssyncset.done $0x0  }
0xa7: {  	[sflag:s3] =	ssyncadd.s32 $0xFFFFC000  }
0xa8: {  	[tilespmem:s5], [sflag:$0x2] =	stream.indirect.gather [hbm4b:s4+s7], $0x80, s29, s7, $0xb8;
	[tilespmem:$0x9000] =	vst v63  }
0xa9: {  	_ =	swait.ge [sflag:s9], $0x4000  }
0xaa: {  	[sflag:s9] =	ssyncset.done $0x0  }
0xab: {  	s0 =	rddreg [dreg:$0x10];
	[sflag:s9] =	ssyncadd.s32 $0xFFFFC000  }
0xac: {  	[hbm4b:s0+s2] =	stream.linear.scatter [tilespmem:s6], [sflag:$0x3], $0x4000, $0x38;
	[tilespmem:$0x9000] =	vst v63  }
0xad: {  	_ =	swait.ge [sflag:s3], $0x4000  }
0xae: {  	[sflag:s3] =	ssyncset.done $0x0  }
0xaf: {  	[sflag:s3] =	ssyncadd.s32 $0xFFFFC000  }
0xb0: {  	[tilespmem:s6], [sflag:$0x1] =	stream.indirect.gather [hbm4b:s4+s7], $0x80, s28, s7, $0xb8;
	[tilespmem:$0x9000] =	vst v63  }
0xb1: {  	_ =	swait.ge [sflag:s8], $0x4000  }
0xb2: {  	[sflag:s8] =	ssyncset.done $0x0  }
0xb3: {  	s0 =	rddreg [dreg:$0x11];
	[sflag:s8] =	ssyncadd.s32 $0xFFFFC000  }
0xb4: {  	[hbm4b:s0+s2] =	stream.linear.scatter [tilespmem:s5], [sflag:$0x3], $0x4000, $0x38;
	[tilespmem:$0x9000] =	vst v63  }
0xb5: {  	_ =	swait.ge [sflag:s3], $0x4000  }
0xb6: {  	[sflag:s3] =	ssyncset.done $0x0  }
0xb7: {  	[sflag:s3] =	ssyncadd.s32 $0xFFFFC000  }
0xb8: {  	[tilespmem:s5], [sflag:$0x2] =	stream.indirect.gather [hbm4b:s4+s7], $0x80, s26, s7, $0xb8;
	[tilespmem:$0x9000] =	vst v63  }
0xb9: {  	_ =	swait.ge [sflag:s9], $0x4000  }
0xba: {  	[sflag:s9] =	ssyncset.done $0x0  }
0xbb: {  	s0 =	rddreg [dreg:$0x12];
	[sflag:s9] =	ssyncadd.s32 $0xFFFFC000  }
0xbc: {  	[hbm4b:s0+s2] =	stream.linear.scatter [tilespmem:s6], [sflag:$0x3], $0x4000, $0x38;
	[tilespmem:$0x9000] =	vst v63  }
0xbd: {  	_ =	swait.ge [sflag:s3], $0x4000  }
0xbe: {  	[sflag:s3] =	ssyncset.done $0x0  }
0xbf: {  	[sflag:s3] =	ssyncadd.s32 $0xFFFFC000  }
0xc0: {  	[tilespmem:s6], [sflag:$0x1] =	stream.indirect.gather [hbm4b:s4+s7], $0x80, s25, s7, $0xb8;
	[tilespmem:$0x9000] =	vst v63  }
0xc1: {  	_ =	swait.ge [sflag:s8], $0x4000  }
0xc2: {  	[sflag:s8] =	ssyncset.done $0x0  }
0xc3: {  	s0 =	rddreg [dreg:$0x13];
	[sflag:s8] =	ssyncadd.s32 $0xFFFFC000  }
0xc4: {  	[hbm4b:s0+s2] =	stream.linear.scatter [tilespmem:s5], [sflag:$0x3], $0x4000, $0x38;
	[tilespmem:$0x9000] =	vst v63  }
0xc5: {  	_ =	swait.ge [sflag:s3], $0x4000  }
0xc6: {  	[sflag:s3] =	ssyncset.done $0x0  }
0xc7: {  	[sflag:s3] =	ssyncadd.s32 $0xFFFFC000  }
0xc8: {  	[tilespmem:s5], [sflag:$0x2] =	stream.indirect.gather [hbm4b:s4+s7], $0x80, s24, s7, $0xb8;
	[tilespmem:$0x9000] =	vst v63  }
0xc9: {  	_ =	swait.ge [sflag:s9], $0x4000  }
0xca: {  	[sflag:s9] =	ssyncset.done $0x0  }
0xcb: {  	s0 =	rddreg [dreg:$0x14];
	[sflag:s9] =	ssyncadd.s32 $0xFFFFC000  }
0xcc: {  	[hbm4b:s0+s2] =	stream.linear.scatter [tilespmem:s6], [sflag:$0x3], $0x4000, $0x38;
	[tilespmem:$0x9000] =	vst v63  }
0xcd: {  	_ =	swait.ge [sflag:s3], $0x4000  }
0xce: {  	[sflag:s3] =	ssyncset.done $0x0  }
0xcf: {  	[sflag:s3] =	ssyncadd.s32 $0xFFFFC000  }
0xd0: {  	[tilespmem:s6], [sflag:$0x1] =	stream.indirect.gather [hbm4b:s4+s7], $0x80, s23, s7, $0xb8;
	[tilespmem:$0x9000] =	vst v63  }
0xd1: {  	_ =	swait.ge [sflag:s8], $0x4000  }
0xd2: {  	[sflag:s8] =	ssyncset.done $0x0  }
0xd3: {  	s0 =	rddreg [dreg:$0x15];
	[sflag:s8] =	ssyncadd.s32 $0xFFFFC000  }
0xd4: {  	[hbm4b:s0+s2] =	stream.linear.scatter [tilespmem:s5], [sflag:$0x3], $0x4000, $0x38;
	[tilespmem:$0x9000] =	vst v63  }
0xd5: {  	_ =	swait.ge [sflag:s3], $0x4000  }
0xd6: {  	[sflag:s3] =	ssyncset.done $0x0  }
0xd7: {  	[sflag:s3] =	ssyncadd.s32 $0xFFFFC000  }
0xd8: {  	[tilespmem:s5], [sflag:$0x2] =	stream.indirect.gather [hbm4b:s4+s7], $0x80, s22, s7, $0xb8;
	[tilespmem:$0x9000] =	vst v63  }
0xd9: {  	_ =	swait.ge [sflag:s9], $0x4000  }
0xda: {  	[sflag:s9] =	ssyncset.done $0x0  }
0xdb: {  	s0 =	rddreg [dreg:$0x16];
	[sflag:s9] =	ssyncadd.s32 $0xFFFFC000  }
0xdc: {  	[hbm4b:s0+s2] =	stream.linear.scatter [tilespmem:s6], [sflag:$0x3], $0x4000, $0x38;
	[tilespmem:$0x9000] =	vst v63  }
0xdd: {  	_ =	swait.ge [sflag:s3], $0x4000  }
0xde: {  	[sflag:s3] =	ssyncset.done $0x0  }
0xdf: {  	[sflag:s3] =	ssyncadd.s32 $0xFFFFC000  }
0xe0: {  	[tilespmem:s6], [sflag:$0x1] =	stream.indirect.gather [hbm4b:s4+s7], $0x80, s21, s7, $0xb8;
	[tilespmem:$0x9000] =	vst v63  }
0xe1: {  	_ =	swait.ge [sflag:s8], $0x4000  }
0xe2: {  	[sflag:s8] =	ssyncset.done $0x0  }
0xe3: {  	s0 =	rddreg [dreg:$0x17];
	[sflag:s8] =	ssyncadd.s32 $0xFFFFC000  }
0xe4: {  	[hbm4b:s0+s2] =	stream.linear.scatter [tilespmem:s5], [sflag:$0x3], $0x4000, $0x38;
	[tilespmem:$0x9000] =	vst v63  }
0xe5: {  	_ =	swait.ge [sflag:s3], $0x4000  }
0xe6: {  	[sflag:s3] =	ssyncset.done $0x0  }
0xe7: {  	[sflag:s3] =	ssyncadd.s32 $0xFFFFC000  }
0xe8: {  	[tilespmem:s5], [sflag:$0x2] =	stream.indirect.gather [hbm4b:s4+s7], $0x80, s20, s7, $0xb8;
	[tilespmem:$0x9000] =	vst v63  }
0xe9: {  	_ =	swait.ge [sflag:s9], $0x4000  }
0xea: {  	[sflag:s9] =	ssyncset.done $0x0  }
0xeb: {  	s0 =	rddreg [dreg:$0x18];
	[sflag:s9] =	ssyncadd.s32 $0xFFFFC000  }
0xec: {  	[hbm4b:s0+s2] =	stream.linear.scatter [tilespmem:s6], [sflag:$0x3], $0x4000, $0x38;
	[tilespmem:$0x9000] =	vst v63  }
0xed: {  	_ =	swait.ge [sflag:s3], $0x4000  }
0xee: {  	[sflag:s3] =	ssyncset.done $0x0  }
0xef: {  	[sflag:s3] =	ssyncadd.s32 $0xFFFFC000  }
0xf0: {  	[tilespmem:s6], [sflag:$0x1] =	stream.indirect.gather [hbm4b:s4+s7], $0x80, s19, s7, $0xb8;
	[tilespmem:$0x9000] =	vst v63  }
0xf1: {  	_ =	swait.ge [sflag:s8], $0x4000  }
0xf2: {  	[sflag:s8] =	ssyncset.done $0x0  }
0xf3: {  	s0 =	rddreg [dreg:$0x19];
	[sflag:s8] =	ssyncadd.s32 $0xFFFFC000  }
0xf4: {  	[hbm4b:s0+s2] =	stream.linear.scatter [tilespmem:s5], [sflag:$0x3], $0x4000, $0x38;
	[tilespmem:$0x9000] =	vst v63  }
0xf5: {  	_ =	swait.ge [sflag:s3], $0x4000  }
0xf6: {  	[sflag:s3] =	ssyncset.done $0x0  }
0xf7: {  	[sflag:s3] =	ssyncadd.s32 $0xFFFFC000  }
0xf8: {  	[tilespmem:s5], [sflag:$0x2] =	stream.indirect.gather [hbm4b:s4+s7], $0x80, s18, s7, $0xb8;
	[tilespmem:$0x9000] =	vst v63  }
0xf9: {  	_ =	swait.ge [sflag:s9], $0x4000  }
0xfa: {  	[sflag:s9] =	ssyncset.done $0x0  }
0xfb: {  	s0 =	rddreg [dreg:$0x1a];
	[sflag:s9] =	ssyncadd.s32 $0xFFFFC000  }
0xfc: {  	[hbm4b:s0+s2] =	stream.linear.scatter [tilespmem:s6], [sflag:$0x3], $0x4000, $0x38;
	[tilespmem:$0x9000] =	vst v63  }
0xfd: {  	_ =	swait.ge [sflag:s3], $0x4000  }
0xfe: {  	[sflag:s3] =	ssyncset.done $0x0  }
0xff: {  	[sflag:s3] =	ssyncadd.s32 $0xFFFFC000  }
0x100: {  	[tilespmem:s6], [sflag:$0x1] =	stream.indirect.gather [hbm4b:s4+s7], $0x80, s17, s7, $0xb8;
	[tilespmem:$0x9000] =	vst v63  }
0x101: {  	_ =	swait.ge [sflag:s8], $0x4000  }
0x102: {  	[sflag:s8] =	ssyncset.done $0x0  }
0x103: {  	s0 =	rddreg [dreg:$0x1b];
	[sflag:s8] =	ssyncadd.s32 $0xFFFFC000  }
0x104: {  	[hbm4b:s0+s2] =	stream.linear.scatter [tilespmem:s5], [sflag:$0x3], $0x4000, $0x38;
	[tilespmem:$0x9000] =	vst v63  }
0x105: {  	_ =	swait.ge [sflag:s3], $0x4000  }
0x106: {  	[sflag:s3] =	ssyncset.done $0x0  }
0x107: {  	[sflag:s3] =	ssyncadd.s32 $0xFFFFC000  }
0x108: {  	[tilespmem:s5], [sflag:$0x2] =	stream.indirect.gather [hbm4b:s4+s7], $0x80, s16, s7, $0xb8;
	[tilespmem:$0x9000] =	vst v63  }
0x109: {  	_ =	swait.ge [sflag:s9], $0x4000  }
0x10a: {  	[sflag:s9] =	ssyncset.done $0x0  }
0x10b: {  	s0 =	rddreg [dreg:$0x1c];
	[sflag:s9] =	ssyncadd.s32 $0xFFFFC000  }
0x10c: {  	[hbm4b:s0+s2] =	stream.linear.scatter [tilespmem:s6], [sflag:$0x3], $0x4000, $0x38;
	[tilespmem:$0x9000] =	vst v63  }
0x10d: {  	_ =	swait.ge [sflag:s3], $0x4000  }
0x10e: {  	[sflag:s3] =	ssyncset.done $0x0  }
0x10f: {  	[sflag:s3] =	ssyncadd.s32 $0xFFFFC000  }
0x110: {  	[tilespmem:s6], [sflag:$0x1] =	stream.indirect.gather [hbm4b:s4+s7], $0x80, s15, s7, $0xb8;
	[tilespmem:$0x9000] =	vst v63  }
0x111: {  	_ =	swait.ge [sflag:s8], $0x4000  }
0x112: {  	[sflag:s8] =	ssyncset.done $0x0  }
0x113: {  	s0 =	rddreg [dreg:$0x1d];
	[sflag:s8] =	ssyncadd.s32 $0xFFFFC000  }
0x114: {  	[hbm4b:s0+s2] =	stream.linear.scatter [tilespmem:s5], [sflag:$0x3], $0x4000, $0x38;
	[tilespmem:$0x9000] =	vst v63  }
0x115: {  	_ =	swait.ge [sflag:s3], $0x4000  }
0x116: {  	[sflag:s3] =	ssyncset.done $0x0  }
0x117: {  	[sflag:s3] =	ssyncadd.s32 $0xFFFFC000  }
0x118: {  	[tilespmem:s5], [sflag:$0x2] =	stream.indirect.gather [hbm4b:s4+s7], $0x80, s14, s7, $0xb8;
	[tilespmem:$0x9000] =	vst v63  }
0x119: {  	_ =	swait.ge [sflag:s9], $0x4000  }
0x11a: {  	[sflag:s9] =	ssyncset.done $0x0  }
0x11b: {  	s0 =	rddreg [dreg:$0x1e];
	[sflag:s9] =	ssyncadd.s32 $0xFFFFC000  }
0x11c: {  	[hbm4b:s0+s2] =	stream.linear.scatter [tilespmem:s6], [sflag:$0x3], $0x4000, $0x38;
	[tilespmem:$0x9000] =	vst v63  }
0x11d: {  	_ =	swait.ge [sflag:s3], $0x4000  }
0x11e: {  	[sflag:s3] =	ssyncset.done $0x0  }
0x11f: {  	[sflag:s3] =	ssyncadd.s32 $0xFFFFC000  }
0x120: {  	[tilespmem:s6], [sflag:$0x1] =	stream.indirect.gather [hbm4b:s4+s7], $0x80, s13, s7, $0xb8;
	[tilespmem:$0x9000] =	vst v63  }
0x121: {  	_ =	swait.ge [sflag:s8], $0x4000  }
0x122: {  	[sflag:s8] =	ssyncset.done $0x0  }
0x123: {  	s0 =	rddreg [dreg:$0x1f];
	[sflag:s8] =	ssyncadd.s32 $0xFFFFC000  }
0x124: {  	[hbm4b:s0+s2] =	stream.linear.scatter [tilespmem:s5], [sflag:$0x3], $0x4000, $0x38;
	[tilespmem:$0x9000] =	vst v63  }
0x125: {  	_ =	swait.ge [sflag:s3], $0x4000  }
0x126: {  	[sflag:s3] =	ssyncset.done $0x0  }
0x127: {  	[sflag:s3] =	ssyncadd.s32 $0xFFFFC000  }
0x128: {  	[tilespmem:s5], [sflag:$0x2] =	stream.indirect.gather [hbm4b:s4+s7], $0x80, s12, s7, $0xb8;
	[tilespmem:$0x9000] =	vst v63  }
0x129: {  	_ =	swait.ge [sflag:s9], $0x4000  }
0x12a: {  	s0 =	sld [smem:$0x7F1]  }
0x12b: {  	[sflag:s9] =	ssyncset.done $0x0  }
0x12c: {  	[sflag:s9] =	ssyncadd.s32 $0xFFFFC000  }
0x12d: {  	[hbm4b:s0+s2] =	stream.linear.scatter [tilespmem:s6], [sflag:$0x3], $0x4000, $0x38;
	[tilespmem:$0x9000] =	vst v63  }
0x12e: {  	_ =	swait.ge [sflag:s3], $0x4000  }
0x12f: {  	[sflag:s3] =	ssyncset.done $0x0  }
0x130: {  	[sflag:s3] =	ssyncadd.s32 $0xFFFFC000  }
0x131: {  	[tilespmem:s6], [sflag:$0x1] =	stream.indirect.gather [hbm4b:s4+s7], $0x80, s11, s7, $0xb8;
	[tilespmem:$0x9000] =	vst v63  }
0x132: {  	_ =	swait.ge [sflag:s8], $0x4000  }
0x133: {  	s0 =	sld [smem:$0x7F2]  }
0x134: {  	[sflag:s8] =	ssyncset.done $0x0  }
0x135: {  	[sflag:s8] =	ssyncadd.s32 $0xFFFFC000  }
0x136: {  	[hbm4b:s0+s2] =	stream.linear.scatter [tilespmem:s5], [sflag:$0x3], $0x4000, $0x38;
	[tilespmem:$0x9000] =	vst v63  }
0x137: {  	_ =	swait.ge [sflag:s3], $0x4000  }
0x138: {  	[sflag:s3] =	ssyncset.done $0x0  }
0x139: {  	[sflag:s3] =	ssyncadd.s32 $0xFFFFC000  }
0x13a: {  	[tilespmem:s5], [sflag:$0x2] =	stream.indirect.gather [hbm4b:s4+s7], $0x80, s10, s7, $0xb8;
	[tilespmem:$0x9000] =	vst v63  }
0x13b: {  	_ =	swait.ge [sflag:s9], $0x4000  }
0x13c: {  	s0 =	sld [smem:$0x7F3]  }
0x13d: {  	[sflag:s9] =	ssyncset.done $0x0  }
0x13e: {  	[sflag:s9] =	ssyncadd.s32 $0xFFFFC000  }
0x13f: {  	[hbm4b:s0+s2] =	stream.linear.scatter [tilespmem:s6], [sflag:$0x3], $0x4000, $0x38;
	[tilespmem:$0x9000] =	vst v63  }
0x140: {  	_ =	swait.ge [sflag:s3], $0x4000  }
0x141: {  	[sflag:s3] =	ssyncset.done $0x0  }
0x142: {  	[sflag:s3] =	ssyncadd.s32 $0xFFFFC000  }
0x143: {  	_ =	swait.ge [sflag:s8], $0x4000  }
0x144: {  	p1 =	sne.s32 s1, $0x1;
	s0 =	sld [smem:$0x7F4]  }
.Ltmp1:
0x145: {  	[sflag:s8] =	ssyncset.done $0x0;
	(pc) =	sbr.rel @!p1 .LBB2_3-.Ltmp1, $4  }
0x146: {  	[sflag:s8] =	ssyncadd.s32 $0xFFFFC000  }
0x147: {  	[hbm4b:s0+s2] =	stream.linear.scatter [tilespmem:s5], [sflag:$0x3], $0x4000, $0x38;
	[tilespmem:$0x9000] =	vst v63  }
0x148: {  	s1 =	sadd.s32 $0xFFFFFFFF, s1;
	_ =	swait.ge [sflag:s3], $0x4000  }
0x149: {  	p0 =	por $0x1, $0x1;
	s0 =	rddreg [dreg:$0x3];
	[sflag:s3] =	ssyncset.done $0x0  }
.LBB2_2:
0x14a: {  	[sflag:s3] =	ssyncadd.s32 $0xFFFFC000  }
0x14b: {  	[tilespmem:s2], [sflag:$0x3] =	stream.linear.gather [hbm4b:s0+s2], $0x1000, $0x38;
	[tilespmem:$0x9000] =	vst v63  }
0x14c: {  	_ =	swait.ge [sflag:s3], $0x1000  }
0x14d: {  	[sflag:s3] =	ssyncset.done $0x0  }
0x14e: {  	[sflag:s3] =	ssyncadd.s32 $0xFFFFF000  }
0x14f: {  	[tilespmem:s6], [sflag:$0x1] =	stream.indirect.gather [hbm4b:s4+s7], $0x80, s2, s7, $0xb8;
	[tilespmem:$0x9000] =	vst v63  }
0x150: {  	_ = 	snop  }
0x151: {  	[tilespmem:s5], [sflag:$0x2] =	stream.indirect.gather [hbm4b:s4+s7], $0x80, s7, s7, $0xb8;
	[tilespmem:$0x9000] =	vst v63  }
0x152: {  	_ =	swait.ge [sflag:s9], $0x4000  }
0x153: {  	[sflag:s9] =	ssyncset.done $0x0  }
0x154: {  	s0 =	rddreg [dreg:$0x4];
	[sflag:s9] =	ssyncadd.s32 $0xFFFFC000  }
0x155: {  	[hbm4b:s0+s2] =	stream.linear.scatter [tilespmem:s6], [sflag:$0x3], $0x4000, $0x38;
	[tilespmem:$0x9000] =	vst v63  }
0x156: {  	_ =	swait.ge [sflag:s3], $0x4000  }
0x157: {  	s0 =	sld [smem:$0x7F5]  }
0x158: {  	[sflag:s3] =	ssyncset.done $0x0  }
0x159: {  	[sflag:s3] =	ssyncadd.s32 $0xFFFFC000  }
0x15a: {  	[tilespmem:s6], [sflag:$0x1] =	stream.indirect.gather [hbm4b:s4+s7], $0x80, s0, s7, $0xb8;
	[tilespmem:$0x9000] =	vst v63  }
0x15b: {  	_ =	swait.ge [sflag:s8], $0x4000  }
0x15c: {  	[sflag:s8] =	ssyncset.done $0x0  }
0x15d: {  	s0 =	rddreg [dreg:$0x5];
	[sflag:s8] =	ssyncadd.s32 $0xFFFFC000  }
0x15e: {  	[hbm4b:s0+s2] =	stream.linear.scatter [tilespmem:s5], [sflag:$0x3], $0x4000, $0x38;
	[tilespmem:$0x9000] =	vst v63  }
0x15f: {  	_ =	swait.ge [sflag:s3], $0x4000  }
0x160: {  	s0 =	sld [smem:$0x7F6]  }
0x161: {  	[sflag:s3] =	ssyncset.done $0x0  }
0x162: {  	[sflag:s3] =	ssyncadd.s32 $0xFFFFC000  }
0x163: {  	[tilespmem:s5], [sflag:$0x2] =	stream.indirect.gather [hbm4b:s4+s7], $0x80, s0, s7, $0xb8;
	[tilespmem:$0x9000] =	vst v63  }
0x164: {  	_ =	swait.ge [sflag:s9], $0x4000  }
0x165: {  	[sflag:s9] =	ssyncset.done $0x0  }
0x166: {  	s0 =	rddreg [dreg:$0x6];
	[sflag:s9] =	ssyncadd.s32 $0xFFFFC000  }
0x167: {  	[hbm4b:s0+s2] =	stream.linear.scatter [tilespmem:s6], [sflag:$0x3], $0x4000, $0x38;
	[tilespmem:$0x9000] =	vst v63  }
0x168: {  	_ =	swait.ge [sflag:s3], $0x4000  }
0x169: {  	s0 =	sld [smem:$0x7F7]  }
0x16a: {  	[sflag:s3] =	ssyncset.done $0x0  }
0x16b: {  	[sflag:s3] =	ssyncadd.s32 $0xFFFFC000  }
0x16c: {  	[tilespmem:s6], [sflag:$0x1] =	stream.indirect.gather [hbm4b:s4+s7], $0x80, s0, s7, $0xb8;
	[tilespmem:$0x9000] =	vst v63  }
0x16d: {  	_ =	swait.ge [sflag:s8], $0x4000  }
0x16e: {  	[sflag:s8] =	ssyncset.done $0x0  }
0x16f: {  	s0 =	rddreg [dreg:$0x7];
	[sflag:s8] =	ssyncadd.s32 $0xFFFFC000  }
0x170: {  	[hbm4b:s0+s2] =	stream.linear.scatter [tilespmem:s5], [sflag:$0x3], $0x4000, $0x38;
	[tilespmem:$0x9000] =	vst v63  }
0x171: {  	_ =	swait.ge [sflag:s3], $0x4000  }
0x172: {  	s0 =	sld [smem:$0x7F8]  }
0x173: {  	[sflag:s3] =	ssyncset.done $0x0  }
0x174: {  	[sflag:s3] =	ssyncadd.s32 $0xFFFFC000  }
0x175: {  	[tilespmem:s5], [sflag:$0x2] =	stream.indirect.gather [hbm4b:s4+s7], $0x80, s0, s7, $0xb8;
	[tilespmem:$0x9000] =	vst v63  }
0x176: {  	_ =	swait.ge [sflag:s9], $0x4000  }
0x177: {  	[sflag:s9] =	ssyncset.done $0x0  }
0x178: {  	s0 =	rddreg [dreg:$0x8];
	[sflag:s9] =	ssyncadd.s32 $0xFFFFC000  }
0x179: {  	[hbm4b:s0+s2] =	stream.linear.scatter [tilespmem:s6], [sflag:$0x3], $0x4000, $0x38;
	[tilespmem:$0x9000] =	vst v63  }
0x17a: {  	_ =	swait.ge [sflag:s3], $0x4000  }
0x17b: {  	s0 =	sld [smem:$0x7F9]  }
0x17c: {  	[sflag:s3] =	ssyncset.done $0x0  }
0x17d: {  	[sflag:s3] =	ssyncadd.s32 $0xFFFFC000  }
0x17e: {  	[tilespmem:s6], [sflag:$0x1] =	stream.indirect.gather [hbm4b:s4+s7], $0x80, s0, s7, $0xb8;
	[tilespmem:$0x9000] =	vst v63  }
0x17f: {  	_ =	swait.ge [sflag:s8], $0x4000  }
0x180: {  	[sflag:s8] =	ssyncset.done $0x0  }
0x181: {  	s0 =	rddreg [dreg:$0x9];
	[sflag:s8] =	ssyncadd.s32 $0xFFFFC000  }
0x182: {  	[hbm4b:s0+s2] =	stream.linear.scatter [tilespmem:s5], [sflag:$0x3], $0x4000, $0x38;
	[tilespmem:$0x9000] =	vst v63  }
0x183: {  	_ =	swait.ge [sflag:s3], $0x4000  }
0x184: {  	s0 =	sld [smem:$0x7FA]  }
0x185: {  	[sflag:s3] =	ssyncset.done $0x0  }
0x186: {  	[sflag:s3] =	ssyncadd.s32 $0xFFFFC000  }
0x187: {  	[tilespmem:s5], [sflag:$0x2] =	stream.indirect.gather [hbm4b:s4+s7], $0x80, s0, s7, $0xb8;
	[tilespmem:$0x9000] =	vst v63  }
0x188: {  	_ =	swait.ge [sflag:s9], $0x4000  }
0x189: {  	[sflag:s9] =	ssyncset.done $0x0  }
0x18a: {  	s0 =	rddreg [dreg:$0xa];
	[sflag:s9] =	ssyncadd.s32 $0xFFFFC000  }
0x18b: {  	[hbm4b:s0+s2] =	stream.linear.scatter [tilespmem:s6], [sflag:$0x3], $0x4000, $0x38;
	[tilespmem:$0x9000] =	vst v63  }
0x18c: {  	_ =	swait.ge [sflag:s3], $0x4000  }
0x18d: {  	s0 =	sld [smem:$0x7FB]  }
0x18e: {  	[sflag:s3] =	ssyncset.done $0x0  }
0x18f: {  	[sflag:s3] =	ssyncadd.s32 $0xFFFFC000  }
0x190: {  	[tilespmem:s6], [sflag:$0x1] =	stream.indirect.gather [hbm4b:s4+s7], $0x80, s0, s7, $0xb8;
	[tilespmem:$0x9000] =	vst v63  }
0x191: {  	_ =	swait.ge [sflag:s8], $0x4000  }
0x192: {  	[sflag:s8] =	ssyncset.done $0x0  }
0x193: {  	s0 =	rddreg [dreg:$0xb];
	[sflag:s8] =	ssyncadd.s32 $0xFFFFC000  }
0x194: {  	[hbm4b:s0+s2] =	stream.linear.scatter [tilespmem:s5], [sflag:$0x3], $0x4000, $0x38;
	[tilespmem:$0x9000] =	vst v63  }
0x195: {  	_ =	swait.ge [sflag:s3], $0x4000  }
0x196: {  	s0 =	sld [smem:$0x7FC]  }
0x197: {  	[sflag:s3] =	ssyncset.done $0x0  }
0x198: {  	[sflag:s3] =	ssyncadd.s32 $0xFFFFC000  }
0x199: {  	[tilespmem:s5], [sflag:$0x2] =	stream.indirect.gather [hbm4b:s4+s7], $0x80, s0, s7, $0xb8;
	[tilespmem:$0x9000] =	vst v63  }
0x19a: {  	_ =	swait.ge [sflag:s9], $0x4000  }
0x19b: {  	[sflag:s9] =	ssyncset.done $0x0  }
0x19c: {  	s0 =	rddreg [dreg:$0xc];
	[sflag:s9] =	ssyncadd.s32 $0xFFFFC000  }
0x19d: {  	[hbm4b:s0+s2] =	stream.linear.scatter [tilespmem:s6], [sflag:$0x3], $0x4000, $0x38;
	[tilespmem:$0x9000] =	vst v63  }
0x19e: {  	_ =	swait.ge [sflag:s3], $0x4000  }
0x19f: {  	s0 =	sld [smem:$0x7FD]  }
0x1a0: {  	[sflag:s3] =	ssyncset.done $0x0  }
0x1a1: {  	[sflag:s3] =	ssyncadd.s32 $0xFFFFC000  }
0x1a2: {  	[tilespmem:s6], [sflag:$0x1] =	stream.indirect.gather [hbm4b:s4+s7], $0x80, s0, s7, $0xb8;
	[tilespmem:$0x9000] =	vst v63  }
0x1a3: {  	_ =	swait.ge [sflag:s8], $0x4000  }
0x1a4: {  	[sflag:s8] =	ssyncset.done $0x0  }
0x1a5: {  	s0 =	rddreg [dreg:$0xd];
	[sflag:s8] =	ssyncadd.s32 $0xFFFFC000  }
0x1a6: {  	[hbm4b:s0+s2] =	stream.linear.scatter [tilespmem:s5], [sflag:$0x3], $0x4000, $0x38;
	[tilespmem:$0x9000] =	vst v63  }
0x1a7: {  	_ =	swait.ge [sflag:s3], $0x4000  }
0x1a8: {  	[sflag:s3] =	ssyncset.done $0x0  }
0x1a9: {  	[sflag:s3] =	ssyncadd.s32 $0xFFFFC000  }
0x1aa: {  	[tilespmem:s5], [sflag:$0x2] =	stream.indirect.gather [hbm4b:s4+s7], $0x80, s31, s7, $0xb8;
	[tilespmem:$0x9000] =	vst v63  }
0x1ab: {  	_ =	swait.ge [sflag:s9], $0x4000  }
0x1ac: {  	[sflag:s9] =	ssyncset.done $0x0  }
0x1ad: {  	s0 =	rddreg [dreg:$0xe];
	[sflag:s9] =	ssyncadd.s32 $0xFFFFC000  }
0x1ae: {  	[hbm4b:s0+s2] =	stream.linear.scatter [tilespmem:s6], [sflag:$0x3], $0x4000, $0x38;
	[tilespmem:$0x9000] =	vst v63  }
0x1af: {  	_ =	swait.ge [sflag:s3], $0x4000  }
0x1b0: {  	[sflag:s3] =	ssyncset.done $0x0  }
0x1b1: {  	[sflag:s3] =	ssyncadd.s32 $0xFFFFC000  }
0x1b2: {  	[tilespmem:s6], [sflag:$0x1] =	stream.indirect.gather [hbm4b:s4+s7], $0x80, s30, s7, $0xb8;
	[tilespmem:$0x9000] =	vst v63  }
0x1b3: {  	_ =	swait.ge [sflag:s8], $0x4000  }
0x1b4: {  	[sflag:s8] =	ssyncset.done $0x0  }
0x1b5: {  	s0 =	rddreg [dreg:$0xf];
	[sflag:s8] =	ssyncadd.s32 $0xFFFFC000  }
0x1b6: {  	[hbm4b:s0+s2] =	stream.linear.scatter [tilespmem:s5], [sflag:$0x3], $0x4000, $0x38;
	[tilespmem:$0x9000] =	vst v63  }
0x1b7: {  	_ =	swait.ge [sflag:s3], $0x4000  }
0x1b8: {  	[sflag:s3] =	ssyncset.done $0x0  }
0x1b9: {  	[sflag:s3] =	ssyncadd.s32 $0xFFFFC000  }
0x1ba: {  	[tilespmem:s5], [sflag:$0x2] =	stream.indirect.gather [hbm4b:s4+s7], $0x80, s29, s7, $0xb8;
	[tilespmem:$0x9000] =	vst v63  }
0x1bb: {  	_ =	swait.ge [sflag:s9], $0x4000  }
0x1bc: {  	[sflag:s9] =	ssyncset.done $0x0  }
0x1bd: {  	s0 =	rddreg [dreg:$0x10];
	[sflag:s9] =	ssyncadd.s32 $0xFFFFC000  }
0x1be: {  	[hbm4b:s0+s2] =	stream.linear.scatter [tilespmem:s6], [sflag:$0x3], $0x4000, $0x38;
	[tilespmem:$0x9000] =	vst v63  }
0x1bf: {  	_ =	swait.ge [sflag:s3], $0x4000  }
0x1c0: {  	[sflag:s3] =	ssyncset.done $0x0  }
0x1c1: {  	[sflag:s3] =	ssyncadd.s32 $0xFFFFC000  }
0x1c2: {  	[tilespmem:s6], [sflag:$0x1] =	stream.indirect.gather [hbm4b:s4+s7], $0x80, s28, s7, $0xb8;
	[tilespmem:$0x9000] =	vst v63  }
0x1c3: {  	_ =	swait.ge [sflag:s8], $0x4000  }
0x1c4: {  	[sflag:s8] =	ssyncset.done $0x0  }
0x1c5: {  	s0 =	rddreg [dreg:$0x11];
	[sflag:s8] =	ssyncadd.s32 $0xFFFFC000  }
0x1c6: {  	[hbm4b:s0+s2] =	stream.linear.scatter [tilespmem:s5], [sflag:$0x3], $0x4000, $0x38;
	[tilespmem:$0x9000] =	vst v63  }
0x1c7: {  	_ =	swait.ge [sflag:s3], $0x4000  }
0x1c8: {  	[sflag:s3] =	ssyncset.done $0x0  }
0x1c9: {  	[sflag:s3] =	ssyncadd.s32 $0xFFFFC000  }
0x1ca: {  	[tilespmem:s5], [sflag:$0x2] =	stream.indirect.gather [hbm4b:s4+s7], $0x80, s26, s7, $0xb8;
	[tilespmem:$0x9000] =	vst v63  }
0x1cb: {  	_ =	swait.ge [sflag:s9], $0x4000  }
0x1cc: {  	[sflag:s9] =	ssyncset.done $0x0  }
0x1cd: {  	s0 =	rddreg [dreg:$0x12];
	[sflag:s9] =	ssyncadd.s32 $0xFFFFC000  }
0x1ce: {  	[hbm4b:s0+s2] =	stream.linear.scatter [tilespmem:s6], [sflag:$0x3], $0x4000, $0x38;
	[tilespmem:$0x9000] =	vst v63  }
0x1cf: {  	_ =	swait.ge [sflag:s3], $0x4000  }
0x1d0: {  	[sflag:s3] =	ssyncset.done $0x0  }
0x1d1: {  	[sflag:s3] =	ssyncadd.s32 $0xFFFFC000  }
0x1d2: {  	[tilespmem:s6], [sflag:$0x1] =	stream.indirect.gather [hbm4b:s4+s7], $0x80, s25, s7, $0xb8;
	[tilespmem:$0x9000] =	vst v63  }
0x1d3: {  	_ =	swait.ge [sflag:s8], $0x4000  }
0x1d4: {  	[sflag:s8] =	ssyncset.done $0x0  }
0x1d5: {  	s0 =	rddreg [dreg:$0x13];
	[sflag:s8] =	ssyncadd.s32 $0xFFFFC000  }
0x1d6: {  	[hbm4b:s0+s2] =	stream.linear.scatter [tilespmem:s5], [sflag:$0x3], $0x4000, $0x38;
	[tilespmem:$0x9000] =	vst v63  }
0x1d7: {  	_ =	swait.ge [sflag:s3], $0x4000  }
0x1d8: {  	[sflag:s3] =	ssyncset.done $0x0  }
0x1d9: {  	[sflag:s3] =	ssyncadd.s32 $0xFFFFC000  }
0x1da: {  	[tilespmem:s5], [sflag:$0x2] =	stream.indirect.gather [hbm4b:s4+s7], $0x80, s24, s7, $0xb8;
	[tilespmem:$0x9000] =	vst v63  }
0x1db: {  	_ =	swait.ge [sflag:s9], $0x4000  }
0x1dc: {  	[sflag:s9] =	ssyncset.done $0x0  }
0x1dd: {  	s0 =	rddreg [dreg:$0x14];
	[sflag:s9] =	ssyncadd.s32 $0xFFFFC000  }
0x1de: {  	[hbm4b:s0+s2] =	stream.linear.scatter [tilespmem:s6], [sflag:$0x3], $0x4000, $0x38;
	[tilespmem:$0x9000] =	vst v63  }
0x1df: {  	_ =	swait.ge [sflag:s3], $0x4000  }
0x1e0: {  	[sflag:s3] =	ssyncset.done $0x0  }
0x1e1: {  	[sflag:s3] =	ssyncadd.s32 $0xFFFFC000  }
0x1e2: {  	[tilespmem:s6], [sflag:$0x1] =	stream.indirect.gather [hbm4b:s4+s7], $0x80, s23, s7, $0xb8;
	[tilespmem:$0x9000] =	vst v63  }
0x1e3: {  	_ =	swait.ge [sflag:s8], $0x4000  }
0x1e4: {  	[sflag:s8] =	ssyncset.done $0x0  }
0x1e5: {  	s0 =	rddreg [dreg:$0x15];
	[sflag:s8] =	ssyncadd.s32 $0xFFFFC000  }
0x1e6: {  	[hbm4b:s0+s2] =	stream.linear.scatter [tilespmem:s5], [sflag:$0x3], $0x4000, $0x38;
	[tilespmem:$0x9000] =	vst v63  }
0x1e7: {  	_ =	swait.ge [sflag:s3], $0x4000  }
0x1e8: {  	[sflag:s3] =	ssyncset.done $0x0  }
0x1e9: {  	[sflag:s3] =	ssyncadd.s32 $0xFFFFC000  }
0x1ea: {  	[tilespmem:s5], [sflag:$0x2] =	stream.indirect.gather [hbm4b:s4+s7], $0x80, s22, s7, $0xb8;
	[tilespmem:$0x9000] =	vst v63  }
0x1eb: {  	_ =	swait.ge [sflag:s9], $0x4000  }
0x1ec: {  	[sflag:s9] =	ssyncset.done $0x0  }
0x1ed: {  	s0 =	rddreg [dreg:$0x16];
	[sflag:s9] =	ssyncadd.s32 $0xFFFFC000  }
0x1ee: {  	[hbm4b:s0+s2] =	stream.linear.scatter [tilespmem:s6], [sflag:$0x3], $0x4000, $0x38;
	[tilespmem:$0x9000] =	vst v63  }
0x1ef: {  	_ =	swait.ge [sflag:s3], $0x4000  }
0x1f0: {  	[sflag:s3] =	ssyncset.done $0x0  }
0x1f1: {  	[sflag:s3] =	ssyncadd.s32 $0xFFFFC000  }
0x1f2: {  	[tilespmem:s6], [sflag:$0x1] =	stream.indirect.gather [hbm4b:s4+s7], $0x80, s21, s7, $0xb8;
	[tilespmem:$0x9000] =	vst v63  }
0x1f3: {  	_ =	swait.ge [sflag:s8], $0x4000  }
0x1f4: {  	[sflag:s8] =	ssyncset.done $0x0  }
0x1f5: {  	s0 =	rddreg [dreg:$0x17];
	[sflag:s8] =	ssyncadd.s32 $0xFFFFC000  }
0x1f6: {  	[hbm4b:s0+s2] =	stream.linear.scatter [tilespmem:s5], [sflag:$0x3], $0x4000, $0x38;
	[tilespmem:$0x9000] =	vst v63  }
0x1f7: {  	_ =	swait.ge [sflag:s3], $0x4000  }
0x1f8: {  	[sflag:s3] =	ssyncset.done $0x0  }
0x1f9: {  	[sflag:s3] =	ssyncadd.s32 $0xFFFFC000  }
0x1fa: {  	[tilespmem:s5], [sflag:$0x2] =	stream.indirect.gather [hbm4b:s4+s7], $0x80, s20, s7, $0xb8;
	[tilespmem:$0x9000] =	vst v63  }
0x1fb: {  	_ =	swait.ge [sflag:s9], $0x4000  }
0x1fc: {  	[sflag:s9] =	ssyncset.done $0x0  }
0x1fd: {  	s0 =	rddreg [dreg:$0x18];
	[sflag:s9] =	ssyncadd.s32 $0xFFFFC000  }
0x1fe: {  	[hbm4b:s0+s2] =	stream.linear.scatter [tilespmem:s6], [sflag:$0x3], $0x4000, $0x38;
	[tilespmem:$0x9000] =	vst v63  }
0x1ff: {  	_ =	swait.ge [sflag:s3], $0x4000  }
0x200: {  	[sflag:s3] =	ssyncset.done $0x0  }
0x201: {  	[sflag:s3] =	ssyncadd.s32 $0xFFFFC000  }
0x202: {  	[tilespmem:s6], [sflag:$0x1] =	stream.indirect.gather [hbm4b:s4+s7], $0x80, s19, s7, $0xb8;
	[tilespmem:$0x9000] =	vst v63  }
0x203: {  	_ =	swait.ge [sflag:s8], $0x4000  }
0x204: {  	[sflag:s8] =	ssyncset.done $0x0  }
0x205: {  	s0 =	rddreg [dreg:$0x19];
	[sflag:s8] =	ssyncadd.s32 $0xFFFFC000  }
0x206: {  	[hbm4b:s0+s2] =	stream.linear.scatter [tilespmem:s5], [sflag:$0x3], $0x4000, $0x38;
	[tilespmem:$0x9000] =	vst v63  }
0x207: {  	_ =	swait.ge [sflag:s3], $0x4000  }
0x208: {  	[sflag:s3] =	ssyncset.done $0x0  }
0x209: {  	[sflag:s3] =	ssyncadd.s32 $0xFFFFC000  }
0x20a: {  	[tilespmem:s5], [sflag:$0x2] =	stream.indirect.gather [hbm4b:s4+s7], $0x80, s18, s7, $0xb8;
	[tilespmem:$0x9000] =	vst v63  }
0x20b: {  	_ =	swait.ge [sflag:s9], $0x4000  }
0x20c: {  	[sflag:s9] =	ssyncset.done $0x0  }
0x20d: {  	s0 =	rddreg [dreg:$0x1a];
	[sflag:s9] =	ssyncadd.s32 $0xFFFFC000  }
0x20e: {  	[hbm4b:s0+s2] =	stream.linear.scatter [tilespmem:s6], [sflag:$0x3], $0x4000, $0x38;
	[tilespmem:$0x9000] =	vst v63  }
0x20f: {  	_ =	swait.ge [sflag:s3], $0x4000  }
0x210: {  	[sflag:s3] =	ssyncset.done $0x0  }
0x211: {  	[sflag:s3] =	ssyncadd.s32 $0xFFFFC000  }
0x212: {  	[tilespmem:s6], [sflag:$0x1] =	stream.indirect.gather [hbm4b:s4+s7], $0x80, s17, s7, $0xb8;
	[tilespmem:$0x9000] =	vst v63  }
0x213: {  	_ =	swait.ge [sflag:s8], $0x4000  }
0x214: {  	[sflag:s8] =	ssyncset.done $0x0  }
0x215: {  	s0 =	rddreg [dreg:$0x1b];
	[sflag:s8] =	ssyncadd.s32 $0xFFFFC000  }
0x216: {  	[hbm4b:s0+s2] =	stream.linear.scatter [tilespmem:s5], [sflag:$0x3], $0x4000, $0x38;
	[tilespmem:$0x9000] =	vst v63  }
0x217: {  	_ =	swait.ge [sflag:s3], $0x4000  }
0x218: {  	[sflag:s3] =	ssyncset.done $0x0  }
0x219: {  	[sflag:s3] =	ssyncadd.s32 $0xFFFFC000  }
0x21a: {  	[tilespmem:s5], [sflag:$0x2] =	stream.indirect.gather [hbm4b:s4+s7], $0x80, s16, s7, $0xb8;
	[tilespmem:$0x9000] =	vst v63  }
0x21b: {  	_ =	swait.ge [sflag:s9], $0x4000  }
0x21c: {  	[sflag:s9] =	ssyncset.done $0x0  }
0x21d: {  	s0 =	rddreg [dreg:$0x1c];
	[sflag:s9] =	ssyncadd.s32 $0xFFFFC000  }
0x21e: {  	[hbm4b:s0+s2] =	stream.linear.scatter [tilespmem:s6], [sflag:$0x3], $0x4000, $0x38;
	[tilespmem:$0x9000] =	vst v63  }
0x21f: {  	_ =	swait.ge [sflag:s3], $0x4000  }
0x220: {  	[sflag:s3] =	ssyncset.done $0x0  }
0x221: {  	[sflag:s3] =	ssyncadd.s32 $0xFFFFC000  }
0x222: {  	[tilespmem:s6], [sflag:$0x1] =	stream.indirect.gather [hbm4b:s4+s7], $0x80, s15, s7, $0xb8;
	[tilespmem:$0x9000] =	vst v63  }
0x223: {  	_ =	swait.ge [sflag:s8], $0x4000  }
0x224: {  	[sflag:s8] =	ssyncset.done $0x0  }
0x225: {  	s0 =	rddreg [dreg:$0x1d];
	[sflag:s8] =	ssyncadd.s32 $0xFFFFC000  }
0x226: {  	[hbm4b:s0+s2] =	stream.linear.scatter [tilespmem:s5], [sflag:$0x3], $0x4000, $0x38;
	[tilespmem:$0x9000] =	vst v63  }
0x227: {  	_ =	swait.ge [sflag:s3], $0x4000  }
0x228: {  	[sflag:s3] =	ssyncset.done $0x0  }
0x229: {  	[sflag:s3] =	ssyncadd.s32 $0xFFFFC000  }
0x22a: {  	[tilespmem:s5], [sflag:$0x2] =	stream.indirect.gather [hbm4b:s4+s7], $0x80, s14, s7, $0xb8;
	[tilespmem:$0x9000] =	vst v63  }
0x22b: {  	_ =	swait.ge [sflag:s9], $0x4000  }
0x22c: {  	[sflag:s9] =	ssyncset.done $0x0  }
0x22d: {  	s0 =	rddreg [dreg:$0x1e];
	[sflag:s9] =	ssyncadd.s32 $0xFFFFC000  }
0x22e: {  	[hbm4b:s0+s2] =	stream.linear.scatter [tilespmem:s6], [sflag:$0x3], $0x4000, $0x38;
	[tilespmem:$0x9000] =	vst v63  }
0x22f: {  	_ =	swait.ge [sflag:s3], $0x4000  }
0x230: {  	[sflag:s3] =	ssyncset.done $0x0  }
0x231: {  	[sflag:s3] =	ssyncadd.s32 $0xFFFFC000  }
0x232: {  	[tilespmem:s6], [sflag:$0x1] =	stream.indirect.gather [hbm4b:s4+s7], $0x80, s13, s7, $0xb8;
	[tilespmem:$0x9000] =	vst v63  }
0x233: {  	_ =	swait.ge [sflag:s8], $0x4000  }
0x234: {  	[sflag:s8] =	ssyncset.done $0x0  }
0x235: {  	s0 =	rddreg [dreg:$0x1f];
	[sflag:s8] =	ssyncadd.s32 $0xFFFFC000  }
0x236: {  	[hbm4b:s0+s2] =	stream.linear.scatter [tilespmem:s5], [sflag:$0x3], $0x4000, $0x38;
	[tilespmem:$0x9000] =	vst v63  }
0x237: {  	_ =	swait.ge [sflag:s3], $0x4000  }
0x238: {  	[sflag:s3] =	ssyncset.done $0x0  }
0x239: {  	[sflag:s3] =	ssyncadd.s32 $0xFFFFC000  }
0x23a: {  	[tilespmem:s5], [sflag:$0x2] =	stream.indirect.gather [hbm4b:s4+s7], $0x80, s12, s7, $0xb8;
	[tilespmem:$0x9000] =	vst v63  }
0x23b: {  	_ =	swait.ge [sflag:s9], $0x4000  }
0x23c: {  	s0 =	sld [smem:$0x7F1]  }
0x23d: {  	[sflag:s9] =	ssyncset.done $0x0  }
0x23e: {  	[sflag:s9] =	ssyncadd.s32 $0xFFFFC000  }
0x23f: {  	[hbm4b:s0+s2] =	stream.linear.scatter [tilespmem:s6], [sflag:$0x3], $0x4000, $0x38;
	[tilespmem:$0x9000] =	vst v63  }
0x240: {  	_ =	swait.ge [sflag:s3], $0x4000  }
0x241: {  	[sflag:s3] =	ssyncset.done $0x0  }
0x242: {  	[sflag:s3] =	ssyncadd.s32 $0xFFFFC000  }
0x243: {  	[tilespmem:s6], [sflag:$0x1] =	stream.indirect.gather [hbm4b:s4+s7], $0x80, s11, s7, $0xb8;
	[tilespmem:$0x9000] =	vst v63  }
0x244: {  	_ =	swait.ge [sflag:s8], $0x4000  }
0x245: {  	s0 =	sld [smem:$0x7F2]  }
0x246: {  	[sflag:s8] =	ssyncset.done $0x0  }
0x247: {  	[sflag:s8] =	ssyncadd.s32 $0xFFFFC000  }
0x248: {  	[hbm4b:s0+s2] =	stream.linear.scatter [tilespmem:s5], [sflag:$0x3], $0x4000, $0x38;
	[tilespmem:$0x9000] =	vst v63  }
0x249: {  	_ =	swait.ge [sflag:s3], $0x4000  }
0x24a: {  	[sflag:s3] =	ssyncset.done $0x0  }
0x24b: {  	[sflag:s3] =	ssyncadd.s32 $0xFFFFC000  }
0x24c: {  	[tilespmem:s5], [sflag:$0x2] =	stream.indirect.gather [hbm4b:s4+s7], $0x80, s10, s7, $0xb8;
	[tilespmem:$0x9000] =	vst v63  }
0x24d: {  	_ =	swait.ge [sflag:s9], $0x4000  }
0x24e: {  	s0 =	sld [smem:$0x7F3]  }
0x24f: {  	[sflag:s9] =	ssyncset.done $0x0  }
0x250: {  	[sflag:s9] =	ssyncadd.s32 $0xFFFFC000  }
0x251: {  	[hbm4b:s0+s2] =	stream.linear.scatter [tilespmem:s6], [sflag:$0x3], $0x4000, $0x38;
	[tilespmem:$0x9000] =	vst v63  }
0x252: {  	_ =	swait.ge [sflag:s3], $0x4000  }
0x253: {  	[sflag:s3] =	ssyncset.done $0x0  }
0x254: {  	[sflag:s3] =	ssyncadd.s32 $0xFFFFC000  }
0x255: {  	_ =	swait.ge [sflag:s8], $0x4000  }
0x256: {  	p1 =	sne.s32 s1, $0x1;
	s0 =	sld [smem:$0x7F4]  }
.Ltmp2:
0x257: {  	[sflag:s8] =	ssyncset.done $0x0;
	(pc) =	sbr.rel @p1 .LBB2_2-.Ltmp2, $4  }
0x258: {  	[sflag:s8] =	ssyncadd.s32 $0xFFFFC000  }
0x259: {  	[hbm4b:s0+s2] =	stream.linear.scatter [tilespmem:s5], [sflag:$0x3], $0x4000, $0x38;
	[tilespmem:$0x9000] =	vst v63  }
0x25a: {  	_ =	swait.ge [sflag:s3], $0x4000  }
0x25b: {  	s1 =	sadd.s32 $0xFFFFFFFF, s1;
	s0 =	rddreg [dreg:$0x3];
	[sflag:s3] =	ssyncset.done $0x0  }
.LBB2_3:
0x25c: {  	[sflag:s3] =	ssyncadd.s32 @p0 $0xFFFFC000  }
0x25d: {  	[tilespmem:s2], [sflag:$0x3] =	stream.linear.gather [hbm4b:s0+s2], $0x1000, $0x38;
	[tilespmem:$0x9000] =	vst v63  }
0x25e: {  	_ =	swait.ge [sflag:s3], $0x1000  }
0x25f: {  	[sflag:s3] =	ssyncset.done $0x0  }
0x260: {  	[sflag:s3] =	ssyncadd.s32 $0xFFFFF000  }
0x261: {  	[tilespmem:s6], [sflag:$0x1] =	stream.indirect.gather [hbm4b:s4+s7], $0x80, s2, s7, $0xb8;
	[tilespmem:$0x9000] =	vst v63  }
0x262: {  	_ = 	snop  }
0x263: {  	[tilespmem:s5], [sflag:$0x2] =	stream.indirect.gather [hbm4b:s4+s7], $0x80, s7, s7, $0xb8;
	[tilespmem:$0x9000] =	vst v63  }
0x264: {  	_ =	swait.ge [sflag:s9], $0x4000  }
0x265: {  	[sflag:s9] =	ssyncset.done $0x0  }
0x266: {  	s1 =	rddreg [dreg:$0x4];
	[sflag:s9] =	ssyncadd.s32 $0xFFFFC000  }
0x267: {  	[hbm4b:s1+s2] =	stream.linear.scatter [tilespmem:s6], [sflag:$0x3], $0x4000, $0x38;
	[tilespmem:$0x9000] =	vst v63  }
0x268: {  	_ =	swait.ge [sflag:s3], $0x4000  }
0x269: {  	s1 =	sld [smem:$0x7F5]  }
0x26a: {  	[sflag:s3] =	ssyncset.done $0x0  }
0x26b: {  	[sflag:s3] =	ssyncadd.s32 $0xFFFFC000  }
0x26c: {  	[tilespmem:s6], [sflag:$0x1] =	stream.indirect.gather [hbm4b:s4+s7], $0x80, s1, s7, $0xb8;
	[tilespmem:$0x9000] =	vst v63  }
0x26d: {  	_ =	swait.ge [sflag:s8], $0x4000  }
0x26e: {  	[sflag:s8] =	ssyncset.done $0x0  }
0x26f: {  	s1 =	rddreg [dreg:$0x5];
	[sflag:s8] =	ssyncadd.s32 $0xFFFFC000  }
0x270: {  	[hbm4b:s1+s2] =	stream.linear.scatter [tilespmem:s5], [sflag:$0x3], $0x4000, $0x38;
	[tilespmem:$0x9000] =	vst v63  }
0x271: {  	_ =	swait.ge [sflag:s3], $0x4000  }
0x272: {  	s1 =	sld [smem:$0x7F6]  }
0x273: {  	[sflag:s3] =	ssyncset.done $0x0  }
0x274: {  	[sflag:s3] =	ssyncadd.s32 $0xFFFFC000  }
0x275: {  	[tilespmem:s5], [sflag:$0x2] =	stream.indirect.gather [hbm4b:s4+s7], $0x80, s1, s7, $0xb8;
	[tilespmem:$0x9000] =	vst v63  }
0x276: {  	_ =	swait.ge [sflag:s9], $0x4000  }
0x277: {  	[sflag:s9] =	ssyncset.done $0x0  }
0x278: {  	s1 =	rddreg [dreg:$0x6];
	[sflag:s9] =	ssyncadd.s32 $0xFFFFC000  }
0x279: {  	[hbm4b:s1+s2] =	stream.linear.scatter [tilespmem:s6], [sflag:$0x3], $0x4000, $0x38;
	[tilespmem:$0x9000] =	vst v63  }
0x27a: {  	_ =	swait.ge [sflag:s3], $0x4000  }
0x27b: {  	s1 =	sld [smem:$0x7F7]  }
0x27c: {  	[sflag:s3] =	ssyncset.done $0x0  }
0x27d: {  	[sflag:s3] =	ssyncadd.s32 $0xFFFFC000  }
0x27e: {  	[tilespmem:s6], [sflag:$0x1] =	stream.indirect.gather [hbm4b:s4+s7], $0x80, s1, s7, $0xb8;
	[tilespmem:$0x9000] =	vst v63  }
0x27f: {  	_ =	swait.ge [sflag:s8], $0x4000  }
0x280: {  	[sflag:s8] =	ssyncset.done $0x0  }
0x281: {  	s1 =	rddreg [dreg:$0x7];
	[sflag:s8] =	ssyncadd.s32 $0xFFFFC000  }
0x282: {  	[hbm4b:s1+s2] =	stream.linear.scatter [tilespmem:s5], [sflag:$0x3], $0x4000, $0x38;
	[tilespmem:$0x9000] =	vst v63  }
0x283: {  	_ =	swait.ge [sflag:s3], $0x4000  }
0x284: {  	s1 =	sld [smem:$0x7F8]  }
0x285: {  	[sflag:s3] =	ssyncset.done $0x0  }
0x286: {  	[sflag:s3] =	ssyncadd.s32 $0xFFFFC000  }
0x287: {  	[tilespmem:s5], [sflag:$0x2] =	stream.indirect.gather [hbm4b:s4+s7], $0x80, s1, s7, $0xb8;
	[tilespmem:$0x9000] =	vst v63  }
0x288: {  	_ =	swait.ge [sflag:s9], $0x4000  }
0x289: {  	[sflag:s9] =	ssyncset.done $0x0  }
0x28a: {  	s1 =	rddreg [dreg:$0x8];
	[sflag:s9] =	ssyncadd.s32 $0xFFFFC000  }
0x28b: {  	[hbm4b:s1+s2] =	stream.linear.scatter [tilespmem:s6], [sflag:$0x3], $0x4000, $0x38;
	[tilespmem:$0x9000] =	vst v63  }
0x28c: {  	_ =	swait.ge [sflag:s3], $0x4000  }
0x28d: {  	s1 =	sld [smem:$0x7F9]  }
0x28e: {  	[sflag:s3] =	ssyncset.done $0x0  }
0x28f: {  	[sflag:s3] =	ssyncadd.s32 $0xFFFFC000  }
0x290: {  	[tilespmem:s6], [sflag:$0x1] =	stream.indirect.gather [hbm4b:s4+s7], $0x80, s1, s7, $0xb8;
	[tilespmem:$0x9000] =	vst v63  }
0x291: {  	_ =	swait.ge [sflag:s8], $0x4000  }
0x292: {  	[sflag:s8] =	ssyncset.done $0x0  }
0x293: {  	s1 =	rddreg [dreg:$0x9];
	[sflag:s8] =	ssyncadd.s32 $0xFFFFC000  }
0x294: {  	[hbm4b:s1+s2] =	stream.linear.scatter [tilespmem:s5], [sflag:$0x3], $0x4000, $0x38;
	[tilespmem:$0x9000] =	vst v63  }
0x295: {  	_ =	swait.ge [sflag:s3], $0x4000  }
0x296: {  	s1 =	sld [smem:$0x7FA]  }
0x297: {  	[sflag:s3] =	ssyncset.done $0x0  }
0x298: {  	[sflag:s3] =	ssyncadd.s32 $0xFFFFC000  }
0x299: {  	[tilespmem:s5], [sflag:$0x2] =	stream.indirect.gather [hbm4b:s4+s7], $0x80, s1, s7, $0xb8;
	[tilespmem:$0x9000] =	vst v63  }
0x29a: {  	_ =	swait.ge [sflag:s9], $0x4000  }
0x29b: {  	[sflag:s9] =	ssyncset.done $0x0  }
0x29c: {  	s1 =	rddreg [dreg:$0xa];
	[sflag:s9] =	ssyncadd.s32 $0xFFFFC000  }
0x29d: {  	[hbm4b:s1+s2] =	stream.linear.scatter [tilespmem:s6], [sflag:$0x3], $0x4000, $0x38;
	[tilespmem:$0x9000] =	vst v63  }
0x29e: {  	_ =	swait.ge [sflag:s3], $0x4000  }
0x29f: {  	s1 =	sld [smem:$0x7FB]  }
0x2a0: {  	[sflag:s3] =	ssyncset.done $0x0  }
0x2a1: {  	[sflag:s3] =	ssyncadd.s32 $0xFFFFC000  }
0x2a2: {  	[tilespmem:s6], [sflag:$0x1] =	stream.indirect.gather [hbm4b:s4+s7], $0x80, s1, s7, $0xb8;
	[tilespmem:$0x9000] =	vst v63  }
0x2a3: {  	_ =	swait.ge [sflag:s8], $0x4000  }
0x2a4: {  	[sflag:s8] =	ssyncset.done $0x0  }
0x2a5: {  	s1 =	rddreg [dreg:$0xb];
	[sflag:s8] =	ssyncadd.s32 $0xFFFFC000  }
0x2a6: {  	[hbm4b:s1+s2] =	stream.linear.scatter [tilespmem:s5], [sflag:$0x3], $0x4000, $0x38;
	[tilespmem:$0x9000] =	vst v63  }
0x2a7: {  	_ =	swait.ge [sflag:s3], $0x4000  }
0x2a8: {  	s1 =	sld [smem:$0x7FC]  }
0x2a9: {  	[sflag:s3] =	ssyncset.done $0x0  }
0x2aa: {  	[sflag:s3] =	ssyncadd.s32 $0xFFFFC000  }
0x2ab: {  	[tilespmem:s5], [sflag:$0x2] =	stream.indirect.gather [hbm4b:s4+s7], $0x80, s1, s7, $0xb8;
	[tilespmem:$0x9000] =	vst v63  }
0x2ac: {  	_ =	swait.ge [sflag:s9], $0x4000  }
0x2ad: {  	[sflag:s9] =	ssyncset.done $0x0  }
0x2ae: {  	s1 =	rddreg [dreg:$0xc];
	[sflag:s9] =	ssyncadd.s32 $0xFFFFC000  }
0x2af: {  	[hbm4b:s1+s2] =	stream.linear.scatter [tilespmem:s6], [sflag:$0x3], $0x4000, $0x38;
	[tilespmem:$0x9000] =	vst v63  }
0x2b0: {  	_ =	swait.ge [sflag:s3], $0x4000  }
0x2b1: {  	s1 =	sld [smem:$0x7FD]  }
0x2b2: {  	[sflag:s3] =	ssyncset.done $0x0  }
0x2b3: {  	[sflag:s3] =	ssyncadd.s32 $0xFFFFC000  }
0x2b4: {  	[tilespmem:s6], [sflag:$0x1] =	stream.indirect.gather [hbm4b:s4+s7], $0x80, s1, s7, $0xb8;
	[tilespmem:$0x9000] =	vst v63  }
0x2b5: {  	_ =	swait.ge [sflag:s8], $0x4000  }
0x2b6: {  	[sflag:s8] =	ssyncset.done $0x0  }
0x2b7: {  	s1 =	rddreg [dreg:$0xd];
	[sflag:s8] =	ssyncadd.s32 $0xFFFFC000  }
0x2b8: {  	[hbm4b:s1+s2] =	stream.linear.scatter [tilespmem:s5], [sflag:$0x3], $0x4000, $0x38;
	[tilespmem:$0x9000] =	vst v63  }
0x2b9: {  	_ =	swait.ge [sflag:s3], $0x4000  }
0x2ba: {  	[sflag:s3] =	ssyncset.done $0x0  }
0x2bb: {  	[sflag:s3] =	ssyncadd.s32 $0xFFFFC000  }
0x2bc: {  	[tilespmem:s5], [sflag:$0x2] =	stream.indirect.gather [hbm4b:s4+s7], $0x80, s31, s7, $0xb8;
	[tilespmem:$0x9000] =	vst v63  }
0x2bd: {  	_ =	swait.ge [sflag:s9], $0x4000  }
0x2be: {  	[sflag:s9] =	ssyncset.done $0x0  }
0x2bf: {  	s31 =	rddreg [dreg:$0xe];
	[sflag:s9] =	ssyncadd.s32 $0xFFFFC000  }
0x2c0: {  	[hbm4b:s31+s2] =	stream.linear.scatter [tilespmem:s6], [sflag:$0x3], $0x4000, $0x38;
	[tilespmem:$0x9000] =	vst v63  }
0x2c1: {  	_ =	swait.ge [sflag:s3], $0x4000  }
0x2c2: {  	[sflag:s3] =	ssyncset.done $0x0  }
0x2c3: {  	[sflag:s3] =	ssyncadd.s32 $0xFFFFC000  }
0x2c4: {  	[tilespmem:s6], [sflag:$0x1] =	stream.indirect.gather [hbm4b:s4+s7], $0x80, s30, s7, $0xb8;
	[tilespmem:$0x9000] =	vst v63  }
0x2c5: {  	_ =	swait.ge [sflag:s8], $0x4000  }
0x2c6: {  	[sflag:s8] =	ssyncset.done $0x0  }
0x2c7: {  	s1 =	rddreg [dreg:$0xf];
	[sflag:s8] =	ssyncadd.s32 $0xFFFFC000  }
0x2c8: {  	[hbm4b:s1+s2] =	stream.linear.scatter [tilespmem:s5], [sflag:$0x3], $0x4000, $0x38;
	[tilespmem:$0x9000] =	vst v63  }
0x2c9: {  	_ =	swait.ge [sflag:s3], $0x4000  }
0x2ca: {  	[sflag:s3] =	ssyncset.done $0x0  }
0x2cb: {  	[sflag:s3] =	ssyncadd.s32 $0xFFFFC000  }
0x2cc: {  	[tilespmem:s5], [sflag:$0x2] =	stream.indirect.gather [hbm4b:s4+s7], $0x80, s29, s7, $0xb8;
	[tilespmem:$0x9000] =	vst v63  }
0x2cd: {  	_ =	swait.ge [sflag:s9], $0x4000  }
0x2ce: {  	[sflag:s9] =	ssyncset.done $0x0  }
0x2cf: {  	s30 =	rddreg [dreg:$0x10];
	[sflag:s9] =	ssyncadd.s32 $0xFFFFC000  }
0x2d0: {  	[hbm4b:s30+s2] =	stream.linear.scatter [tilespmem:s6], [sflag:$0x3], $0x4000, $0x38;
	[tilespmem:$0x9000] =	vst v63  }
0x2d1: {  	_ =	swait.ge [sflag:s3], $0x4000  }
0x2d2: {  	[sflag:s3] =	ssyncset.done $0x0  }
0x2d3: {  	[sflag:s3] =	ssyncadd.s32 $0xFFFFC000  }
0x2d4: {  	[tilespmem:s6], [sflag:$0x1] =	stream.indirect.gather [hbm4b:s4+s7], $0x80, s28, s7, $0xb8;
	[tilespmem:$0x9000] =	vst v63  }
0x2d5: {  	_ =	swait.ge [sflag:s8], $0x4000  }
0x2d6: {  	[sflag:s8] =	ssyncset.done $0x0  }
0x2d7: {  	s31 =	rddreg [dreg:$0x11];
	[sflag:s8] =	ssyncadd.s32 $0xFFFFC000  }
0x2d8: {  	[hbm4b:s31+s2] =	stream.linear.scatter [tilespmem:s5], [sflag:$0x3], $0x4000, $0x38;
	[tilespmem:$0x9000] =	vst v63  }
0x2d9: {  	_ =	swait.ge [sflag:s3], $0x4000  }
0x2da: {  	[sflag:s3] =	ssyncset.done $0x0  }
0x2db: {  	[sflag:s3] =	ssyncadd.s32 $0xFFFFC000  }
0x2dc: {  	[tilespmem:s5], [sflag:$0x2] =	stream.indirect.gather [hbm4b:s4+s7], $0x80, s26, s7, $0xb8;
	[tilespmem:$0x9000] =	vst v63  }
0x2dd: {  	_ =	swait.ge [sflag:s9], $0x4000  }
0x2de: {  	[sflag:s9] =	ssyncset.done $0x0  }
0x2df: {  	s1 =	rddreg [dreg:$0x12];
	[sflag:s9] =	ssyncadd.s32 $0xFFFFC000  }
0x2e0: {  	[hbm4b:s1+s2] =	stream.linear.scatter [tilespmem:s6], [sflag:$0x3], $0x4000, $0x38;
	[tilespmem:$0x9000] =	vst v63  }
0x2e1: {  	_ =	swait.ge [sflag:s3], $0x4000  }
0x2e2: {  	[sflag:s3] =	ssyncset.done $0x0  }
0x2e3: {  	[sflag:s3] =	ssyncadd.s32 $0xFFFFC000  }
0x2e4: {  	[tilespmem:s6], [sflag:$0x1] =	stream.indirect.gather [hbm4b:s4+s7], $0x80, s25, s7, $0xb8;
	[tilespmem:$0x9000] =	vst v63  }
0x2e5: {  	_ =	swait.ge [sflag:s8], $0x4000  }
0x2e6: {  	[sflag:s8] =	ssyncset.done $0x0  }
0x2e7: {  	s26 =	rddreg [dreg:$0x13];
	[sflag:s8] =	ssyncadd.s32 $0xFFFFC000  }
0x2e8: {  	[hbm4b:s26+s2] =	stream.linear.scatter [tilespmem:s5], [sflag:$0x3], $0x4000, $0x38;
	[tilespmem:$0x9000] =	vst v63  }
0x2e9: {  	_ =	swait.ge [sflag:s3], $0x4000  }
0x2ea: {  	[sflag:s3] =	ssyncset.done $0x0  }
0x2eb: {  	[sflag:s3] =	ssyncadd.s32 $0xFFFFC000  }
0x2ec: {  	[tilespmem:s5], [sflag:$0x2] =	stream.indirect.gather [hbm4b:s4+s7], $0x80, s24, s7, $0xb8;
	[tilespmem:$0x9000] =	vst v63  }
0x2ed: {  	_ =	swait.ge [sflag:s9], $0x4000  }
0x2ee: {  	[sflag:s9] =	ssyncset.done $0x0  }
0x2ef: {  	s28 =	rddreg [dreg:$0x14];
	[sflag:s9] =	ssyncadd.s32 $0xFFFFC000  }
0x2f0: {  	[hbm4b:s28+s2] =	stream.linear.scatter [tilespmem:s6], [sflag:$0x3], $0x4000, $0x38;
	[tilespmem:$0x9000] =	vst v63  }
0x2f1: {  	_ =	swait.ge [sflag:s3], $0x4000  }
0x2f2: {  	[sflag:s3] =	ssyncset.done $0x0  }
0x2f3: {  	[sflag:s3] =	ssyncadd.s32 $0xFFFFC000  }
0x2f4: {  	[tilespmem:s6], [sflag:$0x1] =	stream.indirect.gather [hbm4b:s4+s7], $0x80, s23, s7, $0xb8;
	[tilespmem:$0x9000] =	vst v63  }
0x2f5: {  	_ =	swait.ge [sflag:s8], $0x4000  }
0x2f6: {  	[sflag:s8] =	ssyncset.done $0x0  }
0x2f7: {  	s29 =	rddreg [dreg:$0x15];
	[sflag:s8] =	ssyncadd.s32 $0xFFFFC000  }
0x2f8: {  	[hbm4b:s29+s2] =	stream.linear.scatter [tilespmem:s5], [sflag:$0x3], $0x4000, $0x38;
	[tilespmem:$0x9000] =	vst v63  }
0x2f9: {  	_ =	swait.ge [sflag:s3], $0x4000  }
0x2fa: {  	[sflag:s3] =	ssyncset.done $0x0  }
0x2fb: {  	[sflag:s3] =	ssyncadd.s32 $0xFFFFC000  }
0x2fc: {  	[tilespmem:s5], [sflag:$0x2] =	stream.indirect.gather [hbm4b:s4+s7], $0x80, s22, s7, $0xb8;
	[tilespmem:$0x9000] =	vst v63  }
0x2fd: {  	_ =	swait.ge [sflag:s9], $0x4000  }
0x2fe: {  	[sflag:s9] =	ssyncset.done $0x0  }
0x2ff: {  	s30 =	rddreg [dreg:$0x16];
	[sflag:s9] =	ssyncadd.s32 $0xFFFFC000  }
0x300: {  	[hbm4b:s30+s2] =	stream.linear.scatter [tilespmem:s6], [sflag:$0x3], $0x4000, $0x38;
	[tilespmem:$0x9000] =	vst v63  }
0x301: {  	_ =	swait.ge [sflag:s3], $0x4000  }
0x302: {  	[sflag:s3] =	ssyncset.done $0x0  }
0x303: {  	[sflag:s3] =	ssyncadd.s32 $0xFFFFC000  }
0x304: {  	[tilespmem:s6], [sflag:$0x1] =	stream.indirect.gather [hbm4b:s4+s7], $0x80, s21, s7, $0xb8;
	[tilespmem:$0x9000] =	vst v63  }
0x305: {  	_ =	swait.ge [sflag:s8], $0x4000  }
0x306: {  	[sflag:s8] =	ssyncset.done $0x0  }
0x307: {  	s31 =	rddreg [dreg:$0x17];
	[sflag:s8] =	ssyncadd.s32 $0xFFFFC000  }
0x308: {  	[hbm4b:s31+s2] =	stream.linear.scatter [tilespmem:s5], [sflag:$0x3], $0x4000, $0x38;
	[tilespmem:$0x9000] =	vst v63  }
0x309: {  	_ =	swait.ge [sflag:s3], $0x4000  }
0x30a: {  	[sflag:s3] =	ssyncset.done $0x0  }
0x30b: {  	[sflag:s3] =	ssyncadd.s32 $0xFFFFC000  }
0x30c: {  	[tilespmem:s5], [sflag:$0x2] =	stream.indirect.gather [hbm4b:s4+s7], $0x80, s20, s7, $0xb8;
	[tilespmem:$0x9000] =	vst v63  }
0x30d: {  	_ =	swait.ge [sflag:s9], $0x4000  }
0x30e: {  	[sflag:s9] =	ssyncset.done $0x0  }
0x30f: {  	s1 =	rddreg [dreg:$0x18];
	[sflag:s9] =	ssyncadd.s32 $0xFFFFC000  }
0x310: {  	[hbm4b:s1+s2] =	stream.linear.scatter [tilespmem:s6], [sflag:$0x3], $0x4000, $0x38;
	[tilespmem:$0x9000] =	vst v63  }
0x311: {  	_ =	swait.ge [sflag:s3], $0x4000  }
0x312: {  	[sflag:s3] =	ssyncset.done $0x0  }
0x313: {  	[sflag:s3] =	ssyncadd.s32 $0xFFFFC000  }
0x314: {  	[tilespmem:s6], [sflag:$0x1] =	stream.indirect.gather [hbm4b:s4+s7], $0x80, s19, s7, $0xb8;
	[tilespmem:$0x9000] =	vst v63  }
0x315: {  	_ =	swait.ge [sflag:s8], $0x4000  }
0x316: {  	[sflag:s8] =	ssyncset.done $0x0  }
0x317: {  	s19 =	rddreg [dreg:$0x19];
	[sflag:s8] =	ssyncadd.s32 $0xFFFFC000  }
0x318: {  	[hbm4b:s19+s2] =	stream.linear.scatter [tilespmem:s5], [sflag:$0x3], $0x4000, $0x38;
	[tilespmem:$0x9000] =	vst v63  }
0x319: {  	_ =	swait.ge [sflag:s3], $0x4000  }
0x31a: {  	[sflag:s3] =	ssyncset.done $0x0  }
0x31b: {  	[sflag:s3] =	ssyncadd.s32 $0xFFFFC000  }
0x31c: {  	[tilespmem:s5], [sflag:$0x2] =	stream.indirect.gather [hbm4b:s4+s7], $0x80, s18, s7, $0xb8;
	[tilespmem:$0x9000] =	vst v63  }
0x31d: {  	_ =	swait.ge [sflag:s9], $0x4000  }
0x31e: {  	[sflag:s9] =	ssyncset.done $0x0  }
0x31f: {  	s20 =	rddreg [dreg:$0x1a];
	[sflag:s9] =	ssyncadd.s32 $0xFFFFC000  }
0x320: {  	[hbm4b:s20+s2] =	stream.linear.scatter [tilespmem:s6], [sflag:$0x3], $0x4000, $0x38;
	[tilespmem:$0x9000] =	vst v63  }
0x321: {  	_ =	swait.ge [sflag:s3], $0x4000  }
0x322: {  	[sflag:s3] =	ssyncset.done $0x0  }
0x323: {  	[sflag:s3] =	ssyncadd.s32 $0xFFFFC000  }
0x324: {  	[tilespmem:s6], [sflag:$0x1] =	stream.indirect.gather [hbm4b:s4+s7], $0x80, s17, s7, $0xb8;
	[tilespmem:$0x9000] =	vst v63  }
0x325: {  	_ =	swait.ge [sflag:s8], $0x4000  }
0x326: {  	[sflag:s8] =	ssyncset.done $0x0  }
0x327: {  	s21 =	rddreg [dreg:$0x1b];
	[sflag:s8] =	ssyncadd.s32 $0xFFFFC000  }
0x328: {  	[hbm4b:s21+s2] =	stream.linear.scatter [tilespmem:s5], [sflag:$0x3], $0x4000, $0x38;
	[tilespmem:$0x9000] =	vst v63  }
0x329: {  	_ =	swait.ge [sflag:s3], $0x4000  }
0x32a: {  	[sflag:s3] =	ssyncset.done $0x0  }
0x32b: {  	[sflag:s3] =	ssyncadd.s32 $0xFFFFC000  }
0x32c: {  	[tilespmem:s5], [sflag:$0x2] =	stream.indirect.gather [hbm4b:s4+s7], $0x80, s16, s7, $0xb8;
	[tilespmem:$0x9000] =	vst v63  }
0x32d: {  	_ =	swait.ge [sflag:s9], $0x4000  }
0x32e: {  	[sflag:s9] =	ssyncset.done $0x0  }
0x32f: {  	s22 =	rddreg [dreg:$0x1c];
	[sflag:s9] =	ssyncadd.s32 $0xFFFFC000  }
0x330: {  	[hbm4b:s22+s2] =	stream.linear.scatter [tilespmem:s6], [sflag:$0x3], $0x4000, $0x38;
	[tilespmem:$0x9000] =	vst v63  }
0x331: {  	_ =	swait.ge [sflag:s3], $0x4000  }
0x332: {  	[sflag:s3] =	ssyncset.done $0x0  }
0x333: {  	[sflag:s3] =	ssyncadd.s32 $0xFFFFC000  }
0x334: {  	[tilespmem:s6], [sflag:$0x1] =	stream.indirect.gather [hbm4b:s4+s7], $0x80, s15, s7, $0xb8;
	[tilespmem:$0x9000] =	vst v63  }
0x335: {  	_ =	swait.ge [sflag:s8], $0x4000  }
0x336: {  	[sflag:s8] =	ssyncset.done $0x0  }
0x337: {  	s23 =	rddreg [dreg:$0x1d];
	[sflag:s8] =	ssyncadd.s32 $0xFFFFC000  }
0x338: {  	[hbm4b:s23+s2] =	stream.linear.scatter [tilespmem:s5], [sflag:$0x3], $0x4000, $0x38;
	[tilespmem:$0x9000] =	vst v63  }
0x339: {  	_ =	swait.ge [sflag:s3], $0x4000  }
0x33a: {  	[sflag:s3] =	ssyncset.done $0x0  }
0x33b: {  	[sflag:s3] =	ssyncadd.s32 $0xFFFFC000  }
0x33c: {  	[tilespmem:s5], [sflag:$0x2] =	stream.indirect.gather [hbm4b:s4+s7], $0x80, s14, s7, $0xb8;
	[tilespmem:$0x9000] =	vst v63  }
0x33d: {  	_ =	swait.ge [sflag:s9], $0x4000  }
0x33e: {  	[sflag:s9] =	ssyncset.done $0x0  }
0x33f: {  	s24 =	rddreg [dreg:$0x1e];
	[sflag:s9] =	ssyncadd.s32 $0xFFFFC000  }
0x340: {  	[hbm4b:s24+s2] =	stream.linear.scatter [tilespmem:s6], [sflag:$0x3], $0x4000, $0x38;
	[tilespmem:$0x9000] =	vst v63  }
0x341: {  	_ =	swait.ge [sflag:s3], $0x4000  }
0x342: {  	[sflag:s3] =	ssyncset.done $0x0  }
0x343: {  	[sflag:s3] =	ssyncadd.s32 $0xFFFFC000  }
0x344: {  	[tilespmem:s6], [sflag:$0x1] =	stream.indirect.gather [hbm4b:s4+s7], $0x80, s13, s7, $0xb8;
	[tilespmem:$0x9000] =	vst v63  }
0x345: {  	_ =	swait.ge [sflag:s8], $0x4000  }
0x346: {  	[sflag:s8] =	ssyncset.done $0x0  }
0x347: {  	s25 =	rddreg [dreg:$0x1f];
	[sflag:s8] =	ssyncadd.s32 $0xFFFFC000  }
0x348: {  	[hbm4b:s25+s2] =	stream.linear.scatter [tilespmem:s5], [sflag:$0x3], $0x4000, $0x38;
	[tilespmem:$0x9000] =	vst v63  }
0x349: {  	_ =	swait.ge [sflag:s3], $0x4000  }
0x34a: {  	[sflag:s3] =	ssyncset.done $0x0  }
0x34b: {  	[sflag:s3] =	ssyncadd.s32 $0xFFFFC000  }
0x34c: {  	[tilespmem:s5], [sflag:$0x2] =	stream.indirect.gather [hbm4b:s4+s7], $0x80, s12, s7, $0xb8;
	[tilespmem:$0x9000] =	vst v63  }
0x34d: {  	_ =	swait.ge [sflag:s9], $0x4000  }
0x34e: {  	s26 =	sld [smem:$0x7F1]  }
0x34f: {  	[sflag:s9] =	ssyncset.done $0x0  }
0x350: {  	[sflag:s9] =	ssyncadd.s32 $0xFFFFC000  }
0x351: {  	[hbm4b:s26+s2] =	stream.linear.scatter [tilespmem:s6], [sflag:$0x3], $0x4000, $0x38;
	[tilespmem:$0x9000] =	vst v63  }
0x352: {  	_ =	swait.ge [sflag:s3], $0x4000  }
0x353: {  	[sflag:s3] =	ssyncset.done $0x0  }
0x354: {  	[sflag:s3] =	ssyncadd.s32 $0xFFFFC000  }
0x355: {  	[tilespmem:s6], [sflag:$0x1] =	stream.indirect.gather [hbm4b:s4+s7], $0x80, s11, s7, $0xb8;
	[tilespmem:$0x9000] =	vst v63  }
0x356: {  	_ =	swait.ge [sflag:s8], $0x4000  }
0x357: {  	s28 =	sld [smem:$0x7F2]  }
0x358: {  	[sflag:s8] =	ssyncset.done $0x0  }
0x359: {  	[sflag:s8] =	ssyncadd.s32 $0xFFFFC000  }
0x35a: {  	[hbm4b:s28+s2] =	stream.linear.scatter [tilespmem:s5], [sflag:$0x3], $0x4000, $0x38;
	[tilespmem:$0x9000] =	vst v63  }
0x35b: {  	_ =	swait.ge [sflag:s3], $0x4000  }
0x35c: {  	[sflag:s3] =	ssyncset.done $0x0  }
0x35d: {  	[sflag:s3] =	ssyncadd.s32 $0xFFFFC000  }
0x35e: {  	[tilespmem:s5], [sflag:$0x2] =	stream.indirect.gather [hbm4b:s4+s7], $0x80, s10, s7, $0xb8;
	[tilespmem:$0x9000] =	vst v63  }
0x35f: {  	_ =	swait.ge [sflag:s9], $0x4000  }
0x360: {  	s29 =	sld [smem:$0x7F3]  }
0x361: {  	[sflag:s9] =	ssyncset.done $0x0  }
0x362: {  	[sflag:s9] =	ssyncadd.s32 $0xFFFFC000  }
0x363: {  	[hbm4b:s29+s2] =	stream.linear.scatter [tilespmem:s6], [sflag:$0x3], $0x4000, $0x38;
	[tilespmem:$0x9000] =	vst v63  }
0x364: {  	_ =	swait.ge [sflag:s3], $0x4000  }
0x365: {  	[sflag:s3] =	ssyncset.done $0x0  }
0x366: {  	[sflag:s3] =	ssyncadd.s32 $0xFFFFC000  }
0x367: {  	_ =	swait.ge [sflag:s8], $0x4000  }
0x368: {  	s30 =	sld [smem:$0x7F4]  }
0x369: {  	[sflag:s8] =	ssyncset.done $0x0  }
0x36a: {  	[sflag:s8] =	ssyncadd.s32 $0xFFFFC000  }
0x36b: {  	[hbm4b:s30+s2] =	stream.linear.scatter [tilespmem:s5], [sflag:$0x3], $0x4000, $0x38;
	[tilespmem:$0x9000] =	vst v63  }
0x36c: {  	_ =	swait.ge [sflag:s3], $0x4000  }
0x36d: {  	[sflag:s3] =	ssyncset.done $0x0  }
0x36e: {  	[sflag:s3] =	ssyncadd.s32 $0xFFFFC000  }
0x36f: {  	_ =	sfence.sel $0x180000  }
0x370: {  	[bflag:$0x0] =	sbarrier.arrive $0xFFFF  }
0x371: {  	_ =	strace $0x90000047  }
0x372: {  	s31 =	stileid.u32;
	[bflag:$0x2] =	sbarrier.arrive $0xFFFF  }
0x373: {  	p0 =	sne.s32 s31, $0x0;
	s0 =	rddreg [dreg:$0x2]  }
0x374: {  	s0 =	sadd.s32 @!p0 $0x100000, s0  }
0x375: {  	[sflag:s0] =	ssyncadd.tile.s32 @!p0 $0x1;
	_ =	shalt  }
.Lfunc_end2:
_tile_overlayer_lowered:
.L_overlay_start_2:
0x376: {  	(tag) =	ssettag $0x2  }
0x377: {  	s0 =	rddreg [dreg:$0x0];
	s2 =	stileid.u32  }
0x378: {  	s1 =	rddreg [dreg:$0x1];
	p0 =	sne.s32 s2, $0x0  }
0x379: {  	s3 =	rddreg [dreg:$0x2];
	[bflag:$0x3] =	sbarrier.arrive $0xFFFF;
	s2 =	simm.s32 @!p0 $0x1C03  }
0x37a: {  	[timem:s3], [sflag:s2] =	dma.local @!p0 [hbm:s0], s1  }
0x37b: {  	s0 =	simm.s32 @!p0 $0x3  }
0x37c: {  	_ =	swait.ge @!p0 [sflag:s0], s1  }
0x37d: {  	s1 =	ssub.s32 @!p0 $0x0, s1;
	[sflag:s0] =	ssyncset.done @!p0 $0x0  }
0x37e: {  	[sflag:s0] =	ssyncadd.s32 @!p0 s1  }
0x37f: {  	[bflag:$0x3] =	sbarrier.arrive $0xFFFF  }
0x380: {  	_ =	shalt  }

</sc_bundles>
